<compile_context>
chip_gen: v7x
topology: tpu7x:2x2x1
jax: 0.10.2.dev20260603
libtpu: 0.0.44.dev20260713+nightly
codegen_flags: <defaults>
</compile_context>

<pallas_src>
import functools

import jax
import jax.numpy as jnp
from jax import lax
from jax.experimental import pallas as pl
from jax.experimental.pallas import tpu as pltpu
from jax.experimental.pallas import tpu_sc as plsc

DIM = 64
SUBMAX = 50
NSAMP = 20
LANES = 16
NCHUNKS_D = DIM // LANES
NW = 32


@functools.lru_cache(maxsize=None)
def _build_sisg(B: int, n_workers: int, C: int):
    b_per_w = B // n_workers
    n_chunks = b_per_w // C
    assert n_chunks % 2 == 0
    mesh = plsc.VectorSubcoreMesh(core_axis_name="c", subcore_axis_name="s")

    buf = lambda: (pltpu.VMEM((C, DIM), jnp.float32),
                   pltpu.VMEM((C * SUBMAX, DIM), jnp.float32),
                   pltpu.VMEM((C * NSAMP, DIM), jnp.float32),
                   pltpu.SemaphoreType.DMA)

    @functools.partial(
        pl.kernel,
        out_type=jax.ShapeDtypeStruct((B * NSAMP,), jnp.float32),
        mesh=mesh,
        scratch_types=[
            pltpu.VMEM((b_per_w,), jnp.int32),
            pltpu.VMEM((b_per_w * SUBMAX,), jnp.int32),
            pltpu.VMEM((b_per_w * NSAMP,), jnp.int32),
            pltpu.VMEM((b_per_w,), jnp.float32),
            *buf(), *buf(),
            pltpu.VMEM((C * NSAMP * LANES,), jnp.float32),
            pltpu.VMEM((b_per_w * NSAMP,), jnp.float32),
        ],
        compiler_params=pltpu.CompilerParams(
            needs_layout_passes=False, use_tc_tiling_on_sc=False),
    )
    def sisg(tgt_hbm, sub_hbm, len_hbm, samp_hbm, in_emb, out_emb, out_hbm,
             tgt_i, sub_i, samp_i, inv_v,
             tgt_r0, sub_r0, samp_r0, sem0,
             tgt_r1, sub_r1, samp_r1, sem1,
             part_v, sc_v):
        nc = 2
        wid = lax.axis_index("s") * nc + lax.axis_index("c")
        base = wid * b_per_w
        bufs = ((tgt_r0, sub_r0, samp_r0, sem0),
                (tgt_r1, sub_r1, samp_r1, sem1))
        lane = jnp.arange(LANES, dtype=jnp.int32)

        pltpu.sync_copy(tgt_hbm.at[pl.ds(base, b_per_w)], tgt_i)
        pltpu.sync_copy(sub_hbm.at[pl.ds(base * SUBMAX, b_per_w * SUBMAX)], sub_i)
        pltpu.sync_copy(samp_hbm.at[pl.ds(base * NSAMP, b_per_w * NSAMP)], samp_i)
        pltpu.sync_copy(len_hbm.at[pl.ds(base, b_per_w)], inv_v)

        def inv_body(i, _):
            v = inv_v[pl.ds(i * LANES, LANES)]
            inv_v[pl.ds(i * LANES, LANES)] = 1.0 / v
            return 0
        lax.fori_loop(0, b_per_w // LANES, inv_body, 0)

        def issue(c, bi):
            tr, sr, pr, sem = bufs[bi]
            r0 = pl.multiple_of(c * C, C)
            pltpu.async_copy(in_emb.at[tgt_i.at[pl.ds(r0, C)]], tr, sem)
            pltpu.async_copy(
                in_emb.at[sub_i.at[pl.ds(r0 * SUBMAX, C * SUBMAX)]], sr, sem)
            pltpu.async_copy(
                out_emb.at[samp_i.at[pl.ds(r0 * NSAMP, C * NSAMP)]], pr, sem)

        def drain(c, bi):
            tr, sr, pr, sem = bufs[bi]
            r0 = pl.multiple_of(c * C, C)
            pltpu.make_async_copy(
                in_emb.at[tgt_i.at[pl.ds(r0, C)]], tr, sem).wait()
            pltpu.make_async_copy(
                in_emb.at[sub_i.at[pl.ds(r0 * SUBMAX, C * SUBMAX)]],
                sr, sem).wait()
            pltpu.make_async_copy(
                out_emb.at[samp_i.at[pl.ds(r0 * NSAMP, C * NSAMP)]],
                pr, sem).wait()

        def compute(c, bi):
            tr, sr, pr, _ = bufs[bi]
            r0 = pl.multiple_of(c * C, C)

            def row_body(r, _):
                inv = plsc.load_gather(
                    inv_v, [jnp.full((LANES,), r0 + r, jnp.int32)])

                def sub_body(j, acc):
                    row = r * SUBMAX + j
                    return tuple(acc[k] + sr[row, pl.ds(LANES * k, LANES)]
                                 for k in range(NCHUNKS_D))
                acc = lax.fori_loop(
                    0, SUBMAX, sub_body,
                    tuple(jnp.zeros((LANES,), jnp.float32)
                          for _ in range(NCHUNKS_D)),
                    unroll=10)
                w = tuple(tr[r, pl.ds(LANES * k, LANES)] + acc[k] * inv
                          for k in range(NCHUNKS_D))

                for s in range(NSAMP):
                    row = r * NSAMP + s
                    p = w[0] * pr[row, pl.ds(0, LANES)]
                    for k in range(1, NCHUNKS_D):
                        p = p + w[k] * pr[row, pl.ds(LANES * k, LANES)]
                    part_v[pl.ds(row * LANES, LANES)] = p
                return 0
            lax.fori_loop(0, C, row_body, 0)

            for g in range(C * NSAMP // LANES):
                bidx = lane * LANES + (g * LANES * LANES)
                sv = plsc.load_gather(part_v, [bidx])
                for cc in range(1, LANES):
                    sv = sv + plsc.load_gather(part_v, [bidx + cc])
                sv = 1.0 / (1.0 + jnp.exp(-sv))
                sc_v[pl.ds(c * C * NSAMP + g * LANES, LANES)] = sv

        issue(0, 0)

        def big_body(c2, _):
            c = c2 * 2
            drain(c, 0)
            issue(c + 1, 1)
            compute(c, 0)
            drain(c + 1, 1)

            @pl.when(c2 + 1 < n_chunks // 2)
            def _():
                issue(c + 2, 0)
            compute(c + 1, 1)
            return 0
        lax.fori_loop(0, n_chunks // 2, big_body, 0)

        pltpu.sync_copy(sc_v, out_hbm.at[pl.ds(base * NSAMP, b_per_w * NSAMP)])

    return sisg


def kernel(targets, subwords, subword_length, samples, word_in_emb, word_out_emb):
    B = targets.shape[0]
    tgt = targets.astype(jnp.int32)
    sub = subwords.astype(jnp.int32).reshape(-1)
    samp = samples.astype(jnp.int32).reshape(-1)
    out = _build_sisg(B, NW, 8)(
        tgt, sub, subword_length.astype(jnp.float32), samp,
        word_in_emb, word_out_emb)
    return out.reshape(B, NSAMP)

# --- scband reference (transcript-rebuilt; emitter-appended) ---
"""Pipeline reference for scband-sisg-32074815767368 (READ-ONLY COPY).

The authoritative reference and input builder live on the scoring server;
editing this copy changes nothing except your own understanding.
"""

import jax, jax.numpy as jnp
import numpy as np

VOCAB = 100000
SUBWORDS = 1000000
DIM = 64
B = 4096
SUBMAX = 50
NSAMP = 20


def setup_inputs(seed: int = 0) -> dict:
    key = jax.random.key(seed)
    k1, k2, k3, k4, k5, k6 = jax.random.split(key, 6)
    targets = jax.random.randint(k1, (B,), 0, VOCAB)
    subwords = jax.random.randint(k2, (B, SUBMAX), 0, SUBWORDS)
    samples = jax.random.randint(k3, (B, NSAMP), 0, VOCAB)
    # subword counts: strictly positive lengths (torch divides by this)
    subword_length = jax.random.uniform(k4, (B,), minval=1.0, maxval=float(SUBMAX), dtype=jnp.float32)
    # learned parameters per init_kwargs
    # torch: word_in_emb ~ U(-1/300, 1/300); word_out_emb initialized to zeros.
    # We use a small uniform init for word_out_emb so outputs/scores are non-degenerate.
    word_in_emb = jax.random.uniform(k5, (SUBWORDS, DIM), minval=-1.0 / 300, maxval=1.0 / 300, dtype=jnp.float32)
    word_out_emb = jax.random.uniform(k6, (VOCAB, DIM), minval=-0.01, maxval=0.01, dtype=jnp.float32)
    return {
        'targets': targets,
        'subwords': subwords,
        'subword_length': subword_length,
        'samples': samples,
        'word_in_emb': word_in_emb,
        'word_out_emb': word_out_emb,
    }


def reference(targets, subwords, subword_length, samples, word_in_emb, word_out_emb):
    # word_emb = word_in_emb(targets)                       -> gather [B, D]
    word_emb = jnp.take(word_in_emb, targets, axis=0)
    # subword_emb = word_in_emb(subwords).sum(dim=1)        -> gather [B, SUBMAX, D] then reduce
    subword_emb = jnp.take(word_in_emb, subwords, axis=0).sum(axis=1)
    # divide by subword counts
    subword_emb = subword_emb / subword_length[:, None]
    word_emb = word_emb + subword_emb
    # pos_neg_emb = word_out_emb(samples)                   -> gather [B, NSAMP, D]
    pos_neg_emb = jnp.take(word_out_emb, samples, axis=0)
    # score = matmul([B,NSAMP,D], [B,D,1]).squeeze(2)        -> [B, NSAMP]
    score = jnp.einsum('bsd,bd->bs', pos_neg_emb, word_emb)
    predict = jax.nn.sigmoid(score)
    return predict

if __name__ == "__main__":
    import jax
    _d = setup_inputs()
    print(jax.jit(kernel)(*tuple(_d.values())))

</pallas_src>

<mosaic_0001>
#map = affine_map<(d0, d1) -> (0)>
#map1 = affine_map<(d0, d1) -> (0, 0)>
module attributes {stable_mosaic.version = 14 : i64} {
  func.func @sisg(%arg0: i32, %arg1: i32, %arg2: memref<4096xi32, #tpu.memory_space<hbm>>, %arg3: memref<204800xi32, #tpu.memory_space<hbm>>, %arg4: memref<4096xf32, #tpu.memory_space<hbm>>, %arg5: memref<81920xi32, #tpu.memory_space<hbm>>, %arg6: memref<1000000x64xf32, #tpu.memory_space<hbm>>, %arg7: memref<100000x64xf32, #tpu.memory_space<hbm>>, %arg8: memref<81920xf32, #tpu.memory_space<hbm>>, %arg9: memref<128xi32, #tpu.memory_space<vmem>>, %arg10: memref<6400xi32, #tpu.memory_space<vmem>>, %arg11: memref<2560xi32, #tpu.memory_space<vmem>>, %arg12: memref<128xf32, #tpu.memory_space<vmem>>, %arg13: memref<8x64xf32, #tpu.memory_space<vmem>>, %arg14: memref<400x64xf32, #tpu.memory_space<vmem>>, %arg15: memref<160x64xf32, #tpu.memory_space<vmem>>, %arg16: memref<!tpu.dma_semaphore, #tpu.memory_space<semaphore_mem>>, %arg17: memref<8x64xf32, #tpu.memory_space<vmem>>, %arg18: memref<400x64xf32, #tpu.memory_space<vmem>>, %arg19: memref<160x64xf32, #tpu.memory_space<vmem>>, %arg20: memref<!tpu.dma_semaphore, #tpu.memory_space<semaphore_mem>>, %arg21: memref<2560xf32, #tpu.memory_space<vmem>>, %arg22: memref<2560xf32, #tpu.memory_space<vmem>>) attributes {dimension_semantics = [#tpu.dimension_semantics<core_parallel>, #tpu.dimension_semantics<subcore_parallel>], iteration_bounds = array<i64: 2, 16>, scalar_prefetch = 0 : i64, scratch_operands = 14 : i64, tpu.core_type = #tpu.core_type<sc_vector_subcore>, window_params = [{transform_indices = #map}, {transform_indices = #map}, {transform_indices = #map}, {transform_indices = #map}, {transform_indices = #map1}, {transform_indices = #map1}, {transform_indices = #map}]} {
    %mul3A = arith.constant 2 : i32
    %mul3A_0 = arith.muli %arg1, %mul3A : i32
    %add3A = arith.addi %mul3A_0, %arg0 : i32
    %mul3A_1 = arith.constant 128 : i32
    %mul3A_2 = arith.muli %add3A, %mul3A_1 : i32
    %iota3A = tpu.iota {dimensions = array<i32: 0>} : vector<16xi32>
    "tpu.region"() ({
      %run_scoped3A = tpu.sem_alloc : memref<!tpu.dma_semaphore, #tpu.memory_space<semaphore_mem>>
      %dma_start3A_38 = tpu.memref_slice %arg2[%mul3A_2] : memref<4096xi32, #tpu.memory_space<hbm>> -> memref<128xi32, #tpu.memory_space<hbm>>
      %dma_start3A_39 = tpu.memref_slice %arg2[%mul3A_2] : memref<4096xi32, #tpu.memory_space<hbm>> -> memref<128xi32, #tpu.memory_space<hbm>>
      tpu.enqueue_dma source(%dma_start3A_39 : memref<128xi32, #tpu.memory_space<hbm>>) target(%arg9 : memref<128xi32, #tpu.memory_space<vmem>>) target_semaphore(%run_scoped3A : memref<!tpu.dma_semaphore, #tpu.memory_space<semaphore_mem>>)
      %dma_wait3A = tpu.memref_slice %arg2[%mul3A_2] : memref<4096xi32, #tpu.memory_space<hbm>> -> memref<128xi32, #tpu.memory_space<hbm>>
      %dma_wait3A_40 = tpu.memref_slice %arg2[%mul3A_2] : memref<4096xi32, #tpu.memory_space<hbm>> -> memref<128xi32, #tpu.memory_space<hbm>>
      tpu.wait_dma2 semaphore(%run_scoped3A : memref<!tpu.dma_semaphore, #tpu.memory_space<semaphore_mem>>) src(%dma_wait3A_40 : memref<128xi32, #tpu.memory_space<hbm>>) dst(%arg9 : memref<128xi32, #tpu.memory_space<vmem>>)
      tpu.yield
    }) : () -> ()
    %mul3A_3 = arith.constant 50 : i32
    %mul3A_4 = arith.muli %mul3A_2, %mul3A_3 : i32
    "tpu.region"() ({
      %run_scoped3A = tpu.sem_alloc : memref<!tpu.dma_semaphore, #tpu.memory_space<semaphore_mem>>
      %dma_start3A_38 = tpu.memref_slice %arg3[%mul3A_4] : memref<204800xi32, #tpu.memory_space<hbm>> -> memref<6400xi32, #tpu.memory_space<hbm>>
      %dma_start3A_39 = tpu.memref_slice %arg3[%mul3A_4] : memref<204800xi32, #tpu.memory_space<hbm>> -> memref<6400xi32, #tpu.memory_space<hbm>>
      tpu.enqueue_dma source(%dma_start3A_39 : memref<6400xi32, #tpu.memory_space<hbm>>) target(%arg10 : memref<6400xi32, #tpu.memory_space<vmem>>) target_semaphore(%run_scoped3A : memref<!tpu.dma_semaphore, #tpu.memory_space<semaphore_mem>>)
      %dma_wait3A = tpu.memref_slice %arg3[%mul3A_4] : memref<204800xi32, #tpu.memory_space<hbm>> -> memref<6400xi32, #tpu.memory_space<hbm>>
      %dma_wait3A_40 = tpu.memref_slice %arg3[%mul3A_4] : memref<204800xi32, #tpu.memory_space<hbm>> -> memref<6400xi32, #tpu.memory_space<hbm>>
      tpu.wait_dma2 semaphore(%run_scoped3A : memref<!tpu.dma_semaphore, #tpu.memory_space<semaphore_mem>>) src(%dma_wait3A_40 : memref<6400xi32, #tpu.memory_space<hbm>>) dst(%arg10 : memref<6400xi32, #tpu.memory_space<vmem>>)
      tpu.yield
    }) : () -> ()
    %mul3A_5 = arith.constant 20 : i32
    %mul3A_6 = arith.muli %mul3A_2, %mul3A_5 : i32
    "tpu.region"() ({
      %run_scoped3A = tpu.sem_alloc : memref<!tpu.dma_semaphore, #tpu.memory_space<semaphore_mem>>
      %dma_start3A_38 = tpu.memref_slice %arg5[%mul3A_6] : memref<81920xi32, #tpu.memory_space<hbm>> -> memref<2560xi32, #tpu.memory_space<hbm>>
      %dma_start3A_39 = tpu.memref_slice %arg5[%mul3A_6] : memref<81920xi32, #tpu.memory_space<hbm>> -> memref<2560xi32, #tpu.memory_space<hbm>>
      tpu.enqueue_dma source(%dma_start3A_39 : memref<2560xi32, #tpu.memory_space<hbm>>) target(%arg11 : memref<2560xi32, #tpu.memory_space<vmem>>) target_semaphore(%run_scoped3A : memref<!tpu.dma_semaphore, #tpu.memory_space<semaphore_mem>>)
      %dma_wait3A = tpu.memref_slice %arg5[%mul3A_6] : memref<81920xi32, #tpu.memory_space<hbm>> -> memref<2560xi32, #tpu.memory_space<hbm>>
      %dma_wait3A_40 = tpu.memref_slice %arg5[%mul3A_6] : memref<81920xi32, #tpu.memory_space<hbm>> -> memref<2560xi32, #tpu.memory_space<hbm>>
      tpu.wait_dma2 semaphore(%run_scoped3A : memref<!tpu.dma_semaphore, #tpu.memory_space<semaphore_mem>>) src(%dma_wait3A_40 : memref<2560xi32, #tpu.memory_space<hbm>>) dst(%arg11 : memref<2560xi32, #tpu.memory_space<vmem>>)
      tpu.yield
    }) : () -> ()
    "tpu.region"() ({
      %run_scoped3A = tpu.sem_alloc : memref<!tpu.dma_semaphore, #tpu.memory_space<semaphore_mem>>
      %dma_start3A_38 = tpu.memref_slice %arg4[%mul3A_2] : memref<4096xf32, #tpu.memory_space<hbm>> -> memref<128xf32, #tpu.memory_space<hbm>>
      %dma_start3A_39 = tpu.memref_slice %arg4[%mul3A_2] : memref<4096xf32, #tpu.memory_space<hbm>> -> memref<128xf32, #tpu.memory_space<hbm>>
      tpu.enqueue_dma source(%dma_start3A_39 : memref<128xf32, #tpu.memory_space<hbm>>) target(%arg12 : memref<128xf32, #tpu.memory_space<vmem>>) target_semaphore(%run_scoped3A : memref<!tpu.dma_semaphore, #tpu.memory_space<semaphore_mem>>)
      %dma_wait3A = tpu.memref_slice %arg4[%mul3A_2] : memref<4096xf32, #tpu.memory_space<hbm>> -> memref<128xf32, #tpu.memory_space<hbm>>
      %dma_wait3A_40 = tpu.memref_slice %arg4[%mul3A_2] : memref<4096xf32, #tpu.memory_space<hbm>> -> memref<128xf32, #tpu.memory_space<hbm>>
      tpu.wait_dma2 semaphore(%run_scoped3A : memref<!tpu.dma_semaphore, #tpu.memory_space<semaphore_mem>>) src(%dma_wait3A_40 : memref<128xf32, #tpu.memory_space<hbm>>) dst(%arg12 : memref<128xf32, #tpu.memory_space<vmem>>)
      tpu.yield
    }) : () -> ()
    %scan3A = arith.constant 0 : i32
    %scan3A_7 = arith.constant 0 : i32
    %scan3A_8 = arith.constant 8 : i32
    %scan3A_9 = arith.addi %scan3A_7, %scan3A_8 : i32
    %scan3A_10 = arith.constant 1 : i32
    %scan3A_11 = scf.for %scan3A_38 = %scan3A_7 to %scan3A_9 step %scan3A_10 iter_args(%scan3A_39 = %scan3A) -> (i32)  : i32 {
      %mul3A_40 = arith.constant 16 : i32
      %mul3A_41 = arith.muli %scan3A_38, %mul3A_40 : i32
      %get3A = arith.index_cast %mul3A_41 : i32 to index
      %get3A_42 = tpu.vector_load %arg12[%get3A] {strides = array<i32>} : memref<128xf32, #tpu.memory_space<vmem>>, vector<16xf32>,
      %div3A = arith.constant 1.000000e+00 : f32
      %div3A_43 = vector.broadcast %div3A : f32 to vector<16xf32>
      %div3A_44 = arith.divf %div3A_43, %get3A_42 : vector<16xf32>
      %mul3A_45 = arith.constant 16 : i32
      %mul3A_46 = arith.muli %scan3A_38, %mul3A_45 : i32
      %swap3A = arith.index_cast %mul3A_46 : i32 to index
      %swap3A_47 = tpu.vector_load %arg12[%swap3A] {strides = array<i32>} : memref<128xf32, #tpu.memory_space<vmem>>, vector<16xf32>,
      tpu.vector_store %arg12[%swap3A], %div3A_44 {strides = array<i32>} : memref<128xf32, #tpu.memory_space<vmem>>, vector<16xf32>,
      %scan3A_48 = arith.constant 0 : i32
      scf.yield %scan3A_48 : i32
    }
    %scan3A_12 = arith.constant 8 : i32
    %multiple_of3A = arith.constant 0 : i32
    %multiple_of3A_13 = tpu.assume_multiple %multiple_of3A, 8 : i32
    %dma_start3A = tpu.memref_slice %arg9[%multiple_of3A_13] : memref<128xi32, #tpu.memory_space<vmem>> -> memref<8xi32, #tpu.memory_space<vmem>>
    %dma_start3A_14 = arith.constant 0 : i32
    %dma_start3A_15 = arith.constant 0 : i32
    %dma_start3A_16 = tpu.memref_slice %arg6[%dma_start3A_14, %dma_start3A_15] : memref<1000000x64xf32, #tpu.memory_space<hbm>> -> memref<1000000x64xf32, #tpu.memory_space<hbm>>
    tpu.enqueue_indirect_dma source(%dma_start3A_16 : memref<1000000x64xf32, #tpu.memory_space<hbm>>) target(%arg13 : memref<8x64xf32, #tpu.memory_space<vmem>>) offsets(%dma_start3A : memref<8xi32, #tpu.memory_space<vmem>>) semaphore(%arg16 : memref<!tpu.dma_semaphore, #tpu.memory_space<semaphore_mem>>)
    %mul3A_17 = arith.constant 50 : i32
    %mul3A_18 = arith.muli %multiple_of3A_13, %mul3A_17 : i32
    %dma_start3A_19 = tpu.memref_slice %arg10[%mul3A_18] : memref<6400xi32, #tpu.memory_space<vmem>> -> memref<400xi32, #tpu.memory_space<vmem>>
    %dma_start3A_20 = arith.constant 0 : i32
    %dma_start3A_21 = arith.constant 0 : i32
    %dma_start3A_22 = tpu.memref_slice %arg6[%dma_start3A_20, %dma_start3A_21] : memref<1000000x64xf32, #tpu.memory_space<hbm>> -> memref<1000000x64xf32, #tpu.memory_space<hbm>>
    tpu.enqueue_indirect_dma source(%dma_start3A_22 : memref<1000000x64xf32, #tpu.memory_space<hbm>>) target(%arg14 : memref<400x64xf32, #tpu.memory_space<vmem>>) offsets(%dma_start3A_19 : memref<400xi32, #tpu.memory_space<vmem>>) semaphore(%arg16 : memref<!tpu.dma_semaphore, #tpu.memory_space<semaphore_mem>>)
    %mul3A_23 = arith.constant 20 : i32
    %mul3A_24 = arith.muli %multiple_of3A_13, %mul3A_23 : i32
    %dma_start3A_25 = tpu.memref_slice %arg11[%mul3A_24] : memref<2560xi32, #tpu.memory_space<vmem>> -> memref<160xi32, #tpu.memory_space<vmem>>
    %dma_start3A_26 = arith.constant 0 : i32
    %dma_start3A_27 = arith.constant 0 : i32
    %dma_start3A_28 = tpu.memref_slice %arg7[%dma_start3A_26, %dma_start3A_27] : memref<100000x64xf32, #tpu.memory_space<hbm>> -> memref<100000x64xf32, #tpu.memory_space<hbm>>
    tpu.enqueue_indirect_dma source(%dma_start3A_28 : memref<100000x64xf32, #tpu.memory_space<hbm>>) target(%arg15 : memref<160x64xf32, #tpu.memory_space<vmem>>) offsets(%dma_start3A_25 : memref<160xi32, #tpu.memory_space<vmem>>) semaphore(%arg16 : memref<!tpu.dma_semaphore, #tpu.memory_space<semaphore_mem>>)
    %scan3A_29 = arith.constant 0 : i32
    %scan3A_30 = arith.constant 0 : i32
    %scan3A_31 = arith.constant 8 : i32
    %scan3A_32 = arith.addi %scan3A_30, %scan3A_31 : i32
    %scan3A_33 = arith.constant 1 : i32
    %scan3A_34 = scf.for %scan3A_38 = %scan3A_30 to %scan3A_32 step %scan3A_33 iter_args(%scan3A_39 = %scan3A_29) -> (i32)  : i32 {
      %mul3A_40 = arith.constant 2 : i32
      %mul3A_41 = arith.muli %scan3A_38, %mul3A_40 : i32
      %mul3A_42 = arith.constant 8 : i32
      %mul3A_43 = arith.muli %mul3A_41, %mul3A_42 : i32
      %multiple_of3A_44 = tpu.assume_multiple %mul3A_43, 8 : i32
      %dma_wait3A = tpu.memref_slice %arg9[%multiple_of3A_44] : memref<128xi32, #tpu.memory_space<vmem>> -> memref<8xi32, #tpu.memory_space<vmem>>
      %dma_wait3A_45 = arith.constant 0 : i32
      %dma_wait3A_46 = arith.constant 0 : i32
      %dma_wait3A_47 = tpu.memref_slice %arg6[%dma_wait3A_45, %dma_wait3A_46] : memref<1000000x64xf32, #tpu.memory_space<hbm>> -> memref<1000000x64xf32, #tpu.memory_space<hbm>>
      tpu.wait_indirect_dma semaphore(%arg16 : memref<!tpu.dma_semaphore, #tpu.memory_space<semaphore_mem>>) src(%dma_wait3A_47 : memref<1000000x64xf32, #tpu.memory_space<hbm>>) dst(%arg13 : memref<8x64xf32, #tpu.memory_space<vmem>>)
      %mul3A_48 = arith.constant 50 : i32
      %mul3A_49 = arith.muli %multiple_of3A_44, %mul3A_48 : i32
      %dma_wait3A_50 = tpu.memref_slice %arg10[%mul3A_49] : memref<6400xi32, #tpu.memory_space<vmem>> -> memref<400xi32, #tpu.memory_space<vmem>>
      %dma_wait3A_51 = arith.constant 0 : i32
      %dma_wait3A_52 = arith.constant 0 : i32
      %dma_wait3A_53 = tpu.memref_slice %arg6[%dma_wait3A_51, %dma_wait3A_52] : memref<1000000x64xf32, #tpu.memory_space<hbm>> -> memref<1000000x64xf32, #tpu.memory_space<hbm>>
      tpu.wait_indirect_dma semaphore(%arg16 : memref<!tpu.dma_semaphore, #tpu.memory_space<semaphore_mem>>) src(%dma_wait3A_53 : memref<1000000x64xf32, #tpu.memory_space<hbm>>) dst(%arg14 : memref<400x64xf32, #tpu.memory_space<vmem>>)
      %mul3A_54 = arith.constant 20 : i32
      %mul3A_55 = arith.muli %multiple_of3A_44, %mul3A_54 : i32
      %dma_wait3A_56 = tpu.memref_slice %arg11[%mul3A_55] : memref<2560xi32, #tpu.memory_space<vmem>> -> memref<160xi32, #tpu.memory_space<vmem>>
      %dma_wait3A_57 = arith.constant 0 : i32
      %dma_wait3A_58 = arith.constant 0 : i32
      %dma_wait3A_59 = tpu.memref_slice %arg7[%dma_wait3A_57, %dma_wait3A_58] : memref<100000x64xf32, #tpu.memory_space<hbm>> -> memref<100000x64xf32, #tpu.memory_space<hbm>>
      tpu.wait_indirect_dma semaphore(%arg16 : memref<!tpu.dma_semaphore, #tpu.memory_space<semaphore_mem>>) src(%dma_wait3A_59 : memref<100000x64xf32, #tpu.memory_space<hbm>>) dst(%arg15 : memref<160x64xf32, #tpu.memory_space<vmem>>)
      %add3A_60 = arith.constant 1 : i32
      %add3A_61 = arith.addi %mul3A_41, %add3A_60 : i32
      %mul3A_62 = arith.constant 8 : i32
      %mul3A_63 = arith.muli %add3A_61, %mul3A_62 : i32
      %multiple_of3A_64 = tpu.assume_multiple %mul3A_63, 8 : i32
      %dma_start3A_65 = tpu.memref_slice %arg9[%multiple_of3A_64] : memref<128xi32, #tpu.memory_space<vmem>> -> memref<8xi32, #tpu.memory_space<vmem>>
      %dma_start3A_66 = arith.constant 0 : i32
      %dma_start3A_67 = arith.constant 0 : i32
      %dma_start3A_68 = tpu.memref_slice %arg6[%dma_start3A_66, %dma_start3A_67] : memref<1000000x64xf32, #tpu.memory_space<hbm>> -> memref<1000000x64xf32, #tpu.memory_space<hbm>>
      tpu.enqueue_indirect_dma source(%dma_start3A_68 : memref<1000000x64xf32, #tpu.memory_space<hbm>>) target(%arg17 : memref<8x64xf32, #tpu.memory_space<vmem>>) offsets(%dma_start3A_65 : memref<8xi32, #tpu.memory_space<vmem>>) semaphore(%arg20 : memref<!tpu.dma_semaphore, #tpu.memory_space<semaphore_mem>>)
      %mul3A_69 = arith.constant 50 : i32
      %mul3A_70 = arith.muli %multiple_of3A_64, %mul3A_69 : i32
      %dma_start3A_71 = tpu.memref_slice %arg10[%mul3A_70] : memref<6400xi32, #tpu.memory_space<vmem>> -> memref<400xi32, #tpu.memory_space<vmem>>
      %dma_start3A_72 = arith.constant 0 : i32
      %dma_start3A_73 = arith.constant 0 : i32
      %dma_start3A_74 = tpu.memref_slice %arg6[%dma_start3A_72, %dma_start3A_73] : memref<1000000x64xf32, #tpu.memory_space<hbm>> -> memref<1000000x64xf32, #tpu.memory_space<hbm>>
      tpu.enqueue_indirect_dma source(%dma_start3A_74 : memref<1000000x64xf32, #tpu.memory_space<hbm>>) target(%arg18 : memref<400x64xf32, #tpu.memory_space<vmem>>) offsets(%dma_start3A_71 : memref<400xi32, #tpu.memory_space<vmem>>) semaphore(%arg20 : memref<!tpu.dma_semaphore, #tpu.memory_space<semaphore_mem>>)
      %mul3A_75 = arith.constant 20 : i32
      %mul3A_76 = arith.muli %multiple_of3A_64, %mul3A_75 : i32
      %dma_start3A_77 = tpu.memref_slice %arg11[%mul3A_76] : memref<2560xi32, #tpu.memory_space<vmem>> -> memref<160xi32, #tpu.memory_space<vmem>>
      %dma_start3A_78 = arith.constant 0 : i32
      %dma_start3A_79 = arith.constant 0 : i32
      %dma_start3A_80 = tpu.memref_slice %arg7[%dma_start3A_78, %dma_start3A_79] : memref<100000x64xf32, #tpu.memory_space<hbm>> -> memref<100000x64xf32, #tpu.memory_space<hbm>>
      tpu.enqueue_indirect_dma source(%dma_start3A_80 : memref<100000x64xf32, #tpu.memory_space<hbm>>) target(%arg19 : memref<160x64xf32, #tpu.memory_space<vmem>>) offsets(%dma_start3A_77 : memref<160xi32, #tpu.memory_space<vmem>>) semaphore(%arg20 : memref<!tpu.dma_semaphore, #tpu.memory_space<semaphore_mem>>)
      %mul3A_81 = arith.constant 8 : i32
      %mul3A_82 = arith.muli %mul3A_41, %mul3A_81 : i32
      %multiple_of3A_83 = tpu.assume_multiple %mul3A_82, 8 : i32
      %scan3A_84 = arith.constant 0 : i32
      %scan3A_85 = arith.constant 0 : i32
      %scan3A_86 = arith.constant 8 : i32
      %scan3A_87 = arith.addi %scan3A_85, %scan3A_86 : i32
      %scan3A_88 = arith.constant 1 : i32
      %scan3A_89 = scf.for %scan3A_2124 = %scan3A_85 to %scan3A_87 step %scan3A_88 iter_args(%scan3A_2125 = %scan3A_84) -> (i32)  : i32 {
        %add3A_2126 = arith.addi %multiple_of3A_83, %scan3A_2124 : i32
        %broadcast_in_dim3A = vector.broadcast %add3A_2126 : i32 to vector<16xi32>
        %gather3A_2127 = tpu.vector_load_idx %arg12[%broadcast_in_dim3A] : memref<128xf32, #tpu.memory_space<vmem>>[vector<16xi32>], vector<16xf32>,
        %broadcast_in_dim3A_2128 = arith.constant 0.000000e+00 : f32
        %broadcast_in_dim3A_2129 = vector.broadcast %broadcast_in_dim3A_2128 : f32 to vector<16xf32>
        %broadcast_in_dim3A_2130 = arith.constant 0.000000e+00 : f32
        %broadcast_in_dim3A_2131 = vector.broadcast %broadcast_in_dim3A_2130 : f32 to vector<16xf32>
        %broadcast_in_dim3A_2132 = arith.constant 0.000000e+00 : f32
        %broadcast_in_dim3A_2133 = vector.broadcast %broadcast_in_dim3A_2132 : f32 to vector<16xf32>
        %broadcast_in_dim3A_2134 = arith.constant 0.000000e+00 : f32
        %broadcast_in_dim3A_2135 = vector.broadcast %broadcast_in_dim3A_2134 : f32 to vector<16xf32>
        %scan3A_2136 = arith.constant 0 : i32
        %scan3A_2137 = arith.constant 50 : i32
        %scan3A_2138 = arith.addi %scan3A_2136, %scan3A_2137 : i32
        %scan3A_2139 = arith.constant 10 : i32
        %scan3A_2140:4 = scf.for %scan3A_2702 = %scan3A_2136 to %scan3A_2138 step %scan3A_2139 iter_args(%scan3A_2703 = %broadcast_in_dim3A_2129, %scan3A_2704 = %broadcast_in_dim3A_2131, %scan3A_2705 = %broadcast_in_dim3A_2133, %scan3A_2706 = %broadcast_in_dim3A_2135) -> (vector<16xf32>, vector<16xf32>, vector<16xf32>, vector<16xf32>)  : i32 {
          %mul3A_2707 = arith.constant 50 : i32
          %mul3A_2708 = arith.muli %scan3A_2124, %mul3A_2707 : i32
          %add3A_2709 = arith.addi %mul3A_2708, %scan3A_2702 : i32
          %get3A_2710 = arith.index_cast %add3A_2709 : i32 to index
          %get3A_2711 = arith.constant 0 : index
          %get3A_2712 = tpu.vector_load %arg14[%get3A_2710, %get3A_2711] {strides = array<i32>} : memref<400x64xf32, #tpu.memory_space<vmem>>, vector<16xf32>,
          %add3A_2713 = arith.addf %scan3A_2703, %get3A_2712 : vector<16xf32>
          %get3A_2714 = arith.index_cast %add3A_2709 : i32 to index
          %get3A_2715 = arith.constant 16 : index
          %get3A_2716 = tpu.vector_load %arg14[%get3A_2714, %get3A_2715] {strides = array<i32>} : memref<400x64xf32, #tpu.memory_space<vmem>>, vector<16xf32>,
          %add3A_2717 = arith.addf %scan3A_2704, %get3A_2716 : vector<16xf32>
          %get3A_2718 = arith.index_cast %add3A_2709 : i32 to index
          %get3A_2719 = arith.constant 32 : index
          %get3A_2720 = tpu.vector_load %arg14[%get3A_2718, %get3A_2719] {strides = array<i32>} : memref<400x64xf32, #tpu.memory_space<vmem>>, vector<16xf32>,
          %add3A_2721 = arith.addf %scan3A_2705, %get3A_2720 : vector<16xf32>
          %get3A_2722 = arith.index_cast %add3A_2709 : i32 to index
          %get3A_2723 = arith.constant 48 : index
          %get3A_2724 = tpu.vector_load %arg14[%get3A_2722, %get3A_2723] {strides = array<i32>} : memref<400x64xf32, #tpu.memory_space<vmem>>, vector<16xf32>,
          %add3A_2725 = arith.addf %scan3A_2706, %get3A_2724 : vector<16xf32>
          %scan3A_2726 = arith.constant 1 : i32
          %scan3A_2727 = arith.addi %scan3A_2702, %scan3A_2726 : i32
          %mul3A_2728 = arith.constant 50 : i32
          %mul3A_2729 = arith.muli %scan3A_2124, %mul3A_2728 : i32
          %add3A_2730 = arith.addi %mul3A_2729, %scan3A_2727 : i32
          %get3A_2731 = arith.index_cast %add3A_2730 : i32 to index
          %get3A_2732 = arith.constant 0 : index
          %get3A_2733 = tpu.vector_load %arg14[%get3A_2731, %get3A_2732] {strides = array<i32>} : memref<400x64xf32, #tpu.memory_space<vmem>>, vector<16xf32>,
          %add3A_2734 = arith.addf %add3A_2713, %get3A_2733 : vector<16xf32>
          %get3A_2735 = arith.index_cast %add3A_2730 : i32 to index
          %get3A_2736 = arith.constant 16 : index
          %get3A_2737 = tpu.vector_load %arg14[%get3A_2735, %get3A_2736] {strides = array<i32>} : memref<400x64xf32, #tpu.memory_space<vmem>>, vector<16xf32>,
          %add3A_2738 = arith.addf %add3A_2717, %get3A_2737 : vector<16xf32>
          %get3A_2739 = arith.index_cast %add3A_2730 : i32 to index
          %get3A_2740 = arith.constant 32 : index
          %get3A_2741 = tpu.vector_load %arg14[%get3A_2739, %get3A_2740] {strides = array<i32>} : memref<400x64xf32, #tpu.memory_space<vmem>>, vector<16xf32>,
          %add3A_2742 = arith.addf %add3A_2721, %get3A_2741 : vector<16xf32>
          %get3A_2743 = arith.index_cast %add3A_2730 : i32 to index
          %get3A_2744 = arith.constant 48 : index
          %get3A_2745 = tpu.vector_load %arg14[%get3A_2743, %get3A_2744] {strides = array<i32>} : memref<400x64xf32, #tpu.memory_space<vmem>>, vector<16xf32>,
          %add3A_2746 = arith.addf %add3A_2725, %get3A_2745 : vector<16xf32>
          %scan3A_2747 = arith.constant 2 : i32
          %scan3A_2748 = arith.addi %scan3A_2702, %scan3A_2747 : i32
          %mul3A_2749 = arith.constant 50 : i32
          %mul3A_2750 = arith.muli %scan3A_2124, %mul3A_2749 : i32
          %add3A_2751 = arith.addi %mul3A_2750, %scan3A_2748 : i32
          %get3A_2752 = arith.index_cast %add3A_2751 : i32 to index
          %get3A_2753 = arith.constant 0 : index
          %get3A_2754 = tpu.vector_load %arg14[%get3A_2752, %get3A_2753] {strides = array<i32>} : memref<400x64xf32, #tpu.memory_space<vmem>>, vector<16xf32>,
          %add3A_2755 = arith.addf %add3A_2734, %get3A_2754 : vector<16xf32>
          %get3A_2756 = arith.index_cast %add3A_2751 : i32 to index
          %get3A_2757 = arith.constant 16 : index
          %get3A_2758 = tpu.vector_load %arg14[%get3A_2756, %get3A_2757] {strides = array<i32>} : memref<400x64xf32, #tpu.memory_space<vmem>>, vector<16xf32>,
          %add3A_2759 = arith.addf %add3A_2738, %get3A_2758 : vector<16xf32>
          %get3A_2760 = arith.index_cast %add3A_2751 : i32 to index
          %get3A_2761 = arith.constant 32 : index
          %get3A_2762 = tpu.vector_load %arg14[%get3A_2760, %get3A_2761] {strides = array<i32>} : memref<400x64xf32, #tpu.memory_space<vmem>>, vector<16xf32>,
          %add3A_2763 = arith.addf %add3A_2742, %get3A_2762 : vector<16xf32>
          %get3A_2764 = arith.index_cast %add3A_2751 : i32 to index
          %get3A_2765 = arith.constant 48 : index
          %get3A_2766 = tpu.vector_load %arg14[%get3A_2764, %get3A_2765] {strides = array<i32>} : memref<400x64xf32, #tpu.memory_space<vmem>>, vector<16xf32>,
          %add3A_2767 = arith.addf %add3A_2746, %get3A_2766 : vector<16xf32>
          %scan3A_2768 = arith.constant 3 : i32
          %scan3A_2769 = arith.addi %scan3A_2702, %scan3A_2768 : i32
          %mul3A_2770 = arith.constant 50 : i32
          %mul3A_2771 = arith.muli %scan3A_2124, %mul3A_2770 : i32
          %add3A_2772 = arith.addi %mul3A_2771, %scan3A_2769 : i32
          %get3A_2773 = arith.index_cast %add3A_2772 : i32 to index
          %get3A_2774 = arith.constant 0 : index
          %get3A_2775 = tpu.vector_load %arg14[%get3A_2773, %get3A_2774] {strides = array<i32>} : memref<400x64xf32, #tpu.memory_space<vmem>>, vector<16xf32>,
          %add3A_2776 = arith.addf %add3A_2755, %get3A_2775 : vector<16xf32>
          %get3A_2777 = arith.index_cast %add3A_2772 : i32 to index
          %get3A_2778 = arith.constant 16 : index
          %get3A_2779 = tpu.vector_load %arg14[%get3A_2777, %get3A_2778] {strides = array<i32>} : memref<400x64xf32, #tpu.memory_space<vmem>>, vector<16xf32>,
          %add3A_2780 = arith.addf %add3A_2759, %get3A_2779 : vector<16xf32>
          %get3A_2781 = arith.index_cast %add3A_2772 : i32 to index
          %get3A_2782 = arith.constant 32 : index
          %get3A_2783 = tpu.vector_load %arg14[%get3A_2781, %get3A_2782] {strides = array<i32>} : memref<400x64xf32, #tpu.memory_space<vmem>>, vector<16xf32>,
          %add3A_2784 = arith.addf %add3A_2763, %get3A_2783 : vector<16xf32>
          %get3A_2785 = arith.index_cast %add3A_2772 : i32 to index
          %get3A_2786 = arith.constant 48 : index
          %get3A_2787 = tpu.vector_load %arg14[%get3A_2785, %get3A_2786] {strides = array<i32>} : memref<400x64xf32, #tpu.memory_space<vmem>>, vector<16xf32>,
          %add3A_2788 = arith.addf %add3A_2767, %get3A_2787 : vector<16xf32>
          %scan3A_2789 = arith.constant 4 : i32
          %scan3A_2790 = arith.addi %scan3A_2702, %scan3A_2789 : i32
          %mul3A_2791 = arith.constant 50 : i32
          %mul3A_2792 = arith.muli %scan3A_2124, %mul3A_2791 : i32
          %add3A_2793 = arith.addi %mul3A_2792, %scan3A_2790 : i32
          %get3A_2794 = arith.index_cast %add3A_2793 : i32 to index
          %get3A_2795 = arith.constant 0 : index
          %get3A_2796 = tpu.vector_load %arg14[%get3A_2794, %get3A_2795] {strides = array<i32>} : memref<400x64xf32, #tpu.memory_space<vmem>>, vector<16xf32>,
          %add3A_2797 = arith.addf %add3A_2776, %get3A_2796 : vector<16xf32>
          %get3A_2798 = arith.index_cast %add3A_2793 : i32 to index
          %get3A_2799 = arith.constant 16 : index
          %get3A_2800 = tpu.vector_load %arg14[%get3A_2798, %get3A_2799] {strides = array<i32>} : memref<400x64xf32, #tpu.memory_space<vmem>>, vector<16xf32>,
          %add3A_2801 = arith.addf %add3A_2780, %get3A_2800 : vector<16xf32>
          %get3A_2802 = arith.index_cast %add3A_2793 : i32 to index
          %get3A_2803 = arith.constant 32 : index
          %get3A_2804 = tpu.vector_load %arg14[%get3A_2802, %get3A_2803] {strides = array<i32>} : memref<400x64xf32, #tpu.memory_space<vmem>>, vector<16xf32>,
          %add3A_2805 = arith.addf %add3A_2784, %get3A_2804 : vector<16xf32>
          %get3A_2806 = arith.index_cast %add3A_2793 : i32 to index
          %get3A_2807 = arith.constant 48 : index
          %get3A_2808 = tpu.vector_load %arg14[%get3A_2806, %get3A_2807] {strides = array<i32>} : memref<400x64xf32, #tpu.memory_space<vmem>>, vector<16xf32>,
          %add3A_2809 = arith.addf %add3A_2788, %get3A_2808 : vector<16xf32>
          %scan3A_2810 = arith.constant 5 : i32
          %scan3A_2811 = arith.addi %scan3A_2702, %scan3A_2810 : i32
          %mul3A_2812 = arith.constant 50 : i32
          %mul3A_2813 = arith.muli %scan3A_2124, %mul3A_2812 : i32
          %add3A_2814 = arith.addi %mul3A_2813, %scan3A_2811 : i32
          %get3A_2815 = arith.index_cast %add3A_2814 : i32 to index
          %get3A_2816 = arith.constant 0 : index
          %get3A_2817 = tpu.vector_load %arg14[%get3A_2815, %get3A_2816] {strides = array<i32>} : memref<400x64xf32, #tpu.memory_space<vmem>>, vector<16xf32>,
          %add3A_2818 = arith.addf %add3A_2797, %get3A_2817 : vector<16xf32>
          %get3A_2819 = arith.index_cast %add3A_2814 : i32 to index
          %get3A_2820 = arith.constant 16 : index
          %get3A_2821 = tpu.vector_load %arg14[%get3A_2819, %get3A_2820] {strides = array<i32>} : memref<400x64xf32, #tpu.memory_space<vmem>>, vector<16xf32>,
          %add3A_2822 = arith.addf %add3A_2801, %get3A_2821 : vector<16xf32>
          %get3A_2823 = arith.index_cast %add3A_2814 : i32 to index
          %get3A_2824 = arith.constant 32 : index
          %get3A_2825 = tpu.vector_load %arg14[%get3A_2823, %get3A_2824] {strides = array<i32>} : memref<400x64xf32, #tpu.memory_space<vmem>>, vector<16xf32>,
          %add3A_2826 = arith.addf %add3A_2805, %get3A_2825 : vector<16xf32>
          %get3A_2827 = arith.index_cast %add3A_2814 : i32 to index
          %get3A_2828 = arith.constant 48 : index
          %get3A_2829 = tpu.vector_load %arg14[%get3A_2827, %get3A_2828] {strides = array<i32>} : memref<400x64xf32, #tpu.memory_space<vmem>>, vector<16xf32>,
          %add3A_2830 = arith.addf %add3A_2809, %get3A_2829 : vector<16xf32>
          %scan3A_2831 = arith.constant 6 : i32
          %scan3A_2832 = arith.addi %scan3A_2702, %scan3A_2831 : i32
          %mul3A_2833 = arith.constant 50 : i32
          %mul3A_2834 = arith.muli %scan3A_2124, %mul3A_2833 : i32
          %add3A_2835 = arith.addi %mul3A_2834, %scan3A_2832 : i32
          %get3A_2836 = arith.index_cast %add3A_2835 : i32 to index
          %get3A_2837 = arith.constant 0 : index
          %get3A_2838 = tpu.vector_load %arg14[%get3A_2836, %get3A_2837] {strides = array<i32>} : memref<400x64xf32, #tpu.memory_space<vmem>>, vector<16xf32>,
          %add3A_2839 = arith.addf %add3A_2818, %get3A_2838 : vector<16xf32>
          %get3A_2840 = arith.index_cast %add3A_2835 : i32 to index
          %get3A_2841 = arith.constant 16 : index
          %get3A_2842 = tpu.vector_load %arg14[%get3A_2840, %get3A_2841] {strides = array<i32>} : memref<400x64xf32, #tpu.memory_space<vmem>>, vector<16xf32>,
          %add3A_2843 = arith.addf %add3A_2822, %get3A_2842 : vector<16xf32>
          %get3A_2844 = arith.index_cast %add3A_2835 : i32 to index
          %get3A_2845 = arith.constant 32 : index
          %get3A_2846 = tpu.vector_load %arg14[%get3A_2844, %get3A_2845] {strides = array<i32>} : memref<400x64xf32, #tpu.memory_space<vmem>>, vector<16xf32>,
          %add3A_2847 = arith.addf %add3A_2826, %get3A_2846 : vector<16xf32>
          %get3A_2848 = arith.index_cast %add3A_2835 : i32 to index
          %get3A_2849 = arith.constant 48 : index
          %get3A_2850 = tpu.vector_load %arg14[%get3A_2848, %get3A_2849] {strides = array<i32>} : memref<400x64xf32, #tpu.memory_space<vmem>>, vector<16xf32>,
          %add3A_2851 = arith.addf %add3A_2830, %get3A_2850 : vector<16xf32>
          %scan3A_2852 = arith.constant 7 : i32
          %scan3A_2853 = arith.addi %scan3A_2702, %scan3A_2852 : i32
          %mul3A_2854 = arith.constant 50 : i32
          %mul3A_2855 = arith.muli %scan3A_2124, %mul3A_2854 : i32
          %add3A_2856 = arith.addi %mul3A_2855, %scan3A_2853 : i32
          %get3A_2857 = arith.index_cast %add3A_2856 : i32 to index
          %get3A_2858 = arith.constant 0 : index
          %get3A_2859 = tpu.vector_load %arg14[%get3A_2857, %get3A_2858] {strides = array<i32>} : memref<400x64xf32, #tpu.memory_space<vmem>>, vector<16xf32>,
          %add3A_2860 = arith.addf %add3A_2839, %get3A_2859 : vector<16xf32>
          %get3A_2861 = arith.index_cast %add3A_2856 : i32 to index
          %get3A_2862 = arith.constant 16 : index
          %get3A_2863 = tpu.vector_load %arg14[%get3A_2861, %get3A_2862] {strides = array<i32>} : memref<400x64xf32, #tpu.memory_space<vmem>>, vector<16xf32>,
          %add3A_2864 = arith.addf %add3A_2843, %get3A_2863 : vector<16xf32>
          %get3A_2865 = arith.index_cast %add3A_2856 : i32 to index
          %get3A_2866 = arith.constant 32 : index
          %get3A_2867 = tpu.vector_load %arg14[%get3A_2865, %get3A_2866] {strides = array<i32>} : memref<400x64xf32, #tpu.memory_space<vmem>>, vector<16xf32>,
          %add3A_2868 = arith.addf %add3A_2847, %get3A_2867 : vector<16xf32>
          %get3A_2869 = arith.index_cast %add3A_2856 : i32 to index
          %get3A_2870 = arith.constant 48 : index
          %get3A_2871 = tpu.vector_load %arg14[%get3A_2869, %get3A_2870] {strides = array<i32>} : memref<400x64xf32, #tpu.memory_space<vmem>>, vector<16xf32>,
          %add3A_2872 = arith.addf %add3A_2851, %get3A_2871 : vector<16xf32>
          %scan3A_2873 = arith.constant 8 : i32
          %scan3A_2874 = arith.addi %scan3A_2702, %scan3A_2873 : i32
          %mul3A_2875 = arith.constant 50 : i32
          %mul3A_2876 = arith.muli %scan3A_2124, %mul3A_2875 : i32
          %add3A_2877 = arith.addi %mul3A_2876, %scan3A_2874 : i32
          %get3A_2878 = arith.index_cast %add3A_2877 : i32 to index
          %get3A_2879 = arith.constant 0 : index
          %get3A_2880 = tpu.vector_load %arg14[%get3A_2878, %get3A_2879] {strides = array<i32>} : memref<400x64xf32, #tpu.memory_space<vmem>>, vector<16xf32>,
          %add3A_2881 = arith.addf %add3A_2860, %get3A_2880 : vector<16xf32>
          %get3A_2882 = arith.index_cast %add3A_2877 : i32 to index
          %get3A_2883 = arith.constant 16 : index
          %get3A_2884 = tpu.vector_load %arg14[%get3A_2882, %get3A_2883] {strides = array<i32>} : memref<400x64xf32, #tpu.memory_space<vmem>>, vector<16xf32>,
          %add3A_2885 = arith.addf %add3A_2864, %get3A_2884 : vector<16xf32>
          %get3A_2886 = arith.index_cast %add3A_2877 : i32 to index
          %get3A_2887 = arith.constant 32 : index
          %get3A_2888 = tpu.vector_load %arg14[%get3A_2886, %get3A_2887] {strides = array<i32>} : memref<400x64xf32, #tpu.memory_space<vmem>>, vector<16xf32>,
          %add3A_2889 = arith.addf %add3A_2868, %get3A_2888 : vector<16xf32>
          %get3A_2890 = arith.index_cast %add3A_2877 : i32 to index
          %get3A_2891 = arith.constant 48 : index
          %get3A_2892 = tpu.vector_load %arg14[%get3A_2890, %get3A_2891] {strides = array<i32>} : memref<400x64xf32, #tpu.memory_space<vmem>>, vector<16xf32>,
          %add3A_2893 = arith.addf %add3A_2872, %get3A_2892 : vector<16xf32>
          %scan3A_2894 = arith.constant 9 : i32
          %scan3A_2895 = arith.addi %scan3A_2702, %scan3A_2894 : i32
          %mul3A_2896 = arith.constant 50 : i32
          %mul3A_2897 = arith.muli %scan3A_2124, %mul3A_2896 : i32
          %add3A_2898 = arith.addi %mul3A_2897, %scan3A_2895 : i32
          %get3A_2899 = arith.index_cast %add3A_2898 : i32 to index
          %get3A_2900 = arith.constant 0 : index
          %get3A_2901 = tpu.vector_load %arg14[%get3A_2899, %get3A_2900] {strides = array<i32>} : memref<400x64xf32, #tpu.memory_space<vmem>>, vector<16xf32>,
          %add3A_2902 = arith.addf %add3A_2881, %get3A_2901 : vector<16xf32>
          %get3A_2903 = arith.index_cast %add3A_2898 : i32 to index
          %get3A_2904 = arith.constant 16 : index
          %get3A_2905 = tpu.vector_load %arg14[%get3A_2903, %get3A_2904] {strides = array<i32>} : memref<400x64xf32, #tpu.memory_space<vmem>>, vector<16xf32>,
          %add3A_2906 = arith.addf %add3A_2885, %get3A_2905 : vector<16xf32>
          %get3A_2907 = arith.index_cast %add3A_2898 : i32 to index
          %get3A_2908 = arith.constant 32 : index
          %get3A_2909 = tpu.vector_load %arg14[%get3A_2907, %get3A_2908] {strides = array<i32>} : memref<400x64xf32, #tpu.memory_space<vmem>>, vector<16xf32>,
          %add3A_2910 = arith.addf %add3A_2889, %get3A_2909 : vector<16xf32>
          %get3A_2911 = arith.index_cast %add3A_2898 : i32 to index
          %get3A_2912 = arith.constant 48 : index
          %get3A_2913 = tpu.vector_load %arg14[%get3A_2911, %get3A_2912] {strides = array<i32>} : memref<400x64xf32, #tpu.memory_space<vmem>>, vector<16xf32>,
          %add3A_2914 = arith.addf %add3A_2893, %get3A_2913 : vector<16xf32>
          scf.yield %add3A_2902, %add3A_2906, %add3A_2910, %add3A_2914 : vector<16xf32>, vector<16xf32>, vector<16xf32>, vector<16xf32>
        }
        %scan3A_2141 = arith.constant 50 : i32
        %get3A = arith.index_cast %scan3A_2124 : i32 to index
        %get3A_2142 = arith.constant 0 : index
        %get3A_2143 = tpu.vector_load %arg13[%get3A, %get3A_2142] {strides = array<i32>} : memref<8x64xf32, #tpu.memory_space<vmem>>, vector<16xf32>,
        %mul3A_2144 = arith.mulf %scan3A_2140#0, %gather3A_2127 : vector<16xf32>
        %add3A_2145 = arith.addf %get3A_2143, %mul3A_2144 : vector<16xf32>
        %get3A_2146 = arith.index_cast %scan3A_2124 : i32 to index
        %get3A_2147 = arith.constant 16 : index
        %get3A_2148 = tpu.vector_load %arg13[%get3A_2146, %get3A_2147] {strides = array<i32>} : memref<8x64xf32, #tpu.memory_space<vmem>>, vector<16xf32>,
        %mul3A_2149 = arith.mulf %scan3A_2140#1, %gather3A_2127 : vector<16xf32>
        %add3A_2150 = arith.addf %get3A_2148, %mul3A_2149 : vector<16xf32>
        %get3A_2151 = arith.index_cast %scan3A_2124 : i32 to index
        %get3A_2152 = arith.constant 32 : index
        %get3A_2153 = tpu.vector_load %arg13[%get3A_2151, %get3A_2152] {strides = array<i32>} : memref<8x64xf32, #tpu.memory_space<vmem>>, vector<16xf32>,
        %mul3A_2154 = arith.mulf %scan3A_2140#2, %gather3A_2127 : vector<16xf32>
        %add3A_2155 = arith.addf %get3A_2153, %mul3A_2154 : vector<16xf32>
        %get3A_2156 = arith.index_cast %scan3A_2124 : i32 to index
        %get3A_2157 = arith.constant 48 : index
        %get3A_2158 = tpu.vector_load %arg13[%get3A_2156, %get3A_2157] {strides = array<i32>} : memref<8x64xf32, #tpu.memory_space<vmem>>, vector<16xf32>,
        %mul3A_2159 = arith.mulf %scan3A_2140#3, %gather3A_2127 : vector<16xf32>
        %add3A_2160 = arith.addf %get3A_2158, %mul3A_2159 : vector<16xf32>
        %mul3A_2161 = arith.constant 20 : i32
        %mul3A_2162 = arith.muli %scan3A_2124, %mul3A_2161 : i32
        %add3A_2163 = arith.constant 0 : i32
        %add3A_2164 = arith.addi %mul3A_2162, %add3A_2163 : i32
        %get3A_2165 = arith.index_cast %add3A_2164 : i32 to index
        %get3A_2166 = arith.constant 0 : index
        %get3A_2167 = tpu.vector_load %arg15[%get3A_2165, %get3A_2166] {strides = array<i32>} : memref<160x64xf32, #tpu.memory_space<vmem>>, vector<16xf32>,
        %mul3A_2168 = arith.mulf %add3A_2145, %get3A_2167 : vector<16xf32>
        %get3A_2169 = arith.index_cast %add3A_2164 : i32 to index
        %get3A_2170 = arith.constant 16 : index
        %get3A_2171 = tpu.vector_load %arg15[%get3A_2169, %get3A_2170] {strides = array<i32>} : memref<160x64xf32, #tpu.memory_space<vmem>>, vector<16xf32>,
        %mul3A_2172 = arith.mulf %add3A_2150, %get3A_2171 : vector<16xf32>
        %add3A_2173 = arith.addf %mul3A_2168, %mul3A_2172 : vector<16xf32>
        %get3A_2174 = arith.index_cast %add3A_2164 : i32 to index
        %get3A_2175 = arith.constant 32 : index
        %get3A_2176 = tpu.vector_load %arg15[%get3A_2174, %get3A_2175] {strides = array<i32>} : memref<160x64xf32, #tpu.memory_space<vmem>>, vector<16xf32>,
        %mul3A_2177 = arith.mulf %add3A_2155, %get3A_2176 : vector<16xf32>
        %add3A_2178 = arith.addf %add3A_2173, %mul3A_2177 : vector<16xf32>
        %get3A_2179 = arith.index_cast %add3A_2164 : i32 to index
        %get3A_2180 = arith.constant 48 : index
        %get3A_2181 = tpu.vector_load %arg15[%get3A_2179, %get3A_2180] {strides = array<i32>} : memref<160x64xf32, #tpu.memory_space<vmem>>, vector<16xf32>,
        %mul3A_2182 = arith.mulf %add3A_2160, %get3A_2181 : vector<16xf32>
        %add3A_2183 = arith.addf %add3A_2178, %mul3A_2182 : vector<16xf32>
        %mul3A_2184 = arith.constant 16 : i32
        %mul3A_2185 = arith.muli %add3A_2164, %mul3A_2184 : i32
        %swap3A_2186 = arith.index_cast %mul3A_2185 : i32 to index
        %swap3A_2187 = tpu.vector_load %arg21[%swap3A_2186] {strides = array<i32>} : memref<2560xf32, #tpu.memory_space<vmem>>, vector<16xf32>,
        tpu.vector_store %arg21[%swap3A_2186], %add3A_2183 {strides = array<i32>} : memref<2560xf32, #tpu.memory_space<vmem>>, vector<16xf32>,
        %mul3A_2188 = arith.constant 20 : i32
        %mul3A_2189 = arith.muli %scan3A_2124, %mul3A_2188 : i32
        %add3A_2190 = arith.constant 1 : i32
        %add3A_2191 = arith.addi %mul3A_2189, %add3A_2190 : i32
        %get3A_2192 = arith.index_cast %add3A_2191 : i32 to index
        %get3A_2193 = arith.constant 0 : index
        %get3A_2194 = tpu.vector_load %arg15[%get3A_2192, %get3A_2193] {strides = array<i32>} : memref<160x64xf32, #tpu.memory_space<vmem>>, vector<16xf32>,
        %mul3A_2195 = arith.mulf %add3A_2145, %get3A_2194 : vector<16xf32>
        %get3A_2196 = arith.index_cast %add3A_2191 : i32 to index
        %get3A_2197 = arith.constant 16 : index
        %get3A_2198 = tpu.vector_load %arg15[%get3A_2196, %get3A_2197] {strides = array<i32>} : memref<160x64xf32, #tpu.memory_space<vmem>>, vector<16xf32>,
        %mul3A_2199 = arith.mulf %add3A_2150, %get3A_2198 : vector<16xf32>
        %add3A_2200 = arith.addf %mul3A_2195, %mul3A_2199 : vector<16xf32>
        %get3A_2201 = arith.index_cast %add3A_2191 : i32 to index
        %get3A_2202 = arith.constant 32 : index
        %get3A_2203 = tpu.vector_load %arg15[%get3A_2201, %get3A_2202] {strides = array<i32>} : memref<160x64xf32, #tpu.memory_space<vmem>>, vector<16xf32>,
        %mul3A_2204 = arith.mulf %add3A_2155, %get3A_2203 : vector<16xf32>
        %add3A_2205 = arith.addf %add3A_2200, %mul3A_2204 : vector<16xf32>
        %get3A_2206 = arith.index_cast %add3A_2191 : i32 to index
        %get3A_2207 = arith.constant 48 : index
        %get3A_2208 = tpu.vector_load %arg15[%get3A_2206, %get3A_2207] {strides = array<i32>} : memref<160x64xf32, #tpu.memory_space<vmem>>, vector<16xf32>,
        %mul3A_2209 = arith.mulf %add3A_2160, %get3A_2208 : vector<16xf32>
        %add3A_2210 = arith.addf %add3A_2205, %mul3A_2209 : vector<16xf32>
        %mul3A_2211 = arith.constant 16 : i32
        %mul3A_2212 = arith.muli %add3A_2191, %mul3A_2211 : i32
        %swap3A_2213 = arith.index_cast %mul3A_2212 : i32 to index
        %swap3A_2214 = tpu.vector_load %arg21[%swap3A_2213] {strides = array<i32>} : memref<2560xf32, #tpu.memory_space<vmem>>, vector<16xf32>,
        tpu.vector_store %arg21[%swap3A_2213], %add3A_2210 {strides = array<i32>} : memref<2560xf32, #tpu.memory_space<vmem>>, vector<16xf32>,
        %mul3A_2215 = arith.constant 20 : i32
        %mul3A_2216 = arith.muli %scan3A_2124, %mul3A_2215 : i32
        %add3A_2217 = arith.constant 2 : i32
        %add3A_2218 = arith.addi %mul3A_2216, %add3A_2217 : i32
        %get3A_2219 = arith.index_cast %add3A_2218 : i32 to index
        %get3A_2220 = arith.constant 0 : index
        %get3A_2221 = tpu.vector_load %arg15[%get3A_2219, %get3A_2220] {strides = array<i32>} : memref<160x64xf32, #tpu.memory_space<vmem>>, vector<16xf32>,
        %mul3A_2222 = arith.mulf %add3A_2145, %get3A_2221 : vector<16xf32>
        %get3A_2223 = arith.index_cast %add3A_2218 : i32 to index
        %get3A_2224 = arith.constant 16 : index
        %get3A_2225 = tpu.vector_load %arg15[%get3A_2223, %get3A_2224] {strides = array<i32>} : memref<160x64xf32, #tpu.memory_space<vmem>>, vector<16xf32>,
        %mul3A_2226 = arith.mulf %add3A_2150, %get3A_2225 : vector<16xf32>
        %add3A_2227 = arith.addf %mul3A_2222, %mul3A_2226 : vector<16xf32>
        %get3A_2228 = arith.index_cast %add3A_2218 : i32 to index
        %get3A_2229 = arith.constant 32 : index
        %get3A_2230 = tpu.vector_load %arg15[%get3A_2228, %get3A_2229] {strides = array<i32>} : memref<160x64xf32, #tpu.memory_space<vmem>>, vector<16xf32>,
        %mul3A_2231 = arith.mulf %add3A_2155, %get3A_2230 : vector<16xf32>
        %add3A_2232 = arith.addf %add3A_2227, %mul3A_2231 : vector<16xf32>
        %get3A_2233 = arith.index_cast %add3A_2218 : i32 to index
        %get3A_2234 = arith.constant 48 : index
        %get3A_2235 = tpu.vector_load %arg15[%get3A_2233, %get3A_2234] {strides = array<i32>} : memref<160x64xf32, #tpu.memory_space<vmem>>, vector<16xf32>,
        %mul3A_2236 = arith.mulf %add3A_2160, %get3A_2235 : vector<16xf32>
        %add3A_2237 = arith.addf %add3A_2232, %mul3A_2236 : vector<16xf32>
        %mul3A_2238 = arith.constant 16 : i32
        %mul3A_2239 = arith.muli %add3A_2218, %mul3A_2238 : i32
        %swap3A_2240 = arith.index_cast %mul3A_2239 : i32 to index
        %swap3A_2241 = tpu.vector_load %arg21[%swap3A_2240] {strides = array<i32>} : memref<2560xf32, #tpu.memory_space<vmem>>, vector<16xf32>,
        tpu.vector_store %arg21[%swap3A_2240], %add3A_2237 {strides = array<i32>} : memref<2560xf32, #tpu.memory_space<vmem>>, vector<16xf32>,
        %mul3A_2242 = arith.constant 20 : i32
        %mul3A_2243 = arith.muli %scan3A_2124, %mul3A_2242 : i32
        %add3A_2244 = arith.constant 3 : i32
        %add3A_2245 = arith.addi %mul3A_2243, %add3A_2244 : i32
        %get3A_2246 = arith.index_cast %add3A_2245 : i32 to index
        %get3A_2247 = arith.constant 0 : index
        %get3A_2248 = tpu.vector_load %arg15[%get3A_2246, %get3A_2247] {strides = array<i32>} : memref<160x64xf32, #tpu.memory_space<vmem>>, vector<16xf32>,
        %mul3A_2249 = arith.mulf %add3A_2145, %get3A_2248 : vector<16xf32>
        %get3A_2250 = arith.index_cast %add3A_2245 : i32 to index
        %get3A_2251 = arith.constant 16 : index
        %get3A_2252 = tpu.vector_load %arg15[%get3A_2250, %get3A_2251] {strides = array<i32>} : memref<160x64xf32, #tpu.memory_space<vmem>>, vector<16xf32>,
        %mul3A_2253 = arith.mulf %add3A_2150, %get3A_2252 : vector<16xf32>
        %add3A_2254 = arith.addf %mul3A_2249, %mul3A_2253 : vector<16xf32>
        %get3A_2255 = arith.index_cast %add3A_2245 : i32 to index
        %get3A_2256 = arith.constant 32 : index
        %get3A_2257 = tpu.vector_load %arg15[%get3A_2255, %get3A_2256] {strides = array<i32>} : memref<160x64xf32, #tpu.memory_space<vmem>>, vector<16xf32>,
        %mul3A_2258 = arith.mulf %add3A_2155, %get3A_2257 : vector<16xf32>
        %add3A_2259 = arith.addf %add3A_2254, %mul3A_2258 : vector<16xf32>
        %get3A_2260 = arith.index_cast %add3A_2245 : i32 to index
        %get3A_2261 = arith.constant 48 : index
        %get3A_2262 = tpu.vector_load %arg15[%get3A_2260, %get3A_2261] {strides = array<i32>} : memref<160x64xf32, #tpu.memory_space<vmem>>, vector<16xf32>,
        %mul3A_2263 = arith.mulf %add3A_2160, %get3A_2262 : vector<16xf32>
        %add3A_2264 = arith.addf %add3A_2259, %mul3A_2263 : vector<16xf32>
        %mul3A_2265 = arith.constant 16 : i32
        %mul3A_2266 = arith.muli %add3A_2245, %mul3A_2265 : i32
        %swap3A_2267 = arith.index_cast %mul3A_2266 : i32 to index
        %swap3A_2268 = tpu.vector_load %arg21[%swap3A_2267] {strides = array<i32>} : memref<2560xf32, #tpu.memory_space<vmem>>, vector<16xf32>,
        tpu.vector_store %arg21[%swap3A_2267], %add3A_2264 {strides = array<i32>} : memref<2560xf32, #tpu.memory_space<vmem>>, vector<16xf32>,
        %mul3A_2269 = arith.constant 20 : i32
        %mul3A_2270 = arith.muli %scan3A_2124, %mul3A_2269 : i32
        %add3A_2271 = arith.constant 4 : i32
        %add3A_2272 = arith.addi %mul3A_2270, %add3A_2271 : i32
        %get3A_2273 = arith.index_cast %add3A_2272 : i32 to index
        %get3A_2274 = arith.constant 0 : index
        %get3A_2275 = tpu.vector_load %arg15[%get3A_2273, %get3A_2274] {strides = array<i32>} : memref<160x64xf32, #tpu.memory_space<vmem>>, vector<16xf32>,
        %mul3A_2276 = arith.mulf %add3A_2145, %get3A_2275 : vector<16xf32>
        %get3A_2277 = arith.index_cast %add3A_2272 : i32 to index
        %get3A_2278 = arith.constant 16 : index
        %get3A_2279 = tpu.vector_load %arg15[%get3A_2277, %get3A_2278] {strides = array<i32>} : memref<160x64xf32, #tpu.memory_space<vmem>>, vector<16xf32>,
        %mul3A_2280 = arith.mulf %add3A_2150, %get3A_2279 : vector<16xf32>
        %add3A_2281 = arith.addf %mul3A_2276, %mul3A_2280 : vector<16xf32>
        %get3A_2282 = arith.index_cast %add3A_2272 : i32 to index
        %get3A_2283 = arith.constant 32 : index
        %get3A_2284 = tpu.vector_load %arg15[%get3A_2282, %get3A_2283] {strides = array<i32>} : memref<160x64xf32, #tpu.memory_space<vmem>>, vector<16xf32>,
        %mul3A_2285 = arith.mulf %add3A_2155, %get3A_2284 : vector<16xf32>
        %add3A_2286 = arith.addf %add3A_2281, %mul3A_2285 : vector<16xf32>
        %get3A_2287 = arith.index_cast %add3A_2272 : i32 to index
        %get3A_2288 = arith.constant 48 : index
        %get3A_2289 = tpu.vector_load %arg15[%get3A_2287, %get3A_2288] {strides = array<i32>} : memref<160x64xf32, #tpu.memory_space<vmem>>, vector<16xf32>,
        %mul3A_2290 = arith.mulf %add3A_2160, %get3A_2289 : vector<16xf32>
        %add3A_2291 = arith.addf %add3A_2286, %mul3A_2290 : vector<16xf32>
        %mul3A_2292 = arith.constant 16 : i32
        %mul3A_2293 = arith.muli %add3A_2272, %mul3A_2292 : i32
        %swap3A_2294 = arith.index_cast %mul3A_2293 : i32 to index
        %swap3A_2295 = tpu.vector_load %arg21[%swap3A_2294] {strides = array<i32>} : memref<2560xf32, #tpu.memory_space<vmem>>, vector<16xf32>,
        tpu.vector_store %arg21[%swap3A_2294], %add3A_2291 {strides = array<i32>} : memref<2560xf32, #tpu.memory_space<vmem>>, vector<16xf32>,
        %mul3A_2296 = arith.constant 20 : i32
        %mul3A_2297 = arith.muli %scan3A_2124, %mul3A_2296 : i32
        %add3A_2298 = arith.constant 5 : i32
        %add3A_2299 = arith.addi %mul3A_2297, %add3A_2298 : i32
        %get3A_2300 = arith.index_cast %add3A_2299 : i32 to index
        %get3A_2301 = arith.constant 0 : index
        %get3A_2302 = tpu.vector_load %arg15[%get3A_2300, %get3A_2301] {strides = array<i32>} : memref<160x64xf32, #tpu.memory_space<vmem>>, vector<16xf32>,
        %mul3A_2303 = arith.mulf %add3A_2145, %get3A_2302 : vector<16xf32>
        %get3A_2304 = arith.index_cast %add3A_2299 : i32 to index
        %get3A_2305 = arith.constant 16 : index
        %get3A_2306 = tpu.vector_load %arg15[%get3A_2304, %get3A_2305] {strides = array<i32>} : memref<160x64xf32, #tpu.memory_space<vmem>>, vector<16xf32>,
        %mul3A_2307 = arith.mulf %add3A_2150, %get3A_2306 : vector<16xf32>
        %add3A_2308 = arith.addf %mul3A_2303, %mul3A_2307 : vector<16xf32>
        %get3A_2309 = arith.index_cast %add3A_2299 : i32 to index
        %get3A_2310 = arith.constant 32 : index
        %get3A_2311 = tpu.vector_load %arg15[%get3A_2309, %get3A_2310] {strides = array<i32>} : memref<160x64xf32, #tpu.memory_space<vmem>>, vector<16xf32>,
        %mul3A_2312 = arith.mulf %add3A_2155, %get3A_2311 : vector<16xf32>
        %add3A_2313 = arith.addf %add3A_2308, %mul3A_2312 : vector<16xf32>
        %get3A_2314 = arith.index_cast %add3A_2299 : i32 to index
        %get3A_2315 = arith.constant 48 : index
        %get3A_2316 = tpu.vector_load %arg15[%get3A_2314, %get3A_2315] {strides = array<i32>} : memref<160x64xf32, #tpu.memory_space<vmem>>, vector<16xf32>,
        %mul3A_2317 = arith.mulf %add3A_2160, %get3A_2316 : vector<16xf32>
        %add3A_2318 = arith.addf %add3A_2313, %mul3A_2317 : vector<16xf32>
        %mul3A_2319 = arith.constant 16 : i32
        %mul3A_2320 = arith.muli %add3A_2299, %mul3A_2319 : i32
        %swap3A_2321 = arith.index_cast %mul3A_2320 : i32 to index
        %swap3A_2322 = tpu.vector_load %arg21[%swap3A_2321] {strides = array<i32>} : memref<2560xf32, #tpu.memory_space<vmem>>, vector<16xf32>,
        tpu.vector_store %arg21[%swap3A_2321], %add3A_2318 {strides = array<i32>} : memref<2560xf32, #tpu.memory_space<vmem>>, vector<16xf32>,
        %mul3A_2323 = arith.constant 20 : i32
        %mul3A_2324 = arith.muli %scan3A_2124, %mul3A_2323 : i32
        %add3A_2325 = arith.constant 6 : i32
        %add3A_2326 = arith.addi %mul3A_2324, %add3A_2325 : i32
        %get3A_2327 = arith.index_cast %add3A_2326 : i32 to index
        %get3A_2328 = arith.constant 0 : index
        %get3A_2329 = tpu.vector_load %arg15[%get3A_2327, %get3A_2328] {strides = array<i32>} : memref<160x64xf32, #tpu.memory_space<vmem>>, vector<16xf32>,
        %mul3A_2330 = arith.mulf %add3A_2145, %get3A_2329 : vector<16xf32>
        %get3A_2331 = arith.index_cast %add3A_2326 : i32 to index
        %get3A_2332 = arith.constant 16 : index
        %get3A_2333 = tpu.vector_load %arg15[%get3A_2331, %get3A_2332] {strides = array<i32>} : memref<160x64xf32, #tpu.memory_space<vmem>>, vector<16xf32>,
        %mul3A_2334 = arith.mulf %add3A_2150, %get3A_2333 : vector<16xf32>
        %add3A_2335 = arith.addf %mul3A_2330, %mul3A_2334 : vector<16xf32>
        %get3A_2336 = arith.index_cast %add3A_2326 : i32 to index
        %get3A_2337 = arith.constant 32 : index
        %get3A_2338 = tpu.vector_load %arg15[%get3A_2336, %get3A_2337] {strides = array<i32>} : memref<160x64xf32, #tpu.memory_space<vmem>>, vector<16xf32>,
        %mul3A_2339 = arith.mulf %add3A_2155, %get3A_2338 : vector<16xf32>
        %add3A_2340 = arith.addf %add3A_2335, %mul3A_2339 : vector<16xf32>
        %get3A_2341 = arith.index_cast %add3A_2326 : i32 to index
        %get3A_2342 = arith.constant 48 : index
        %get3A_2343 = tpu.vector_load %arg15[%get3A_2341, %get3A_2342] {strides = array<i32>} : memref<160x64xf32, #tpu.memory_space<vmem>>, vector<16xf32>,
        %mul3A_2344 = arith.mulf %add3A_2160, %get3A_2343 : vector<16xf32>
        %add3A_2345 = arith.addf %add3A_2340, %mul3A_2344 : vector<16xf32>
        %mul3A_2346 = arith.constant 16 : i32
        %mul3A_2347 = arith.muli %add3A_2326, %mul3A_2346 : i32
        %swap3A_2348 = arith.index_cast %mul3A_2347 : i32 to index
        %swap3A_2349 = tpu.vector_load %arg21[%swap3A_2348] {strides = array<i32>} : memref<2560xf32, #tpu.memory_space<vmem>>, vector<16xf32>,
        tpu.vector_store %arg21[%swap3A_2348], %add3A_2345 {strides = array<i32>} : memref<2560xf32, #tpu.memory_space<vmem>>, vector<16xf32>,
        %mul3A_2350 = arith.constant 20 : i32
        %mul3A_2351 = arith.muli %scan3A_2124, %mul3A_2350 : i32
        %add3A_2352 = arith.constant 7 : i32
        %add3A_2353 = arith.addi %mul3A_2351, %add3A_2352 : i32
        %get3A_2354 = arith.index_cast %add3A_2353 : i32 to index
        %get3A_2355 = arith.constant 0 : index
        %get3A_2356 = tpu.vector_load %arg15[%get3A_2354, %get3A_2355] {strides = array<i32>} : memref<160x64xf32, #tpu.memory_space<vmem>>, vector<16xf32>,
        %mul3A_2357 = arith.mulf %add3A_2145, %get3A_2356 : vector<16xf32>
        %get3A_2358 = arith.index_cast %add3A_2353 : i32 to index
        %get3A_2359 = arith.constant 16 : index
        %get3A_2360 = tpu.vector_load %arg15[%get3A_2358, %get3A_2359] {strides = array<i32>} : memref<160x64xf32, #tpu.memory_space<vmem>>, vector<16xf32>,
        %mul3A_2361 = arith.mulf %add3A_2150, %get3A_2360 : vector<16xf32>
        %add3A_2362 = arith.addf %mul3A_2357, %mul3A_2361 : vector<16xf32>
        %get3A_2363 = arith.index_cast %add3A_2353 : i32 to index
        %get3A_2364 = arith.constant 32 : index
        %get3A_2365 = tpu.vector_load %arg15[%get3A_2363, %get3A_2364] {strides = array<i32>} : memref<160x64xf32, #tpu.memory_space<vmem>>, vector<16xf32>,
        %mul3A_2366 = arith.mulf %add3A_2155, %get3A_2365 : vector<16xf32>
        %add3A_2367 = arith.addf %add3A_2362, %mul3A_2366 : vector<16xf32>
        %get3A_2368 = arith.index_cast %add3A_2353 : i32 to index
        %get3A_2369 = arith.constant 48 : index
        %get3A_2370 = tpu.vector_load %arg15[%get3A_2368, %get3A_2369] {strides = array<i32>} : memref<160x64xf32, #tpu.memory_space<vmem>>, vector<16xf32>,
        %mul3A_2371 = arith.mulf %add3A_2160, %get3A_2370 : vector<16xf32>
        %add3A_2372 = arith.addf %add3A_2367, %mul3A_2371 : vector<16xf32>
        %mul3A_2373 = arith.constant 16 : i32
        %mul3A_2374 = arith.muli %add3A_2353, %mul3A_2373 : i32
        %swap3A_2375 = arith.index_cast %mul3A_2374 : i32 to index
        %swap3A_2376 = tpu.vector_load %arg21[%swap3A_2375] {strides = array<i32>} : memref<2560xf32, #tpu.memory_space<vmem>>, vector<16xf32>,
        tpu.vector_store %arg21[%swap3A_2375], %add3A_2372 {strides = array<i32>} : memref<2560xf32, #tpu.memory_space<vmem>>, vector<16xf32>,
        %mul3A_2377 = arith.constant 20 : i32
        %mul3A_2378 = arith.muli %scan3A_2124, %mul3A_2377 : i32
        %add3A_2379 = arith.constant 8 : i32
        %add3A_2380 = arith.addi %mul3A_2378, %add3A_2379 : i32
        %get3A_2381 = arith.index_cast %add3A_2380 : i32 to index
        %get3A_2382 = arith.constant 0 : index
        %get3A_2383 = tpu.vector_load %arg15[%get3A_2381, %get3A_2382] {strides = array<i32>} : memref<160x64xf32, #tpu.memory_space<vmem>>, vector<16xf32>,
        %mul3A_2384 = arith.mulf %add3A_2145, %get3A_2383 : vector<16xf32>
        %get3A_2385 = arith.index_cast %add3A_2380 : i32 to index
        %get3A_2386 = arith.constant 16 : index
        %get3A_2387 = tpu.vector_load %arg15[%get3A_2385, %get3A_2386] {strides = array<i32>} : memref<160x64xf32, #tpu.memory_space<vmem>>, vector<16xf32>,
        %mul3A_2388 = arith.mulf %add3A_2150, %get3A_2387 : vector<16xf32>
        %add3A_2389 = arith.addf %mul3A_2384, %mul3A_2388 : vector<16xf32>
        %get3A_2390 = arith.index_cast %add3A_2380 : i32 to index
        %get3A_2391 = arith.constant 32 : index
        %get3A_2392 = tpu.vector_load %arg15[%get3A_2390, %get3A_2391] {strides = array<i32>} : memref<160x64xf32, #tpu.memory_space<vmem>>, vector<16xf32>,
        %mul3A_2393 = arith.mulf %add3A_2155, %get3A_2392 : vector<16xf32>
        %add3A_2394 = arith.addf %add3A_2389, %mul3A_2393 : vector<16xf32>
        %get3A_2395 = arith.index_cast %add3A_2380 : i32 to index
        %get3A_2396 = arith.constant 48 : index
        %get3A_2397 = tpu.vector_load %arg15[%get3A_2395, %get3A_2396] {strides = array<i32>} : memref<160x64xf32, #tpu.memory_space<vmem>>, vector<16xf32>,
        %mul3A_2398 = arith.mulf %add3A_2160, %get3A_2397 : vector<16xf32>
        %add3A_2399 = arith.addf %add3A_2394, %mul3A_2398 : vector<16xf32>
        %mul3A_2400 = arith.constant 16 : i32
        %mul3A_2401 = arith.muli %add3A_2380, %mul3A_2400 : i32
        %swap3A_2402 = arith.index_cast %mul3A_2401 : i32 to index
        %swap3A_2403 = tpu.vector_load %arg21[%swap3A_2402] {strides = array<i32>} : memref<2560xf32, #tpu.memory_space<vmem>>, vector<16xf32>,
        tpu.vector_store %arg21[%swap3A_2402], %add3A_2399 {strides = array<i32>} : memref<2560xf32, #tpu.memory_space<vmem>>, vector<16xf32>,
        %mul3A_2404 = arith.constant 20 : i32
        %mul3A_2405 = arith.muli %scan3A_2124, %mul3A_2404 : i32
        %add3A_2406 = arith.constant 9 : i32
        %add3A_2407 = arith.addi %mul3A_2405, %add3A_2406 : i32
        %get3A_2408 = arith.index_cast %add3A_2407 : i32 to index
        %get3A_2409 = arith.constant 0 : index
        %get3A_2410 = tpu.vector_load %arg15[%get3A_2408, %get3A_2409] {strides = array<i32>} : memref<160x64xf32, #tpu.memory_space<vmem>>, vector<16xf32>,
        %mul3A_2411 = arith.mulf %add3A_2145, %get3A_2410 : vector<16xf32>
        %get3A_2412 = arith.index_cast %add3A_2407 : i32 to index
        %get3A_2413 = arith.constant 16 : index
        %get3A_2414 = tpu.vector_load %arg15[%get3A_2412, %get3A_2413] {strides = array<i32>} : memref<160x64xf32, #tpu.memory_space<vmem>>, vector<16xf32>,
        %mul3A_2415 = arith.mulf %add3A_2150, %get3A_2414 : vector<16xf32>
        %add3A_2416 = arith.addf %mul3A_2411, %mul3A_2415 : vector<16xf32>
        %get3A_2417 = arith.index_cast %add3A_2407 : i32 to index
        %get3A_2418 = arith.constant 32 : index
        %get3A_2419 = tpu.vector_load %arg15[%get3A_2417, %get3A_2418] {strides = array<i32>} : memref<160x64xf32, #tpu.memory_space<vmem>>, vector<16xf32>,
        %mul3A_2420 = arith.mulf %add3A_2155, %get3A_2419 : vector<16xf32>
        %add3A_2421 = arith.addf %add3A_2416, %mul3A_2420 : vector<16xf32>
        %get3A_2422 = arith.index_cast %add3A_2407 : i32 to index
        %get3A_2423 = arith.constant 48 : index
        %get3A_2424 = tpu.vector_load %arg15[%get3A_2422, %get3A_2423] {strides = array<i32>} : memref<160x64xf32, #tpu.memory_space<vmem>>, vector<16xf32>,
        %mul3A_2425 = arith.mulf %add3A_2160, %get3A_2424 : vector<16xf32>
        %add3A_2426 = arith.addf %add3A_2421, %mul3A_2425 : vector<16xf32>
        %mul3A_2427 = arith.constant 16 : i32
        %mul3A_2428 = arith.muli %add3A_2407, %mul3A_2427 : i32
        %swap3A_2429 = arith.index_cast %mul3A_2428 : i32 to index
        %swap3A_2430 = tpu.vector_load %arg21[%swap3A_2429] {strides = array<i32>} : memref<2560xf32, #tpu.memory_space<vmem>>, vector<16xf32>,
        tpu.vector_store %arg21[%swap3A_2429], %add3A_2426 {strides = array<i32>} : memref<2560xf32, #tpu.memory_space<vmem>>, vector<16xf32>,
        %mul3A_2431 = arith.constant 20 : i32
        %mul3A_2432 = arith.muli %scan3A_2124, %mul3A_2431 : i32
        %add3A_2433 = arith.constant 10 : i32
        %add3A_2434 = arith.addi %mul3A_2432, %add3A_2433 : i32
        %get3A_2435 = arith.index_cast %add3A_2434 : i32 to index
        %get3A_2436 = arith.constant 0 : index
        %get3A_2437 = tpu.vector_load %arg15[%get3A_2435, %get3A_2436] {strides = array<i32>} : memref<160x64xf32, #tpu.memory_space<vmem>>, vector<16xf32>,
        %mul3A_2438 = arith.mulf %add3A_2145, %get3A_2437 : vector<16xf32>
        %get3A_2439 = arith.index_cast %add3A_2434 : i32 to index
        %get3A_2440 = arith.constant 16 : index
        %get3A_2441 = tpu.vector_load %arg15[%get3A_2439, %get3A_2440] {strides = array<i32>} : memref<160x64xf32, #tpu.memory_space<vmem>>, vector<16xf32>,
        %mul3A_2442 = arith.mulf %add3A_2150, %get3A_2441 : vector<16xf32>
        %add3A_2443 = arith.addf %mul3A_2438, %mul3A_2442 : vector<16xf32>
        %get3A_2444 = arith.index_cast %add3A_2434 : i32 to index
        %get3A_2445 = arith.constant 32 : index
        %get3A_2446 = tpu.vector_load %arg15[%get3A_2444, %get3A_2445] {strides = array<i32>} : memref<160x64xf32, #tpu.memory_space<vmem>>, vector<16xf32>,
        %mul3A_2447 = arith.mulf %add3A_2155, %get3A_2446 : vector<16xf32>
        %add3A_2448 = arith.addf %add3A_2443, %mul3A_2447 : vector<16xf32>
        %get3A_2449 = arith.index_cast %add3A_2434 : i32 to index
        %get3A_2450 = arith.constant 48 : index
        %get3A_2451 = tpu.vector_load %arg15[%get3A_2449, %get3A_2450] {strides = array<i32>} : memref<160x64xf32, #tpu.memory_space<vmem>>, vector<16xf32>,
        %mul3A_2452 = arith.mulf %add3A_2160, %get3A_2451 : vector<16xf32>
        %add3A_2453 = arith.addf %add3A_2448, %mul3A_2452 : vector<16xf32>
        %mul3A_2454 = arith.constant 16 : i32
        %mul3A_2455 = arith.muli %add3A_2434, %mul3A_2454 : i32
        %swap3A_2456 = arith.index_cast %mul3A_2455 : i32 to index
        %swap3A_2457 = tpu.vector_load %arg21[%swap3A_2456] {strides = array<i32>} : memref<2560xf32, #tpu.memory_space<vmem>>, vector<16xf32>,
        tpu.vector_store %arg21[%swap3A_2456], %add3A_2453 {strides = array<i32>} : memref<2560xf32, #tpu.memory_space<vmem>>, vector<16xf32>,
        %mul3A_2458 = arith.constant 20 : i32
        %mul3A_2459 = arith.muli %scan3A_2124, %mul3A_2458 : i32
        %add3A_2460 = arith.constant 11 : i32
        %add3A_2461 = arith.addi %mul3A_2459, %add3A_2460 : i32
        %get3A_2462 = arith.index_cast %add3A_2461 : i32 to index
        %get3A_2463 = arith.constant 0 : index
        %get3A_2464 = tpu.vector_load %arg15[%get3A_2462, %get3A_2463] {strides = array<i32>} : memref<160x64xf32, #tpu.memory_space<vmem>>, vector<16xf32>,
        %mul3A_2465 = arith.mulf %add3A_2145, %get3A_2464 : vector<16xf32>
        %get3A_2466 = arith.index_cast %add3A_2461 : i32 to index
        %get3A_2467 = arith.constant 16 : index
        %get3A_2468 = tpu.vector_load %arg15[%get3A_2466, %get3A_2467] {strides = array<i32>} : memref<160x64xf32, #tpu.memory_space<vmem>>, vector<16xf32>,
        %mul3A_2469 = arith.mulf %add3A_2150, %get3A_2468 : vector<16xf32>
        %add3A_2470 = arith.addf %mul3A_2465, %mul3A_2469 : vector<16xf32>
        %get3A_2471 = arith.index_cast %add3A_2461 : i32 to index
        %get3A_2472 = arith.constant 32 : index
        %get3A_2473 = tpu.vector_load %arg15[%get3A_2471, %get3A_2472] {strides = array<i32>} : memref<160x64xf32, #tpu.memory_space<vmem>>, vector<16xf32>,
        %mul3A_2474 = arith.mulf %add3A_2155, %get3A_2473 : vector<16xf32>
        %add3A_2475 = arith.addf %add3A_2470, %mul3A_2474 : vector<16xf32>
        %get3A_2476 = arith.index_cast %add3A_2461 : i32 to index
        %get3A_2477 = arith.constant 48 : index
        %get3A_2478 = tpu.vector_load %arg15[%get3A_2476, %get3A_2477] {strides = array<i32>} : memref<160x64xf32, #tpu.memory_space<vmem>>, vector<16xf32>,
        %mul3A_2479 = arith.mulf %add3A_2160, %get3A_2478 : vector<16xf32>
        %add3A_2480 = arith.addf %add3A_2475, %mul3A_2479 : vector<16xf32>
        %mul3A_2481 = arith.constant 16 : i32
        %mul3A_2482 = arith.muli %add3A_2461, %mul3A_2481 : i32
        %swap3A_2483 = arith.index_cast %mul3A_2482 : i32 to index
        %swap3A_2484 = tpu.vector_load %arg21[%swap3A_2483] {strides = array<i32>} : memref<2560xf32, #tpu.memory_space<vmem>>, vector<16xf32>,
        tpu.vector_store %arg21[%swap3A_2483], %add3A_2480 {strides = array<i32>} : memref<2560xf32, #tpu.memory_space<vmem>>, vector<16xf32>,
        %mul3A_2485 = arith.constant 20 : i32
        %mul3A_2486 = arith.muli %scan3A_2124, %mul3A_2485 : i32
        %add3A_2487 = arith.constant 12 : i32
        %add3A_2488 = arith.addi %mul3A_2486, %add3A_2487 : i32
        %get3A_2489 = arith.index_cast %add3A_2488 : i32 to index
        %get3A_2490 = arith.constant 0 : index
        %get3A_2491 = tpu.vector_load %arg15[%get3A_2489, %get3A_2490] {strides = array<i32>} : memref<160x64xf32, #tpu.memory_space<vmem>>, vector<16xf32>,
        %mul3A_2492 = arith.mulf %add3A_2145, %get3A_2491 : vector<16xf32>
        %get3A_2493 = arith.index_cast %add3A_2488 : i32 to index
        %get3A_2494 = arith.constant 16 : index
        %get3A_2495 = tpu.vector_load %arg15[%get3A_2493, %get3A_2494] {strides = array<i32>} : memref<160x64xf32, #tpu.memory_space<vmem>>, vector<16xf32>,
        %mul3A_2496 = arith.mulf %add3A_2150, %get3A_2495 : vector<16xf32>
        %add3A_2497 = arith.addf %mul3A_2492, %mul3A_2496 : vector<16xf32>
        %get3A_2498 = arith.index_cast %add3A_2488 : i32 to index
        %get3A_2499 = arith.constant 32 : index
        %get3A_2500 = tpu.vector_load %arg15[%get3A_2498, %get3A_2499] {strides = array<i32>} : memref<160x64xf32, #tpu.memory_space<vmem>>, vector<16xf32>,
        %mul3A_2501 = arith.mulf %add3A_2155, %get3A_2500 : vector<16xf32>
        %add3A_2502 = arith.addf %add3A_2497, %mul3A_2501 : vector<16xf32>
        %get3A_2503 = arith.index_cast %add3A_2488 : i32 to index
        %get3A_2504 = arith.constant 48 : index
        %get3A_2505 = tpu.vector_load %arg15[%get3A_2503, %get3A_2504] {strides = array<i32>} : memref<160x64xf32, #tpu.memory_space<vmem>>, vector<16xf32>,
        %mul3A_2506 = arith.mulf %add3A_2160, %get3A_2505 : vector<16xf32>
        %add3A_2507 = arith.addf %add3A_2502, %mul3A_2506 : vector<16xf32>
        %mul3A_2508 = arith.constant 16 : i32
        %mul3A_2509 = arith.muli %add3A_2488, %mul3A_2508 : i32
        %swap3A_2510 = arith.index_cast %mul3A_2509 : i32 to index
        %swap3A_2511 = tpu.vector_load %arg21[%swap3A_2510] {strides = array<i32>} : memref<2560xf32, #tpu.memory_space<vmem>>, vector<16xf32>,
        tpu.vector_store %arg21[%swap3A_2510], %add3A_2507 {strides = array<i32>} : memref<2560xf32, #tpu.memory_space<vmem>>, vector<16xf32>,
        %mul3A_2512 = arith.constant 20 : i32
        %mul3A_2513 = arith.muli %scan3A_2124, %mul3A_2512 : i32
        %add3A_2514 = arith.constant 13 : i32
        %add3A_2515 = arith.addi %mul3A_2513, %add3A_2514 : i32
        %get3A_2516 = arith.index_cast %add3A_2515 : i32 to index
        %get3A_2517 = arith.constant 0 : index
        %get3A_2518 = tpu.vector_load %arg15[%get3A_2516, %get3A_2517] {strides = array<i32>} : memref<160x64xf32, #tpu.memory_space<vmem>>, vector<16xf32>,
        %mul3A_2519 = arith.mulf %add3A_2145, %get3A_2518 : vector<16xf32>
        %get3A_2520 = arith.index_cast %add3A_2515 : i32 to index
        %get3A_2521 = arith.constant 16 : index
        %get3A_2522 = tpu.vector_load %arg15[%get3A_2520, %get3A_2521] {strides = array<i32>} : memref<160x64xf32, #tpu.memory_space<vmem>>, vector<16xf32>,
        %mul3A_2523 = arith.mulf %add3A_2150, %get3A_2522 : vector<16xf32>
        %add3A_2524 = arith.addf %mul3A_2519, %mul3A_2523 : vector<16xf32>
        %get3A_2525 = arith.index_cast %add3A_2515 : i32 to index
        %get3A_2526 = arith.constant 32 : index
        %get3A_2527 = tpu.vector_load %arg15[%get3A_2525, %get3A_2526] {strides = array<i32>} : memref<160x64xf32, #tpu.memory_space<vmem>>, vector<16xf32>,
        %mul3A_2528 = arith.mulf %add3A_2155, %get3A_2527 : vector<16xf32>
        %add3A_2529 = arith.addf %add3A_2524, %mul3A_2528 : vector<16xf32>
        %get3A_2530 = arith.index_cast %add3A_2515 : i32 to index
        %get3A_2531 = arith.constant 48 : index
        %get3A_2532 = tpu.vector_load %arg15[%get3A_2530, %get3A_2531] {strides = array<i32>} : memref<160x64xf32, #tpu.memory_space<vmem>>, vector<16xf32>,
        %mul3A_2533 = arith.mulf %add3A_2160, %get3A_2532 : vector<16xf32>
        %add3A_2534 = arith.addf %add3A_2529, %mul3A_2533 : vector<16xf32>
        %mul3A_2535 = arith.constant 16 : i32
        %mul3A_2536 = arith.muli %add3A_2515, %mul3A_2535 : i32
        %swap3A_2537 = arith.index_cast %mul3A_2536 : i32 to index
        %swap3A_2538 = tpu.vector_load %arg21[%swap3A_2537] {strides = array<i32>} : memref<2560xf32, #tpu.memory_space<vmem>>, vector<16xf32>,
        tpu.vector_store %arg21[%swap3A_2537], %add3A_2534 {strides = array<i32>} : memref<2560xf32, #tpu.memory_space<vmem>>, vector<16xf32>,
        %mul3A_2539 = arith.constant 20 : i32
        %mul3A_2540 = arith.muli %scan3A_2124, %mul3A_2539 : i32
        %add3A_2541 = arith.constant 14 : i32
        %add3A_2542 = arith.addi %mul3A_2540, %add3A_2541 : i32
        %get3A_2543 = arith.index_cast %add3A_2542 : i32 to index
        %get3A_2544 = arith.constant 0 : index
        %get3A_2545 = tpu.vector_load %arg15[%get3A_2543, %get3A_2544] {strides = array<i32>} : memref<160x64xf32, #tpu.memory_space<vmem>>, vector<16xf32>,
        %mul3A_2546 = arith.mulf %add3A_2145, %get3A_2545 : vector<16xf32>
        %get3A_2547 = arith.index_cast %add3A_2542 : i32 to index
        %get3A_2548 = arith.constant 16 : index
        %get3A_2549 = tpu.vector_load %arg15[%get3A_2547, %get3A_2548] {strides = array<i32>} : memref<160x64xf32, #tpu.memory_space<vmem>>, vector<16xf32>,
        %mul3A_2550 = arith.mulf %add3A_2150, %get3A_2549 : vector<16xf32>
        %add3A_2551 = arith.addf %mul3A_2546, %mul3A_2550 : vector<16xf32>
        %get3A_2552 = arith.index_cast %add3A_2542 : i32 to index
        %get3A_2553 = arith.constant 32 : index
        %get3A_2554 = tpu.vector_load %arg15[%get3A_2552, %get3A_2553] {strides = array<i32>} : memref<160x64xf32, #tpu.memory_space<vmem>>, vector<16xf32>,
        %mul3A_2555 = arith.mulf %add3A_2155, %get3A_2554 : vector<16xf32>
        %add3A_2556 = arith.addf %add3A_2551, %mul3A_2555 : vector<16xf32>
        %get3A_2557 = arith.index_cast %add3A_2542 : i32 to index
        %get3A_2558 = arith.constant 48 : index
        %get3A_2559 = tpu.vector_load %arg15[%get3A_2557, %get3A_2558] {strides = array<i32>} : memref<160x64xf32, #tpu.memory_space<vmem>>, vector<16xf32>,
        %mul3A_2560 = arith.mulf %add3A_2160, %get3A_2559 : vector<16xf32>
        %add3A_2561 = arith.addf %add3A_2556, %mul3A_2560 : vector<16xf32>
        %mul3A_2562 = arith.constant 16 : i32
        %mul3A_2563 = arith.muli %add3A_2542, %mul3A_2562 : i32
        %swap3A_2564 = arith.index_cast %mul3A_2563 : i32 to index
        %swap3A_2565 = tpu.vector_load %arg21[%swap3A_2564] {strides = array<i32>} : memref<2560xf32, #tpu.memory_space<vmem>>, vector<16xf32>,
        tpu.vector_store %arg21[%swap3A_2564], %add3A_2561 {strides = array<i32>} : memref<2560xf32, #tpu.memory_space<vmem>>, vector<16xf32>,
        %mul3A_2566 = arith.constant 20 : i32
        %mul3A_2567 = arith.muli %scan3A_2124, %mul3A_2566 : i32
        %add3A_2568 = arith.constant 15 : i32
        %add3A_2569 = arith.addi %mul3A_2567, %add3A_2568 : i32
        %get3A_2570 = arith.index_cast %add3A_2569 : i32 to index
        %get3A_2571 = arith.constant 0 : index
        %get3A_2572 = tpu.vector_load %arg15[%get3A_2570, %get3A_2571] {strides = array<i32>} : memref<160x64xf32, #tpu.memory_space<vmem>>, vector<16xf32>,
        %mul3A_2573 = arith.mulf %add3A_2145, %get3A_2572 : vector<16xf32>
        %get3A_2574 = arith.index_cast %add3A_2569 : i32 to index
        %get3A_2575 = arith.constant 16 : index
        %get3A_2576 = tpu.vector_load %arg15[%get3A_2574, %get3A_2575] {strides = array<i32>} : memref<160x64xf32, #tpu.memory_space<vmem>>, vector<16xf32>,
        %mul3A_2577 = arith.mulf %add3A_2150, %get3A_2576 : vector<16xf32>
        %add3A_2578 = arith.addf %mul3A_2573, %mul3A_2577 : vector<16xf32>
        %get3A_2579 = arith.index_cast %add3A_2569 : i32 to index
        %get3A_2580 = arith.constant 32 : index
        %get3A_2581 = tpu.vector_load %arg15[%get3A_2579, %get3A_2580] {strides = array<i32>} : memref<160x64xf32, #tpu.memory_space<vmem>>, vector<16xf32>,
        %mul3A_2582 = arith.mulf %add3A_2155, %get3A_2581 : vector<16xf32>
        %add3A_2583 = arith.addf %add3A_2578, %mul3A_2582 : vector<16xf32>
        %get3A_2584 = arith.index_cast %add3A_2569 : i32 to index
        %get3A_2585 = arith.constant 48 : index
        %get3A_2586 = tpu.vector_load %arg15[%get3A_2584, %get3A_2585] {strides = array<i32>} : memref<160x64xf32, #tpu.memory_space<vmem>>, vector<16xf32>,
        %mul3A_2587 = arith.mulf %add3A_2160, %get3A_2586 : vector<16xf32>
        %add3A_2588 = arith.addf %add3A_2583, %mul3A_2587 : vector<16xf32>
        %mul3A_2589 = arith.constant 16 : i32
        %mul3A_2590 = arith.muli %add3A_2569, %mul3A_2589 : i32
        %swap3A_2591 = arith.index_cast %mul3A_2590 : i32 to index
        %swap3A_2592 = tpu.vector_load %arg21[%swap3A_2591] {strides = array<i32>} : memref<2560xf32, #tpu.memory_space<vmem>>, vector<16xf32>,
        tpu.vector_store %arg21[%swap3A_2591], %add3A_2588 {strides = array<i32>} : memref<2560xf32, #tpu.memory_space<vmem>>, vector<16xf32>,
        %mul3A_2593 = arith.constant 20 : i32
        %mul3A_2594 = arith.muli %scan3A_2124, %mul3A_2593 : i32
        %add3A_2595 = arith.constant 16 : i32
        %add3A_2596 = arith.addi %mul3A_2594, %add3A_2595 : i32
        %get3A_2597 = arith.index_cast %add3A_2596 : i32 to index
        %get3A_2598 = arith.constant 0 : index
        %get3A_2599 = tpu.vector_load %arg15[%get3A_2597, %get3A_2598] {strides = array<i32>} : memref<160x64xf32, #tpu.memory_space<vmem>>, vector<16xf32>,
        %mul3A_2600 = arith.mulf %add3A_2145, %get3A_2599 : vector<16xf32>
        %get3A_2601 = arith.index_cast %add3A_2596 : i32 to index
        %get3A_2602 = arith.constant 16 : index
        %get3A_2603 = tpu.vector_load %arg15[%get3A_2601, %get3A_2602] {strides = array<i32>} : memref<160x64xf32, #tpu.memory_space<vmem>>, vector<16xf32>,
        %mul3A_2604 = arith.mulf %add3A_2150, %get3A_2603 : vector<16xf32>
        %add3A_2605 = arith.addf %mul3A_2600, %mul3A_2604 : vector<16xf32>
        %get3A_2606 = arith.index_cast %add3A_2596 : i32 to index
        %get3A_2607 = arith.constant 32 : index
        %get3A_2608 = tpu.vector_load %arg15[%get3A_2606, %get3A_2607] {strides = array<i32>} : memref<160x64xf32, #tpu.memory_space<vmem>>, vector<16xf32>,
        %mul3A_2609 = arith.mulf %add3A_2155, %get3A_2608 : vector<16xf32>
        %add3A_2610 = arith.addf %add3A_2605, %mul3A_2609 : vector<16xf32>
        %get3A_2611 = arith.index_cast %add3A_2596 : i32 to index
        %get3A_2612 = arith.constant 48 : index
        %get3A_2613 = tpu.vector_load %arg15[%get3A_2611, %get3A_2612] {strides = array<i32>} : memref<160x64xf32, #tpu.memory_space<vmem>>, vector<16xf32>,
        %mul3A_2614 = arith.mulf %add3A_2160, %get3A_2613 : vector<16xf32>
        %add3A_2615 = arith.addf %add3A_2610, %mul3A_2614 : vector<16xf32>
        %mul3A_2616 = arith.constant 16 : i32
        %mul3A_2617 = arith.muli %add3A_2596, %mul3A_2616 : i32
        %swap3A_2618 = arith.index_cast %mul3A_2617 : i32 to index
        %swap3A_2619 = tpu.vector_load %arg21[%swap3A_2618] {strides = array<i32>} : memref<2560xf32, #tpu.memory_space<vmem>>, vector<16xf32>,
        tpu.vector_store %arg21[%swap3A_2618], %add3A_2615 {strides = array<i32>} : memref<2560xf32, #tpu.memory_space<vmem>>, vector<16xf32>,
        %mul3A_2620 = arith.constant 20 : i32
        %mul3A_2621 = arith.muli %scan3A_2124, %mul3A_2620 : i32
        %add3A_2622 = arith.constant 17 : i32
        %add3A_2623 = arith.addi %mul3A_2621, %add3A_2622 : i32
        %get3A_2624 = arith.index_cast %add3A_2623 : i32 to index
        %get3A_2625 = arith.constant 0 : index
        %get3A_2626 = tpu.vector_load %arg15[%get3A_2624, %get3A_2625] {strides = array<i32>} : memref<160x64xf32, #tpu.memory_space<vmem>>, vector<16xf32>,
        %mul3A_2627 = arith.mulf %add3A_2145, %get3A_2626 : vector<16xf32>
        %get3A_2628 = arith.index_cast %add3A_2623 : i32 to index
        %get3A_2629 = arith.constant 16 : index
        %get3A_2630 = tpu.vector_load %arg15[%get3A_2628, %get3A_2629] {strides = array<i32>} : memref<160x64xf32, #tpu.memory_space<vmem>>, vector<16xf32>,
        %mul3A_2631 = arith.mulf %add3A_2150, %get3A_2630 : vector<16xf32>
        %add3A_2632 = arith.addf %mul3A_2627, %mul3A_2631 : vector<16xf32>
        %get3A_2633 = arith.index_cast %add3A_2623 : i32 to index
        %get3A_2634 = arith.constant 32 : index
        %get3A_2635 = tpu.vector_load %arg15[%get3A_2633, %get3A_2634] {strides = array<i32>} : memref<160x64xf32, #tpu.memory_space<vmem>>, vector<16xf32>,
        %mul3A_2636 = arith.mulf %add3A_2155, %get3A_2635 : vector<16xf32>
        %add3A_2637 = arith.addf %add3A_2632, %mul3A_2636 : vector<16xf32>
        %get3A_2638 = arith.index_cast %add3A_2623 : i32 to index
        %get3A_2639 = arith.constant 48 : index
        %get3A_2640 = tpu.vector_load %arg15[%get3A_2638, %get3A_2639] {strides = array<i32>} : memref<160x64xf32, #tpu.memory_space<vmem>>, vector<16xf32>,
        %mul3A_2641 = arith.mulf %add3A_2160, %get3A_2640 : vector<16xf32>
        %add3A_2642 = arith.addf %add3A_2637, %mul3A_2641 : vector<16xf32>
        %mul3A_2643 = arith.constant 16 : i32
        %mul3A_2644 = arith.muli %add3A_2623, %mul3A_2643 : i32
        %swap3A_2645 = arith.index_cast %mul3A_2644 : i32 to index
        %swap3A_2646 = tpu.vector_load %arg21[%swap3A_2645] {strides = array<i32>} : memref<2560xf32, #tpu.memory_space<vmem>>, vector<16xf32>,
        tpu.vector_store %arg21[%swap3A_2645], %add3A_2642 {strides = array<i32>} : memref<2560xf32, #tpu.memory_space<vmem>>, vector<16xf32>,
        %mul3A_2647 = arith.constant 20 : i32
        %mul3A_2648 = arith.muli %scan3A_2124, %mul3A_2647 : i32
        %add3A_2649 = arith.constant 18 : i32
        %add3A_2650 = arith.addi %mul3A_2648, %add3A_2649 : i32
        %get3A_2651 = arith.index_cast %add3A_2650 : i32 to index
        %get3A_2652 = arith.constant 0 : index
        %get3A_2653 = tpu.vector_load %arg15[%get3A_2651, %get3A_2652] {strides = array<i32>} : memref<160x64xf32, #tpu.memory_space<vmem>>, vector<16xf32>,
        %mul3A_2654 = arith.mulf %add3A_2145, %get3A_2653 : vector<16xf32>
        %get3A_2655 = arith.index_cast %add3A_2650 : i32 to index
        %get3A_2656 = arith.constant 16 : index
        %get3A_2657 = tpu.vector_load %arg15[%get3A_2655, %get3A_2656] {strides = array<i32>} : memref<160x64xf32, #tpu.memory_space<vmem>>, vector<16xf32>,
        %mul3A_2658 = arith.mulf %add3A_2150, %get3A_2657 : vector<16xf32>
        %add3A_2659 = arith.addf %mul3A_2654, %mul3A_2658 : vector<16xf32>
        %get3A_2660 = arith.index_cast %add3A_2650 : i32 to index
        %get3A_2661 = arith.constant 32 : index
        %get3A_2662 = tpu.vector_load %arg15[%get3A_2660, %get3A_2661] {strides = array<i32>} : memref<160x64xf32, #tpu.memory_space<vmem>>, vector<16xf32>,
        %mul3A_2663 = arith.mulf %add3A_2155, %get3A_2662 : vector<16xf32>
        %add3A_2664 = arith.addf %add3A_2659, %mul3A_2663 : vector<16xf32>
        %get3A_2665 = arith.index_cast %add3A_2650 : i32 to index
        %get3A_2666 = arith.constant 48 : index
        %get3A_2667 = tpu.vector_load %arg15[%get3A_2665, %get3A_2666] {strides = array<i32>} : memref<160x64xf32, #tpu.memory_space<vmem>>, vector<16xf32>,
        %mul3A_2668 = arith.mulf %add3A_2160, %get3A_2667 : vector<16xf32>
        %add3A_2669 = arith.addf %add3A_2664, %mul3A_2668 : vector<16xf32>
        %mul3A_2670 = arith.constant 16 : i32
        %mul3A_2671 = arith.muli %add3A_2650, %mul3A_2670 : i32
        %swap3A_2672 = arith.index_cast %mul3A_2671 : i32 to index
        %swap3A_2673 = tpu.vector_load %arg21[%swap3A_2672] {strides = array<i32>} : memref<2560xf32, #tpu.memory_space<vmem>>, vector<16xf32>,
        tpu.vector_store %arg21[%swap3A_2672], %add3A_2669 {strides = array<i32>} : memref<2560xf32, #tpu.memory_space<vmem>>, vector<16xf32>,
        %mul3A_2674 = arith.constant 20 : i32
        %mul3A_2675 = arith.muli %scan3A_2124, %mul3A_2674 : i32
        %add3A_2676 = arith.constant 19 : i32
        %add3A_2677 = arith.addi %mul3A_2675, %add3A_2676 : i32
        %get3A_2678 = arith.index_cast %add3A_2677 : i32 to index
        %get3A_2679 = arith.constant 0 : index
        %get3A_2680 = tpu.vector_load %arg15[%get3A_2678, %get3A_2679] {strides = array<i32>} : memref<160x64xf32, #tpu.memory_space<vmem>>, vector<16xf32>,
        %mul3A_2681 = arith.mulf %add3A_2145, %get3A_2680 : vector<16xf32>
        %get3A_2682 = arith.index_cast %add3A_2677 : i32 to index
        %get3A_2683 = arith.constant 16 : index
        %get3A_2684 = tpu.vector_load %arg15[%get3A_2682, %get3A_2683] {strides = array<i32>} : memref<160x64xf32, #tpu.memory_space<vmem>>, vector<16xf32>,
        %mul3A_2685 = arith.mulf %add3A_2150, %get3A_2684 : vector<16xf32>
        %add3A_2686 = arith.addf %mul3A_2681, %mul3A_2685 : vector<16xf32>
        %get3A_2687 = arith.index_cast %add3A_2677 : i32 to index
        %get3A_2688 = arith.constant 32 : index
        %get3A_2689 = tpu.vector_load %arg15[%get3A_2687, %get3A_2688] {strides = array<i32>} : memref<160x64xf32, #tpu.memory_space<vmem>>, vector<16xf32>,
        %mul3A_2690 = arith.mulf %add3A_2155, %get3A_2689 : vector<16xf32>
        %add3A_2691 = arith.addf %add3A_2686, %mul3A_2690 : vector<16xf32>
        %get3A_2692 = arith.index_cast %add3A_2677 : i32 to index
        %get3A_2693 = arith.constant 48 : index
        %get3A_2694 = tpu.vector_load %arg15[%get3A_2692, %get3A_2693] {strides = array<i32>} : memref<160x64xf32, #tpu.memory_space<vmem>>, vector<16xf32>,
        %mul3A_2695 = arith.mulf %add3A_2160, %get3A_2694 : vector<16xf32>
        %add3A_2696 = arith.addf %add3A_2691, %mul3A_2695 : vector<16xf32>
        %mul3A_2697 = arith.constant 16 : i32
        %mul3A_2698 = arith.muli %add3A_2677, %mul3A_2697 : i32
        %swap3A_2699 = arith.index_cast %mul3A_2698 : i32 to index
        %swap3A_2700 = tpu.vector_load %arg21[%swap3A_2699] {strides = array<i32>} : memref<2560xf32, #tpu.memory_space<vmem>>, vector<16xf32>,
        tpu.vector_store %arg21[%swap3A_2699], %add3A_2696 {strides = array<i32>} : memref<2560xf32, #tpu.memory_space<vmem>>, vector<16xf32>,
        %scan3A_2701 = arith.constant 0 : i32
        scf.yield %scan3A_2701 : i32
      }
      %scan3A_90 = arith.constant 8 : i32
      %mul3A_91 = arith.constant 16 : i32
      %mul3A_92 = vector.broadcast %mul3A_91 : i32 to vector<16xi32>
      %mul3A_93 = arith.muli %iota3A, %mul3A_92 : vector<16xi32>
      %add3A_94 = arith.constant 0 : i32
      %add3A_95 = vector.broadcast %add3A_94 : i32 to vector<16xi32>
      %add3A_96 = arith.addi %mul3A_93, %add3A_95 : vector<16xi32>
      %gather3A = tpu.vector_load_idx %arg21[%add3A_96] : memref<2560xf32, #tpu.memory_space<vmem>>[vector<16xi32>], vector<16xf32>,
      %add3A_97 = arith.constant 1 : i32
      %add3A_98 = vector.broadcast %add3A_97 : i32 to vector<16xi32>
      %add3A_99 = arith.addi %add3A_96, %add3A_98 : vector<16xi32>
      %gather3A_100 = tpu.vector_load_idx %arg21[%add3A_99] : memref<2560xf32, #tpu.memory_space<vmem>>[vector<16xi32>], vector<16xf32>,
      %add3A_101 = arith.addf %gather3A, %gather3A_100 : vector<16xf32>
      %add3A_102 = arith.constant 2 : i32
      %add3A_103 = vector.broadcast %add3A_102 : i32 to vector<16xi32>
      %add3A_104 = arith.addi %add3A_96, %add3A_103 : vector<16xi32>
      %gather3A_105 = tpu.vector_load_idx %arg21[%add3A_104] : memref<2560xf32, #tpu.memory_space<vmem>>[vector<16xi32>], vector<16xf32>,
      %add3A_106 = arith.addf %add3A_101, %gather3A_105 : vector<16xf32>
      %add3A_107 = arith.constant 3 : i32
      %add3A_108 = vector.broadcast %add3A_107 : i32 to vector<16xi32>
      %add3A_109 = arith.addi %add3A_96, %add3A_108 : vector<16xi32>
      %gather3A_110 = tpu.vector_load_idx %arg21[%add3A_109] : memref<2560xf32, #tpu.memory_space<vmem>>[vector<16xi32>], vector<16xf32>,
      %add3A_111 = arith.addf %add3A_106, %gather3A_110 : vector<16xf32>
      %add3A_112 = arith.constant 4 : i32
      %add3A_113 = vector.broadcast %add3A_112 : i32 to vector<16xi32>
      %add3A_114 = arith.addi %add3A_96, %add3A_113 : vector<16xi32>
      %gather3A_115 = tpu.vector_load_idx %arg21[%add3A_114] : memref<2560xf32, #tpu.memory_space<vmem>>[vector<16xi32>], vector<16xf32>,
      %add3A_116 = arith.addf %add3A_111, %gather3A_115 : vector<16xf32>
      %add3A_117 = arith.constant 5 : i32
      %add3A_118 = vector.broadcast %add3A_117 : i32 to vector<16xi32>
      %add3A_119 = arith.addi %add3A_96, %add3A_118 : vector<16xi32>
      %gather3A_120 = tpu.vector_load_idx %arg21[%add3A_119] : memref<2560xf32, #tpu.memory_space<vmem>>[vector<16xi32>], vector<16xf32>,
      %add3A_121 = arith.addf %add3A_116, %gather3A_120 : vector<16xf32>
      %add3A_122 = arith.constant 6 : i32
      %add3A_123 = vector.broadcast %add3A_122 : i32 to vector<16xi32>
      %add3A_124 = arith.addi %add3A_96, %add3A_123 : vector<16xi32>
      %gather3A_125 = tpu.vector_load_idx %arg21[%add3A_124] : memref<2560xf32, #tpu.memory_space<vmem>>[vector<16xi32>], vector<16xf32>,
      %add3A_126 = arith.addf %add3A_121, %gather3A_125 : vector<16xf32>
      %add3A_127 = arith.constant 7 : i32
      %add3A_128 = vector.broadcast %add3A_127 : i32 to vector<16xi32>
      %add3A_129 = arith.addi %add3A_96, %add3A_128 : vector<16xi32>
      %gather3A_130 = tpu.vector_load_idx %arg21[%add3A_129] : memref<2560xf32, #tpu.memory_space<vmem>>[vector<16xi32>], vector<16xf32>,
      %add3A_131 = arith.addf %add3A_126, %gather3A_130 : vector<16xf32>
      %add3A_132 = arith.constant 8 : i32
      %add3A_133 = vector.broadcast %add3A_132 : i32 to vector<16xi32>
      %add3A_134 = arith.addi %add3A_96, %add3A_133 : vector<16xi32>
      %gather3A_135 = tpu.vector_load_idx %arg21[%add3A_134] : memref<2560xf32, #tpu.memory_space<vmem>>[vector<16xi32>], vector<16xf32>,
      %add3A_136 = arith.addf %add3A_131, %gather3A_135 : vector<16xf32>
      %add3A_137 = arith.constant 9 : i32
      %add3A_138 = vector.broadcast %add3A_137 : i32 to vector<16xi32>
      %add3A_139 = arith.addi %add3A_96, %add3A_138 : vector<16xi32>
      %gather3A_140 = tpu.vector_load_idx %arg21[%add3A_139] : memref<2560xf32, #tpu.memory_space<vmem>>[vector<16xi32>], vector<16xf32>,
      %add3A_141 = arith.addf %add3A_136, %gather3A_140 : vector<16xf32>
      %add3A_142 = arith.constant 10 : i32
      %add3A_143 = vector.broadcast %add3A_142 : i32 to vector<16xi32>
      %add3A_144 = arith.addi %add3A_96, %add3A_143 : vector<16xi32>
      %gather3A_145 = tpu.vector_load_idx %arg21[%add3A_144] : memref<2560xf32, #tpu.memory_space<vmem>>[vector<16xi32>], vector<16xf32>,
      %add3A_146 = arith.addf %add3A_141, %gather3A_145 : vector<16xf32>
      %add3A_147 = arith.constant 11 : i32
      %add3A_148 = vector.broadcast %add3A_147 : i32 to vector<16xi32>
      %add3A_149 = arith.addi %add3A_96, %add3A_148 : vector<16xi32>
      %gather3A_150 = tpu.vector_load_idx %arg21[%add3A_149] : memref<2560xf32, #tpu.memory_space<vmem>>[vector<16xi32>], vector<16xf32>,
      %add3A_151 = arith.addf %add3A_146, %gather3A_150 : vector<16xf32>
      %add3A_152 = arith.constant 12 : i32
      %add3A_153 = vector.broadcast %add3A_152 : i32 to vector<16xi32>
      %add3A_154 = arith.addi %add3A_96, %add3A_153 : vector<16xi32>
      %gather3A_155 = tpu.vector_load_idx %arg21[%add3A_154] : memref<2560xf32, #tpu.memory_space<vmem>>[vector<16xi32>], vector<16xf32>,
      %add3A_156 = arith.addf %add3A_151, %gather3A_155 : vector<16xf32>
      %add3A_157 = arith.constant 13 : i32
      %add3A_158 = vector.broadcast %add3A_157 : i32 to vector<16xi32>
      %add3A_159 = arith.addi %add3A_96, %add3A_158 : vector<16xi32>
      %gather3A_160 = tpu.vector_load_idx %arg21[%add3A_159] : memref<2560xf32, #tpu.memory_space<vmem>>[vector<16xi32>], vector<16xf32>,
      %add3A_161 = arith.addf %add3A_156, %gather3A_160 : vector<16xf32>
      %add3A_162 = arith.constant 14 : i32
      %add3A_163 = vector.broadcast %add3A_162 : i32 to vector<16xi32>
      %add3A_164 = arith.addi %add3A_96, %add3A_163 : vector<16xi32>
      %gather3A_165 = tpu.vector_load_idx %arg21[%add3A_164] : memref<2560xf32, #tpu.memory_space<vmem>>[vector<16xi32>], vector<16xf32>,
      %add3A_166 = arith.addf %add3A_161, %gather3A_165 : vector<16xf32>
      %add3A_167 = arith.constant 15 : i32
      %add3A_168 = vector.broadcast %add3A_167 : i32 to vector<16xi32>
      %add3A_169 = arith.addi %add3A_96, %add3A_168 : vector<16xi32>
      %gather3A_170 = tpu.vector_load_idx %arg21[%add3A_169] : memref<2560xf32, #tpu.memory_space<vmem>>[vector<16xi32>], vector<16xf32>,
      %add3A_171 = arith.addf %add3A_166, %gather3A_170 : vector<16xf32>
      %neg3A = arith.constant 0.000000e+00 : f32
      %neg3A_172 = vector.broadcast %neg3A : f32 to vector<16xf32>
      %neg3A_173 = arith.subf %neg3A_172, %add3A_171 : vector<16xf32>
      %exp3A = math.exp %neg3A_173 : vector<16xf32>
      %add3A_174 = arith.constant 1.000000e+00 : f32
      %add3A_175 = vector.broadcast %add3A_174 : f32 to vector<16xf32>
      %add3A_176 = arith.addf %add3A_175, %exp3A : vector<16xf32>
      %div3A = arith.constant 1.000000e+00 : f32
      %div3A_177 = vector.broadcast %div3A : f32 to vector<16xf32>
      %div3A_178 = arith.divf %div3A_177, %add3A_176 : vector<16xf32>
      %mul3A_179 = arith.constant 8 : i32
      %mul3A_180 = arith.muli %mul3A_41, %mul3A_179 : i32
      %mul3A_181 = arith.constant 20 : i32
      %mul3A_182 = arith.muli %mul3A_180, %mul3A_181 : i32
      %add3A_183 = arith.constant 0 : i32
      %add3A_184 = arith.addi %mul3A_182, %add3A_183 : i32
      %swap3A = arith.index_cast %add3A_184 : i32 to index
      %swap3A_185 = tpu.vector_load %arg22[%swap3A] {strides = array<i32>} : memref<2560xf32, #tpu.memory_space<vmem>>, vector<16xf32>,
      tpu.vector_store %arg22[%swap3A], %div3A_178 {strides = array<i32>} : memref<2560xf32, #tpu.memory_space<vmem>>, vector<16xf32>,
      %mul3A_186 = arith.constant 16 : i32
      %mul3A_187 = vector.broadcast %mul3A_186 : i32 to vector<16xi32>
      %mul3A_188 = arith.muli %iota3A, %mul3A_187 : vector<16xi32>
      %add3A_189 = arith.constant 256 : i32
      %add3A_190 = vector.broadcast %add3A_189 : i32 to vector<16xi32>
      %add3A_191 = arith.addi %mul3A_188, %add3A_190 : vector<16xi32>
      %gather3A_192 = tpu.vector_load_idx %arg21[%add3A_191] : memref<2560xf32, #tpu.memory_space<vmem>>[vector<16xi32>], vector<16xf32>,
      %add3A_193 = arith.constant 1 : i32
      %add3A_194 = vector.broadcast %add3A_193 : i32 to vector<16xi32>
      %add3A_195 = arith.addi %add3A_191, %add3A_194 : vector<16xi32>
      %gather3A_196 = tpu.vector_load_idx %arg21[%add3A_195] : memref<2560xf32, #tpu.memory_space<vmem>>[vector<16xi32>], vector<16xf32>,
      %add3A_197 = arith.addf %gather3A_192, %gather3A_196 : vector<16xf32>
      %add3A_198 = arith.constant 2 : i32
      %add3A_199 = vector.broadcast %add3A_198 : i32 to vector<16xi32>
      %add3A_200 = arith.addi %add3A_191, %add3A_199 : vector<16xi32>
      %gather3A_201 = tpu.vector_load_idx %arg21[%add3A_200] : memref<2560xf32, #tpu.memory_space<vmem>>[vector<16xi32>], vector<16xf32>,
      %add3A_202 = arith.addf %add3A_197, %gather3A_201 : vector<16xf32>
      %add3A_203 = arith.constant 3 : i32
      %add3A_204 = vector.broadcast %add3A_203 : i32 to vector<16xi32>
      %add3A_205 = arith.addi %add3A_191, %add3A_204 : vector<16xi32>
      %gather3A_206 = tpu.vector_load_idx %arg21[%add3A_205] : memref<2560xf32, #tpu.memory_space<vmem>>[vector<16xi32>], vector<16xf32>,
      %add3A_207 = arith.addf %add3A_202, %gather3A_206 : vector<16xf32>
      %add3A_208 = arith.constant 4 : i32
      %add3A_209 = vector.broadcast %add3A_208 : i32 to vector<16xi32>
      %add3A_210 = arith.addi %add3A_191, %add3A_209 : vector<16xi32>
      %gather3A_211 = tpu.vector_load_idx %arg21[%add3A_210] : memref<2560xf32, #tpu.memory_space<vmem>>[vector<16xi32>], vector<16xf32>,
      %add3A_212 = arith.addf %add3A_207, %gather3A_211 : vector<16xf32>
      %add3A_213 = arith.constant 5 : i32
      %add3A_214 = vector.broadcast %add3A_213 : i32 to vector<16xi32>
      %add3A_215 = arith.addi %add3A_191, %add3A_214 : vector<16xi32>
      %gather3A_216 = tpu.vector_load_idx %arg21[%add3A_215] : memref<2560xf32, #tpu.memory_space<vmem>>[vector<16xi32>], vector<16xf32>,
      %add3A_217 = arith.addf %add3A_212, %gather3A_216 : vector<16xf32>
      %add3A_218 = arith.constant 6 : i32
      %add3A_219 = vector.broadcast %add3A_218 : i32 to vector<16xi32>
      %add3A_220 = arith.addi %add3A_191, %add3A_219 : vector<16xi32>
      %gather3A_221 = tpu.vector_load_idx %arg21[%add3A_220] : memref<2560xf32, #tpu.memory_space<vmem>>[vector<16xi32>], vector<16xf32>,
      %add3A_222 = arith.addf %add3A_217, %gather3A_221 : vector<16xf32>
      %add3A_223 = arith.constant 7 : i32
      %add3A_224 = vector.broadcast %add3A_223 : i32 to vector<16xi32>
      %add3A_225 = arith.addi %add3A_191, %add3A_224 : vector<16xi32>
      %gather3A_226 = tpu.vector_load_idx %arg21[%add3A_225] : memref<2560xf32, #tpu.memory_space<vmem>>[vector<16xi32>], vector<16xf32>,
      %add3A_227 = arith.addf %add3A_222, %gather3A_226 : vector<16xf32>
      %add3A_228 = arith.constant 8 : i32
      %add3A_229 = vector.broadcast %add3A_228 : i32 to vector<16xi32>
      %add3A_230 = arith.addi %add3A_191, %add3A_229 : vector<16xi32>
      %gather3A_231 = tpu.vector_load_idx %arg21[%add3A_230] : memref<2560xf32, #tpu.memory_space<vmem>>[vector<16xi32>], vector<16xf32>,
      %add3A_232 = arith.addf %add3A_227, %gather3A_231 : vector<16xf32>
      %add3A_233 = arith.constant 9 : i32
      %add3A_234 = vector.broadcast %add3A_233 : i32 to vector<16xi32>
      %add3A_235 = arith.addi %add3A_191, %add3A_234 : vector<16xi32>
      %gather3A_236 = tpu.vector_load_idx %arg21[%add3A_235] : memref<2560xf32, #tpu.memory_space<vmem>>[vector<16xi32>], vector<16xf32>,
      %add3A_237 = arith.addf %add3A_232, %gather3A_236 : vector<16xf32>
      %add3A_238 = arith.constant 10 : i32
      %add3A_239 = vector.broadcast %add3A_238 : i32 to vector<16xi32>
      %add3A_240 = arith.addi %add3A_191, %add3A_239 : vector<16xi32>
      %gather3A_241 = tpu.vector_load_idx %arg21[%add3A_240] : memref<2560xf32, #tpu.memory_space<vmem>>[vector<16xi32>], vector<16xf32>,
      %add3A_242 = arith.addf %add3A_237, %gather3A_241 : vector<16xf32>
      %add3A_243 = arith.constant 11 : i32
      %add3A_244 = vector.broadcast %add3A_243 : i32 to vector<16xi32>
      %add3A_245 = arith.addi %add3A_191, %add3A_244 : vector<16xi32>
      %gather3A_246 = tpu.vector_load_idx %arg21[%add3A_245] : memref<2560xf32, #tpu.memory_space<vmem>>[vector<16xi32>], vector<16xf32>,
      %add3A_247 = arith.addf %add3A_242, %gather3A_246 : vector<16xf32>
      %add3A_248 = arith.constant 12 : i32
      %add3A_249 = vector.broadcast %add3A_248 : i32 to vector<16xi32>
      %add3A_250 = arith.addi %add3A_191, %add3A_249 : vector<16xi32>
      %gather3A_251 = tpu.vector_load_idx %arg21[%add3A_250] : memref<2560xf32, #tpu.memory_space<vmem>>[vector<16xi32>], vector<16xf32>,
      %add3A_252 = arith.addf %add3A_247, %gather3A_251 : vector<16xf32>
      %add3A_253 = arith.constant 13 : i32
      %add3A_254 = vector.broadcast %add3A_253 : i32 to vector<16xi32>
      %add3A_255 = arith.addi %add3A_191, %add3A_254 : vector<16xi32>
      %gather3A_256 = tpu.vector_load_idx %arg21[%add3A_255] : memref<2560xf32, #tpu.memory_space<vmem>>[vector<16xi32>], vector<16xf32>,
      %add3A_257 = arith.addf %add3A_252, %gather3A_256 : vector<16xf32>
      %add3A_258 = arith.constant 14 : i32
      %add3A_259 = vector.broadcast %add3A_258 : i32 to vector<16xi32>
      %add3A_260 = arith.addi %add3A_191, %add3A_259 : vector<16xi32>
      %gather3A_261 = tpu.vector_load_idx %arg21[%add3A_260] : memref<2560xf32, #tpu.memory_space<vmem>>[vector<16xi32>], vector<16xf32>,
      %add3A_262 = arith.addf %add3A_257, %gather3A_261 : vector<16xf32>
      %add3A_263 = arith.constant 15 : i32
      %add3A_264 = vector.broadcast %add3A_263 : i32 to vector<16xi32>
      %add3A_265 = arith.addi %add3A_191, %add3A_264 : vector<16xi32>
      %gather3A_266 = tpu.vector_load_idx %arg21[%add3A_265] : memref<2560xf32, #tpu.memory_space<vmem>>[vector<16xi32>], vector<16xf32>,
      %add3A_267 = arith.addf %add3A_262, %gather3A_266 : vector<16xf32>
      %neg3A_268 = arith.constant 0.000000e+00 : f32
      %neg3A_269 = vector.broadcast %neg3A_268 : f32 to vector<16xf32>
      %neg3A_270 = arith.subf %neg3A_269, %add3A_267 : vector<16xf32>
      %exp3A_271 = math.exp %neg3A_270 : vector<16xf32>
      %add3A_272 = arith.constant 1.000000e+00 : f32
      %add3A_273 = vector.broadcast %add3A_272 : f32 to vector<16xf32>
      %add3A_274 = arith.addf %add3A_273, %exp3A_271 : vector<16xf32>
      %div3A_275 = arith.constant 1.000000e+00 : f32
      %div3A_276 = vector.broadcast %div3A_275 : f32 to vector<16xf32>
      %div3A_277 = arith.divf %div3A_276, %add3A_274 : vector<16xf32>
      %mul3A_278 = arith.constant 8 : i32
      %mul3A_279 = arith.muli %mul3A_41, %mul3A_278 : i32
      %mul3A_280 = arith.constant 20 : i32
      %mul3A_281 = arith.muli %mul3A_279, %mul3A_280 : i32
      %add3A_282 = arith.constant 16 : i32
      %add3A_283 = arith.addi %mul3A_281, %add3A_282 : i32
      %swap3A_284 = arith.index_cast %add3A_283 : i32 to index
      %swap3A_285 = tpu.vector_load %arg22[%swap3A_284] {strides = array<i32>} : memref<2560xf32, #tpu.memory_space<vmem>>, vector<16xf32>,
      tpu.vector_store %arg22[%swap3A_284], %div3A_277 {strides = array<i32>} : memref<2560xf32, #tpu.memory_space<vmem>>, vector<16xf32>,
      %mul3A_286 = arith.constant 16 : i32
      %mul3A_287 = vector.broadcast %mul3A_286 : i32 to vector<16xi32>
      %mul3A_288 = arith.muli %iota3A, %mul3A_287 : vector<16xi32>
      %add3A_289 = arith.constant 512 : i32
      %add3A_290 = vector.broadcast %add3A_289 : i32 to vector<16xi32>
      %add3A_291 = arith.addi %mul3A_288, %add3A_290 : vector<16xi32>
      %gather3A_292 = tpu.vector_load_idx %arg21[%add3A_291] : memref<2560xf32, #tpu.memory_space<vmem>>[vector<16xi32>], vector<16xf32>,
      %add3A_293 = arith.constant 1 : i32
      %add3A_294 = vector.broadcast %add3A_293 : i32 to vector<16xi32>
      %add3A_295 = arith.addi %add3A_291, %add3A_294 : vector<16xi32>
      %gather3A_296 = tpu.vector_load_idx %arg21[%add3A_295] : memref<2560xf32, #tpu.memory_space<vmem>>[vector<16xi32>], vector<16xf32>,
      %add3A_297 = arith.addf %gather3A_292, %gather3A_296 : vector<16xf32>
      %add3A_298 = arith.constant 2 : i32
      %add3A_299 = vector.broadcast %add3A_298 : i32 to vector<16xi32>
      %add3A_300 = arith.addi %add3A_291, %add3A_299 : vector<16xi32>
      %gather3A_301 = tpu.vector_load_idx %arg21[%add3A_300] : memref<2560xf32, #tpu.memory_space<vmem>>[vector<16xi32>], vector<16xf32>,
      %add3A_302 = arith.addf %add3A_297, %gather3A_301 : vector<16xf32>
      %add3A_303 = arith.constant 3 : i32
      %add3A_304 = vector.broadcast %add3A_303 : i32 to vector<16xi32>
      %add3A_305 = arith.addi %add3A_291, %add3A_304 : vector<16xi32>
      %gather3A_306 = tpu.vector_load_idx %arg21[%add3A_305] : memref<2560xf32, #tpu.memory_space<vmem>>[vector<16xi32>], vector<16xf32>,
      %add3A_307 = arith.addf %add3A_302, %gather3A_306 : vector<16xf32>
      %add3A_308 = arith.constant 4 : i32
      %add3A_309 = vector.broadcast %add3A_308 : i32 to vector<16xi32>
      %add3A_310 = arith.addi %add3A_291, %add3A_309 : vector<16xi32>
      %gather3A_311 = tpu.vector_load_idx %arg21[%add3A_310] : memref<2560xf32, #tpu.memory_space<vmem>>[vector<16xi32>], vector<16xf32>,
      %add3A_312 = arith.addf %add3A_307, %gather3A_311 : vector<16xf32>
      %add3A_313 = arith.constant 5 : i32
      %add3A_314 = vector.broadcast %add3A_313 : i32 to vector<16xi32>
      %add3A_315 = arith.addi %add3A_291, %add3A_314 : vector<16xi32>
      %gather3A_316 = tpu.vector_load_idx %arg21[%add3A_315] : memref<2560xf32, #tpu.memory_space<vmem>>[vector<16xi32>], vector<16xf32>,
      %add3A_317 = arith.addf %add3A_312, %gather3A_316 : vector<16xf32>
      %add3A_318 = arith.constant 6 : i32
      %add3A_319 = vector.broadcast %add3A_318 : i32 to vector<16xi32>
      %add3A_320 = arith.addi %add3A_291, %add3A_319 : vector<16xi32>
      %gather3A_321 = tpu.vector_load_idx %arg21[%add3A_320] : memref<2560xf32, #tpu.memory_space<vmem>>[vector<16xi32>], vector<16xf32>,
      %add3A_322 = arith.addf %add3A_317, %gather3A_321 : vector<16xf32>
      %add3A_323 = arith.constant 7 : i32
      %add3A_324 = vector.broadcast %add3A_323 : i32 to vector<16xi32>
      %add3A_325 = arith.addi %add3A_291, %add3A_324 : vector<16xi32>
      %gather3A_326 = tpu.vector_load_idx %arg21[%add3A_325] : memref<2560xf32, #tpu.memory_space<vmem>>[vector<16xi32>], vector<16xf32>,
      %add3A_327 = arith.addf %add3A_322, %gather3A_326 : vector<16xf32>
      %add3A_328 = arith.constant 8 : i32
      %add3A_329 = vector.broadcast %add3A_328 : i32 to vector<16xi32>
      %add3A_330 = arith.addi %add3A_291, %add3A_329 : vector<16xi32>
      %gather3A_331 = tpu.vector_load_idx %arg21[%add3A_330] : memref<2560xf32, #tpu.memory_space<vmem>>[vector<16xi32>], vector<16xf32>,
      %add3A_332 = arith.addf %add3A_327, %gather3A_331 : vector<16xf32>
      %add3A_333 = arith.constant 9 : i32
      %add3A_334 = vector.broadcast %add3A_333 : i32 to vector<16xi32>
      %add3A_335 = arith.addi %add3A_291, %add3A_334 : vector<16xi32>
      %gather3A_336 = tpu.vector_load_idx %arg21[%add3A_335] : memref<2560xf32, #tpu.memory_space<vmem>>[vector<16xi32>], vector<16xf32>,
      %add3A_337 = arith.addf %add3A_332, %gather3A_336 : vector<16xf32>
      %add3A_338 = arith.constant 10 : i32
      %add3A_339 = vector.broadcast %add3A_338 : i32 to vector<16xi32>
      %add3A_340 = arith.addi %add3A_291, %add3A_339 : vector<16xi32>
      %gather3A_341 = tpu.vector_load_idx %arg21[%add3A_340] : memref<2560xf32, #tpu.memory_space<vmem>>[vector<16xi32>], vector<16xf32>,
      %add3A_342 = arith.addf %add3A_337, %gather3A_341 : vector<16xf32>
      %add3A_343 = arith.constant 11 : i32
      %add3A_344 = vector.broadcast %add3A_343 : i32 to vector<16xi32>
      %add3A_345 = arith.addi %add3A_291, %add3A_344 : vector<16xi32>
      %gather3A_346 = tpu.vector_load_idx %arg21[%add3A_345] : memref<2560xf32, #tpu.memory_space<vmem>>[vector<16xi32>], vector<16xf32>,
      %add3A_347 = arith.addf %add3A_342, %gather3A_346 : vector<16xf32>
      %add3A_348 = arith.constant 12 : i32
      %add3A_349 = vector.broadcast %add3A_348 : i32 to vector<16xi32>
      %add3A_350 = arith.addi %add3A_291, %add3A_349 : vector<16xi32>
      %gather3A_351 = tpu.vector_load_idx %arg21[%add3A_350] : memref<2560xf32, #tpu.memory_space<vmem>>[vector<16xi32>], vector<16xf32>,
      %add3A_352 = arith.addf %add3A_347, %gather3A_351 : vector<16xf32>
      %add3A_353 = arith.constant 13 : i32
      %add3A_354 = vector.broadcast %add3A_353 : i32 to vector<16xi32>
      %add3A_355 = arith.addi %add3A_291, %add3A_354 : vector<16xi32>
      %gather3A_356 = tpu.vector_load_idx %arg21[%add3A_355] : memref<2560xf32, #tpu.memory_space<vmem>>[vector<16xi32>], vector<16xf32>,
      %add3A_357 = arith.addf %add3A_352, %gather3A_356 : vector<16xf32>
      %add3A_358 = arith.constant 14 : i32
      %add3A_359 = vector.broadcast %add3A_358 : i32 to vector<16xi32>
      %add3A_360 = arith.addi %add3A_291, %add3A_359 : vector<16xi32>
      %gather3A_361 = tpu.vector_load_idx %arg21[%add3A_360] : memref<2560xf32, #tpu.memory_space<vmem>>[vector<16xi32>], vector<16xf32>,
      %add3A_362 = arith.addf %add3A_357, %gather3A_361 : vector<16xf32>
      %add3A_363 = arith.constant 15 : i32
      %add3A_364 = vector.broadcast %add3A_363 : i32 to vector<16xi32>
      %add3A_365 = arith.addi %add3A_291, %add3A_364 : vector<16xi32>
      %gather3A_366 = tpu.vector_load_idx %arg21[%add3A_365] : memref<2560xf32, #tpu.memory_space<vmem>>[vector<16xi32>], vector<16xf32>,
      %add3A_367 = arith.addf %add3A_362, %gather3A_366 : vector<16xf32>
      %neg3A_368 = arith.constant 0.000000e+00 : f32
      %neg3A_369 = vector.broadcast %neg3A_368 : f32 to vector<16xf32>
      %neg3A_370 = arith.subf %neg3A_369, %add3A_367 : vector<16xf32>
      %exp3A_371 = math.exp %neg3A_370 : vector<16xf32>
      %add3A_372 = arith.constant 1.000000e+00 : f32
      %add3A_373 = vector.broadcast %add3A_372 : f32 to vector<16xf32>
      %add3A_374 = arith.addf %add3A_373, %exp3A_371 : vector<16xf32>
      %div3A_375 = arith.constant 1.000000e+00 : f32
      %div3A_376 = vector.broadcast %div3A_375 : f32 to vector<16xf32>
      %div3A_377 = arith.divf %div3A_376, %add3A_374 : vector<16xf32>
      %mul3A_378 = arith.constant 8 : i32
      %mul3A_379 = arith.muli %mul3A_41, %mul3A_378 : i32
      %mul3A_380 = arith.constant 20 : i32
      %mul3A_381 = arith.muli %mul3A_379, %mul3A_380 : i32
      %add3A_382 = arith.constant 32 : i32
      %add3A_383 = arith.addi %mul3A_381, %add3A_382 : i32
      %swap3A_384 = arith.index_cast %add3A_383 : i32 to index
      %swap3A_385 = tpu.vector_load %arg22[%swap3A_384] {strides = array<i32>} : memref<2560xf32, #tpu.memory_space<vmem>>, vector<16xf32>,
      tpu.vector_store %arg22[%swap3A_384], %div3A_377 {strides = array<i32>} : memref<2560xf32, #tpu.memory_space<vmem>>, vector<16xf32>,
      %mul3A_386 = arith.constant 16 : i32
      %mul3A_387 = vector.broadcast %mul3A_386 : i32 to vector<16xi32>
      %mul3A_388 = arith.muli %iota3A, %mul3A_387 : vector<16xi32>
      %add3A_389 = arith.constant 768 : i32
      %add3A_390 = vector.broadcast %add3A_389 : i32 to vector<16xi32>
      %add3A_391 = arith.addi %mul3A_388, %add3A_390 : vector<16xi32>
      %gather3A_392 = tpu.vector_load_idx %arg21[%add3A_391] : memref<2560xf32, #tpu.memory_space<vmem>>[vector<16xi32>], vector<16xf32>,
      %add3A_393 = arith.constant 1 : i32
      %add3A_394 = vector.broadcast %add3A_393 : i32 to vector<16xi32>
      %add3A_395 = arith.addi %add3A_391, %add3A_394 : vector<16xi32>
      %gather3A_396 = tpu.vector_load_idx %arg21[%add3A_395] : memref<2560xf32, #tpu.memory_space<vmem>>[vector<16xi32>], vector<16xf32>,
      %add3A_397 = arith.addf %gather3A_392, %gather3A_396 : vector<16xf32>
      %add3A_398 = arith.constant 2 : i32
      %add3A_399 = vector.broadcast %add3A_398 : i32 to vector<16xi32>
      %add3A_400 = arith.addi %add3A_391, %add3A_399 : vector<16xi32>
      %gather3A_401 = tpu.vector_load_idx %arg21[%add3A_400] : memref<2560xf32, #tpu.memory_space<vmem>>[vector<16xi32>], vector<16xf32>,
      %add3A_402 = arith.addf %add3A_397, %gather3A_401 : vector<16xf32>
      %add3A_403 = arith.constant 3 : i32
      %add3A_404 = vector.broadcast %add3A_403 : i32 to vector<16xi32>
      %add3A_405 = arith.addi %add3A_391, %add3A_404 : vector<16xi32>
      %gather3A_406 = tpu.vector_load_idx %arg21[%add3A_405] : memref<2560xf32, #tpu.memory_space<vmem>>[vector<16xi32>], vector<16xf32>,
      %add3A_407 = arith.addf %add3A_402, %gather3A_406 : vector<16xf32>
      %add3A_408 = arith.constant 4 : i32
      %add3A_409 = vector.broadcast %add3A_408 : i32 to vector<16xi32>
      %add3A_410 = arith.addi %add3A_391, %add3A_409 : vector<16xi32>
      %gather3A_411 = tpu.vector_load_idx %arg21[%add3A_410] : memref<2560xf32, #tpu.memory_space<vmem>>[vector<16xi32>], vector<16xf32>,
      %add3A_412 = arith.addf %add3A_407, %gather3A_411 : vector<16xf32>
      %add3A_413 = arith.constant 5 : i32
      %add3A_414 = vector.broadcast %add3A_413 : i32 to vector<16xi32>
      %add3A_415 = arith.addi %add3A_391, %add3A_414 : vector<16xi32>
      %gather3A_416 = tpu.vector_load_idx %arg21[%add3A_415] : memref<2560xf32, #tpu.memory_space<vmem>>[vector<16xi32>], vector<16xf32>,
      %add3A_417 = arith.addf %add3A_412, %gather3A_416 : vector<16xf32>
      %add3A_418 = arith.constant 6 : i32
      %add3A_419 = vector.broadcast %add3A_418 : i32 to vector<16xi32>
      %add3A_420 = arith.addi %add3A_391, %add3A_419 : vector<16xi32>
      %gather3A_421 = tpu.vector_load_idx %arg21[%add3A_420] : memref<2560xf32, #tpu.memory_space<vmem>>[vector<16xi32>], vector<16xf32>,
      %add3A_422 = arith.addf %add3A_417, %gather3A_421 : vector<16xf32>
      %add3A_423 = arith.constant 7 : i32
      %add3A_424 = vector.broadcast %add3A_423 : i32 to vector<16xi32>
      %add3A_425 = arith.addi %add3A_391, %add3A_424 : vector<16xi32>
      %gather3A_426 = tpu.vector_load_idx %arg21[%add3A_425] : memref<2560xf32, #tpu.memory_space<vmem>>[vector<16xi32>], vector<16xf32>,
      %add3A_427 = arith.addf %add3A_422, %gather3A_426 : vector<16xf32>
      %add3A_428 = arith.constant 8 : i32
      %add3A_429 = vector.broadcast %add3A_428 : i32 to vector<16xi32>
      %add3A_430 = arith.addi %add3A_391, %add3A_429 : vector<16xi32>
      %gather3A_431 = tpu.vector_load_idx %arg21[%add3A_430] : memref<2560xf32, #tpu.memory_space<vmem>>[vector<16xi32>], vector<16xf32>,
      %add3A_432 = arith.addf %add3A_427, %gather3A_431 : vector<16xf32>
      %add3A_433 = arith.constant 9 : i32
      %add3A_434 = vector.broadcast %add3A_433 : i32 to vector<16xi32>
      %add3A_435 = arith.addi %add3A_391, %add3A_434 : vector<16xi32>
      %gather3A_436 = tpu.vector_load_idx %arg21[%add3A_435] : memref<2560xf32, #tpu.memory_space<vmem>>[vector<16xi32>], vector<16xf32>,
      %add3A_437 = arith.addf %add3A_432, %gather3A_436 : vector<16xf32>
      %add3A_438 = arith.constant 10 : i32
      %add3A_439 = vector.broadcast %add3A_438 : i32 to vector<16xi32>
      %add3A_440 = arith.addi %add3A_391, %add3A_439 : vector<16xi32>
      %gather3A_441 = tpu.vector_load_idx %arg21[%add3A_440] : memref<2560xf32, #tpu.memory_space<vmem>>[vector<16xi32>], vector<16xf32>,
      %add3A_442 = arith.addf %add3A_437, %gather3A_441 : vector<16xf32>
      %add3A_443 = arith.constant 11 : i32
      %add3A_444 = vector.broadcast %add3A_443 : i32 to vector<16xi32>
      %add3A_445 = arith.addi %add3A_391, %add3A_444 : vector<16xi32>
      %gather3A_446 = tpu.vector_load_idx %arg21[%add3A_445] : memref<2560xf32, #tpu.memory_space<vmem>>[vector<16xi32>], vector<16xf32>,
      %add3A_447 = arith.addf %add3A_442, %gather3A_446 : vector<16xf32>
      %add3A_448 = arith.constant 12 : i32
      %add3A_449 = vector.broadcast %add3A_448 : i32 to vector<16xi32>
      %add3A_450 = arith.addi %add3A_391, %add3A_449 : vector<16xi32>
      %gather3A_451 = tpu.vector_load_idx %arg21[%add3A_450] : memref<2560xf32, #tpu.memory_space<vmem>>[vector<16xi32>], vector<16xf32>,
      %add3A_452 = arith.addf %add3A_447, %gather3A_451 : vector<16xf32>
      %add3A_453 = arith.constant 13 : i32
      %add3A_454 = vector.broadcast %add3A_453 : i32 to vector<16xi32>
      %add3A_455 = arith.addi %add3A_391, %add3A_454 : vector<16xi32>
      %gather3A_456 = tpu.vector_load_idx %arg21[%add3A_455] : memref<2560xf32, #tpu.memory_space<vmem>>[vector<16xi32>], vector<16xf32>,
      %add3A_457 = arith.addf %add3A_452, %gather3A_456 : vector<16xf32>
      %add3A_458 = arith.constant 14 : i32
      %add3A_459 = vector.broadcast %add3A_458 : i32 to vector<16xi32>
      %add3A_460 = arith.addi %add3A_391, %add3A_459 : vector<16xi32>
      %gather3A_461 = tpu.vector_load_idx %arg21[%add3A_460] : memref<2560xf32, #tpu.memory_space<vmem>>[vector<16xi32>], vector<16xf32>,
      %add3A_462 = arith.addf %add3A_457, %gather3A_461 : vector<16xf32>
      %add3A_463 = arith.constant 15 : i32
      %add3A_464 = vector.broadcast %add3A_463 : i32 to vector<16xi32>
      %add3A_465 = arith.addi %add3A_391, %add3A_464 : vector<16xi32>
      %gather3A_466 = tpu.vector_load_idx %arg21[%add3A_465] : memref<2560xf32, #tpu.memory_space<vmem>>[vector<16xi32>], vector<16xf32>,
      %add3A_467 = arith.addf %add3A_462, %gather3A_466 : vector<16xf32>
      %neg3A_468 = arith.constant 0.000000e+00 : f32
      %neg3A_469 = vector.broadcast %neg3A_468 : f32 to vector<16xf32>
      %neg3A_470 = arith.subf %neg3A_469, %add3A_467 : vector<16xf32>
      %exp3A_471 = math.exp %neg3A_470 : vector<16xf32>
      %add3A_472 = arith.constant 1.000000e+00 : f32
      %add3A_473 = vector.broadcast %add3A_472 : f32 to vector<16xf32>
      %add3A_474 = arith.addf %add3A_473, %exp3A_471 : vector<16xf32>
      %div3A_475 = arith.constant 1.000000e+00 : f32
      %div3A_476 = vector.broadcast %div3A_475 : f32 to vector<16xf32>
      %div3A_477 = arith.divf %div3A_476, %add3A_474 : vector<16xf32>
      %mul3A_478 = arith.constant 8 : i32
      %mul3A_479 = arith.muli %mul3A_41, %mul3A_478 : i32
      %mul3A_480 = arith.constant 20 : i32
      %mul3A_481 = arith.muli %mul3A_479, %mul3A_480 : i32
      %add3A_482 = arith.constant 48 : i32
      %add3A_483 = arith.addi %mul3A_481, %add3A_482 : i32
      %swap3A_484 = arith.index_cast %add3A_483 : i32 to index
      %swap3A_485 = tpu.vector_load %arg22[%swap3A_484] {strides = array<i32>} : memref<2560xf32, #tpu.memory_space<vmem>>, vector<16xf32>,
      tpu.vector_store %arg22[%swap3A_484], %div3A_477 {strides = array<i32>} : memref<2560xf32, #tpu.memory_space<vmem>>, vector<16xf32>,
      %mul3A_486 = arith.constant 16 : i32
      %mul3A_487 = vector.broadcast %mul3A_486 : i32 to vector<16xi32>
      %mul3A_488 = arith.muli %iota3A, %mul3A_487 : vector<16xi32>
      %add3A_489 = arith.constant 1024 : i32
      %add3A_490 = vector.broadcast %add3A_489 : i32 to vector<16xi32>
      %add3A_491 = arith.addi %mul3A_488, %add3A_490 : vector<16xi32>
      %gather3A_492 = tpu.vector_load_idx %arg21[%add3A_491] : memref<2560xf32, #tpu.memory_space<vmem>>[vector<16xi32>], vector<16xf32>,
      %add3A_493 = arith.constant 1 : i32
      %add3A_494 = vector.broadcast %add3A_493 : i32 to vector<16xi32>
      %add3A_495 = arith.addi %add3A_491, %add3A_494 : vector<16xi32>
      %gather3A_496 = tpu.vector_load_idx %arg21[%add3A_495] : memref<2560xf32, #tpu.memory_space<vmem>>[vector<16xi32>], vector<16xf32>,
      %add3A_497 = arith.addf %gather3A_492, %gather3A_496 : vector<16xf32>
      %add3A_498 = arith.constant 2 : i32
      %add3A_499 = vector.broadcast %add3A_498 : i32 to vector<16xi32>
      %add3A_500 = arith.addi %add3A_491, %add3A_499 : vector<16xi32>
      %gather3A_501 = tpu.vector_load_idx %arg21[%add3A_500] : memref<2560xf32, #tpu.memory_space<vmem>>[vector<16xi32>], vector<16xf32>,
      %add3A_502 = arith.addf %add3A_497, %gather3A_501 : vector<16xf32>
      %add3A_503 = arith.constant 3 : i32
      %add3A_504 = vector.broadcast %add3A_503 : i32 to vector<16xi32>
      %add3A_505 = arith.addi %add3A_491, %add3A_504 : vector<16xi32>
      %gather3A_506 = tpu.vector_load_idx %arg21[%add3A_505] : memref<2560xf32, #tpu.memory_space<vmem>>[vector<16xi32>], vector<16xf32>,
      %add3A_507 = arith.addf %add3A_502, %gather3A_506 : vector<16xf32>
      %add3A_508 = arith.constant 4 : i32
      %add3A_509 = vector.broadcast %add3A_508 : i32 to vector<16xi32>
      %add3A_510 = arith.addi %add3A_491, %add3A_509 : vector<16xi32>
      %gather3A_511 = tpu.vector_load_idx %arg21[%add3A_510] : memref<2560xf32, #tpu.memory_space<vmem>>[vector<16xi32>], vector<16xf32>,
      %add3A_512 = arith.addf %add3A_507, %gather3A_511 : vector<16xf32>
      %add3A_513 = arith.constant 5 : i32
      %add3A_514 = vector.broadcast %add3A_513 : i32 to vector<16xi32>
      %add3A_515 = arith.addi %add3A_491, %add3A_514 : vector<16xi32>
      %gather3A_516 = tpu.vector_load_idx %arg21[%add3A_515] : memref<2560xf32, #tpu.memory_space<vmem>>[vector<16xi32>], vector<16xf32>,
      %add3A_517 = arith.addf %add3A_512, %gather3A_516 : vector<16xf32>
      %add3A_518 = arith.constant 6 : i32
      %add3A_519 = vector.broadcast %add3A_518 : i32 to vector<16xi32>
      %add3A_520 = arith.addi %add3A_491, %add3A_519 : vector<16xi32>
      %gather3A_521 = tpu.vector_load_idx %arg21[%add3A_520] : memref<2560xf32, #tpu.memory_space<vmem>>[vector<16xi32>], vector<16xf32>,
      %add3A_522 = arith.addf %add3A_517, %gather3A_521 : vector<16xf32>
      %add3A_523 = arith.constant 7 : i32
      %add3A_524 = vector.broadcast %add3A_523 : i32 to vector<16xi32>
      %add3A_525 = arith.addi %add3A_491, %add3A_524 : vector<16xi32>
      %gather3A_526 = tpu.vector_load_idx %arg21[%add3A_525] : memref<2560xf32, #tpu.memory_space<vmem>>[vector<16xi32>], vector<16xf32>,
      %add3A_527 = arith.addf %add3A_522, %gather3A_526 : vector<16xf32>
      %add3A_528 = arith.constant 8 : i32
      %add3A_529 = vector.broadcast %add3A_528 : i32 to vector<16xi32>
      %add3A_530 = arith.addi %add3A_491, %add3A_529 : vector<16xi32>
      %gather3A_531 = tpu.vector_load_idx %arg21[%add3A_530] : memref<2560xf32, #tpu.memory_space<vmem>>[vector<16xi32>], vector<16xf32>,
      %add3A_532 = arith.addf %add3A_527, %gather3A_531 : vector<16xf32>
      %add3A_533 = arith.constant 9 : i32
      %add3A_534 = vector.broadcast %add3A_533 : i32 to vector<16xi32>
      %add3A_535 = arith.addi %add3A_491, %add3A_534 : vector<16xi32>
      %gather3A_536 = tpu.vector_load_idx %arg21[%add3A_535] : memref<2560xf32, #tpu.memory_space<vmem>>[vector<16xi32>], vector<16xf32>,
      %add3A_537 = arith.addf %add3A_532, %gather3A_536 : vector<16xf32>
      %add3A_538 = arith.constant 10 : i32
      %add3A_539 = vector.broadcast %add3A_538 : i32 to vector<16xi32>
      %add3A_540 = arith.addi %add3A_491, %add3A_539 : vector<16xi32>
      %gather3A_541 = tpu.vector_load_idx %arg21[%add3A_540] : memref<2560xf32, #tpu.memory_space<vmem>>[vector<16xi32>], vector<16xf32>,
      %add3A_542 = arith.addf %add3A_537, %gather3A_541 : vector<16xf32>
      %add3A_543 = arith.constant 11 : i32
      %add3A_544 = vector.broadcast %add3A_543 : i32 to vector<16xi32>
      %add3A_545 = arith.addi %add3A_491, %add3A_544 : vector<16xi32>
      %gather3A_546 = tpu.vector_load_idx %arg21[%add3A_545] : memref<2560xf32, #tpu.memory_space<vmem>>[vector<16xi32>], vector<16xf32>,
      %add3A_547 = arith.addf %add3A_542, %gather3A_546 : vector<16xf32>
      %add3A_548 = arith.constant 12 : i32
      %add3A_549 = vector.broadcast %add3A_548 : i32 to vector<16xi32>
      %add3A_550 = arith.addi %add3A_491, %add3A_549 : vector<16xi32>
      %gather3A_551 = tpu.vector_load_idx %arg21[%add3A_550] : memref<2560xf32, #tpu.memory_space<vmem>>[vector<16xi32>], vector<16xf32>,
      %add3A_552 = arith.addf %add3A_547, %gather3A_551 : vector<16xf32>
      %add3A_553 = arith.constant 13 : i32
      %add3A_554 = vector.broadcast %add3A_553 : i32 to vector<16xi32>
      %add3A_555 = arith.addi %add3A_491, %add3A_554 : vector<16xi32>
      %gather3A_556 = tpu.vector_load_idx %arg21[%add3A_555] : memref<2560xf32, #tpu.memory_space<vmem>>[vector<16xi32>], vector<16xf32>,
      %add3A_557 = arith.addf %add3A_552, %gather3A_556 : vector<16xf32>
      %add3A_558 = arith.constant 14 : i32
      %add3A_559 = vector.broadcast %add3A_558 : i32 to vector<16xi32>
      %add3A_560 = arith.addi %add3A_491, %add3A_559 : vector<16xi32>
      %gather3A_561 = tpu.vector_load_idx %arg21[%add3A_560] : memref<2560xf32, #tpu.memory_space<vmem>>[vector<16xi32>], vector<16xf32>,
      %add3A_562 = arith.addf %add3A_557, %gather3A_561 : vector<16xf32>
      %add3A_563 = arith.constant 15 : i32
      %add3A_564 = vector.broadcast %add3A_563 : i32 to vector<16xi32>
      %add3A_565 = arith.addi %add3A_491, %add3A_564 : vector<16xi32>
      %gather3A_566 = tpu.vector_load_idx %arg21[%add3A_565] : memref<2560xf32, #tpu.memory_space<vmem>>[vector<16xi32>], vector<16xf32>,
      %add3A_567 = arith.addf %add3A_562, %gather3A_566 : vector<16xf32>
      %neg3A_568 = arith.constant 0.000000e+00 : f32
      %neg3A_569 = vector.broadcast %neg3A_568 : f32 to vector<16xf32>
      %neg3A_570 = arith.subf %neg3A_569, %add3A_567 : vector<16xf32>
      %exp3A_571 = math.exp %neg3A_570 : vector<16xf32>
      %add3A_572 = arith.constant 1.000000e+00 : f32
      %add3A_573 = vector.broadcast %add3A_572 : f32 to vector<16xf32>
      %add3A_574 = arith.addf %add3A_573, %exp3A_571 : vector<16xf32>
      %div3A_575 = arith.constant 1.000000e+00 : f32
      %div3A_576 = vector.broadcast %div3A_575 : f32 to vector<16xf32>
      %div3A_577 = arith.divf %div3A_576, %add3A_574 : vector<16xf32>
      %mul3A_578 = arith.constant 8 : i32
      %mul3A_579 = arith.muli %mul3A_41, %mul3A_578 : i32
      %mul3A_580 = arith.constant 20 : i32
      %mul3A_581 = arith.muli %mul3A_579, %mul3A_580 : i32
      %add3A_582 = arith.constant 64 : i32
      %add3A_583 = arith.addi %mul3A_581, %add3A_582 : i32
      %swap3A_584 = arith.index_cast %add3A_583 : i32 to index
      %swap3A_585 = tpu.vector_load %arg22[%swap3A_584] {strides = array<i32>} : memref<2560xf32, #tpu.memory_space<vmem>>, vector<16xf32>,
      tpu.vector_store %arg22[%swap3A_584], %div3A_577 {strides = array<i32>} : memref<2560xf32, #tpu.memory_space<vmem>>, vector<16xf32>,
      %mul3A_586 = arith.constant 16 : i32
      %mul3A_587 = vector.broadcast %mul3A_586 : i32 to vector<16xi32>
      %mul3A_588 = arith.muli %iota3A, %mul3A_587 : vector<16xi32>
      %add3A_589 = arith.constant 1280 : i32
      %add3A_590 = vector.broadcast %add3A_589 : i32 to vector<16xi32>
      %add3A_591 = arith.addi %mul3A_588, %add3A_590 : vector<16xi32>
      %gather3A_592 = tpu.vector_load_idx %arg21[%add3A_591] : memref<2560xf32, #tpu.memory_space<vmem>>[vector<16xi32>], vector<16xf32>,
      %add3A_593 = arith.constant 1 : i32
      %add3A_594 = vector.broadcast %add3A_593 : i32 to vector<16xi32>
      %add3A_595 = arith.addi %add3A_591, %add3A_594 : vector<16xi32>
      %gather3A_596 = tpu.vector_load_idx %arg21[%add3A_595] : memref<2560xf32, #tpu.memory_space<vmem>>[vector<16xi32>], vector<16xf32>,
      %add3A_597 = arith.addf %gather3A_592, %gather3A_596 : vector<16xf32>
      %add3A_598 = arith.constant 2 : i32
      %add3A_599 = vector.broadcast %add3A_598 : i32 to vector<16xi32>
      %add3A_600 = arith.addi %add3A_591, %add3A_599 : vector<16xi32>
      %gather3A_601 = tpu.vector_load_idx %arg21[%add3A_600] : memref<2560xf32, #tpu.memory_space<vmem>>[vector<16xi32>], vector<16xf32>,
      %add3A_602 = arith.addf %add3A_597, %gather3A_601 : vector<16xf32>
      %add3A_603 = arith.constant 3 : i32
      %add3A_604 = vector.broadcast %add3A_603 : i32 to vector<16xi32>
      %add3A_605 = arith.addi %add3A_591, %add3A_604 : vector<16xi32>
      %gather3A_606 = tpu.vector_load_idx %arg21[%add3A_605] : memref<2560xf32, #tpu.memory_space<vmem>>[vector<16xi32>], vector<16xf32>,
      %add3A_607 = arith.addf %add3A_602, %gather3A_606 : vector<16xf32>
      %add3A_608 = arith.constant 4 : i32
      %add3A_609 = vector.broadcast %add3A_608 : i32 to vector<16xi32>
      %add3A_610 = arith.addi %add3A_591, %add3A_609 : vector<16xi32>
      %gather3A_611 = tpu.vector_load_idx %arg21[%add3A_610] : memref<2560xf32, #tpu.memory_space<vmem>>[vector<16xi32>], vector<16xf32>,
      %add3A_612 = arith.addf %add3A_607, %gather3A_611 : vector<16xf32>
      %add3A_613 = arith.constant 5 : i32
      %add3A_614 = vector.broadcast %add3A_613 : i32 to vector<16xi32>
      %add3A_615 = arith.addi %add3A_591, %add3A_614 : vector<16xi32>
      %gather3A_616 = tpu.vector_load_idx %arg21[%add3A_615] : memref<2560xf32, #tpu.memory_space<vmem>>[vector<16xi32>], vector<16xf32>,
      %add3A_617 = arith.addf %add3A_612, %gather3A_616 : vector<16xf32>
      %add3A_618 = arith.constant 6 : i32
      %add3A_619 = vector.broadcast %add3A_618 : i32 to vector<16xi32>
      %add3A_620 = arith.addi %add3A_591, %add3A_619 : vector<16xi32>
      %gather3A_621 = tpu.vector_load_idx %arg21[%add3A_620] : memref<2560xf32, #tpu.memory_space<vmem>>[vector<16xi32>], vector<16xf32>,
      %add3A_622 = arith.addf %add3A_617, %gather3A_621 : vector<16xf32>
      %add3A_623 = arith.constant 7 : i32
      %add3A_624 = vector.broadcast %add3A_623 : i32 to vector<16xi32>
      %add3A_625 = arith.addi %add3A_591, %add3A_624 : vector<16xi32>
      %gather3A_626 = tpu.vector_load_idx %arg21[%add3A_625] : memref<2560xf32, #tpu.memory_space<vmem>>[vector<16xi32>], vector<16xf32>,
      %add3A_627 = arith.addf %add3A_622, %gather3A_626 : vector<16xf32>
      %add3A_628 = arith.constant 8 : i32
      %add3A_629 = vector.broadcast %add3A_628 : i32 to vector<16xi32>
      %add3A_630 = arith.addi %add3A_591, %add3A_629 : vector<16xi32>
      %gather3A_631 = tpu.vector_load_idx %arg21[%add3A_630] : memref<2560xf32, #tpu.memory_space<vmem>>[vector<16xi32>], vector<16xf32>,
      %add3A_632 = arith.addf %add3A_627, %gather3A_631 : vector<16xf32>
      %add3A_633 = arith.constant 9 : i32
      %add3A_634 = vector.broadcast %add3A_633 : i32 to vector<16xi32>
      %add3A_635 = arith.addi %add3A_591, %add3A_634 : vector<16xi32>
      %gather3A_636 = tpu.vector_load_idx %arg21[%add3A_635] : memref<2560xf32, #tpu.memory_space<vmem>>[vector<16xi32>], vector<16xf32>,
      %add3A_637 = arith.addf %add3A_632, %gather3A_636 : vector<16xf32>
      %add3A_638 = arith.constant 10 : i32
      %add3A_639 = vector.broadcast %add3A_638 : i32 to vector<16xi32>
      %add3A_640 = arith.addi %add3A_591, %add3A_639 : vector<16xi32>
      %gather3A_641 = tpu.vector_load_idx %arg21[%add3A_640] : memref<2560xf32, #tpu.memory_space<vmem>>[vector<16xi32>], vector<16xf32>,
      %add3A_642 = arith.addf %add3A_637, %gather3A_641 : vector<16xf32>
      %add3A_643 = arith.constant 11 : i32
      %add3A_644 = vector.broadcast %add3A_643 : i32 to vector<16xi32>
      %add3A_645 = arith.addi %add3A_591, %add3A_644 : vector<16xi32>
      %gather3A_646 = tpu.vector_load_idx %arg21[%add3A_645] : memref<2560xf32, #tpu.memory_space<vmem>>[vector<16xi32>], vector<16xf32>,
      %add3A_647 = arith.addf %add3A_642, %gather3A_646 : vector<16xf32>
      %add3A_648 = arith.constant 12 : i32
      %add3A_649 = vector.broadcast %add3A_648 : i32 to vector<16xi32>
      %add3A_650 = arith.addi %add3A_591, %add3A_649 : vector<16xi32>
      %gather3A_651 = tpu.vector_load_idx %arg21[%add3A_650] : memref<2560xf32, #tpu.memory_space<vmem>>[vector<16xi32>], vector<16xf32>,
      %add3A_652 = arith.addf %add3A_647, %gather3A_651 : vector<16xf32>
      %add3A_653 = arith.constant 13 : i32
      %add3A_654 = vector.broadcast %add3A_653 : i32 to vector<16xi32>
      %add3A_655 = arith.addi %add3A_591, %add3A_654 : vector<16xi32>
      %gather3A_656 = tpu.vector_load_idx %arg21[%add3A_655] : memref<2560xf32, #tpu.memory_space<vmem>>[vector<16xi32>], vector<16xf32>,
      %add3A_657 = arith.addf %add3A_652, %gather3A_656 : vector<16xf32>
      %add3A_658 = arith.constant 14 : i32
      %add3A_659 = vector.broadcast %add3A_658 : i32 to vector<16xi32>
      %add3A_660 = arith.addi %add3A_591, %add3A_659 : vector<16xi32>
      %gather3A_661 = tpu.vector_load_idx %arg21[%add3A_660] : memref<2560xf32, #tpu.memory_space<vmem>>[vector<16xi32>], vector<16xf32>,
      %add3A_662 = arith.addf %add3A_657, %gather3A_661 : vector<16xf32>
      %add3A_663 = arith.constant 15 : i32
      %add3A_664 = vector.broadcast %add3A_663 : i32 to vector<16xi32>
      %add3A_665 = arith.addi %add3A_591, %add3A_664 : vector<16xi32>
      %gather3A_666 = tpu.vector_load_idx %arg21[%add3A_665] : memref<2560xf32, #tpu.memory_space<vmem>>[vector<16xi32>], vector<16xf32>,
      %add3A_667 = arith.addf %add3A_662, %gather3A_666 : vector<16xf32>
      %neg3A_668 = arith.constant 0.000000e+00 : f32
      %neg3A_669 = vector.broadcast %neg3A_668 : f32 to vector<16xf32>
      %neg3A_670 = arith.subf %neg3A_669, %add3A_667 : vector<16xf32>
      %exp3A_671 = math.exp %neg3A_670 : vector<16xf32>
      %add3A_672 = arith.constant 1.000000e+00 : f32
      %add3A_673 = vector.broadcast %add3A_672 : f32 to vector<16xf32>
      %add3A_674 = arith.addf %add3A_673, %exp3A_671 : vector<16xf32>
      %div3A_675 = arith.constant 1.000000e+00 : f32
      %div3A_676 = vector.broadcast %div3A_675 : f32 to vector<16xf32>
      %div3A_677 = arith.divf %div3A_676, %add3A_674 : vector<16xf32>
      %mul3A_678 = arith.constant 8 : i32
      %mul3A_679 = arith.muli %mul3A_41, %mul3A_678 : i32
      %mul3A_680 = arith.constant 20 : i32
      %mul3A_681 = arith.muli %mul3A_679, %mul3A_680 : i32
      %add3A_682 = arith.constant 80 : i32
      %add3A_683 = arith.addi %mul3A_681, %add3A_682 : i32
      %swap3A_684 = arith.index_cast %add3A_683 : i32 to index
      %swap3A_685 = tpu.vector_load %arg22[%swap3A_684] {strides = array<i32>} : memref<2560xf32, #tpu.memory_space<vmem>>, vector<16xf32>,
      tpu.vector_store %arg22[%swap3A_684], %div3A_677 {strides = array<i32>} : memref<2560xf32, #tpu.memory_space<vmem>>, vector<16xf32>,
      %mul3A_686 = arith.constant 16 : i32
      %mul3A_687 = vector.broadcast %mul3A_686 : i32 to vector<16xi32>
      %mul3A_688 = arith.muli %iota3A, %mul3A_687 : vector<16xi32>
      %add3A_689 = arith.constant 1536 : i32
      %add3A_690 = vector.broadcast %add3A_689 : i32 to vector<16xi32>
      %add3A_691 = arith.addi %mul3A_688, %add3A_690 : vector<16xi32>
      %gather3A_692 = tpu.vector_load_idx %arg21[%add3A_691] : memref<2560xf32, #tpu.memory_space<vmem>>[vector<16xi32>], vector<16xf32>,
      %add3A_693 = arith.constant 1 : i32
      %add3A_694 = vector.broadcast %add3A_693 : i32 to vector<16xi32>
      %add3A_695 = arith.addi %add3A_691, %add3A_694 : vector<16xi32>
      %gather3A_696 = tpu.vector_load_idx %arg21[%add3A_695] : memref<2560xf32, #tpu.memory_space<vmem>>[vector<16xi32>], vector<16xf32>,
      %add3A_697 = arith.addf %gather3A_692, %gather3A_696 : vector<16xf32>
      %add3A_698 = arith.constant 2 : i32
      %add3A_699 = vector.broadcast %add3A_698 : i32 to vector<16xi32>
      %add3A_700 = arith.addi %add3A_691, %add3A_699 : vector<16xi32>
      %gather3A_701 = tpu.vector_load_idx %arg21[%add3A_700] : memref<2560xf32, #tpu.memory_space<vmem>>[vector<16xi32>], vector<16xf32>,
      %add3A_702 = arith.addf %add3A_697, %gather3A_701 : vector<16xf32>
      %add3A_703 = arith.constant 3 : i32
      %add3A_704 = vector.broadcast %add3A_703 : i32 to vector<16xi32>
      %add3A_705 = arith.addi %add3A_691, %add3A_704 : vector<16xi32>
      %gather3A_706 = tpu.vector_load_idx %arg21[%add3A_705] : memref<2560xf32, #tpu.memory_space<vmem>>[vector<16xi32>], vector<16xf32>,
      %add3A_707 = arith.addf %add3A_702, %gather3A_706 : vector<16xf32>
      %add3A_708 = arith.constant 4 : i32
      %add3A_709 = vector.broadcast %add3A_708 : i32 to vector<16xi32>
      %add3A_710 = arith.addi %add3A_691, %add3A_709 : vector<16xi32>
      %gather3A_711 = tpu.vector_load_idx %arg21[%add3A_710] : memref<2560xf32, #tpu.memory_space<vmem>>[vector<16xi32>], vector<16xf32>,
      %add3A_712 = arith.addf %add3A_707, %gather3A_711 : vector<16xf32>
      %add3A_713 = arith.constant 5 : i32
      %add3A_714 = vector.broadcast %add3A_713 : i32 to vector<16xi32>
      %add3A_715 = arith.addi %add3A_691, %add3A_714 : vector<16xi32>
      %gather3A_716 = tpu.vector_load_idx %arg21[%add3A_715] : memref<2560xf32, #tpu.memory_space<vmem>>[vector<16xi32>], vector<16xf32>,
      %add3A_717 = arith.addf %add3A_712, %gather3A_716 : vector<16xf32>
      %add3A_718 = arith.constant 6 : i32
      %add3A_719 = vector.broadcast %add3A_718 : i32 to vector<16xi32>
      %add3A_720 = arith.addi %add3A_691, %add3A_719 : vector<16xi32>
      %gather3A_721 = tpu.vector_load_idx %arg21[%add3A_720] : memref<2560xf32, #tpu.memory_space<vmem>>[vector<16xi32>], vector<16xf32>,
      %add3A_722 = arith.addf %add3A_717, %gather3A_721 : vector<16xf32>
      %add3A_723 = arith.constant 7 : i32
      %add3A_724 = vector.broadcast %add3A_723 : i32 to vector<16xi32>
      %add3A_725 = arith.addi %add3A_691, %add3A_724 : vector<16xi32>
      %gather3A_726 = tpu.vector_load_idx %arg21[%add3A_725] : memref<2560xf32, #tpu.memory_space<vmem>>[vector<16xi32>], vector<16xf32>,
      %add3A_727 = arith.addf %add3A_722, %gather3A_726 : vector<16xf32>
      %add3A_728 = arith.constant 8 : i32
      %add3A_729 = vector.broadcast %add3A_728 : i32 to vector<16xi32>
      %add3A_730 = arith.addi %add3A_691, %add3A_729 : vector<16xi32>
      %gather3A_731 = tpu.vector_load_idx %arg21[%add3A_730] : memref<2560xf32, #tpu.memory_space<vmem>>[vector<16xi32>], vector<16xf32>,
      %add3A_732 = arith.addf %add3A_727, %gather3A_731 : vector<16xf32>
      %add3A_733 = arith.constant 9 : i32
      %add3A_734 = vector.broadcast %add3A_733 : i32 to vector<16xi32>
      %add3A_735 = arith.addi %add3A_691, %add3A_734 : vector<16xi32>
      %gather3A_736 = tpu.vector_load_idx %arg21[%add3A_735] : memref<2560xf32, #tpu.memory_space<vmem>>[vector<16xi32>], vector<16xf32>,
      %add3A_737 = arith.addf %add3A_732, %gather3A_736 : vector<16xf32>
      %add3A_738 = arith.constant 10 : i32
      %add3A_739 = vector.broadcast %add3A_738 : i32 to vector<16xi32>
      %add3A_740 = arith.addi %add3A_691, %add3A_739 : vector<16xi32>
      %gather3A_741 = tpu.vector_load_idx %arg21[%add3A_740] : memref<2560xf32, #tpu.memory_space<vmem>>[vector<16xi32>], vector<16xf32>,
      %add3A_742 = arith.addf %add3A_737, %gather3A_741 : vector<16xf32>
      %add3A_743 = arith.constant 11 : i32
      %add3A_744 = vector.broadcast %add3A_743 : i32 to vector<16xi32>
      %add3A_745 = arith.addi %add3A_691, %add3A_744 : vector<16xi32>
      %gather3A_746 = tpu.vector_load_idx %arg21[%add3A_745] : memref<2560xf32, #tpu.memory_space<vmem>>[vector<16xi32>], vector<16xf32>,
      %add3A_747 = arith.addf %add3A_742, %gather3A_746 : vector<16xf32>
      %add3A_748 = arith.constant 12 : i32
      %add3A_749 = vector.broadcast %add3A_748 : i32 to vector<16xi32>
      %add3A_750 = arith.addi %add3A_691, %add3A_749 : vector<16xi32>
      %gather3A_751 = tpu.vector_load_idx %arg21[%add3A_750] : memref<2560xf32, #tpu.memory_space<vmem>>[vector<16xi32>], vector<16xf32>,
      %add3A_752 = arith.addf %add3A_747, %gather3A_751 : vector<16xf32>
      %add3A_753 = arith.constant 13 : i32
      %add3A_754 = vector.broadcast %add3A_753 : i32 to vector<16xi32>
      %add3A_755 = arith.addi %add3A_691, %add3A_754 : vector<16xi32>
      %gather3A_756 = tpu.vector_load_idx %arg21[%add3A_755] : memref<2560xf32, #tpu.memory_space<vmem>>[vector<16xi32>], vector<16xf32>,
      %add3A_757 = arith.addf %add3A_752, %gather3A_756 : vector<16xf32>
      %add3A_758 = arith.constant 14 : i32
      %add3A_759 = vector.broadcast %add3A_758 : i32 to vector<16xi32>
      %add3A_760 = arith.addi %add3A_691, %add3A_759 : vector<16xi32>
      %gather3A_761 = tpu.vector_load_idx %arg21[%add3A_760] : memref<2560xf32, #tpu.memory_space<vmem>>[vector<16xi32>], vector<16xf32>,
      %add3A_762 = arith.addf %add3A_757, %gather3A_761 : vector<16xf32>
      %add3A_763 = arith.constant 15 : i32
      %add3A_764 = vector.broadcast %add3A_763 : i32 to vector<16xi32>
      %add3A_765 = arith.addi %add3A_691, %add3A_764 : vector<16xi32>
      %gather3A_766 = tpu.vector_load_idx %arg21[%add3A_765] : memref<2560xf32, #tpu.memory_space<vmem>>[vector<16xi32>], vector<16xf32>,
      %add3A_767 = arith.addf %add3A_762, %gather3A_766 : vector<16xf32>
      %neg3A_768 = arith.constant 0.000000e+00 : f32
      %neg3A_769 = vector.broadcast %neg3A_768 : f32 to vector<16xf32>
      %neg3A_770 = arith.subf %neg3A_769, %add3A_767 : vector<16xf32>
      %exp3A_771 = math.exp %neg3A_770 : vector<16xf32>
      %add3A_772 = arith.constant 1.000000e+00 : f32
      %add3A_773 = vector.broadcast %add3A_772 : f32 to vector<16xf32>
      %add3A_774 = arith.addf %add3A_773, %exp3A_771 : vector<16xf32>
      %div3A_775 = arith.constant 1.000000e+00 : f32
      %div3A_776 = vector.broadcast %div3A_775 : f32 to vector<16xf32>
      %div3A_777 = arith.divf %div3A_776, %add3A_774 : vector<16xf32>
      %mul3A_778 = arith.constant 8 : i32
      %mul3A_779 = arith.muli %mul3A_41, %mul3A_778 : i32
      %mul3A_780 = arith.constant 20 : i32
      %mul3A_781 = arith.muli %mul3A_779, %mul3A_780 : i32
      %add3A_782 = arith.constant 96 : i32
      %add3A_783 = arith.addi %mul3A_781, %add3A_782 : i32
      %swap3A_784 = arith.index_cast %add3A_783 : i32 to index
      %swap3A_785 = tpu.vector_load %arg22[%swap3A_784] {strides = array<i32>} : memref<2560xf32, #tpu.memory_space<vmem>>, vector<16xf32>,
      tpu.vector_store %arg22[%swap3A_784], %div3A_777 {strides = array<i32>} : memref<2560xf32, #tpu.memory_space<vmem>>, vector<16xf32>,
      %mul3A_786 = arith.constant 16 : i32
      %mul3A_787 = vector.broadcast %mul3A_786 : i32 to vector<16xi32>
      %mul3A_788 = arith.muli %iota3A, %mul3A_787 : vector<16xi32>
      %add3A_789 = arith.constant 1792 : i32
      %add3A_790 = vector.broadcast %add3A_789 : i32 to vector<16xi32>
      %add3A_791 = arith.addi %mul3A_788, %add3A_790 : vector<16xi32>
      %gather3A_792 = tpu.vector_load_idx %arg21[%add3A_791] : memref<2560xf32, #tpu.memory_space<vmem>>[vector<16xi32>], vector<16xf32>,
      %add3A_793 = arith.constant 1 : i32
      %add3A_794 = vector.broadcast %add3A_793 : i32 to vector<16xi32>
      %add3A_795 = arith.addi %add3A_791, %add3A_794 : vector<16xi32>
      %gather3A_796 = tpu.vector_load_idx %arg21[%add3A_795] : memref<2560xf32, #tpu.memory_space<vmem>>[vector<16xi32>], vector<16xf32>,
      %add3A_797 = arith.addf %gather3A_792, %gather3A_796 : vector<16xf32>
      %add3A_798 = arith.constant 2 : i32
      %add3A_799 = vector.broadcast %add3A_798 : i32 to vector<16xi32>
      %add3A_800 = arith.addi %add3A_791, %add3A_799 : vector<16xi32>
      %gather3A_801 = tpu.vector_load_idx %arg21[%add3A_800] : memref<2560xf32, #tpu.memory_space<vmem>>[vector<16xi32>], vector<16xf32>,
      %add3A_802 = arith.addf %add3A_797, %gather3A_801 : vector<16xf32>
      %add3A_803 = arith.constant 3 : i32
      %add3A_804 = vector.broadcast %add3A_803 : i32 to vector<16xi32>
      %add3A_805 = arith.addi %add3A_791, %add3A_804 : vector<16xi32>
      %gather3A_806 = tpu.vector_load_idx %arg21[%add3A_805] : memref<2560xf32, #tpu.memory_space<vmem>>[vector<16xi32>], vector<16xf32>,
      %add3A_807 = arith.addf %add3A_802, %gather3A_806 : vector<16xf32>
      %add3A_808 = arith.constant 4 : i32
      %add3A_809 = vector.broadcast %add3A_808 : i32 to vector<16xi32>
      %add3A_810 = arith.addi %add3A_791, %add3A_809 : vector<16xi32>
      %gather3A_811 = tpu.vector_load_idx %arg21[%add3A_810] : memref<2560xf32, #tpu.memory_space<vmem>>[vector<16xi32>], vector<16xf32>,
      %add3A_812 = arith.addf %add3A_807, %gather3A_811 : vector<16xf32>
      %add3A_813 = arith.constant 5 : i32
      %add3A_814 = vector.broadcast %add3A_813 : i32 to vector<16xi32>
      %add3A_815 = arith.addi %add3A_791, %add3A_814 : vector<16xi32>
      %gather3A_816 = tpu.vector_load_idx %arg21[%add3A_815] : memref<2560xf32, #tpu.memory_space<vmem>>[vector<16xi32>], vector<16xf32>,
      %add3A_817 = arith.addf %add3A_812, %gather3A_816 : vector<16xf32>
      %add3A_818 = arith.constant 6 : i32
      %add3A_819 = vector.broadcast %add3A_818 : i32 to vector<16xi32>
      %add3A_820 = arith.addi %add3A_791, %add3A_819 : vector<16xi32>
      %gather3A_821 = tpu.vector_load_idx %arg21[%add3A_820] : memref<2560xf32, #tpu.memory_space<vmem>>[vector<16xi32>], vector<16xf32>,
      %add3A_822 = arith.addf %add3A_817, %gather3A_821 : vector<16xf32>
      %add3A_823 = arith.constant 7 : i32
      %add3A_824 = vector.broadcast %add3A_823 : i32 to vector<16xi32>
      %add3A_825 = arith.addi %add3A_791, %add3A_824 : vector<16xi32>
      %gather3A_826 = tpu.vector_load_idx %arg21[%add3A_825] : memref<2560xf32, #tpu.memory_space<vmem>>[vector<16xi32>], vector<16xf32>,
      %add3A_827 = arith.addf %add3A_822, %gather3A_826 : vector<16xf32>
      %add3A_828 = arith.constant 8 : i32
      %add3A_829 = vector.broadcast %add3A_828 : i32 to vector<16xi32>
      %add3A_830 = arith.addi %add3A_791, %add3A_829 : vector<16xi32>
      %gather3A_831 = tpu.vector_load_idx %arg21[%add3A_830] : memref<2560xf32, #tpu.memory_space<vmem>>[vector<16xi32>], vector<16xf32>,
      %add3A_832 = arith.addf %add3A_827, %gather3A_831 : vector<16xf32>
      %add3A_833 = arith.constant 9 : i32
      %add3A_834 = vector.broadcast %add3A_833 : i32 to vector<16xi32>
      %add3A_835 = arith.addi %add3A_791, %add3A_834 : vector<16xi32>
      %gather3A_836 = tpu.vector_load_idx %arg21[%add3A_835] : memref<2560xf32, #tpu.memory_space<vmem>>[vector<16xi32>], vector<16xf32>,
      %add3A_837 = arith.addf %add3A_832, %gather3A_836 : vector<16xf32>
      %add3A_838 = arith.constant 10 : i32
      %add3A_839 = vector.broadcast %add3A_838 : i32 to vector<16xi32>
      %add3A_840 = arith.addi %add3A_791, %add3A_839 : vector<16xi32>
      %gather3A_841 = tpu.vector_load_idx %arg21[%add3A_840] : memref<2560xf32, #tpu.memory_space<vmem>>[vector<16xi32>], vector<16xf32>,
      %add3A_842 = arith.addf %add3A_837, %gather3A_841 : vector<16xf32>
      %add3A_843 = arith.constant 11 : i32
      %add3A_844 = vector.broadcast %add3A_843 : i32 to vector<16xi32>
      %add3A_845 = arith.addi %add3A_791, %add3A_844 : vector<16xi32>
      %gather3A_846 = tpu.vector_load_idx %arg21[%add3A_845] : memref<2560xf32, #tpu.memory_space<vmem>>[vector<16xi32>], vector<16xf32>,
      %add3A_847 = arith.addf %add3A_842, %gather3A_846 : vector<16xf32>
      %add3A_848 = arith.constant 12 : i32
      %add3A_849 = vector.broadcast %add3A_848 : i32 to vector<16xi32>
      %add3A_850 = arith.addi %add3A_791, %add3A_849 : vector<16xi32>
      %gather3A_851 = tpu.vector_load_idx %arg21[%add3A_850] : memref<2560xf32, #tpu.memory_space<vmem>>[vector<16xi32>], vector<16xf32>,
      %add3A_852 = arith.addf %add3A_847, %gather3A_851 : vector<16xf32>
      %add3A_853 = arith.constant 13 : i32
      %add3A_854 = vector.broadcast %add3A_853 : i32 to vector<16xi32>
      %add3A_855 = arith.addi %add3A_791, %add3A_854 : vector<16xi32>
      %gather3A_856 = tpu.vector_load_idx %arg21[%add3A_855] : memref<2560xf32, #tpu.memory_space<vmem>>[vector<16xi32>], vector<16xf32>,
      %add3A_857 = arith.addf %add3A_852, %gather3A_856 : vector<16xf32>
      %add3A_858 = arith.constant 14 : i32
      %add3A_859 = vector.broadcast %add3A_858 : i32 to vector<16xi32>
      %add3A_860 = arith.addi %add3A_791, %add3A_859 : vector<16xi32>
      %gather3A_861 = tpu.vector_load_idx %arg21[%add3A_860] : memref<2560xf32, #tpu.memory_space<vmem>>[vector<16xi32>], vector<16xf32>,
      %add3A_862 = arith.addf %add3A_857, %gather3A_861 : vector<16xf32>
      %add3A_863 = arith.constant 15 : i32
      %add3A_864 = vector.broadcast %add3A_863 : i32 to vector<16xi32>
      %add3A_865 = arith.addi %add3A_791, %add3A_864 : vector<16xi32>
      %gather3A_866 = tpu.vector_load_idx %arg21[%add3A_865] : memref<2560xf32, #tpu.memory_space<vmem>>[vector<16xi32>], vector<16xf32>,
      %add3A_867 = arith.addf %add3A_862, %gather3A_866 : vector<16xf32>
      %neg3A_868 = arith.constant 0.000000e+00 : f32
      %neg3A_869 = vector.broadcast %neg3A_868 : f32 to vector<16xf32>
      %neg3A_870 = arith.subf %neg3A_869, %add3A_867 : vector<16xf32>
      %exp3A_871 = math.exp %neg3A_870 : vector<16xf32>
      %add3A_872 = arith.constant 1.000000e+00 : f32
      %add3A_873 = vector.broadcast %add3A_872 : f32 to vector<16xf32>
      %add3A_874 = arith.addf %add3A_873, %exp3A_871 : vector<16xf32>
      %div3A_875 = arith.constant 1.000000e+00 : f32
      %div3A_876 = vector.broadcast %div3A_875 : f32 to vector<16xf32>
      %div3A_877 = arith.divf %div3A_876, %add3A_874 : vector<16xf32>
      %mul3A_878 = arith.constant 8 : i32
      %mul3A_879 = arith.muli %mul3A_41, %mul3A_878 : i32
      %mul3A_880 = arith.constant 20 : i32
      %mul3A_881 = arith.muli %mul3A_879, %mul3A_880 : i32
      %add3A_882 = arith.constant 112 : i32
      %add3A_883 = arith.addi %mul3A_881, %add3A_882 : i32
      %swap3A_884 = arith.index_cast %add3A_883 : i32 to index
      %swap3A_885 = tpu.vector_load %arg22[%swap3A_884] {strides = array<i32>} : memref<2560xf32, #tpu.memory_space<vmem>>, vector<16xf32>,
      tpu.vector_store %arg22[%swap3A_884], %div3A_877 {strides = array<i32>} : memref<2560xf32, #tpu.memory_space<vmem>>, vector<16xf32>,
      %mul3A_886 = arith.constant 16 : i32
      %mul3A_887 = vector.broadcast %mul3A_886 : i32 to vector<16xi32>
      %mul3A_888 = arith.muli %iota3A, %mul3A_887 : vector<16xi32>
      %add3A_889 = arith.constant 2048 : i32
      %add3A_890 = vector.broadcast %add3A_889 : i32 to vector<16xi32>
      %add3A_891 = arith.addi %mul3A_888, %add3A_890 : vector<16xi32>
      %gather3A_892 = tpu.vector_load_idx %arg21[%add3A_891] : memref<2560xf32, #tpu.memory_space<vmem>>[vector<16xi32>], vector<16xf32>,
      %add3A_893 = arith.constant 1 : i32
      %add3A_894 = vector.broadcast %add3A_893 : i32 to vector<16xi32>
      %add3A_895 = arith.addi %add3A_891, %add3A_894 : vector<16xi32>
      %gather3A_896 = tpu.vector_load_idx %arg21[%add3A_895] : memref<2560xf32, #tpu.memory_space<vmem>>[vector<16xi32>], vector<16xf32>,
      %add3A_897 = arith.addf %gather3A_892, %gather3A_896 : vector<16xf32>
      %add3A_898 = arith.constant 2 : i32
      %add3A_899 = vector.broadcast %add3A_898 : i32 to vector<16xi32>
      %add3A_900 = arith.addi %add3A_891, %add3A_899 : vector<16xi32>
      %gather3A_901 = tpu.vector_load_idx %arg21[%add3A_900] : memref<2560xf32, #tpu.memory_space<vmem>>[vector<16xi32>], vector<16xf32>,
      %add3A_902 = arith.addf %add3A_897, %gather3A_901 : vector<16xf32>
      %add3A_903 = arith.constant 3 : i32
      %add3A_904 = vector.broadcast %add3A_903 : i32 to vector<16xi32>
      %add3A_905 = arith.addi %add3A_891, %add3A_904 : vector<16xi32>
      %gather3A_906 = tpu.vector_load_idx %arg21[%add3A_905] : memref<2560xf32, #tpu.memory_space<vmem>>[vector<16xi32>], vector<16xf32>,
      %add3A_907 = arith.addf %add3A_902, %gather3A_906 : vector<16xf32>
      %add3A_908 = arith.constant 4 : i32
      %add3A_909 = vector.broadcast %add3A_908 : i32 to vector<16xi32>
      %add3A_910 = arith.addi %add3A_891, %add3A_909 : vector<16xi32>
      %gather3A_911 = tpu.vector_load_idx %arg21[%add3A_910] : memref<2560xf32, #tpu.memory_space<vmem>>[vector<16xi32>], vector<16xf32>,
      %add3A_912 = arith.addf %add3A_907, %gather3A_911 : vector<16xf32>
      %add3A_913 = arith.constant 5 : i32
      %add3A_914 = vector.broadcast %add3A_913 : i32 to vector<16xi32>
      %add3A_915 = arith.addi %add3A_891, %add3A_914 : vector<16xi32>
      %gather3A_916 = tpu.vector_load_idx %arg21[%add3A_915] : memref<2560xf32, #tpu.memory_space<vmem>>[vector<16xi32>], vector<16xf32>,
      %add3A_917 = arith.addf %add3A_912, %gather3A_916 : vector<16xf32>
      %add3A_918 = arith.constant 6 : i32
      %add3A_919 = vector.broadcast %add3A_918 : i32 to vector<16xi32>
      %add3A_920 = arith.addi %add3A_891, %add3A_919 : vector<16xi32>
      %gather3A_921 = tpu.vector_load_idx %arg21[%add3A_920] : memref<2560xf32, #tpu.memory_space<vmem>>[vector<16xi32>], vector<16xf32>,
      %add3A_922 = arith.addf %add3A_917, %gather3A_921 : vector<16xf32>
      %add3A_923 = arith.constant 7 : i32
      %add3A_924 = vector.broadcast %add3A_923 : i32 to vector<16xi32>
      %add3A_925 = arith.addi %add3A_891, %add3A_924 : vector<16xi32>
      %gather3A_926 = tpu.vector_load_idx %arg21[%add3A_925] : memref<2560xf32, #tpu.memory_space<vmem>>[vector<16xi32>], vector<16xf32>,
      %add3A_927 = arith.addf %add3A_922, %gather3A_926 : vector<16xf32>
      %add3A_928 = arith.constant 8 : i32
      %add3A_929 = vector.broadcast %add3A_928 : i32 to vector<16xi32>
      %add3A_930 = arith.addi %add3A_891, %add3A_929 : vector<16xi32>
      %gather3A_931 = tpu.vector_load_idx %arg21[%add3A_930] : memref<2560xf32, #tpu.memory_space<vmem>>[vector<16xi32>], vector<16xf32>,
      %add3A_932 = arith.addf %add3A_927, %gather3A_931 : vector<16xf32>
      %add3A_933 = arith.constant 9 : i32
      %add3A_934 = vector.broadcast %add3A_933 : i32 to vector<16xi32>
      %add3A_935 = arith.addi %add3A_891, %add3A_934 : vector<16xi32>
      %gather3A_936 = tpu.vector_load_idx %arg21[%add3A_935] : memref<2560xf32, #tpu.memory_space<vmem>>[vector<16xi32>], vector<16xf32>,
      %add3A_937 = arith.addf %add3A_932, %gather3A_936 : vector<16xf32>
      %add3A_938 = arith.constant 10 : i32
      %add3A_939 = vector.broadcast %add3A_938 : i32 to vector<16xi32>
      %add3A_940 = arith.addi %add3A_891, %add3A_939 : vector<16xi32>
      %gather3A_941 = tpu.vector_load_idx %arg21[%add3A_940] : memref<2560xf32, #tpu.memory_space<vmem>>[vector<16xi32>], vector<16xf32>,
      %add3A_942 = arith.addf %add3A_937, %gather3A_941 : vector<16xf32>
      %add3A_943 = arith.constant 11 : i32
      %add3A_944 = vector.broadcast %add3A_943 : i32 to vector<16xi32>
      %add3A_945 = arith.addi %add3A_891, %add3A_944 : vector<16xi32>
      %gather3A_946 = tpu.vector_load_idx %arg21[%add3A_945] : memref<2560xf32, #tpu.memory_space<vmem>>[vector<16xi32>], vector<16xf32>,
      %add3A_947 = arith.addf %add3A_942, %gather3A_946 : vector<16xf32>
      %add3A_948 = arith.constant 12 : i32
      %add3A_949 = vector.broadcast %add3A_948 : i32 to vector<16xi32>
      %add3A_950 = arith.addi %add3A_891, %add3A_949 : vector<16xi32>
      %gather3A_951 = tpu.vector_load_idx %arg21[%add3A_950] : memref<2560xf32, #tpu.memory_space<vmem>>[vector<16xi32>], vector<16xf32>,
      %add3A_952 = arith.addf %add3A_947, %gather3A_951 : vector<16xf32>
      %add3A_953 = arith.constant 13 : i32
      %add3A_954 = vector.broadcast %add3A_953 : i32 to vector<16xi32>
      %add3A_955 = arith.addi %add3A_891, %add3A_954 : vector<16xi32>
      %gather3A_956 = tpu.vector_load_idx %arg21[%add3A_955] : memref<2560xf32, #tpu.memory_space<vmem>>[vector<16xi32>], vector<16xf32>,
      %add3A_957 = arith.addf %add3A_952, %gather3A_956 : vector<16xf32>
      %add3A_958 = arith.constant 14 : i32
      %add3A_959 = vector.broadcast %add3A_958 : i32 to vector<16xi32>
      %add3A_960 = arith.addi %add3A_891, %add3A_959 : vector<16xi32>
      %gather3A_961 = tpu.vector_load_idx %arg21[%add3A_960] : memref<2560xf32, #tpu.memory_space<vmem>>[vector<16xi32>], vector<16xf32>,
      %add3A_962 = arith.addf %add3A_957, %gather3A_961 : vector<16xf32>
      %add3A_963 = arith.constant 15 : i32
      %add3A_964 = vector.broadcast %add3A_963 : i32 to vector<16xi32>
      %add3A_965 = arith.addi %add3A_891, %add3A_964 : vector<16xi32>
      %gather3A_966 = tpu.vector_load_idx %arg21[%add3A_965] : memref<2560xf32, #tpu.memory_space<vmem>>[vector<16xi32>], vector<16xf32>,
      %add3A_967 = arith.addf %add3A_962, %gather3A_966 : vector<16xf32>
      %neg3A_968 = arith.constant 0.000000e+00 : f32
      %neg3A_969 = vector.broadcast %neg3A_968 : f32 to vector<16xf32>
      %neg3A_970 = arith.subf %neg3A_969, %add3A_967 : vector<16xf32>
      %exp3A_971 = math.exp %neg3A_970 : vector<16xf32>
      %add3A_972 = arith.constant 1.000000e+00 : f32
      %add3A_973 = vector.broadcast %add3A_972 : f32 to vector<16xf32>
      %add3A_974 = arith.addf %add3A_973, %exp3A_971 : vector<16xf32>
      %div3A_975 = arith.constant 1.000000e+00 : f32
      %div3A_976 = vector.broadcast %div3A_975 : f32 to vector<16xf32>
      %div3A_977 = arith.divf %div3A_976, %add3A_974 : vector<16xf32>
      %mul3A_978 = arith.constant 8 : i32
      %mul3A_979 = arith.muli %mul3A_41, %mul3A_978 : i32
      %mul3A_980 = arith.constant 20 : i32
      %mul3A_981 = arith.muli %mul3A_979, %mul3A_980 : i32
      %add3A_982 = arith.constant 128 : i32
      %add3A_983 = arith.addi %mul3A_981, %add3A_982 : i32
      %swap3A_984 = arith.index_cast %add3A_983 : i32 to index
      %swap3A_985 = tpu.vector_load %arg22[%swap3A_984] {strides = array<i32>} : memref<2560xf32, #tpu.memory_space<vmem>>, vector<16xf32>,
      tpu.vector_store %arg22[%swap3A_984], %div3A_977 {strides = array<i32>} : memref<2560xf32, #tpu.memory_space<vmem>>, vector<16xf32>,
      %mul3A_986 = arith.constant 16 : i32
      %mul3A_987 = vector.broadcast %mul3A_986 : i32 to vector<16xi32>
      %mul3A_988 = arith.muli %iota3A, %mul3A_987 : vector<16xi32>
      %add3A_989 = arith.constant 2304 : i32
      %add3A_990 = vector.broadcast %add3A_989 : i32 to vector<16xi32>
      %add3A_991 = arith.addi %mul3A_988, %add3A_990 : vector<16xi32>
      %gather3A_992 = tpu.vector_load_idx %arg21[%add3A_991] : memref<2560xf32, #tpu.memory_space<vmem>>[vector<16xi32>], vector<16xf32>,
      %add3A_993 = arith.constant 1 : i32
      %add3A_994 = vector.broadcast %add3A_993 : i32 to vector<16xi32>
      %add3A_995 = arith.addi %add3A_991, %add3A_994 : vector<16xi32>
      %gather3A_996 = tpu.vector_load_idx %arg21[%add3A_995] : memref<2560xf32, #tpu.memory_space<vmem>>[vector<16xi32>], vector<16xf32>,
      %add3A_997 = arith.addf %gather3A_992, %gather3A_996 : vector<16xf32>
      %add3A_998 = arith.constant 2 : i32
      %add3A_999 = vector.broadcast %add3A_998 : i32 to vector<16xi32>
      %add3A_1000 = arith.addi %add3A_991, %add3A_999 : vector<16xi32>
      %gather3A_1001 = tpu.vector_load_idx %arg21[%add3A_1000] : memref<2560xf32, #tpu.memory_space<vmem>>[vector<16xi32>], vector<16xf32>,
      %add3A_1002 = arith.addf %add3A_997, %gather3A_1001 : vector<16xf32>
      %add3A_1003 = arith.constant 3 : i32
      %add3A_1004 = vector.broadcast %add3A_1003 : i32 to vector<16xi32>
      %add3A_1005 = arith.addi %add3A_991, %add3A_1004 : vector<16xi32>
      %gather3A_1006 = tpu.vector_load_idx %arg21[%add3A_1005] : memref<2560xf32, #tpu.memory_space<vmem>>[vector<16xi32>], vector<16xf32>,
      %add3A_1007 = arith.addf %add3A_1002, %gather3A_1006 : vector<16xf32>
      %add3A_1008 = arith.constant 4 : i32
      %add3A_1009 = vector.broadcast %add3A_1008 : i32 to vector<16xi32>
      %add3A_1010 = arith.addi %add3A_991, %add3A_1009 : vector<16xi32>
      %gather3A_1011 = tpu.vector_load_idx %arg21[%add3A_1010] : memref<2560xf32, #tpu.memory_space<vmem>>[vector<16xi32>], vector<16xf32>,
      %add3A_1012 = arith.addf %add3A_1007, %gather3A_1011 : vector<16xf32>
      %add3A_1013 = arith.constant 5 : i32
      %add3A_1014 = vector.broadcast %add3A_1013 : i32 to vector<16xi32>
      %add3A_1015 = arith.addi %add3A_991, %add3A_1014 : vector<16xi32>
      %gather3A_1016 = tpu.vector_load_idx %arg21[%add3A_1015] : memref<2560xf32, #tpu.memory_space<vmem>>[vector<16xi32>], vector<16xf32>,
      %add3A_1017 = arith.addf %add3A_1012, %gather3A_1016 : vector<16xf32>
      %add3A_1018 = arith.constant 6 : i32
      %add3A_1019 = vector.broadcast %add3A_1018 : i32 to vector<16xi32>
      %add3A_1020 = arith.addi %add3A_991, %add3A_1019 : vector<16xi32>
      %gather3A_1021 = tpu.vector_load_idx %arg21[%add3A_1020] : memref<2560xf32, #tpu.memory_space<vmem>>[vector<16xi32>], vector<16xf32>,
      %add3A_1022 = arith.addf %add3A_1017, %gather3A_1021 : vector<16xf32>
      %add3A_1023 = arith.constant 7 : i32
      %add3A_1024 = vector.broadcast %add3A_1023 : i32 to vector<16xi32>
      %add3A_1025 = arith.addi %add3A_991, %add3A_1024 : vector<16xi32>
      %gather3A_1026 = tpu.vector_load_idx %arg21[%add3A_1025] : memref<2560xf32, #tpu.memory_space<vmem>>[vector<16xi32>], vector<16xf32>,
      %add3A_1027 = arith.addf %add3A_1022, %gather3A_1026 : vector<16xf32>
      %add3A_1028 = arith.constant 8 : i32
      %add3A_1029 = vector.broadcast %add3A_1028 : i32 to vector<16xi32>
      %add3A_1030 = arith.addi %add3A_991, %add3A_1029 : vector<16xi32>
      %gather3A_1031 = tpu.vector_load_idx %arg21[%add3A_1030] : memref<2560xf32, #tpu.memory_space<vmem>>[vector<16xi32>], vector<16xf32>,
      %add3A_1032 = arith.addf %add3A_1027, %gather3A_1031 : vector<16xf32>
      %add3A_1033 = arith.constant 9 : i32
      %add3A_1034 = vector.broadcast %add3A_1033 : i32 to vector<16xi32>
      %add3A_1035 = arith.addi %add3A_991, %add3A_1034 : vector<16xi32>
      %gather3A_1036 = tpu.vector_load_idx %arg21[%add3A_1035] : memref<2560xf32, #tpu.memory_space<vmem>>[vector<16xi32>], vector<16xf32>,
      %add3A_1037 = arith.addf %add3A_1032, %gather3A_1036 : vector<16xf32>
      %add3A_1038 = arith.constant 10 : i32
      %add3A_1039 = vector.broadcast %add3A_1038 : i32 to vector<16xi32>
      %add3A_1040 = arith.addi %add3A_991, %add3A_1039 : vector<16xi32>
      %gather3A_1041 = tpu.vector_load_idx %arg21[%add3A_1040] : memref<2560xf32, #tpu.memory_space<vmem>>[vector<16xi32>], vector<16xf32>,
      %add3A_1042 = arith.addf %add3A_1037, %gather3A_1041 : vector<16xf32>
      %add3A_1043 = arith.constant 11 : i32
      %add3A_1044 = vector.broadcast %add3A_1043 : i32 to vector<16xi32>
      %add3A_1045 = arith.addi %add3A_991, %add3A_1044 : vector<16xi32>
      %gather3A_1046 = tpu.vector_load_idx %arg21[%add3A_1045] : memref<2560xf32, #tpu.memory_space<vmem>>[vector<16xi32>], vector<16xf32>,
      %add3A_1047 = arith.addf %add3A_1042, %gather3A_1046 : vector<16xf32>
      %add3A_1048 = arith.constant 12 : i32
      %add3A_1049 = vector.broadcast %add3A_1048 : i32 to vector<16xi32>
      %add3A_1050 = arith.addi %add3A_991, %add3A_1049 : vector<16xi32>
      %gather3A_1051 = tpu.vector_load_idx %arg21[%add3A_1050] : memref<2560xf32, #tpu.memory_space<vmem>>[vector<16xi32>], vector<16xf32>,
      %add3A_1052 = arith.addf %add3A_1047, %gather3A_1051 : vector<16xf32>
      %add3A_1053 = arith.constant 13 : i32
      %add3A_1054 = vector.broadcast %add3A_1053 : i32 to vector<16xi32>
      %add3A_1055 = arith.addi %add3A_991, %add3A_1054 : vector<16xi32>
      %gather3A_1056 = tpu.vector_load_idx %arg21[%add3A_1055] : memref<2560xf32, #tpu.memory_space<vmem>>[vector<16xi32>], vector<16xf32>,
      %add3A_1057 = arith.addf %add3A_1052, %gather3A_1056 : vector<16xf32>
      %add3A_1058 = arith.constant 14 : i32
      %add3A_1059 = vector.broadcast %add3A_1058 : i32 to vector<16xi32>
      %add3A_1060 = arith.addi %add3A_991, %add3A_1059 : vector<16xi32>
      %gather3A_1061 = tpu.vector_load_idx %arg21[%add3A_1060] : memref<2560xf32, #tpu.memory_space<vmem>>[vector<16xi32>], vector<16xf32>,
      %add3A_1062 = arith.addf %add3A_1057, %gather3A_1061 : vector<16xf32>
      %add3A_1063 = arith.constant 15 : i32
      %add3A_1064 = vector.broadcast %add3A_1063 : i32 to vector<16xi32>
      %add3A_1065 = arith.addi %add3A_991, %add3A_1064 : vector<16xi32>
      %gather3A_1066 = tpu.vector_load_idx %arg21[%add3A_1065] : memref<2560xf32, #tpu.memory_space<vmem>>[vector<16xi32>], vector<16xf32>,
      %add3A_1067 = arith.addf %add3A_1062, %gather3A_1066 : vector<16xf32>
      %neg3A_1068 = arith.constant 0.000000e+00 : f32
      %neg3A_1069 = vector.broadcast %neg3A_1068 : f32 to vector<16xf32>
      %neg3A_1070 = arith.subf %neg3A_1069, %add3A_1067 : vector<16xf32>
      %exp3A_1071 = math.exp %neg3A_1070 : vector<16xf32>
      %add3A_1072 = arith.constant 1.000000e+00 : f32
      %add3A_1073 = vector.broadcast %add3A_1072 : f32 to vector<16xf32>
      %add3A_1074 = arith.addf %add3A_1073, %exp3A_1071 : vector<16xf32>
      %div3A_1075 = arith.constant 1.000000e+00 : f32
      %div3A_1076 = vector.broadcast %div3A_1075 : f32 to vector<16xf32>
      %div3A_1077 = arith.divf %div3A_1076, %add3A_1074 : vector<16xf32>
      %mul3A_1078 = arith.constant 8 : i32
      %mul3A_1079 = arith.muli %mul3A_41, %mul3A_1078 : i32
      %mul3A_1080 = arith.constant 20 : i32
      %mul3A_1081 = arith.muli %mul3A_1079, %mul3A_1080 : i32
      %add3A_1082 = arith.constant 144 : i32
      %add3A_1083 = arith.addi %mul3A_1081, %add3A_1082 : i32
      %swap3A_1084 = arith.index_cast %add3A_1083 : i32 to index
      %swap3A_1085 = tpu.vector_load %arg22[%swap3A_1084] {strides = array<i32>} : memref<2560xf32, #tpu.memory_space<vmem>>, vector<16xf32>,
      tpu.vector_store %arg22[%swap3A_1084], %div3A_1077 {strides = array<i32>} : memref<2560xf32, #tpu.memory_space<vmem>>, vector<16xf32>,
      %add3A_1086 = arith.constant 1 : i32
      %add3A_1087 = arith.addi %mul3A_41, %add3A_1086 : i32
      %mul3A_1088 = arith.constant 8 : i32
      %mul3A_1089 = arith.muli %add3A_1087, %mul3A_1088 : i32
      %multiple_of3A_1090 = tpu.assume_multiple %mul3A_1089, 8 : i32
      %dma_wait3A_1091 = tpu.memref_slice %arg9[%multiple_of3A_1090] : memref<128xi32, #tpu.memory_space<vmem>> -> memref<8xi32, #tpu.memory_space<vmem>>
      %dma_wait3A_1092 = arith.constant 0 : i32
      %dma_wait3A_1093 = arith.constant 0 : i32
      %dma_wait3A_1094 = tpu.memref_slice %arg6[%dma_wait3A_1092, %dma_wait3A_1093] : memref<1000000x64xf32, #tpu.memory_space<hbm>> -> memref<1000000x64xf32, #tpu.memory_space<hbm>>
      tpu.wait_indirect_dma semaphore(%arg20 : memref<!tpu.dma_semaphore, #tpu.memory_space<semaphore_mem>>) src(%dma_wait3A_1094 : memref<1000000x64xf32, #tpu.memory_space<hbm>>) dst(%arg17 : memref<8x64xf32, #tpu.memory_space<vmem>>)
      %mul3A_1095 = arith.constant 50 : i32
      %mul3A_1096 = arith.muli %multiple_of3A_1090, %mul3A_1095 : i32
      %dma_wait3A_1097 = tpu.memref_slice %arg10[%mul3A_1096] : memref<6400xi32, #tpu.memory_space<vmem>> -> memref<400xi32, #tpu.memory_space<vmem>>
      %dma_wait3A_1098 = arith.constant 0 : i32
      %dma_wait3A_1099 = arith.constant 0 : i32
      %dma_wait3A_1100 = tpu.memref_slice %arg6[%dma_wait3A_1098, %dma_wait3A_1099] : memref<1000000x64xf32, #tpu.memory_space<hbm>> -> memref<1000000x64xf32, #tpu.memory_space<hbm>>
      tpu.wait_indirect_dma semaphore(%arg20 : memref<!tpu.dma_semaphore, #tpu.memory_space<semaphore_mem>>) src(%dma_wait3A_1100 : memref<1000000x64xf32, #tpu.memory_space<hbm>>) dst(%arg18 : memref<400x64xf32, #tpu.memory_space<vmem>>)
      %mul3A_1101 = arith.constant 20 : i32
      %mul3A_1102 = arith.muli %multiple_of3A_1090, %mul3A_1101 : i32
      %dma_wait3A_1103 = tpu.memref_slice %arg11[%mul3A_1102] : memref<2560xi32, #tpu.memory_space<vmem>> -> memref<160xi32, #tpu.memory_space<vmem>>
      %dma_wait3A_1104 = arith.constant 0 : i32
      %dma_wait3A_1105 = arith.constant 0 : i32
      %dma_wait3A_1106 = tpu.memref_slice %arg7[%dma_wait3A_1104, %dma_wait3A_1105] : memref<100000x64xf32, #tpu.memory_space<hbm>> -> memref<100000x64xf32, #tpu.memory_space<hbm>>
      tpu.wait_indirect_dma semaphore(%arg20 : memref<!tpu.dma_semaphore, #tpu.memory_space<semaphore_mem>>) src(%dma_wait3A_1106 : memref<100000x64xf32, #tpu.memory_space<hbm>>) dst(%arg19 : memref<160x64xf32, #tpu.memory_space<vmem>>)
      %add3A_1107 = arith.constant 1 : i32
      %add3A_1108 = arith.addi %scan3A_38, %add3A_1107 : i32
      %lt3A = arith.constant 8 : i32
      %lt3A_1109 = arith.cmpi slt, %add3A_1108, %lt3A : i32
      %convert_element_type3A = arith.extui %lt3A_1109 : i1 to i32
      %cond3A = arith.constant 0 : i32
      %cond3A_1110 = arith.cmpi ne, %convert_element_type3A, %cond3A : i32
      scf.if %cond3A_1110 {
        %add3A_2124 = arith.constant 2 : i32
        %add3A_2125 = arith.addi %mul3A_41, %add3A_2124 : i32
        %mul3A_2126 = arith.constant 8 : i32
        %mul3A_2127 = arith.muli %add3A_2125, %mul3A_2126 : i32
        %multiple_of3A_2128 = tpu.assume_multiple %mul3A_2127, 8 : i32
        %dma_start3A_2129 = tpu.memref_slice %arg9[%multiple_of3A_2128] : memref<128xi32, #tpu.memory_space<vmem>> -> memref<8xi32, #tpu.memory_space<vmem>>
        %dma_start3A_2130 = arith.constant 0 : i32
        %dma_start3A_2131 = arith.constant 0 : i32
        %dma_start3A_2132 = tpu.memref_slice %arg6[%dma_start3A_2130, %dma_start3A_2131] : memref<1000000x64xf32, #tpu.memory_space<hbm>> -> memref<1000000x64xf32, #tpu.memory_space<hbm>>
        tpu.enqueue_indirect_dma source(%dma_start3A_2132 : memref<1000000x64xf32, #tpu.memory_space<hbm>>) target(%arg13 : memref<8x64xf32, #tpu.memory_space<vmem>>) offsets(%dma_start3A_2129 : memref<8xi32, #tpu.memory_space<vmem>>) semaphore(%arg16 : memref<!tpu.dma_semaphore, #tpu.memory_space<semaphore_mem>>)
        %mul3A_2133 = arith.constant 50 : i32
        %mul3A_2134 = arith.muli %multiple_of3A_2128, %mul3A_2133 : i32
        %dma_start3A_2135 = tpu.memref_slice %arg10[%mul3A_2134] : memref<6400xi32, #tpu.memory_space<vmem>> -> memref<400xi32, #tpu.memory_space<vmem>>
        %dma_start3A_2136 = arith.constant 0 : i32
        %dma_start3A_2137 = arith.constant 0 : i32
        %dma_start3A_2138 = tpu.memref_slice %arg6[%dma_start3A_2136, %dma_start3A_2137] : memref<1000000x64xf32, #tpu.memory_space<hbm>> -> memref<1000000x64xf32, #tpu.memory_space<hbm>>
        tpu.enqueue_indirect_dma source(%dma_start3A_2138 : memref<1000000x64xf32, #tpu.memory_space<hbm>>) target(%arg14 : memref<400x64xf32, #tpu.memory_space<vmem>>) offsets(%dma_start3A_2135 : memref<400xi32, #tpu.memory_space<vmem>>) semaphore(%arg16 : memref<!tpu.dma_semaphore, #tpu.memory_space<semaphore_mem>>)
        %mul3A_2139 = arith.constant 20 : i32
        %mul3A_2140 = arith.muli %multiple_of3A_2128, %mul3A_2139 : i32
        %dma_start3A_2141 = tpu.memref_slice %arg11[%mul3A_2140] : memref<2560xi32, #tpu.memory_space<vmem>> -> memref<160xi32, #tpu.memory_space<vmem>>
        %dma_start3A_2142 = arith.constant 0 : i32
        %dma_start3A_2143 = arith.constant 0 : i32
        %dma_start3A_2144 = tpu.memref_slice %arg7[%dma_start3A_2142, %dma_start3A_2143] : memref<100000x64xf32, #tpu.memory_space<hbm>> -> memref<100000x64xf32, #tpu.memory_space<hbm>>
        tpu.enqueue_indirect_dma source(%dma_start3A_2144 : memref<100000x64xf32, #tpu.memory_space<hbm>>) target(%arg15 : memref<160x64xf32, #tpu.memory_space<vmem>>) offsets(%dma_start3A_2141 : memref<160xi32, #tpu.memory_space<vmem>>) semaphore(%arg16 : memref<!tpu.dma_semaphore, #tpu.memory_space<semaphore_mem>>)
      } else {
      }
      %add3A_1111 = arith.constant 1 : i32
      %add3A_1112 = arith.addi %mul3A_41, %add3A_1111 : i32
      %mul3A_1113 = arith.constant 8 : i32
      %mul3A_1114 = arith.muli %add3A_1112, %mul3A_1113 : i32
      %multiple_of3A_1115 = tpu.assume_multiple %mul3A_1114, 8 : i32
      %scan3A_1116 = arith.constant 0 : i32
      %scan3A_1117 = arith.constant 0 : i32
      %scan3A_1118 = arith.constant 8 : i32
      %scan3A_1119 = arith.addi %scan3A_1117, %scan3A_1118 : i32
      %scan3A_1120 = arith.constant 1 : i32
      %scan3A_1121 = scf.for %scan3A_2124 = %scan3A_1117 to %scan3A_1119 step %scan3A_1120 iter_args(%scan3A_2125 = %scan3A_1116) -> (i32)  : i32 {
        %add3A_2126 = arith.addi %multiple_of3A_1115, %scan3A_2124 : i32
        %broadcast_in_dim3A = vector.broadcast %add3A_2126 : i32 to vector<16xi32>
        %gather3A_2127 = tpu.vector_load_idx %arg12[%broadcast_in_dim3A] : memref<128xf32, #tpu.memory_space<vmem>>[vector<16xi32>], vector<16xf32>,
        %broadcast_in_dim3A_2128 = arith.constant 0.000000e+00 : f32
        %broadcast_in_dim3A_2129 = vector.broadcast %broadcast_in_dim3A_2128 : f32 to vector<16xf32>
        %broadcast_in_dim3A_2130 = arith.constant 0.000000e+00 : f32
        %broadcast_in_dim3A_2131 = vector.broadcast %broadcast_in_dim3A_2130 : f32 to vector<16xf32>
        %broadcast_in_dim3A_2132 = arith.constant 0.000000e+00 : f32
        %broadcast_in_dim3A_2133 = vector.broadcast %broadcast_in_dim3A_2132 : f32 to vector<16xf32>
        %broadcast_in_dim3A_2134 = arith.constant 0.000000e+00 : f32
        %broadcast_in_dim3A_2135 = vector.broadcast %broadcast_in_dim3A_2134 : f32 to vector<16xf32>
        %scan3A_2136 = arith.constant 0 : i32
        %scan3A_2137 = arith.constant 50 : i32
        %scan3A_2138 = arith.addi %scan3A_2136, %scan3A_2137 : i32
        %scan3A_2139 = arith.constant 10 : i32
        %scan3A_2140:4 = scf.for %scan3A_2702 = %scan3A_2136 to %scan3A_2138 step %scan3A_2139 iter_args(%scan3A_2703 = %broadcast_in_dim3A_2129, %scan3A_2704 = %broadcast_in_dim3A_2131, %scan3A_2705 = %broadcast_in_dim3A_2133, %scan3A_2706 = %broadcast_in_dim3A_2135) -> (vector<16xf32>, vector<16xf32>, vector<16xf32>, vector<16xf32>)  : i32 {
          %mul3A_2707 = arith.constant 50 : i32
          %mul3A_2708 = arith.muli %scan3A_2124, %mul3A_2707 : i32
          %add3A_2709 = arith.addi %mul3A_2708, %scan3A_2702 : i32
          %get3A_2710 = arith.index_cast %add3A_2709 : i32 to index
          %get3A_2711 = arith.constant 0 : index
          %get3A_2712 = tpu.vector_load %arg18[%get3A_2710, %get3A_2711] {strides = array<i32>} : memref<400x64xf32, #tpu.memory_space<vmem>>, vector<16xf32>,
          %add3A_2713 = arith.addf %scan3A_2703, %get3A_2712 : vector<16xf32>
          %get3A_2714 = arith.index_cast %add3A_2709 : i32 to index
          %get3A_2715 = arith.constant 16 : index
          %get3A_2716 = tpu.vector_load %arg18[%get3A_2714, %get3A_2715] {strides = array<i32>} : memref<400x64xf32, #tpu.memory_space<vmem>>, vector<16xf32>,
          %add3A_2717 = arith.addf %scan3A_2704, %get3A_2716 : vector<16xf32>
          %get3A_2718 = arith.index_cast %add3A_2709 : i32 to index
          %get3A_2719 = arith.constant 32 : index
          %get3A_2720 = tpu.vector_load %arg18[%get3A_2718, %get3A_2719] {strides = array<i32>} : memref<400x64xf32, #tpu.memory_space<vmem>>, vector<16xf32>,
          %add3A_2721 = arith.addf %scan3A_2705, %get3A_2720 : vector<16xf32>
          %get3A_2722 = arith.index_cast %add3A_2709 : i32 to index
          %get3A_2723 = arith.constant 48 : index
          %get3A_2724 = tpu.vector_load %arg18[%get3A_2722, %get3A_2723] {strides = array<i32>} : memref<400x64xf32, #tpu.memory_space<vmem>>, vector<16xf32>,
          %add3A_2725 = arith.addf %scan3A_2706, %get3A_2724 : vector<16xf32>
          %scan3A_2726 = arith.constant 1 : i32
          %scan3A_2727 = arith.addi %scan3A_2702, %scan3A_2726 : i32
          %mul3A_2728 = arith.constant 50 : i32
          %mul3A_2729 = arith.muli %scan3A_2124, %mul3A_2728 : i32
          %add3A_2730 = arith.addi %mul3A_2729, %scan3A_2727 : i32
          %get3A_2731 = arith.index_cast %add3A_2730 : i32 to index
          %get3A_2732 = arith.constant 0 : index
          %get3A_2733 = tpu.vector_load %arg18[%get3A_2731, %get3A_2732] {strides = array<i32>} : memref<400x64xf32, #tpu.memory_space<vmem>>, vector<16xf32>,
          %add3A_2734 = arith.addf %add3A_2713, %get3A_2733 : vector<16xf32>
          %get3A_2735 = arith.index_cast %add3A_2730 : i32 to index
          %get3A_2736 = arith.constant 16 : index
          %get3A_2737 = tpu.vector_load %arg18[%get3A_2735, %get3A_2736] {strides = array<i32>} : memref<400x64xf32, #tpu.memory_space<vmem>>, vector<16xf32>,
          %add3A_2738 = arith.addf %add3A_2717, %get3A_2737 : vector<16xf32>
          %get3A_2739 = arith.index_cast %add3A_2730 : i32 to index
          %get3A_2740 = arith.constant 32 : index
          %get3A_2741 = tpu.vector_load %arg18[%get3A_2739, %get3A_2740] {strides = array<i32>} : memref<400x64xf32, #tpu.memory_space<vmem>>, vector<16xf32>,
          %add3A_2742 = arith.addf %add3A_2721, %get3A_2741 : vector<16xf32>
          %get3A_2743 = arith.index_cast %add3A_2730 : i32 to index
          %get3A_2744 = arith.constant 48 : index
          %get3A_2745 = tpu.vector_load %arg18[%get3A_2743, %get3A_2744] {strides = array<i32>} : memref<400x64xf32, #tpu.memory_space<vmem>>, vector<16xf32>,
          %add3A_2746 = arith.addf %add3A_2725, %get3A_2745 : vector<16xf32>
          %scan3A_2747 = arith.constant 2 : i32
          %scan3A_2748 = arith.addi %scan3A_2702, %scan3A_2747 : i32
          %mul3A_2749 = arith.constant 50 : i32
          %mul3A_2750 = arith.muli %scan3A_2124, %mul3A_2749 : i32
          %add3A_2751 = arith.addi %mul3A_2750, %scan3A_2748 : i32
          %get3A_2752 = arith.index_cast %add3A_2751 : i32 to index
          %get3A_2753 = arith.constant 0 : index
          %get3A_2754 = tpu.vector_load %arg18[%get3A_2752, %get3A_2753] {strides = array<i32>} : memref<400x64xf32, #tpu.memory_space<vmem>>, vector<16xf32>,
          %add3A_2755 = arith.addf %add3A_2734, %get3A_2754 : vector<16xf32>
          %get3A_2756 = arith.index_cast %add3A_2751 : i32 to index
          %get3A_2757 = arith.constant 16 : index
          %get3A_2758 = tpu.vector_load %arg18[%get3A_2756, %get3A_2757] {strides = array<i32>} : memref<400x64xf32, #tpu.memory_space<vmem>>, vector<16xf32>,
          %add3A_2759 = arith.addf %add3A_2738, %get3A_2758 : vector<16xf32>
          %get3A_2760 = arith.index_cast %add3A_2751 : i32 to index
          %get3A_2761 = arith.constant 32 : index
          %get3A_2762 = tpu.vector_load %arg18[%get3A_2760, %get3A_2761] {strides = array<i32>} : memref<400x64xf32, #tpu.memory_space<vmem>>, vector<16xf32>,
          %add3A_2763 = arith.addf %add3A_2742, %get3A_2762 : vector<16xf32>
          %get3A_2764 = arith.index_cast %add3A_2751 : i32 to index
          %get3A_2765 = arith.constant 48 : index
          %get3A_2766 = tpu.vector_load %arg18[%get3A_2764, %get3A_2765] {strides = array<i32>} : memref<400x64xf32, #tpu.memory_space<vmem>>, vector<16xf32>,
          %add3A_2767 = arith.addf %add3A_2746, %get3A_2766 : vector<16xf32>
          %scan3A_2768 = arith.constant 3 : i32
          %scan3A_2769 = arith.addi %scan3A_2702, %scan3A_2768 : i32
          %mul3A_2770 = arith.constant 50 : i32
          %mul3A_2771 = arith.muli %scan3A_2124, %mul3A_2770 : i32
          %add3A_2772 = arith.addi %mul3A_2771, %scan3A_2769 : i32
          %get3A_2773 = arith.index_cast %add3A_2772 : i32 to index
          %get3A_2774 = arith.constant 0 : index
          %get3A_2775 = tpu.vector_load %arg18[%get3A_2773, %get3A_2774] {strides = array<i32>} : memref<400x64xf32, #tpu.memory_space<vmem>>, vector<16xf32>,
          %add3A_2776 = arith.addf %add3A_2755, %get3A_2775 : vector<16xf32>
          %get3A_2777 = arith.index_cast %add3A_2772 : i32 to index
          %get3A_2778 = arith.constant 16 : index
          %get3A_2779 = tpu.vector_load %arg18[%get3A_2777, %get3A_2778] {strides = array<i32>} : memref<400x64xf32, #tpu.memory_space<vmem>>, vector<16xf32>,
          %add3A_2780 = arith.addf %add3A_2759, %get3A_2779 : vector<16xf32>
          %get3A_2781 = arith.index_cast %add3A_2772 : i32 to index
          %get3A_2782 = arith.constant 32 : index
          %get3A_2783 = tpu.vector_load %arg18[%get3A_2781, %get3A_2782] {strides = array<i32>} : memref<400x64xf32, #tpu.memory_space<vmem>>, vector<16xf32>,
          %add3A_2784 = arith.addf %add3A_2763, %get3A_2783 : vector<16xf32>
          %get3A_2785 = arith.index_cast %add3A_2772 : i32 to index
          %get3A_2786 = arith.constant 48 : index
          %get3A_2787 = tpu.vector_load %arg18[%get3A_2785, %get3A_2786] {strides = array<i32>} : memref<400x64xf32, #tpu.memory_space<vmem>>, vector<16xf32>,
          %add3A_2788 = arith.addf %add3A_2767, %get3A_2787 : vector<16xf32>
          %scan3A_2789 = arith.constant 4 : i32
          %scan3A_2790 = arith.addi %scan3A_2702, %scan3A_2789 : i32
          %mul3A_2791 = arith.constant 50 : i32
          %mul3A_2792 = arith.muli %scan3A_2124, %mul3A_2791 : i32
          %add3A_2793 = arith.addi %mul3A_2792, %scan3A_2790 : i32
          %get3A_2794 = arith.index_cast %add3A_2793 : i32 to index
          %get3A_2795 = arith.constant 0 : index
          %get3A_2796 = tpu.vector_load %arg18[%get3A_2794, %get3A_2795] {strides = array<i32>} : memref<400x64xf32, #tpu.memory_space<vmem>>, vector<16xf32>,
          %add3A_2797 = arith.addf %add3A_2776, %get3A_2796 : vector<16xf32>
          %get3A_2798 = arith.index_cast %add3A_2793 : i32 to index
          %get3A_2799 = arith.constant 16 : index
          %get3A_2800 = tpu.vector_load %arg18[%get3A_2798, %get3A_2799] {strides = array<i32>} : memref<400x64xf32, #tpu.memory_space<vmem>>, vector<16xf32>,
          %add3A_2801 = arith.addf %add3A_2780, %get3A_2800 : vector<16xf32>
          %get3A_2802 = arith.index_cast %add3A_2793 : i32 to index
          %get3A_2803 = arith.constant 32 : index
          %get3A_2804 = tpu.vector_load %arg18[%get3A_2802, %get3A_2803] {strides = array<i32>} : memref<400x64xf32, #tpu.memory_space<vmem>>, vector<16xf32>,
          %add3A_2805 = arith.addf %add3A_2784, %get3A_2804 : vector<16xf32>
          %get3A_2806 = arith.index_cast %add3A_2793 : i32 to index
          %get3A_2807 = arith.constant 48 : index
          %get3A_2808 = tpu.vector_load %arg18[%get3A_2806, %get3A_2807] {strides = array<i32>} : memref<400x64xf32, #tpu.memory_space<vmem>>, vector<16xf32>,
          %add3A_2809 = arith.addf %add3A_2788, %get3A_2808 : vector<16xf32>
          %scan3A_2810 = arith.constant 5 : i32
          %scan3A_2811 = arith.addi %scan3A_2702, %scan3A_2810 : i32
          %mul3A_2812 = arith.constant 50 : i32
          %mul3A_2813 = arith.muli %scan3A_2124, %mul3A_2812 : i32
          %add3A_2814 = arith.addi %mul3A_2813, %scan3A_2811 : i32
          %get3A_2815 = arith.index_cast %add3A_2814 : i32 to index
          %get3A_2816 = arith.constant 0 : index
          %get3A_2817 = tpu.vector_load %arg18[%get3A_2815, %get3A_2816] {strides = array<i32>} : memref<400x64xf32, #tpu.memory_space<vmem>>, vector<16xf32>,
          %add3A_2818 = arith.addf %add3A_2797, %get3A_2817 : vector<16xf32>
          %get3A_2819 = arith.index_cast %add3A_2814 : i32 to index
          %get3A_2820 = arith.constant 16 : index
          %get3A_2821 = tpu.vector_load %arg18[%get3A_2819, %get3A_2820] {strides = array<i32>} : memref<400x64xf32, #tpu.memory_space<vmem>>, vector<16xf32>,
          %add3A_2822 = arith.addf %add3A_2801, %get3A_2821 : vector<16xf32>
          %get3A_2823 = arith.index_cast %add3A_2814 : i32 to index
          %get3A_2824 = arith.constant 32 : index
          %get3A_2825 = tpu.vector_load %arg18[%get3A_2823, %get3A_2824] {strides = array<i32>} : memref<400x64xf32, #tpu.memory_space<vmem>>, vector<16xf32>,
          %add3A_2826 = arith.addf %add3A_2805, %get3A_2825 : vector<16xf32>
          %get3A_2827 = arith.index_cast %add3A_2814 : i32 to index
          %get3A_2828 = arith.constant 48 : index
          %get3A_2829 = tpu.vector_load %arg18[%get3A_2827, %get3A_2828] {strides = array<i32>} : memref<400x64xf32, #tpu.memory_space<vmem>>, vector<16xf32>,
          %add3A_2830 = arith.addf %add3A_2809, %get3A_2829 : vector<16xf32>
          %scan3A_2831 = arith.constant 6 : i32
          %scan3A_2832 = arith.addi %scan3A_2702, %scan3A_2831 : i32
          %mul3A_2833 = arith.constant 50 : i32
          %mul3A_2834 = arith.muli %scan3A_2124, %mul3A_2833 : i32
          %add3A_2835 = arith.addi %mul3A_2834, %scan3A_2832 : i32
          %get3A_2836 = arith.index_cast %add3A_2835 : i32 to index
          %get3A_2837 = arith.constant 0 : index
          %get3A_2838 = tpu.vector_load %arg18[%get3A_2836, %get3A_2837] {strides = array<i32>} : memref<400x64xf32, #tpu.memory_space<vmem>>, vector<16xf32>,
          %add3A_2839 = arith.addf %add3A_2818, %get3A_2838 : vector<16xf32>
          %get3A_2840 = arith.index_cast %add3A_2835 : i32 to index
          %get3A_2841 = arith.constant 16 : index
          %get3A_2842 = tpu.vector_load %arg18[%get3A_2840, %get3A_2841] {strides = array<i32>} : memref<400x64xf32, #tpu.memory_space<vmem>>, vector<16xf32>,
          %add3A_2843 = arith.addf %add3A_2822, %get3A_2842 : vector<16xf32>
          %get3A_2844 = arith.index_cast %add3A_2835 : i32 to index
          %get3A_2845 = arith.constant 32 : index
          %get3A_2846 = tpu.vector_load %arg18[%get3A_2844, %get3A_2845] {strides = array<i32>} : memref<400x64xf32, #tpu.memory_space<vmem>>, vector<16xf32>,
          %add3A_2847 = arith.addf %add3A_2826, %get3A_2846 : vector<16xf32>
          %get3A_2848 = arith.index_cast %add3A_2835 : i32 to index
          %get3A_2849 = arith.constant 48 : index
          %get3A_2850 = tpu.vector_load %arg18[%get3A_2848, %get3A_2849] {strides = array<i32>} : memref<400x64xf32, #tpu.memory_space<vmem>>, vector<16xf32>,
          %add3A_2851 = arith.addf %add3A_2830, %get3A_2850 : vector<16xf32>
          %scan3A_2852 = arith.constant 7 : i32
          %scan3A_2853 = arith.addi %scan3A_2702, %scan3A_2852 : i32
          %mul3A_2854 = arith.constant 50 : i32
          %mul3A_2855 = arith.muli %scan3A_2124, %mul3A_2854 : i32
          %add3A_2856 = arith.addi %mul3A_2855, %scan3A_2853 : i32
          %get3A_2857 = arith.index_cast %add3A_2856 : i32 to index
          %get3A_2858 = arith.constant 0 : index
          %get3A_2859 = tpu.vector_load %arg18[%get3A_2857, %get3A_2858] {strides = array<i32>} : memref<400x64xf32, #tpu.memory_space<vmem>>, vector<16xf32>,
          %add3A_2860 = arith.addf %add3A_2839, %get3A_2859 : vector<16xf32>
          %get3A_2861 = arith.index_cast %add3A_2856 : i32 to index
          %get3A_2862 = arith.constant 16 : index
          %get3A_2863 = tpu.vector_load %arg18[%get3A_2861, %get3A_2862] {strides = array<i32>} : memref<400x64xf32, #tpu.memory_space<vmem>>, vector<16xf32>,
          %add3A_2864 = arith.addf %add3A_2843, %get3A_2863 : vector<16xf32>
          %get3A_2865 = arith.index_cast %add3A_2856 : i32 to index
          %get3A_2866 = arith.constant 32 : index
          %get3A_2867 = tpu.vector_load %arg18[%get3A_2865, %get3A_2866] {strides = array<i32>} : memref<400x64xf32, #tpu.memory_space<vmem>>, vector<16xf32>,
          %add3A_2868 = arith.addf %add3A_2847, %get3A_2867 : vector<16xf32>
          %get3A_2869 = arith.index_cast %add3A_2856 : i32 to index
          %get3A_2870 = arith.constant 48 : index
          %get3A_2871 = tpu.vector_load %arg18[%get3A_2869, %get3A_2870] {strides = array<i32>} : memref<400x64xf32, #tpu.memory_space<vmem>>, vector<16xf32>,
          %add3A_2872 = arith.addf %add3A_2851, %get3A_2871 : vector<16xf32>
          %scan3A_2873 = arith.constant 8 : i32
          %scan3A_2874 = arith.addi %scan3A_2702, %scan3A_2873 : i32
          %mul3A_2875 = arith.constant 50 : i32
          %mul3A_2876 = arith.muli %scan3A_2124, %mul3A_2875 : i32
          %add3A_2877 = arith.addi %mul3A_2876, %scan3A_2874 : i32
          %get3A_2878 = arith.index_cast %add3A_2877 : i32 to index
          %get3A_2879 = arith.constant 0 : index
          %get3A_2880 = tpu.vector_load %arg18[%get3A_2878, %get3A_2879] {strides = array<i32>} : memref<400x64xf32, #tpu.memory_space<vmem>>, vector<16xf32>,
          %add3A_2881 = arith.addf %add3A_2860, %get3A_2880 : vector<16xf32>
          %get3A_2882 = arith.index_cast %add3A_2877 : i32 to index
          %get3A_2883 = arith.constant 16 : index
          %get3A_2884 = tpu.vector_load %arg18[%get3A_2882, %get3A_2883] {strides = array<i32>} : memref<400x64xf32, #tpu.memory_space<vmem>>, vector<16xf32>,
          %add3A_2885 = arith.addf %add3A_2864, %get3A_2884 : vector<16xf32>
          %get3A_2886 = arith.index_cast %add3A_2877 : i32 to index
          %get3A_2887 = arith.constant 32 : index
          %get3A_2888 = tpu.vector_load %arg18[%get3A_2886, %get3A_2887] {strides = array<i32>} : memref<400x64xf32, #tpu.memory_space<vmem>>, vector<16xf32>,
          %add3A_2889 = arith.addf %add3A_2868, %get3A_2888 : vector<16xf32>
          %get3A_2890 = arith.index_cast %add3A_2877 : i32 to index
          %get3A_2891 = arith.constant 48 : index
          %get3A_2892 = tpu.vector_load %arg18[%get3A_2890, %get3A_2891] {strides = array<i32>} : memref<400x64xf32, #tpu.memory_space<vmem>>, vector<16xf32>,
          %add3A_2893 = arith.addf %add3A_2872, %get3A_2892 : vector<16xf32>
          %scan3A_2894 = arith.constant 9 : i32
          %scan3A_2895 = arith.addi %scan3A_2702, %scan3A_2894 : i32
          %mul3A_2896 = arith.constant 50 : i32
          %mul3A_2897 = arith.muli %scan3A_2124, %mul3A_2896 : i32
          %add3A_2898 = arith.addi %mul3A_2897, %scan3A_2895 : i32
          %get3A_2899 = arith.index_cast %add3A_2898 : i32 to index
          %get3A_2900 = arith.constant 0 : index
          %get3A_2901 = tpu.vector_load %arg18[%get3A_2899, %get3A_2900] {strides = array<i32>} : memref<400x64xf32, #tpu.memory_space<vmem>>, vector<16xf32>,
          %add3A_2902 = arith.addf %add3A_2881, %get3A_2901 : vector<16xf32>
          %get3A_2903 = arith.index_cast %add3A_2898 : i32 to index
          %get3A_2904 = arith.constant 16 : index
          %get3A_2905 = tpu.vector_load %arg18[%get3A_2903, %get3A_2904] {strides = array<i32>} : memref<400x64xf32, #tpu.memory_space<vmem>>, vector<16xf32>,
          %add3A_2906 = arith.addf %add3A_2885, %get3A_2905 : vector<16xf32>
          %get3A_2907 = arith.index_cast %add3A_2898 : i32 to index
          %get3A_2908 = arith.constant 32 : index
          %get3A_2909 = tpu.vector_load %arg18[%get3A_2907, %get3A_2908] {strides = array<i32>} : memref<400x64xf32, #tpu.memory_space<vmem>>, vector<16xf32>,
          %add3A_2910 = arith.addf %add3A_2889, %get3A_2909 : vector<16xf32>
          %get3A_2911 = arith.index_cast %add3A_2898 : i32 to index
          %get3A_2912 = arith.constant 48 : index
          %get3A_2913 = tpu.vector_load %arg18[%get3A_2911, %get3A_2912] {strides = array<i32>} : memref<400x64xf32, #tpu.memory_space<vmem>>, vector<16xf32>,
          %add3A_2914 = arith.addf %add3A_2893, %get3A_2913 : vector<16xf32>
          scf.yield %add3A_2902, %add3A_2906, %add3A_2910, %add3A_2914 : vector<16xf32>, vector<16xf32>, vector<16xf32>, vector<16xf32>
        }
        %scan3A_2141 = arith.constant 50 : i32
        %get3A = arith.index_cast %scan3A_2124 : i32 to index
        %get3A_2142 = arith.constant 0 : index
        %get3A_2143 = tpu.vector_load %arg17[%get3A, %get3A_2142] {strides = array<i32>} : memref<8x64xf32, #tpu.memory_space<vmem>>, vector<16xf32>,
        %mul3A_2144 = arith.mulf %scan3A_2140#0, %gather3A_2127 : vector<16xf32>
        %add3A_2145 = arith.addf %get3A_2143, %mul3A_2144 : vector<16xf32>
        %get3A_2146 = arith.index_cast %scan3A_2124 : i32 to index
        %get3A_2147 = arith.constant 16 : index
        %get3A_2148 = tpu.vector_load %arg17[%get3A_2146, %get3A_2147] {strides = array<i32>} : memref<8x64xf32, #tpu.memory_space<vmem>>, vector<16xf32>,
        %mul3A_2149 = arith.mulf %scan3A_2140#1, %gather3A_2127 : vector<16xf32>
        %add3A_2150 = arith.addf %get3A_2148, %mul3A_2149 : vector<16xf32>
        %get3A_2151 = arith.index_cast %scan3A_2124 : i32 to index
        %get3A_2152 = arith.constant 32 : index
        %get3A_2153 = tpu.vector_load %arg17[%get3A_2151, %get3A_2152] {strides = array<i32>} : memref<8x64xf32, #tpu.memory_space<vmem>>, vector<16xf32>,
        %mul3A_2154 = arith.mulf %scan3A_2140#2, %gather3A_2127 : vector<16xf32>
        %add3A_2155 = arith.addf %get3A_2153, %mul3A_2154 : vector<16xf32>
        %get3A_2156 = arith.index_cast %scan3A_2124 : i32 to index
        %get3A_2157 = arith.constant 48 : index
        %get3A_2158 = tpu.vector_load %arg17[%get3A_2156, %get3A_2157] {strides = array<i32>} : memref<8x64xf32, #tpu.memory_space<vmem>>, vector<16xf32>,
        %mul3A_2159 = arith.mulf %scan3A_2140#3, %gather3A_2127 : vector<16xf32>
        %add3A_2160 = arith.addf %get3A_2158, %mul3A_2159 : vector<16xf32>
        %mul3A_2161 = arith.constant 20 : i32
        %mul3A_2162 = arith.muli %scan3A_2124, %mul3A_2161 : i32
        %add3A_2163 = arith.constant 0 : i32
        %add3A_2164 = arith.addi %mul3A_2162, %add3A_2163 : i32
        %get3A_2165 = arith.index_cast %add3A_2164 : i32 to index
        %get3A_2166 = arith.constant 0 : index
        %get3A_2167 = tpu.vector_load %arg19[%get3A_2165, %get3A_2166] {strides = array<i32>} : memref<160x64xf32, #tpu.memory_space<vmem>>, vector<16xf32>,
        %mul3A_2168 = arith.mulf %add3A_2145, %get3A_2167 : vector<16xf32>
        %get3A_2169 = arith.index_cast %add3A_2164 : i32 to index
        %get3A_2170 = arith.constant 16 : index
        %get3A_2171 = tpu.vector_load %arg19[%get3A_2169, %get3A_2170] {strides = array<i32>} : memref<160x64xf32, #tpu.memory_space<vmem>>, vector<16xf32>,
        %mul3A_2172 = arith.mulf %add3A_2150, %get3A_2171 : vector<16xf32>
        %add3A_2173 = arith.addf %mul3A_2168, %mul3A_2172 : vector<16xf32>
        %get3A_2174 = arith.index_cast %add3A_2164 : i32 to index
        %get3A_2175 = arith.constant 32 : index
        %get3A_2176 = tpu.vector_load %arg19[%get3A_2174, %get3A_2175] {strides = array<i32>} : memref<160x64xf32, #tpu.memory_space<vmem>>, vector<16xf32>,
        %mul3A_2177 = arith.mulf %add3A_2155, %get3A_2176 : vector<16xf32>
        %add3A_2178 = arith.addf %add3A_2173, %mul3A_2177 : vector<16xf32>
        %get3A_2179 = arith.index_cast %add3A_2164 : i32 to index
        %get3A_2180 = arith.constant 48 : index
        %get3A_2181 = tpu.vector_load %arg19[%get3A_2179, %get3A_2180] {strides = array<i32>} : memref<160x64xf32, #tpu.memory_space<vmem>>, vector<16xf32>,
        %mul3A_2182 = arith.mulf %add3A_2160, %get3A_2181 : vector<16xf32>
        %add3A_2183 = arith.addf %add3A_2178, %mul3A_2182 : vector<16xf32>
        %mul3A_2184 = arith.constant 16 : i32
        %mul3A_2185 = arith.muli %add3A_2164, %mul3A_2184 : i32
        %swap3A_2186 = arith.index_cast %mul3A_2185 : i32 to index
        %swap3A_2187 = tpu.vector_load %arg21[%swap3A_2186] {strides = array<i32>} : memref<2560xf32, #tpu.memory_space<vmem>>, vector<16xf32>,
        tpu.vector_store %arg21[%swap3A_2186], %add3A_2183 {strides = array<i32>} : memref<2560xf32, #tpu.memory_space<vmem>>, vector<16xf32>,
        %mul3A_2188 = arith.constant 20 : i32
        %mul3A_2189 = arith.muli %scan3A_2124, %mul3A_2188 : i32
        %add3A_2190 = arith.constant 1 : i32
        %add3A_2191 = arith.addi %mul3A_2189, %add3A_2190 : i32
        %get3A_2192 = arith.index_cast %add3A_2191 : i32 to index
        %get3A_2193 = arith.constant 0 : index
        %get3A_2194 = tpu.vector_load %arg19[%get3A_2192, %get3A_2193] {strides = array<i32>} : memref<160x64xf32, #tpu.memory_space<vmem>>, vector<16xf32>,
        %mul3A_2195 = arith.mulf %add3A_2145, %get3A_2194 : vector<16xf32>
        %get3A_2196 = arith.index_cast %add3A_2191 : i32 to index
        %get3A_2197 = arith.constant 16 : index
        %get3A_2198 = tpu.vector_load %arg19[%get3A_2196, %get3A_2197] {strides = array<i32>} : memref<160x64xf32, #tpu.memory_space<vmem>>, vector<16xf32>,
        %mul3A_2199 = arith.mulf %add3A_2150, %get3A_2198 : vector<16xf32>
        %add3A_2200 = arith.addf %mul3A_2195, %mul3A_2199 : vector<16xf32>
        %get3A_2201 = arith.index_cast %add3A_2191 : i32 to index
        %get3A_2202 = arith.constant 32 : index
        %get3A_2203 = tpu.vector_load %arg19[%get3A_2201, %get3A_2202] {strides = array<i32>} : memref<160x64xf32, #tpu.memory_space<vmem>>, vector<16xf32>,
        %mul3A_2204 = arith.mulf %add3A_2155, %get3A_2203 : vector<16xf32>
        %add3A_2205 = arith.addf %add3A_2200, %mul3A_2204 : vector<16xf32>
        %get3A_2206 = arith.index_cast %add3A_2191 : i32 to index
        %get3A_2207 = arith.constant 48 : index
        %get3A_2208 = tpu.vector_load %arg19[%get3A_2206, %get3A_2207] {strides = array<i32>} : memref<160x64xf32, #tpu.memory_space<vmem>>, vector<16xf32>,
        %mul3A_2209 = arith.mulf %add3A_2160, %get3A_2208 : vector<16xf32>
        %add3A_2210 = arith.addf %add3A_2205, %mul3A_2209 : vector<16xf32>
        %mul3A_2211 = arith.constant 16 : i32
        %mul3A_2212 = arith.muli %add3A_2191, %mul3A_2211 : i32
        %swap3A_2213 = arith.index_cast %mul3A_2212 : i32 to index
        %swap3A_2214 = tpu.vector_load %arg21[%swap3A_2213] {strides = array<i32>} : memref<2560xf32, #tpu.memory_space<vmem>>, vector<16xf32>,
        tpu.vector_store %arg21[%swap3A_2213], %add3A_2210 {strides = array<i32>} : memref<2560xf32, #tpu.memory_space<vmem>>, vector<16xf32>,
        %mul3A_2215 = arith.constant 20 : i32
        %mul3A_2216 = arith.muli %scan3A_2124, %mul3A_2215 : i32
        %add3A_2217 = arith.constant 2 : i32
        %add3A_2218 = arith.addi %mul3A_2216, %add3A_2217 : i32
        %get3A_2219 = arith.index_cast %add3A_2218 : i32 to index
        %get3A_2220 = arith.constant 0 : index
        %get3A_2221 = tpu.vector_load %arg19[%get3A_2219, %get3A_2220] {strides = array<i32>} : memref<160x64xf32, #tpu.memory_space<vmem>>, vector<16xf32>,
        %mul3A_2222 = arith.mulf %add3A_2145, %get3A_2221 : vector<16xf32>
        %get3A_2223 = arith.index_cast %add3A_2218 : i32 to index
        %get3A_2224 = arith.constant 16 : index
        %get3A_2225 = tpu.vector_load %arg19[%get3A_2223, %get3A_2224] {strides = array<i32>} : memref<160x64xf32, #tpu.memory_space<vmem>>, vector<16xf32>,
        %mul3A_2226 = arith.mulf %add3A_2150, %get3A_2225 : vector<16xf32>
        %add3A_2227 = arith.addf %mul3A_2222, %mul3A_2226 : vector<16xf32>
        %get3A_2228 = arith.index_cast %add3A_2218 : i32 to index
        %get3A_2229 = arith.constant 32 : index
        %get3A_2230 = tpu.vector_load %arg19[%get3A_2228, %get3A_2229] {strides = array<i32>} : memref<160x64xf32, #tpu.memory_space<vmem>>, vector<16xf32>,
        %mul3A_2231 = arith.mulf %add3A_2155, %get3A_2230 : vector<16xf32>
        %add3A_2232 = arith.addf %add3A_2227, %mul3A_2231 : vector<16xf32>
        %get3A_2233 = arith.index_cast %add3A_2218 : i32 to index
        %get3A_2234 = arith.constant 48 : index
        %get3A_2235 = tpu.vector_load %arg19[%get3A_2233, %get3A_2234] {strides = array<i32>} : memref<160x64xf32, #tpu.memory_space<vmem>>, vector<16xf32>,
        %mul3A_2236 = arith.mulf %add3A_2160, %get3A_2235 : vector<16xf32>
        %add3A_2237 = arith.addf %add3A_2232, %mul3A_2236 : vector<16xf32>
        %mul3A_2238 = arith.constant 16 : i32
        %mul3A_2239 = arith.muli %add3A_2218, %mul3A_2238 : i32
        %swap3A_2240 = arith.index_cast %mul3A_2239 : i32 to index
        %swap3A_2241 = tpu.vector_load %arg21[%swap3A_2240] {strides = array<i32>} : memref<2560xf32, #tpu.memory_space<vmem>>, vector<16xf32>,
        tpu.vector_store %arg21[%swap3A_2240], %add3A_2237 {strides = array<i32>} : memref<2560xf32, #tpu.memory_space<vmem>>, vector<16xf32>,
        %mul3A_2242 = arith.constant 20 : i32
        %mul3A_2243 = arith.muli %scan3A_2124, %mul3A_2242 : i32
        %add3A_2244 = arith.constant 3 : i32
        %add3A_2245 = arith.addi %mul3A_2243, %add3A_2244 : i32
        %get3A_2246 = arith.index_cast %add3A_2245 : i32 to index
        %get3A_2247 = arith.constant 0 : index
        %get3A_2248 = tpu.vector_load %arg19[%get3A_2246, %get3A_2247] {strides = array<i32>} : memref<160x64xf32, #tpu.memory_space<vmem>>, vector<16xf32>,
        %mul3A_2249 = arith.mulf %add3A_2145, %get3A_2248 : vector<16xf32>
        %get3A_2250 = arith.index_cast %add3A_2245 : i32 to index
        %get3A_2251 = arith.constant 16 : index
        %get3A_2252 = tpu.vector_load %arg19[%get3A_2250, %get3A_2251] {strides = array<i32>} : memref<160x64xf32, #tpu.memory_space<vmem>>, vector<16xf32>,
        %mul3A_2253 = arith.mulf %add3A_2150, %get3A_2252 : vector<16xf32>
        %add3A_2254 = arith.addf %mul3A_2249, %mul3A_2253 : vector<16xf32>
        %get3A_2255 = arith.index_cast %add3A_2245 : i32 to index
        %get3A_2256 = arith.constant 32 : index
        %get3A_2257 = tpu.vector_load %arg19[%get3A_2255, %get3A_2256] {strides = array<i32>} : memref<160x64xf32, #tpu.memory_space<vmem>>, vector<16xf32>,
        %mul3A_2258 = arith.mulf %add3A_2155, %get3A_2257 : vector<16xf32>
        %add3A_2259 = arith.addf %add3A_2254, %mul3A_2258 : vector<16xf32>
        %get3A_2260 = arith.index_cast %add3A_2245 : i32 to index
        %get3A_2261 = arith.constant 48 : index
        %get3A_2262 = tpu.vector_load %arg19[%get3A_2260, %get3A_2261] {strides = array<i32>} : memref<160x64xf32, #tpu.memory_space<vmem>>, vector<16xf32>,
        %mul3A_2263 = arith.mulf %add3A_2160, %get3A_2262 : vector<16xf32>
        %add3A_2264 = arith.addf %add3A_2259, %mul3A_2263 : vector<16xf32>
        %mul3A_2265 = arith.constant 16 : i32
        %mul3A_2266 = arith.muli %add3A_2245, %mul3A_2265 : i32
        %swap3A_2267 = arith.index_cast %mul3A_2266 : i32 to index
        %swap3A_2268 = tpu.vector_load %arg21[%swap3A_2267] {strides = array<i32>} : memref<2560xf32, #tpu.memory_space<vmem>>, vector<16xf32>,
        tpu.vector_store %arg21[%swap3A_2267], %add3A_2264 {strides = array<i32>} : memref<2560xf32, #tpu.memory_space<vmem>>, vector<16xf32>,
        %mul3A_2269 = arith.constant 20 : i32
        %mul3A_2270 = arith.muli %scan3A_2124, %mul3A_2269 : i32
        %add3A_2271 = arith.constant 4 : i32
        %add3A_2272 = arith.addi %mul3A_2270, %add3A_2271 : i32
        %get3A_2273 = arith.index_cast %add3A_2272 : i32 to index
        %get3A_2274 = arith.constant 0 : index
        %get3A_2275 = tpu.vector_load %arg19[%get3A_2273, %get3A_2274] {strides = array<i32>} : memref<160x64xf32, #tpu.memory_space<vmem>>, vector<16xf32>,
        %mul3A_2276 = arith.mulf %add3A_2145, %get3A_2275 : vector<16xf32>
        %get3A_2277 = arith.index_cast %add3A_2272 : i32 to index
        %get3A_2278 = arith.constant 16 : index
        %get3A_2279 = tpu.vector_load %arg19[%get3A_2277, %get3A_2278] {strides = array<i32>} : memref<160x64xf32, #tpu.memory_space<vmem>>, vector<16xf32>,
        %mul3A_2280 = arith.mulf %add3A_2150, %get3A_2279 : vector<16xf32>
        %add3A_2281 = arith.addf %mul3A_2276, %mul3A_2280 : vector<16xf32>
        %get3A_2282 = arith.index_cast %add3A_2272 : i32 to index
        %get3A_2283 = arith.constant 32 : index
        %get3A_2284 = tpu.vector_load %arg19[%get3A_2282, %get3A_2283] {strides = array<i32>} : memref<160x64xf32, #tpu.memory_space<vmem>>, vector<16xf32>,
        %mul3A_2285 = arith.mulf %add3A_2155, %get3A_2284 : vector<16xf32>
        %add3A_2286 = arith.addf %add3A_2281, %mul3A_2285 : vector<16xf32>
        %get3A_2287 = arith.index_cast %add3A_2272 : i32 to index
        %get3A_2288 = arith.constant 48 : index
        %get3A_2289 = tpu.vector_load %arg19[%get3A_2287, %get3A_2288] {strides = array<i32>} : memref<160x64xf32, #tpu.memory_space<vmem>>, vector<16xf32>,
        %mul3A_2290 = arith.mulf %add3A_2160, %get3A_2289 : vector<16xf32>
        %add3A_2291 = arith.addf %add3A_2286, %mul3A_2290 : vector<16xf32>
        %mul3A_2292 = arith.constant 16 : i32
        %mul3A_2293 = arith.muli %add3A_2272, %mul3A_2292 : i32
        %swap3A_2294 = arith.index_cast %mul3A_2293 : i32 to index
        %swap3A_2295 = tpu.vector_load %arg21[%swap3A_2294] {strides = array<i32>} : memref<2560xf32, #tpu.memory_space<vmem>>, vector<16xf32>,
        tpu.vector_store %arg21[%swap3A_2294], %add3A_2291 {strides = array<i32>} : memref<2560xf32, #tpu.memory_space<vmem>>, vector<16xf32>,
        %mul3A_2296 = arith.constant 20 : i32
        %mul3A_2297 = arith.muli %scan3A_2124, %mul3A_2296 : i32
        %add3A_2298 = arith.constant 5 : i32
        %add3A_2299 = arith.addi %mul3A_2297, %add3A_2298 : i32
        %get3A_2300 = arith.index_cast %add3A_2299 : i32 to index
        %get3A_2301 = arith.constant 0 : index
        %get3A_2302 = tpu.vector_load %arg19[%get3A_2300, %get3A_2301] {strides = array<i32>} : memref<160x64xf32, #tpu.memory_space<vmem>>, vector<16xf32>,
        %mul3A_2303 = arith.mulf %add3A_2145, %get3A_2302 : vector<16xf32>
        %get3A_2304 = arith.index_cast %add3A_2299 : i32 to index
        %get3A_2305 = arith.constant 16 : index
        %get3A_2306 = tpu.vector_load %arg19[%get3A_2304, %get3A_2305] {strides = array<i32>} : memref<160x64xf32, #tpu.memory_space<vmem>>, vector<16xf32>,
        %mul3A_2307 = arith.mulf %add3A_2150, %get3A_2306 : vector<16xf32>
        %add3A_2308 = arith.addf %mul3A_2303, %mul3A_2307 : vector<16xf32>
        %get3A_2309 = arith.index_cast %add3A_2299 : i32 to index
        %get3A_2310 = arith.constant 32 : index
        %get3A_2311 = tpu.vector_load %arg19[%get3A_2309, %get3A_2310] {strides = array<i32>} : memref<160x64xf32, #tpu.memory_space<vmem>>, vector<16xf32>,
        %mul3A_2312 = arith.mulf %add3A_2155, %get3A_2311 : vector<16xf32>
        %add3A_2313 = arith.addf %add3A_2308, %mul3A_2312 : vector<16xf32>
        %get3A_2314 = arith.index_cast %add3A_2299 : i32 to index
        %get3A_2315 = arith.constant 48 : index
        %get3A_2316 = tpu.vector_load %arg19[%get3A_2314, %get3A_2315] {strides = array<i32>} : memref<160x64xf32, #tpu.memory_space<vmem>>, vector<16xf32>,
        %mul3A_2317 = arith.mulf %add3A_2160, %get3A_2316 : vector<16xf32>
        %add3A_2318 = arith.addf %add3A_2313, %mul3A_2317 : vector<16xf32>
        %mul3A_2319 = arith.constant 16 : i32
        %mul3A_2320 = arith.muli %add3A_2299, %mul3A_2319 : i32
        %swap3A_2321 = arith.index_cast %mul3A_2320 : i32 to index
        %swap3A_2322 = tpu.vector_load %arg21[%swap3A_2321] {strides = array<i32>} : memref<2560xf32, #tpu.memory_space<vmem>>, vector<16xf32>,
        tpu.vector_store %arg21[%swap3A_2321], %add3A_2318 {strides = array<i32>} : memref<2560xf32, #tpu.memory_space<vmem>>, vector<16xf32>,
        %mul3A_2323 = arith.constant 20 : i32
        %mul3A_2324 = arith.muli %scan3A_2124, %mul3A_2323 : i32
        %add3A_2325 = arith.constant 6 : i32
        %add3A_2326 = arith.addi %mul3A_2324, %add3A_2325 : i32
        %get3A_2327 = arith.index_cast %add3A_2326 : i32 to index
        %get3A_2328 = arith.constant 0 : index
        %get3A_2329 = tpu.vector_load %arg19[%get3A_2327, %get3A_2328] {strides = array<i32>} : memref<160x64xf32, #tpu.memory_space<vmem>>, vector<16xf32>,
        %mul3A_2330 = arith.mulf %add3A_2145, %get3A_2329 : vector<16xf32>
        %get3A_2331 = arith.index_cast %add3A_2326 : i32 to index
        %get3A_2332 = arith.constant 16 : index
        %get3A_2333 = tpu.vector_load %arg19[%get3A_2331, %get3A_2332] {strides = array<i32>} : memref<160x64xf32, #tpu.memory_space<vmem>>, vector<16xf32>,
        %mul3A_2334 = arith.mulf %add3A_2150, %get3A_2333 : vector<16xf32>
        %add3A_2335 = arith.addf %mul3A_2330, %mul3A_2334 : vector<16xf32>
        %get3A_2336 = arith.index_cast %add3A_2326 : i32 to index
        %get3A_2337 = arith.constant 32 : index
        %get3A_2338 = tpu.vector_load %arg19[%get3A_2336, %get3A_2337] {strides = array<i32>} : memref<160x64xf32, #tpu.memory_space<vmem>>, vector<16xf32>,
        %mul3A_2339 = arith.mulf %add3A_2155, %get3A_2338 : vector<16xf32>
        %add3A_2340 = arith.addf %add3A_2335, %mul3A_2339 : vector<16xf32>
        %get3A_2341 = arith.index_cast %add3A_2326 : i32 to index
        %get3A_2342 = arith.constant 48 : index
        %get3A_2343 = tpu.vector_load %arg19[%get3A_2341, %get3A_2342] {strides = array<i32>} : memref<160x64xf32, #tpu.memory_space<vmem>>, vector<16xf32>,
        %mul3A_2344 = arith.mulf %add3A_2160, %get3A_2343 : vector<16xf32>
        %add3A_2345 = arith.addf %add3A_2340, %mul3A_2344 : vector<16xf32>
        %mul3A_2346 = arith.constant 16 : i32
        %mul3A_2347 = arith.muli %add3A_2326, %mul3A_2346 : i32
        %swap3A_2348 = arith.index_cast %mul3A_2347 : i32 to index
        %swap3A_2349 = tpu.vector_load %arg21[%swap3A_2348] {strides = array<i32>} : memref<2560xf32, #tpu.memory_space<vmem>>, vector<16xf32>,
        tpu.vector_store %arg21[%swap3A_2348], %add3A_2345 {strides = array<i32>} : memref<2560xf32, #tpu.memory_space<vmem>>, vector<16xf32>,
        %mul3A_2350 = arith.constant 20 : i32
        %mul3A_2351 = arith.muli %scan3A_2124, %mul3A_2350 : i32
        %add3A_2352 = arith.constant 7 : i32
        %add3A_2353 = arith.addi %mul3A_2351, %add3A_2352 : i32
        %get3A_2354 = arith.index_cast %add3A_2353 : i32 to index
        %get3A_2355 = arith.constant 0 : index
        %get3A_2356 = tpu.vector_load %arg19[%get3A_2354, %get3A_2355] {strides = array<i32>} : memref<160x64xf32, #tpu.memory_space<vmem>>, vector<16xf32>,
        %mul3A_2357 = arith.mulf %add3A_2145, %get3A_2356 : vector<16xf32>
        %get3A_2358 = arith.index_cast %add3A_2353 : i32 to index
        %get3A_2359 = arith.constant 16 : index
        %get3A_2360 = tpu.vector_load %arg19[%get3A_2358, %get3A_2359] {strides = array<i32>} : memref<160x64xf32, #tpu.memory_space<vmem>>, vector<16xf32>,
        %mul3A_2361 = arith.mulf %add3A_2150, %get3A_2360 : vector<16xf32>
        %add3A_2362 = arith.addf %mul3A_2357, %mul3A_2361 : vector<16xf32>
        %get3A_2363 = arith.index_cast %add3A_2353 : i32 to index
        %get3A_2364 = arith.constant 32 : index
        %get3A_2365 = tpu.vector_load %arg19[%get3A_2363, %get3A_2364] {strides = array<i32>} : memref<160x64xf32, #tpu.memory_space<vmem>>, vector<16xf32>,
        %mul3A_2366 = arith.mulf %add3A_2155, %get3A_2365 : vector<16xf32>
        %add3A_2367 = arith.addf %add3A_2362, %mul3A_2366 : vector<16xf32>
        %get3A_2368 = arith.index_cast %add3A_2353 : i32 to index
        %get3A_2369 = arith.constant 48 : index
        %get3A_2370 = tpu.vector_load %arg19[%get3A_2368, %get3A_2369] {strides = array<i32>} : memref<160x64xf32, #tpu.memory_space<vmem>>, vector<16xf32>,
        %mul3A_2371 = arith.mulf %add3A_2160, %get3A_2370 : vector<16xf32>
        %add3A_2372 = arith.addf %add3A_2367, %mul3A_2371 : vector<16xf32>
        %mul3A_2373 = arith.constant 16 : i32
        %mul3A_2374 = arith.muli %add3A_2353, %mul3A_2373 : i32
        %swap3A_2375 = arith.index_cast %mul3A_2374 : i32 to index
        %swap3A_2376 = tpu.vector_load %arg21[%swap3A_2375] {strides = array<i32>} : memref<2560xf32, #tpu.memory_space<vmem>>, vector<16xf32>,
        tpu.vector_store %arg21[%swap3A_2375], %add3A_2372 {strides = array<i32>} : memref<2560xf32, #tpu.memory_space<vmem>>, vector<16xf32>,
        %mul3A_2377 = arith.constant 20 : i32
        %mul3A_2378 = arith.muli %scan3A_2124, %mul3A_2377 : i32
        %add3A_2379 = arith.constant 8 : i32
        %add3A_2380 = arith.addi %mul3A_2378, %add3A_2379 : i32
        %get3A_2381 = arith.index_cast %add3A_2380 : i32 to index
        %get3A_2382 = arith.constant 0 : index
        %get3A_2383 = tpu.vector_load %arg19[%get3A_2381, %get3A_2382] {strides = array<i32>} : memref<160x64xf32, #tpu.memory_space<vmem>>, vector<16xf32>,
        %mul3A_2384 = arith.mulf %add3A_2145, %get3A_2383 : vector<16xf32>
        %get3A_2385 = arith.index_cast %add3A_2380 : i32 to index
        %get3A_2386 = arith.constant 16 : index
        %get3A_2387 = tpu.vector_load %arg19[%get3A_2385, %get3A_2386] {strides = array<i32>} : memref<160x64xf32, #tpu.memory_space<vmem>>, vector<16xf32>,
        %mul3A_2388 = arith.mulf %add3A_2150, %get3A_2387 : vector<16xf32>
        %add3A_2389 = arith.addf %mul3A_2384, %mul3A_2388 : vector<16xf32>
        %get3A_2390 = arith.index_cast %add3A_2380 : i32 to index
        %get3A_2391 = arith.constant 32 : index
        %get3A_2392 = tpu.vector_load %arg19[%get3A_2390, %get3A_2391] {strides = array<i32>} : memref<160x64xf32, #tpu.memory_space<vmem>>, vector<16xf32>,
        %mul3A_2393 = arith.mulf %add3A_2155, %get3A_2392 : vector<16xf32>
        %add3A_2394 = arith.addf %add3A_2389, %mul3A_2393 : vector<16xf32>
        %get3A_2395 = arith.index_cast %add3A_2380 : i32 to index
        %get3A_2396 = arith.constant 48 : index
        %get3A_2397 = tpu.vector_load %arg19[%get3A_2395, %get3A_2396] {strides = array<i32>} : memref<160x64xf32, #tpu.memory_space<vmem>>, vector<16xf32>,
        %mul3A_2398 = arith.mulf %add3A_2160, %get3A_2397 : vector<16xf32>
        %add3A_2399 = arith.addf %add3A_2394, %mul3A_2398 : vector<16xf32>
        %mul3A_2400 = arith.constant 16 : i32
        %mul3A_2401 = arith.muli %add3A_2380, %mul3A_2400 : i32
        %swap3A_2402 = arith.index_cast %mul3A_2401 : i32 to index
        %swap3A_2403 = tpu.vector_load %arg21[%swap3A_2402] {strides = array<i32>} : memref<2560xf32, #tpu.memory_space<vmem>>, vector<16xf32>,
        tpu.vector_store %arg21[%swap3A_2402], %add3A_2399 {strides = array<i32>} : memref<2560xf32, #tpu.memory_space<vmem>>, vector<16xf32>,
        %mul3A_2404 = arith.constant 20 : i32
        %mul3A_2405 = arith.muli %scan3A_2124, %mul3A_2404 : i32
        %add3A_2406 = arith.constant 9 : i32
        %add3A_2407 = arith.addi %mul3A_2405, %add3A_2406 : i32
        %get3A_2408 = arith.index_cast %add3A_2407 : i32 to index
        %get3A_2409 = arith.constant 0 : index
        %get3A_2410 = tpu.vector_load %arg19[%get3A_2408, %get3A_2409] {strides = array<i32>} : memref<160x64xf32, #tpu.memory_space<vmem>>, vector<16xf32>,
        %mul3A_2411 = arith.mulf %add3A_2145, %get3A_2410 : vector<16xf32>
        %get3A_2412 = arith.index_cast %add3A_2407 : i32 to index
        %get3A_2413 = arith.constant 16 : index
        %get3A_2414 = tpu.vector_load %arg19[%get3A_2412, %get3A_2413] {strides = array<i32>} : memref<160x64xf32, #tpu.memory_space<vmem>>, vector<16xf32>,
        %mul3A_2415 = arith.mulf %add3A_2150, %get3A_2414 : vector<16xf32>
        %add3A_2416 = arith.addf %mul3A_2411, %mul3A_2415 : vector<16xf32>
        %get3A_2417 = arith.index_cast %add3A_2407 : i32 to index
        %get3A_2418 = arith.constant 32 : index
        %get3A_2419 = tpu.vector_load %arg19[%get3A_2417, %get3A_2418] {strides = array<i32>} : memref<160x64xf32, #tpu.memory_space<vmem>>, vector<16xf32>,
        %mul3A_2420 = arith.mulf %add3A_2155, %get3A_2419 : vector<16xf32>
        %add3A_2421 = arith.addf %add3A_2416, %mul3A_2420 : vector<16xf32>
        %get3A_2422 = arith.index_cast %add3A_2407 : i32 to index
        %get3A_2423 = arith.constant 48 : index
        %get3A_2424 = tpu.vector_load %arg19[%get3A_2422, %get3A_2423] {strides = array<i32>} : memref<160x64xf32, #tpu.memory_space<vmem>>, vector<16xf32>,
        %mul3A_2425 = arith.mulf %add3A_2160, %get3A_2424 : vector<16xf32>
        %add3A_2426 = arith.addf %add3A_2421, %mul3A_2425 : vector<16xf32>
        %mul3A_2427 = arith.constant 16 : i32
        %mul3A_2428 = arith.muli %add3A_2407, %mul3A_2427 : i32
        %swap3A_2429 = arith.index_cast %mul3A_2428 : i32 to index
        %swap3A_2430 = tpu.vector_load %arg21[%swap3A_2429] {strides = array<i32>} : memref<2560xf32, #tpu.memory_space<vmem>>, vector<16xf32>,
        tpu.vector_store %arg21[%swap3A_2429], %add3A_2426 {strides = array<i32>} : memref<2560xf32, #tpu.memory_space<vmem>>, vector<16xf32>,
        %mul3A_2431 = arith.constant 20 : i32
        %mul3A_2432 = arith.muli %scan3A_2124, %mul3A_2431 : i32
        %add3A_2433 = arith.constant 10 : i32
        %add3A_2434 = arith.addi %mul3A_2432, %add3A_2433 : i32
        %get3A_2435 = arith.index_cast %add3A_2434 : i32 to index
        %get3A_2436 = arith.constant 0 : index
        %get3A_2437 = tpu.vector_load %arg19[%get3A_2435, %get3A_2436] {strides = array<i32>} : memref<160x64xf32, #tpu.memory_space<vmem>>, vector<16xf32>,
        %mul3A_2438 = arith.mulf %add3A_2145, %get3A_2437 : vector<16xf32>
        %get3A_2439 = arith.index_cast %add3A_2434 : i32 to index
        %get3A_2440 = arith.constant 16 : index
        %get3A_2441 = tpu.vector_load %arg19[%get3A_2439, %get3A_2440] {strides = array<i32>} : memref<160x64xf32, #tpu.memory_space<vmem>>, vector<16xf32>,
        %mul3A_2442 = arith.mulf %add3A_2150, %get3A_2441 : vector<16xf32>
        %add3A_2443 = arith.addf %mul3A_2438, %mul3A_2442 : vector<16xf32>
        %get3A_2444 = arith.index_cast %add3A_2434 : i32 to index
        %get3A_2445 = arith.constant 32 : index
        %get3A_2446 = tpu.vector_load %arg19[%get3A_2444, %get3A_2445] {strides = array<i32>} : memref<160x64xf32, #tpu.memory_space<vmem>>, vector<16xf32>,
        %mul3A_2447 = arith.mulf %add3A_2155, %get3A_2446 : vector<16xf32>
        %add3A_2448 = arith.addf %add3A_2443, %mul3A_2447 : vector<16xf32>
        %get3A_2449 = arith.index_cast %add3A_2434 : i32 to index
        %get3A_2450 = arith.constant 48 : index
        %get3A_2451 = tpu.vector_load %arg19[%get3A_2449, %get3A_2450] {strides = array<i32>} : memref<160x64xf32, #tpu.memory_space<vmem>>, vector<16xf32>,
        %mul3A_2452 = arith.mulf %add3A_2160, %get3A_2451 : vector<16xf32>
        %add3A_2453 = arith.addf %add3A_2448, %mul3A_2452 : vector<16xf32>
        %mul3A_2454 = arith.constant 16 : i32
        %mul3A_2455 = arith.muli %add3A_2434, %mul3A_2454 : i32
        %swap3A_2456 = arith.index_cast %mul3A_2455 : i32 to index
        %swap3A_2457 = tpu.vector_load %arg21[%swap3A_2456] {strides = array<i32>} : memref<2560xf32, #tpu.memory_space<vmem>>, vector<16xf32>,
        tpu.vector_store %arg21[%swap3A_2456], %add3A_2453 {strides = array<i32>} : memref<2560xf32, #tpu.memory_space<vmem>>, vector<16xf32>,
        %mul3A_2458 = arith.constant 20 : i32
        %mul3A_2459 = arith.muli %scan3A_2124, %mul3A_2458 : i32
        %add3A_2460 = arith.constant 11 : i32
        %add3A_2461 = arith.addi %mul3A_2459, %add3A_2460 : i32
        %get3A_2462 = arith.index_cast %add3A_2461 : i32 to index
        %get3A_2463 = arith.constant 0 : index
        %get3A_2464 = tpu.vector_load %arg19[%get3A_2462, %get3A_2463] {strides = array<i32>} : memref<160x64xf32, #tpu.memory_space<vmem>>, vector<16xf32>,
        %mul3A_2465 = arith.mulf %add3A_2145, %get3A_2464 : vector<16xf32>
        %get3A_2466 = arith.index_cast %add3A_2461 : i32 to index
        %get3A_2467 = arith.constant 16 : index
        %get3A_2468 = tpu.vector_load %arg19[%get3A_2466, %get3A_2467] {strides = array<i32>} : memref<160x64xf32, #tpu.memory_space<vmem>>, vector<16xf32>,
        %mul3A_2469 = arith.mulf %add3A_2150, %get3A_2468 : vector<16xf32>
        %add3A_2470 = arith.addf %mul3A_2465, %mul3A_2469 : vector<16xf32>
        %get3A_2471 = arith.index_cast %add3A_2461 : i32 to index
        %get3A_2472 = arith.constant 32 : index
        %get3A_2473 = tpu.vector_load %arg19[%get3A_2471, %get3A_2472] {strides = array<i32>} : memref<160x64xf32, #tpu.memory_space<vmem>>, vector<16xf32>,
        %mul3A_2474 = arith.mulf %add3A_2155, %get3A_2473 : vector<16xf32>
        %add3A_2475 = arith.addf %add3A_2470, %mul3A_2474 : vector<16xf32>
        %get3A_2476 = arith.index_cast %add3A_2461 : i32 to index
        %get3A_2477 = arith.constant 48 : index
        %get3A_2478 = tpu.vector_load %arg19[%get3A_2476, %get3A_2477] {strides = array<i32>} : memref<160x64xf32, #tpu.memory_space<vmem>>, vector<16xf32>,
        %mul3A_2479 = arith.mulf %add3A_2160, %get3A_2478 : vector<16xf32>
        %add3A_2480 = arith.addf %add3A_2475, %mul3A_2479 : vector<16xf32>
        %mul3A_2481 = arith.constant 16 : i32
        %mul3A_2482 = arith.muli %add3A_2461, %mul3A_2481 : i32
        %swap3A_2483 = arith.index_cast %mul3A_2482 : i32 to index
        %swap3A_2484 = tpu.vector_load %arg21[%swap3A_2483] {strides = array<i32>} : memref<2560xf32, #tpu.memory_space<vmem>>, vector<16xf32>,
        tpu.vector_store %arg21[%swap3A_2483], %add3A_2480 {strides = array<i32>} : memref<2560xf32, #tpu.memory_space<vmem>>, vector<16xf32>,
        %mul3A_2485 = arith.constant 20 : i32
        %mul3A_2486 = arith.muli %scan3A_2124, %mul3A_2485 : i32
        %add3A_2487 = arith.constant 12 : i32
        %add3A_2488 = arith.addi %mul3A_2486, %add3A_2487 : i32
        %get3A_2489 = arith.index_cast %add3A_2488 : i32 to index
        %get3A_2490 = arith.constant 0 : index
        %get3A_2491 = tpu.vector_load %arg19[%get3A_2489, %get3A_2490] {strides = array<i32>} : memref<160x64xf32, #tpu.memory_space<vmem>>, vector<16xf32>,
        %mul3A_2492 = arith.mulf %add3A_2145, %get3A_2491 : vector<16xf32>
        %get3A_2493 = arith.index_cast %add3A_2488 : i32 to index
        %get3A_2494 = arith.constant 16 : index
        %get3A_2495 = tpu.vector_load %arg19[%get3A_2493, %get3A_2494] {strides = array<i32>} : memref<160x64xf32, #tpu.memory_space<vmem>>, vector<16xf32>,
        %mul3A_2496 = arith.mulf %add3A_2150, %get3A_2495 : vector<16xf32>
        %add3A_2497 = arith.addf %mul3A_2492, %mul3A_2496 : vector<16xf32>
        %get3A_2498 = arith.index_cast %add3A_2488 : i32 to index
        %get3A_2499 = arith.constant 32 : index
        %get3A_2500 = tpu.vector_load %arg19[%get3A_2498, %get3A_2499] {strides = array<i32>} : memref<160x64xf32, #tpu.memory_space<vmem>>, vector<16xf32>,
        %mul3A_2501 = arith.mulf %add3A_2155, %get3A_2500 : vector<16xf32>
        %add3A_2502 = arith.addf %add3A_2497, %mul3A_2501 : vector<16xf32>
        %get3A_2503 = arith.index_cast %add3A_2488 : i32 to index
        %get3A_2504 = arith.constant 48 : index
        %get3A_2505 = tpu.vector_load %arg19[%get3A_2503, %get3A_2504] {strides = array<i32>} : memref<160x64xf32, #tpu.memory_space<vmem>>, vector<16xf32>,
        %mul3A_2506 = arith.mulf %add3A_2160, %get3A_2505 : vector<16xf32>
        %add3A_2507 = arith.addf %add3A_2502, %mul3A_2506 : vector<16xf32>
        %mul3A_2508 = arith.constant 16 : i32
        %mul3A_2509 = arith.muli %add3A_2488, %mul3A_2508 : i32
        %swap3A_2510 = arith.index_cast %mul3A_2509 : i32 to index
        %swap3A_2511 = tpu.vector_load %arg21[%swap3A_2510] {strides = array<i32>} : memref<2560xf32, #tpu.memory_space<vmem>>, vector<16xf32>,
        tpu.vector_store %arg21[%swap3A_2510], %add3A_2507 {strides = array<i32>} : memref<2560xf32, #tpu.memory_space<vmem>>, vector<16xf32>,
        %mul3A_2512 = arith.constant 20 : i32
        %mul3A_2513 = arith.muli %scan3A_2124, %mul3A_2512 : i32
        %add3A_2514 = arith.constant 13 : i32
        %add3A_2515 = arith.addi %mul3A_2513, %add3A_2514 : i32
        %get3A_2516 = arith.index_cast %add3A_2515 : i32 to index
        %get3A_2517 = arith.constant 0 : index
        %get3A_2518 = tpu.vector_load %arg19[%get3A_2516, %get3A_2517] {strides = array<i32>} : memref<160x64xf32, #tpu.memory_space<vmem>>, vector<16xf32>,
        %mul3A_2519 = arith.mulf %add3A_2145, %get3A_2518 : vector<16xf32>
        %get3A_2520 = arith.index_cast %add3A_2515 : i32 to index
        %get3A_2521 = arith.constant 16 : index
        %get3A_2522 = tpu.vector_load %arg19[%get3A_2520, %get3A_2521] {strides = array<i32>} : memref<160x64xf32, #tpu.memory_space<vmem>>, vector<16xf32>,
        %mul3A_2523 = arith.mulf %add3A_2150, %get3A_2522 : vector<16xf32>
        %add3A_2524 = arith.addf %mul3A_2519, %mul3A_2523 : vector<16xf32>
        %get3A_2525 = arith.index_cast %add3A_2515 : i32 to index
        %get3A_2526 = arith.constant 32 : index
        %get3A_2527 = tpu.vector_load %arg19[%get3A_2525, %get3A_2526] {strides = array<i32>} : memref<160x64xf32, #tpu.memory_space<vmem>>, vector<16xf32>,
        %mul3A_2528 = arith.mulf %add3A_2155, %get3A_2527 : vector<16xf32>
        %add3A_2529 = arith.addf %add3A_2524, %mul3A_2528 : vector<16xf32>
        %get3A_2530 = arith.index_cast %add3A_2515 : i32 to index
        %get3A_2531 = arith.constant 48 : index
        %get3A_2532 = tpu.vector_load %arg19[%get3A_2530, %get3A_2531] {strides = array<i32>} : memref<160x64xf32, #tpu.memory_space<vmem>>, vector<16xf32>,
        %mul3A_2533 = arith.mulf %add3A_2160, %get3A_2532 : vector<16xf32>
        %add3A_2534 = arith.addf %add3A_2529, %mul3A_2533 : vector<16xf32>
        %mul3A_2535 = arith.constant 16 : i32
        %mul3A_2536 = arith.muli %add3A_2515, %mul3A_2535 : i32
        %swap3A_2537 = arith.index_cast %mul3A_2536 : i32 to index
        %swap3A_2538 = tpu.vector_load %arg21[%swap3A_2537] {strides = array<i32>} : memref<2560xf32, #tpu.memory_space<vmem>>, vector<16xf32>,
        tpu.vector_store %arg21[%swap3A_2537], %add3A_2534 {strides = array<i32>} : memref<2560xf32, #tpu.memory_space<vmem>>, vector<16xf32>,
        %mul3A_2539 = arith.constant 20 : i32
        %mul3A_2540 = arith.muli %scan3A_2124, %mul3A_2539 : i32
        %add3A_2541 = arith.constant 14 : i32
        %add3A_2542 = arith.addi %mul3A_2540, %add3A_2541 : i32
        %get3A_2543 = arith.index_cast %add3A_2542 : i32 to index
        %get3A_2544 = arith.constant 0 : index
        %get3A_2545 = tpu.vector_load %arg19[%get3A_2543, %get3A_2544] {strides = array<i32>} : memref<160x64xf32, #tpu.memory_space<vmem>>, vector<16xf32>,
        %mul3A_2546 = arith.mulf %add3A_2145, %get3A_2545 : vector<16xf32>
        %get3A_2547 = arith.index_cast %add3A_2542 : i32 to index
        %get3A_2548 = arith.constant 16 : index
        %get3A_2549 = tpu.vector_load %arg19[%get3A_2547, %get3A_2548] {strides = array<i32>} : memref<160x64xf32, #tpu.memory_space<vmem>>, vector<16xf32>,
        %mul3A_2550 = arith.mulf %add3A_2150, %get3A_2549 : vector<16xf32>
        %add3A_2551 = arith.addf %mul3A_2546, %mul3A_2550 : vector<16xf32>
        %get3A_2552 = arith.index_cast %add3A_2542 : i32 to index
        %get3A_2553 = arith.constant 32 : index
        %get3A_2554 = tpu.vector_load %arg19[%get3A_2552, %get3A_2553] {strides = array<i32>} : memref<160x64xf32, #tpu.memory_space<vmem>>, vector<16xf32>,
        %mul3A_2555 = arith.mulf %add3A_2155, %get3A_2554 : vector<16xf32>
        %add3A_2556 = arith.addf %add3A_2551, %mul3A_2555 : vector<16xf32>
        %get3A_2557 = arith.index_cast %add3A_2542 : i32 to index
        %get3A_2558 = arith.constant 48 : index
        %get3A_2559 = tpu.vector_load %arg19[%get3A_2557, %get3A_2558] {strides = array<i32>} : memref<160x64xf32, #tpu.memory_space<vmem>>, vector<16xf32>,
        %mul3A_2560 = arith.mulf %add3A_2160, %get3A_2559 : vector<16xf32>
        %add3A_2561 = arith.addf %add3A_2556, %mul3A_2560 : vector<16xf32>
        %mul3A_2562 = arith.constant 16 : i32
        %mul3A_2563 = arith.muli %add3A_2542, %mul3A_2562 : i32
        %swap3A_2564 = arith.index_cast %mul3A_2563 : i32 to index
        %swap3A_2565 = tpu.vector_load %arg21[%swap3A_2564] {strides = array<i32>} : memref<2560xf32, #tpu.memory_space<vmem>>, vector<16xf32>,
        tpu.vector_store %arg21[%swap3A_2564], %add3A_2561 {strides = array<i32>} : memref<2560xf32, #tpu.memory_space<vmem>>, vector<16xf32>,
        %mul3A_2566 = arith.constant 20 : i32
        %mul3A_2567 = arith.muli %scan3A_2124, %mul3A_2566 : i32
        %add3A_2568 = arith.constant 15 : i32
        %add3A_2569 = arith.addi %mul3A_2567, %add3A_2568 : i32
        %get3A_2570 = arith.index_cast %add3A_2569 : i32 to index
        %get3A_2571 = arith.constant 0 : index
        %get3A_2572 = tpu.vector_load %arg19[%get3A_2570, %get3A_2571] {strides = array<i32>} : memref<160x64xf32, #tpu.memory_space<vmem>>, vector<16xf32>,
        %mul3A_2573 = arith.mulf %add3A_2145, %get3A_2572 : vector<16xf32>
        %get3A_2574 = arith.index_cast %add3A_2569 : i32 to index
        %get3A_2575 = arith.constant 16 : index
        %get3A_2576 = tpu.vector_load %arg19[%get3A_2574, %get3A_2575] {strides = array<i32>} : memref<160x64xf32, #tpu.memory_space<vmem>>, vector<16xf32>,
        %mul3A_2577 = arith.mulf %add3A_2150, %get3A_2576 : vector<16xf32>
        %add3A_2578 = arith.addf %mul3A_2573, %mul3A_2577 : vector<16xf32>
        %get3A_2579 = arith.index_cast %add3A_2569 : i32 to index
        %get3A_2580 = arith.constant 32 : index
        %get3A_2581 = tpu.vector_load %arg19[%get3A_2579, %get3A_2580] {strides = array<i32>} : memref<160x64xf32, #tpu.memory_space<vmem>>, vector<16xf32>,
        %mul3A_2582 = arith.mulf %add3A_2155, %get3A_2581 : vector<16xf32>
        %add3A_2583 = arith.addf %add3A_2578, %mul3A_2582 : vector<16xf32>
        %get3A_2584 = arith.index_cast %add3A_2569 : i32 to index
        %get3A_2585 = arith.constant 48 : index
        %get3A_2586 = tpu.vector_load %arg19[%get3A_2584, %get3A_2585] {strides = array<i32>} : memref<160x64xf32, #tpu.memory_space<vmem>>, vector<16xf32>,
        %mul3A_2587 = arith.mulf %add3A_2160, %get3A_2586 : vector<16xf32>
        %add3A_2588 = arith.addf %add3A_2583, %mul3A_2587 : vector<16xf32>
        %mul3A_2589 = arith.constant 16 : i32
        %mul3A_2590 = arith.muli %add3A_2569, %mul3A_2589 : i32
        %swap3A_2591 = arith.index_cast %mul3A_2590 : i32 to index
        %swap3A_2592 = tpu.vector_load %arg21[%swap3A_2591] {strides = array<i32>} : memref<2560xf32, #tpu.memory_space<vmem>>, vector<16xf32>,
        tpu.vector_store %arg21[%swap3A_2591], %add3A_2588 {strides = array<i32>} : memref<2560xf32, #tpu.memory_space<vmem>>, vector<16xf32>,
        %mul3A_2593 = arith.constant 20 : i32
        %mul3A_2594 = arith.muli %scan3A_2124, %mul3A_2593 : i32
        %add3A_2595 = arith.constant 16 : i32
        %add3A_2596 = arith.addi %mul3A_2594, %add3A_2595 : i32
        %get3A_2597 = arith.index_cast %add3A_2596 : i32 to index
        %get3A_2598 = arith.constant 0 : index
        %get3A_2599 = tpu.vector_load %arg19[%get3A_2597, %get3A_2598] {strides = array<i32>} : memref<160x64xf32, #tpu.memory_space<vmem>>, vector<16xf32>,
        %mul3A_2600 = arith.mulf %add3A_2145, %get3A_2599 : vector<16xf32>
        %get3A_2601 = arith.index_cast %add3A_2596 : i32 to index
        %get3A_2602 = arith.constant 16 : index
        %get3A_2603 = tpu.vector_load %arg19[%get3A_2601, %get3A_2602] {strides = array<i32>} : memref<160x64xf32, #tpu.memory_space<vmem>>, vector<16xf32>,
        %mul3A_2604 = arith.mulf %add3A_2150, %get3A_2603 : vector<16xf32>
        %add3A_2605 = arith.addf %mul3A_2600, %mul3A_2604 : vector<16xf32>
        %get3A_2606 = arith.index_cast %add3A_2596 : i32 to index
        %get3A_2607 = arith.constant 32 : index
        %get3A_2608 = tpu.vector_load %arg19[%get3A_2606, %get3A_2607] {strides = array<i32>} : memref<160x64xf32, #tpu.memory_space<vmem>>, vector<16xf32>,
        %mul3A_2609 = arith.mulf %add3A_2155, %get3A_2608 : vector<16xf32>
        %add3A_2610 = arith.addf %add3A_2605, %mul3A_2609 : vector<16xf32>
        %get3A_2611 = arith.index_cast %add3A_2596 : i32 to index
        %get3A_2612 = arith.constant 48 : index
        %get3A_2613 = tpu.vector_load %arg19[%get3A_2611, %get3A_2612] {strides = array<i32>} : memref<160x64xf32, #tpu.memory_space<vmem>>, vector<16xf32>,
        %mul3A_2614 = arith.mulf %add3A_2160, %get3A_2613 : vector<16xf32>
        %add3A_2615 = arith.addf %add3A_2610, %mul3A_2614 : vector<16xf32>
        %mul3A_2616 = arith.constant 16 : i32
        %mul3A_2617 = arith.muli %add3A_2596, %mul3A_2616 : i32
        %swap3A_2618 = arith.index_cast %mul3A_2617 : i32 to index
        %swap3A_2619 = tpu.vector_load %arg21[%swap3A_2618] {strides = array<i32>} : memref<2560xf32, #tpu.memory_space<vmem>>, vector<16xf32>,
        tpu.vector_store %arg21[%swap3A_2618], %add3A_2615 {strides = array<i32>} : memref<2560xf32, #tpu.memory_space<vmem>>, vector<16xf32>,
        %mul3A_2620 = arith.constant 20 : i32
        %mul3A_2621 = arith.muli %scan3A_2124, %mul3A_2620 : i32
        %add3A_2622 = arith.constant 17 : i32
        %add3A_2623 = arith.addi %mul3A_2621, %add3A_2622 : i32
        %get3A_2624 = arith.index_cast %add3A_2623 : i32 to index
        %get3A_2625 = arith.constant 0 : index
        %get3A_2626 = tpu.vector_load %arg19[%get3A_2624, %get3A_2625] {strides = array<i32>} : memref<160x64xf32, #tpu.memory_space<vmem>>, vector<16xf32>,
        %mul3A_2627 = arith.mulf %add3A_2145, %get3A_2626 : vector<16xf32>
        %get3A_2628 = arith.index_cast %add3A_2623 : i32 to index
        %get3A_2629 = arith.constant 16 : index
        %get3A_2630 = tpu.vector_load %arg19[%get3A_2628, %get3A_2629] {strides = array<i32>} : memref<160x64xf32, #tpu.memory_space<vmem>>, vector<16xf32>,
        %mul3A_2631 = arith.mulf %add3A_2150, %get3A_2630 : vector<16xf32>
        %add3A_2632 = arith.addf %mul3A_2627, %mul3A_2631 : vector<16xf32>
        %get3A_2633 = arith.index_cast %add3A_2623 : i32 to index
        %get3A_2634 = arith.constant 32 : index
        %get3A_2635 = tpu.vector_load %arg19[%get3A_2633, %get3A_2634] {strides = array<i32>} : memref<160x64xf32, #tpu.memory_space<vmem>>, vector<16xf32>,
        %mul3A_2636 = arith.mulf %add3A_2155, %get3A_2635 : vector<16xf32>
        %add3A_2637 = arith.addf %add3A_2632, %mul3A_2636 : vector<16xf32>
        %get3A_2638 = arith.index_cast %add3A_2623 : i32 to index
        %get3A_2639 = arith.constant 48 : index
        %get3A_2640 = tpu.vector_load %arg19[%get3A_2638, %get3A_2639] {strides = array<i32>} : memref<160x64xf32, #tpu.memory_space<vmem>>, vector<16xf32>,
        %mul3A_2641 = arith.mulf %add3A_2160, %get3A_2640 : vector<16xf32>
        %add3A_2642 = arith.addf %add3A_2637, %mul3A_2641 : vector<16xf32>
        %mul3A_2643 = arith.constant 16 : i32
        %mul3A_2644 = arith.muli %add3A_2623, %mul3A_2643 : i32
        %swap3A_2645 = arith.index_cast %mul3A_2644 : i32 to index
        %swap3A_2646 = tpu.vector_load %arg21[%swap3A_2645] {strides = array<i32>} : memref<2560xf32, #tpu.memory_space<vmem>>, vector<16xf32>,
        tpu.vector_store %arg21[%swap3A_2645], %add3A_2642 {strides = array<i32>} : memref<2560xf32, #tpu.memory_space<vmem>>, vector<16xf32>,
        %mul3A_2647 = arith.constant 20 : i32
        %mul3A_2648 = arith.muli %scan3A_2124, %mul3A_2647 : i32
        %add3A_2649 = arith.constant 18 : i32
        %add3A_2650 = arith.addi %mul3A_2648, %add3A_2649 : i32
        %get3A_2651 = arith.index_cast %add3A_2650 : i32 to index
        %get3A_2652 = arith.constant 0 : index
        %get3A_2653 = tpu.vector_load %arg19[%get3A_2651, %get3A_2652] {strides = array<i32>} : memref<160x64xf32, #tpu.memory_space<vmem>>, vector<16xf32>,
        %mul3A_2654 = arith.mulf %add3A_2145, %get3A_2653 : vector<16xf32>
        %get3A_2655 = arith.index_cast %add3A_2650 : i32 to index
        %get3A_2656 = arith.constant 16 : index
        %get3A_2657 = tpu.vector_load %arg19[%get3A_2655, %get3A_2656] {strides = array<i32>} : memref<160x64xf32, #tpu.memory_space<vmem>>, vector<16xf32>,
        %mul3A_2658 = arith.mulf %add3A_2150, %get3A_2657 : vector<16xf32>
        %add3A_2659 = arith.addf %mul3A_2654, %mul3A_2658 : vector<16xf32>
        %get3A_2660 = arith.index_cast %add3A_2650 : i32 to index
        %get3A_2661 = arith.constant 32 : index
        %get3A_2662 = tpu.vector_load %arg19[%get3A_2660, %get3A_2661] {strides = array<i32>} : memref<160x64xf32, #tpu.memory_space<vmem>>, vector<16xf32>,
        %mul3A_2663 = arith.mulf %add3A_2155, %get3A_2662 : vector<16xf32>
        %add3A_2664 = arith.addf %add3A_2659, %mul3A_2663 : vector<16xf32>
        %get3A_2665 = arith.index_cast %add3A_2650 : i32 to index
        %get3A_2666 = arith.constant 48 : index
        %get3A_2667 = tpu.vector_load %arg19[%get3A_2665, %get3A_2666] {strides = array<i32>} : memref<160x64xf32, #tpu.memory_space<vmem>>, vector<16xf32>,
        %mul3A_2668 = arith.mulf %add3A_2160, %get3A_2667 : vector<16xf32>
        %add3A_2669 = arith.addf %add3A_2664, %mul3A_2668 : vector<16xf32>
        %mul3A_2670 = arith.constant 16 : i32
        %mul3A_2671 = arith.muli %add3A_2650, %mul3A_2670 : i32
        %swap3A_2672 = arith.index_cast %mul3A_2671 : i32 to index
        %swap3A_2673 = tpu.vector_load %arg21[%swap3A_2672] {strides = array<i32>} : memref<2560xf32, #tpu.memory_space<vmem>>, vector<16xf32>,
        tpu.vector_store %arg21[%swap3A_2672], %add3A_2669 {strides = array<i32>} : memref<2560xf32, #tpu.memory_space<vmem>>, vector<16xf32>,
        %mul3A_2674 = arith.constant 20 : i32
        %mul3A_2675 = arith.muli %scan3A_2124, %mul3A_2674 : i32
        %add3A_2676 = arith.constant 19 : i32
        %add3A_2677 = arith.addi %mul3A_2675, %add3A_2676 : i32
        %get3A_2678 = arith.index_cast %add3A_2677 : i32 to index
        %get3A_2679 = arith.constant 0 : index
        %get3A_2680 = tpu.vector_load %arg19[%get3A_2678, %get3A_2679] {strides = array<i32>} : memref<160x64xf32, #tpu.memory_space<vmem>>, vector<16xf32>,
        %mul3A_2681 = arith.mulf %add3A_2145, %get3A_2680 : vector<16xf32>
        %get3A_2682 = arith.index_cast %add3A_2677 : i32 to index
        %get3A_2683 = arith.constant 16 : index
        %get3A_2684 = tpu.vector_load %arg19[%get3A_2682, %get3A_2683] {strides = array<i32>} : memref<160x64xf32, #tpu.memory_space<vmem>>, vector<16xf32>,
        %mul3A_2685 = arith.mulf %add3A_2150, %get3A_2684 : vector<16xf32>
        %add3A_2686 = arith.addf %mul3A_2681, %mul3A_2685 : vector<16xf32>
        %get3A_2687 = arith.index_cast %add3A_2677 : i32 to index
        %get3A_2688 = arith.constant 32 : index
        %get3A_2689 = tpu.vector_load %arg19[%get3A_2687, %get3A_2688] {strides = array<i32>} : memref<160x64xf32, #tpu.memory_space<vmem>>, vector<16xf32>,
        %mul3A_2690 = arith.mulf %add3A_2155, %get3A_2689 : vector<16xf32>
        %add3A_2691 = arith.addf %add3A_2686, %mul3A_2690 : vector<16xf32>
        %get3A_2692 = arith.index_cast %add3A_2677 : i32 to index
        %get3A_2693 = arith.constant 48 : index
        %get3A_2694 = tpu.vector_load %arg19[%get3A_2692, %get3A_2693] {strides = array<i32>} : memref<160x64xf32, #tpu.memory_space<vmem>>, vector<16xf32>,
        %mul3A_2695 = arith.mulf %add3A_2160, %get3A_2694 : vector<16xf32>
        %add3A_2696 = arith.addf %add3A_2691, %mul3A_2695 : vector<16xf32>
        %mul3A_2697 = arith.constant 16 : i32
        %mul3A_2698 = arith.muli %add3A_2677, %mul3A_2697 : i32
        %swap3A_2699 = arith.index_cast %mul3A_2698 : i32 to index
        %swap3A_2700 = tpu.vector_load %arg21[%swap3A_2699] {strides = array<i32>} : memref<2560xf32, #tpu.memory_space<vmem>>, vector<16xf32>,
        tpu.vector_store %arg21[%swap3A_2699], %add3A_2696 {strides = array<i32>} : memref<2560xf32, #tpu.memory_space<vmem>>, vector<16xf32>,
        %scan3A_2701 = arith.constant 0 : i32
        scf.yield %scan3A_2701 : i32
      }
      %scan3A_1122 = arith.constant 8 : i32
      %mul3A_1123 = arith.constant 16 : i32
      %mul3A_1124 = vector.broadcast %mul3A_1123 : i32 to vector<16xi32>
      %mul3A_1125 = arith.muli %iota3A, %mul3A_1124 : vector<16xi32>
      %add3A_1126 = arith.constant 0 : i32
      %add3A_1127 = vector.broadcast %add3A_1126 : i32 to vector<16xi32>
      %add3A_1128 = arith.addi %mul3A_1125, %add3A_1127 : vector<16xi32>
      %gather3A_1129 = tpu.vector_load_idx %arg21[%add3A_1128] : memref<2560xf32, #tpu.memory_space<vmem>>[vector<16xi32>], vector<16xf32>,
      %add3A_1130 = arith.constant 1 : i32
      %add3A_1131 = vector.broadcast %add3A_1130 : i32 to vector<16xi32>
      %add3A_1132 = arith.addi %add3A_1128, %add3A_1131 : vector<16xi32>
      %gather3A_1133 = tpu.vector_load_idx %arg21[%add3A_1132] : memref<2560xf32, #tpu.memory_space<vmem>>[vector<16xi32>], vector<16xf32>,
      %add3A_1134 = arith.addf %gather3A_1129, %gather3A_1133 : vector<16xf32>
      %add3A_1135 = arith.constant 2 : i32
      %add3A_1136 = vector.broadcast %add3A_1135 : i32 to vector<16xi32>
      %add3A_1137 = arith.addi %add3A_1128, %add3A_1136 : vector<16xi32>
      %gather3A_1138 = tpu.vector_load_idx %arg21[%add3A_1137] : memref<2560xf32, #tpu.memory_space<vmem>>[vector<16xi32>], vector<16xf32>,
      %add3A_1139 = arith.addf %add3A_1134, %gather3A_1138 : vector<16xf32>
      %add3A_1140 = arith.constant 3 : i32
      %add3A_1141 = vector.broadcast %add3A_1140 : i32 to vector<16xi32>
      %add3A_1142 = arith.addi %add3A_1128, %add3A_1141 : vector<16xi32>
      %gather3A_1143 = tpu.vector_load_idx %arg21[%add3A_1142] : memref<2560xf32, #tpu.memory_space<vmem>>[vector<16xi32>], vector<16xf32>,
      %add3A_1144 = arith.addf %add3A_1139, %gather3A_1143 : vector<16xf32>
      %add3A_1145 = arith.constant 4 : i32
      %add3A_1146 = vector.broadcast %add3A_1145 : i32 to vector<16xi32>
      %add3A_1147 = arith.addi %add3A_1128, %add3A_1146 : vector<16xi32>
      %gather3A_1148 = tpu.vector_load_idx %arg21[%add3A_1147] : memref<2560xf32, #tpu.memory_space<vmem>>[vector<16xi32>], vector<16xf32>,
      %add3A_1149 = arith.addf %add3A_1144, %gather3A_1148 : vector<16xf32>
      %add3A_1150 = arith.constant 5 : i32
      %add3A_1151 = vector.broadcast %add3A_1150 : i32 to vector<16xi32>
      %add3A_1152 = arith.addi %add3A_1128, %add3A_1151 : vector<16xi32>
      %gather3A_1153 = tpu.vector_load_idx %arg21[%add3A_1152] : memref<2560xf32, #tpu.memory_space<vmem>>[vector<16xi32>], vector<16xf32>,
      %add3A_1154 = arith.addf %add3A_1149, %gather3A_1153 : vector<16xf32>
      %add3A_1155 = arith.constant 6 : i32
      %add3A_1156 = vector.broadcast %add3A_1155 : i32 to vector<16xi32>
      %add3A_1157 = arith.addi %add3A_1128, %add3A_1156 : vector<16xi32>
      %gather3A_1158 = tpu.vector_load_idx %arg21[%add3A_1157] : memref<2560xf32, #tpu.memory_space<vmem>>[vector<16xi32>], vector<16xf32>,
      %add3A_1159 = arith.addf %add3A_1154, %gather3A_1158 : vector<16xf32>
      %add3A_1160 = arith.constant 7 : i32
      %add3A_1161 = vector.broadcast %add3A_1160 : i32 to vector<16xi32>
      %add3A_1162 = arith.addi %add3A_1128, %add3A_1161 : vector<16xi32>
      %gather3A_1163 = tpu.vector_load_idx %arg21[%add3A_1162] : memref<2560xf32, #tpu.memory_space<vmem>>[vector<16xi32>], vector<16xf32>,
      %add3A_1164 = arith.addf %add3A_1159, %gather3A_1163 : vector<16xf32>
      %add3A_1165 = arith.constant 8 : i32
      %add3A_1166 = vector.broadcast %add3A_1165 : i32 to vector<16xi32>
      %add3A_1167 = arith.addi %add3A_1128, %add3A_1166 : vector<16xi32>
      %gather3A_1168 = tpu.vector_load_idx %arg21[%add3A_1167] : memref<2560xf32, #tpu.memory_space<vmem>>[vector<16xi32>], vector<16xf32>,
      %add3A_1169 = arith.addf %add3A_1164, %gather3A_1168 : vector<16xf32>
      %add3A_1170 = arith.constant 9 : i32
      %add3A_1171 = vector.broadcast %add3A_1170 : i32 to vector<16xi32>
      %add3A_1172 = arith.addi %add3A_1128, %add3A_1171 : vector<16xi32>
      %gather3A_1173 = tpu.vector_load_idx %arg21[%add3A_1172] : memref<2560xf32, #tpu.memory_space<vmem>>[vector<16xi32>], vector<16xf32>,
      %add3A_1174 = arith.addf %add3A_1169, %gather3A_1173 : vector<16xf32>
      %add3A_1175 = arith.constant 10 : i32
      %add3A_1176 = vector.broadcast %add3A_1175 : i32 to vector<16xi32>
      %add3A_1177 = arith.addi %add3A_1128, %add3A_1176 : vector<16xi32>
      %gather3A_1178 = tpu.vector_load_idx %arg21[%add3A_1177] : memref<2560xf32, #tpu.memory_space<vmem>>[vector<16xi32>], vector<16xf32>,
      %add3A_1179 = arith.addf %add3A_1174, %gather3A_1178 : vector<16xf32>
      %add3A_1180 = arith.constant 11 : i32
      %add3A_1181 = vector.broadcast %add3A_1180 : i32 to vector<16xi32>
      %add3A_1182 = arith.addi %add3A_1128, %add3A_1181 : vector<16xi32>
      %gather3A_1183 = tpu.vector_load_idx %arg21[%add3A_1182] : memref<2560xf32, #tpu.memory_space<vmem>>[vector<16xi32>], vector<16xf32>,
      %add3A_1184 = arith.addf %add3A_1179, %gather3A_1183 : vector<16xf32>
      %add3A_1185 = arith.constant 12 : i32
      %add3A_1186 = vector.broadcast %add3A_1185 : i32 to vector<16xi32>
      %add3A_1187 = arith.addi %add3A_1128, %add3A_1186 : vector<16xi32>
      %gather3A_1188 = tpu.vector_load_idx %arg21[%add3A_1187] : memref<2560xf32, #tpu.memory_space<vmem>>[vector<16xi32>], vector<16xf32>,
      %add3A_1189 = arith.addf %add3A_1184, %gather3A_1188 : vector<16xf32>
      %add3A_1190 = arith.constant 13 : i32
      %add3A_1191 = vector.broadcast %add3A_1190 : i32 to vector<16xi32>
      %add3A_1192 = arith.addi %add3A_1128, %add3A_1191 : vector<16xi32>
      %gather3A_1193 = tpu.vector_load_idx %arg21[%add3A_1192] : memref<2560xf32, #tpu.memory_space<vmem>>[vector<16xi32>], vector<16xf32>,
      %add3A_1194 = arith.addf %add3A_1189, %gather3A_1193 : vector<16xf32>
      %add3A_1195 = arith.constant 14 : i32
      %add3A_1196 = vector.broadcast %add3A_1195 : i32 to vector<16xi32>
      %add3A_1197 = arith.addi %add3A_1128, %add3A_1196 : vector<16xi32>
      %gather3A_1198 = tpu.vector_load_idx %arg21[%add3A_1197] : memref<2560xf32, #tpu.memory_space<vmem>>[vector<16xi32>], vector<16xf32>,
      %add3A_1199 = arith.addf %add3A_1194, %gather3A_1198 : vector<16xf32>
      %add3A_1200 = arith.constant 15 : i32
      %add3A_1201 = vector.broadcast %add3A_1200 : i32 to vector<16xi32>
      %add3A_1202 = arith.addi %add3A_1128, %add3A_1201 : vector<16xi32>
      %gather3A_1203 = tpu.vector_load_idx %arg21[%add3A_1202] : memref<2560xf32, #tpu.memory_space<vmem>>[vector<16xi32>], vector<16xf32>,
      %add3A_1204 = arith.addf %add3A_1199, %gather3A_1203 : vector<16xf32>
      %neg3A_1205 = arith.constant 0.000000e+00 : f32
      %neg3A_1206 = vector.broadcast %neg3A_1205 : f32 to vector<16xf32>
      %neg3A_1207 = arith.subf %neg3A_1206, %add3A_1204 : vector<16xf32>
      %exp3A_1208 = math.exp %neg3A_1207 : vector<16xf32>
      %add3A_1209 = arith.constant 1.000000e+00 : f32
      %add3A_1210 = vector.broadcast %add3A_1209 : f32 to vector<16xf32>
      %add3A_1211 = arith.addf %add3A_1210, %exp3A_1208 : vector<16xf32>
      %div3A_1212 = arith.constant 1.000000e+00 : f32
      %div3A_1213 = vector.broadcast %div3A_1212 : f32 to vector<16xf32>
      %div3A_1214 = arith.divf %div3A_1213, %add3A_1211 : vector<16xf32>
      %mul3A_1215 = arith.constant 8 : i32
      %mul3A_1216 = arith.muli %add3A_1112, %mul3A_1215 : i32
      %mul3A_1217 = arith.constant 20 : i32
      %mul3A_1218 = arith.muli %mul3A_1216, %mul3A_1217 : i32
      %add3A_1219 = arith.constant 0 : i32
      %add3A_1220 = arith.addi %mul3A_1218, %add3A_1219 : i32
      %swap3A_1221 = arith.index_cast %add3A_1220 : i32 to index
      %swap3A_1222 = tpu.vector_load %arg22[%swap3A_1221] {strides = array<i32>} : memref<2560xf32, #tpu.memory_space<vmem>>, vector<16xf32>,
      tpu.vector_store %arg22[%swap3A_1221], %div3A_1214 {strides = array<i32>} : memref<2560xf32, #tpu.memory_space<vmem>>, vector<16xf32>,
      %mul3A_1223 = arith.constant 16 : i32
      %mul3A_1224 = vector.broadcast %mul3A_1223 : i32 to vector<16xi32>
      %mul3A_1225 = arith.muli %iota3A, %mul3A_1224 : vector<16xi32>
      %add3A_1226 = arith.constant 256 : i32
      %add3A_1227 = vector.broadcast %add3A_1226 : i32 to vector<16xi32>
      %add3A_1228 = arith.addi %mul3A_1225, %add3A_1227 : vector<16xi32>
      %gather3A_1229 = tpu.vector_load_idx %arg21[%add3A_1228] : memref<2560xf32, #tpu.memory_space<vmem>>[vector<16xi32>], vector<16xf32>,
      %add3A_1230 = arith.constant 1 : i32
      %add3A_1231 = vector.broadcast %add3A_1230 : i32 to vector<16xi32>
      %add3A_1232 = arith.addi %add3A_1228, %add3A_1231 : vector<16xi32>
      %gather3A_1233 = tpu.vector_load_idx %arg21[%add3A_1232] : memref<2560xf32, #tpu.memory_space<vmem>>[vector<16xi32>], vector<16xf32>,
      %add3A_1234 = arith.addf %gather3A_1229, %gather3A_1233 : vector<16xf32>
      %add3A_1235 = arith.constant 2 : i32
      %add3A_1236 = vector.broadcast %add3A_1235 : i32 to vector<16xi32>
      %add3A_1237 = arith.addi %add3A_1228, %add3A_1236 : vector<16xi32>
      %gather3A_1238 = tpu.vector_load_idx %arg21[%add3A_1237] : memref<2560xf32, #tpu.memory_space<vmem>>[vector<16xi32>], vector<16xf32>,
      %add3A_1239 = arith.addf %add3A_1234, %gather3A_1238 : vector<16xf32>
      %add3A_1240 = arith.constant 3 : i32
      %add3A_1241 = vector.broadcast %add3A_1240 : i32 to vector<16xi32>
      %add3A_1242 = arith.addi %add3A_1228, %add3A_1241 : vector<16xi32>
      %gather3A_1243 = tpu.vector_load_idx %arg21[%add3A_1242] : memref<2560xf32, #tpu.memory_space<vmem>>[vector<16xi32>], vector<16xf32>,
      %add3A_1244 = arith.addf %add3A_1239, %gather3A_1243 : vector<16xf32>
      %add3A_1245 = arith.constant 4 : i32
      %add3A_1246 = vector.broadcast %add3A_1245 : i32 to vector<16xi32>
      %add3A_1247 = arith.addi %add3A_1228, %add3A_1246 : vector<16xi32>
      %gather3A_1248 = tpu.vector_load_idx %arg21[%add3A_1247] : memref<2560xf32, #tpu.memory_space<vmem>>[vector<16xi32>], vector<16xf32>,
      %add3A_1249 = arith.addf %add3A_1244, %gather3A_1248 : vector<16xf32>
      %add3A_1250 = arith.constant 5 : i32
      %add3A_1251 = vector.broadcast %add3A_1250 : i32 to vector<16xi32>
      %add3A_1252 = arith.addi %add3A_1228, %add3A_1251 : vector<16xi32>
      %gather3A_1253 = tpu.vector_load_idx %arg21[%add3A_1252] : memref<2560xf32, #tpu.memory_space<vmem>>[vector<16xi32>], vector<16xf32>,
      %add3A_1254 = arith.addf %add3A_1249, %gather3A_1253 : vector<16xf32>
      %add3A_1255 = arith.constant 6 : i32
      %add3A_1256 = vector.broadcast %add3A_1255 : i32 to vector<16xi32>
      %add3A_1257 = arith.addi %add3A_1228, %add3A_1256 : vector<16xi32>
      %gather3A_1258 = tpu.vector_load_idx %arg21[%add3A_1257] : memref<2560xf32, #tpu.memory_space<vmem>>[vector<16xi32>], vector<16xf32>,
      %add3A_1259 = arith.addf %add3A_1254, %gather3A_1258 : vector<16xf32>
      %add3A_1260 = arith.constant 7 : i32
      %add3A_1261 = vector.broadcast %add3A_1260 : i32 to vector<16xi32>
      %add3A_1262 = arith.addi %add3A_1228, %add3A_1261 : vector<16xi32>
      %gather3A_1263 = tpu.vector_load_idx %arg21[%add3A_1262] : memref<2560xf32, #tpu.memory_space<vmem>>[vector<16xi32>], vector<16xf32>,
      %add3A_1264 = arith.addf %add3A_1259, %gather3A_1263 : vector<16xf32>
      %add3A_1265 = arith.constant 8 : i32
      %add3A_1266 = vector.broadcast %add3A_1265 : i32 to vector<16xi32>
      %add3A_1267 = arith.addi %add3A_1228, %add3A_1266 : vector<16xi32>
      %gather3A_1268 = tpu.vector_load_idx %arg21[%add3A_1267] : memref<2560xf32, #tpu.memory_space<vmem>>[vector<16xi32>], vector<16xf32>,
      %add3A_1269 = arith.addf %add3A_1264, %gather3A_1268 : vector<16xf32>
      %add3A_1270 = arith.constant 9 : i32
      %add3A_1271 = vector.broadcast %add3A_1270 : i32 to vector<16xi32>
      %add3A_1272 = arith.addi %add3A_1228, %add3A_1271 : vector<16xi32>
      %gather3A_1273 = tpu.vector_load_idx %arg21[%add3A_1272] : memref<2560xf32, #tpu.memory_space<vmem>>[vector<16xi32>], vector<16xf32>,
      %add3A_1274 = arith.addf %add3A_1269, %gather3A_1273 : vector<16xf32>
      %add3A_1275 = arith.constant 10 : i32
      %add3A_1276 = vector.broadcast %add3A_1275 : i32 to vector<16xi32>
      %add3A_1277 = arith.addi %add3A_1228, %add3A_1276 : vector<16xi32>
      %gather3A_1278 = tpu.vector_load_idx %arg21[%add3A_1277] : memref<2560xf32, #tpu.memory_space<vmem>>[vector<16xi32>], vector<16xf32>,
      %add3A_1279 = arith.addf %add3A_1274, %gather3A_1278 : vector<16xf32>
      %add3A_1280 = arith.constant 11 : i32
      %add3A_1281 = vector.broadcast %add3A_1280 : i32 to vector<16xi32>
      %add3A_1282 = arith.addi %add3A_1228, %add3A_1281 : vector<16xi32>
      %gather3A_1283 = tpu.vector_load_idx %arg21[%add3A_1282] : memref<2560xf32, #tpu.memory_space<vmem>>[vector<16xi32>], vector<16xf32>,
      %add3A_1284 = arith.addf %add3A_1279, %gather3A_1283 : vector<16xf32>
      %add3A_1285 = arith.constant 12 : i32
      %add3A_1286 = vector.broadcast %add3A_1285 : i32 to vector<16xi32>
      %add3A_1287 = arith.addi %add3A_1228, %add3A_1286 : vector<16xi32>
      %gather3A_1288 = tpu.vector_load_idx %arg21[%add3A_1287] : memref<2560xf32, #tpu.memory_space<vmem>>[vector<16xi32>], vector<16xf32>,
      %add3A_1289 = arith.addf %add3A_1284, %gather3A_1288 : vector<16xf32>
      %add3A_1290 = arith.constant 13 : i32
      %add3A_1291 = vector.broadcast %add3A_1290 : i32 to vector<16xi32>
      %add3A_1292 = arith.addi %add3A_1228, %add3A_1291 : vector<16xi32>
      %gather3A_1293 = tpu.vector_load_idx %arg21[%add3A_1292] : memref<2560xf32, #tpu.memory_space<vmem>>[vector<16xi32>], vector<16xf32>,
      %add3A_1294 = arith.addf %add3A_1289, %gather3A_1293 : vector<16xf32>
      %add3A_1295 = arith.constant 14 : i32
      %add3A_1296 = vector.broadcast %add3A_1295 : i32 to vector<16xi32>
      %add3A_1297 = arith.addi %add3A_1228, %add3A_1296 : vector<16xi32>
      %gather3A_1298 = tpu.vector_load_idx %arg21[%add3A_1297] : memref<2560xf32, #tpu.memory_space<vmem>>[vector<16xi32>], vector<16xf32>,
      %add3A_1299 = arith.addf %add3A_1294, %gather3A_1298 : vector<16xf32>
      %add3A_1300 = arith.constant 15 : i32
      %add3A_1301 = vector.broadcast %add3A_1300 : i32 to vector<16xi32>
      %add3A_1302 = arith.addi %add3A_1228, %add3A_1301 : vector<16xi32>
      %gather3A_1303 = tpu.vector_load_idx %arg21[%add3A_1302] : memref<2560xf32, #tpu.memory_space<vmem>>[vector<16xi32>], vector<16xf32>,
      %add3A_1304 = arith.addf %add3A_1299, %gather3A_1303 : vector<16xf32>
      %neg3A_1305 = arith.constant 0.000000e+00 : f32
      %neg3A_1306 = vector.broadcast %neg3A_1305 : f32 to vector<16xf32>
      %neg3A_1307 = arith.subf %neg3A_1306, %add3A_1304 : vector<16xf32>
      %exp3A_1308 = math.exp %neg3A_1307 : vector<16xf32>
      %add3A_1309 = arith.constant 1.000000e+00 : f32
      %add3A_1310 = vector.broadcast %add3A_1309 : f32 to vector<16xf32>
      %add3A_1311 = arith.addf %add3A_1310, %exp3A_1308 : vector<16xf32>
      %div3A_1312 = arith.constant 1.000000e+00 : f32
      %div3A_1313 = vector.broadcast %div3A_1312 : f32 to vector<16xf32>
      %div3A_1314 = arith.divf %div3A_1313, %add3A_1311 : vector<16xf32>
      %mul3A_1315 = arith.constant 8 : i32
      %mul3A_1316 = arith.muli %add3A_1112, %mul3A_1315 : i32
      %mul3A_1317 = arith.constant 20 : i32
      %mul3A_1318 = arith.muli %mul3A_1316, %mul3A_1317 : i32
      %add3A_1319 = arith.constant 16 : i32
      %add3A_1320 = arith.addi %mul3A_1318, %add3A_1319 : i32
      %swap3A_1321 = arith.index_cast %add3A_1320 : i32 to index
      %swap3A_1322 = tpu.vector_load %arg22[%swap3A_1321] {strides = array<i32>} : memref<2560xf32, #tpu.memory_space<vmem>>, vector<16xf32>,
      tpu.vector_store %arg22[%swap3A_1321], %div3A_1314 {strides = array<i32>} : memref<2560xf32, #tpu.memory_space<vmem>>, vector<16xf32>,
      %mul3A_1323 = arith.constant 16 : i32
      %mul3A_1324 = vector.broadcast %mul3A_1323 : i32 to vector<16xi32>
      %mul3A_1325 = arith.muli %iota3A, %mul3A_1324 : vector<16xi32>
      %add3A_1326 = arith.constant 512 : i32
      %add3A_1327 = vector.broadcast %add3A_1326 : i32 to vector<16xi32>
      %add3A_1328 = arith.addi %mul3A_1325, %add3A_1327 : vector<16xi32>
      %gather3A_1329 = tpu.vector_load_idx %arg21[%add3A_1328] : memref<2560xf32, #tpu.memory_space<vmem>>[vector<16xi32>], vector<16xf32>,
      %add3A_1330 = arith.constant 1 : i32
      %add3A_1331 = vector.broadcast %add3A_1330 : i32 to vector<16xi32>
      %add3A_1332 = arith.addi %add3A_1328, %add3A_1331 : vector<16xi32>
      %gather3A_1333 = tpu.vector_load_idx %arg21[%add3A_1332] : memref<2560xf32, #tpu.memory_space<vmem>>[vector<16xi32>], vector<16xf32>,
      %add3A_1334 = arith.addf %gather3A_1329, %gather3A_1333 : vector<16xf32>
      %add3A_1335 = arith.constant 2 : i32
      %add3A_1336 = vector.broadcast %add3A_1335 : i32 to vector<16xi32>
      %add3A_1337 = arith.addi %add3A_1328, %add3A_1336 : vector<16xi32>
      %gather3A_1338 = tpu.vector_load_idx %arg21[%add3A_1337] : memref<2560xf32, #tpu.memory_space<vmem>>[vector<16xi32>], vector<16xf32>,
      %add3A_1339 = arith.addf %add3A_1334, %gather3A_1338 : vector<16xf32>
      %add3A_1340 = arith.constant 3 : i32
      %add3A_1341 = vector.broadcast %add3A_1340 : i32 to vector<16xi32>
      %add3A_1342 = arith.addi %add3A_1328, %add3A_1341 : vector<16xi32>
      %gather3A_1343 = tpu.vector_load_idx %arg21[%add3A_1342] : memref<2560xf32, #tpu.memory_space<vmem>>[vector<16xi32>], vector<16xf32>,
      %add3A_1344 = arith.addf %add3A_1339, %gather3A_1343 : vector<16xf32>
      %add3A_1345 = arith.constant 4 : i32
      %add3A_1346 = vector.broadcast %add3A_1345 : i32 to vector<16xi32>
      %add3A_1347 = arith.addi %add3A_1328, %add3A_1346 : vector<16xi32>
      %gather3A_1348 = tpu.vector_load_idx %arg21[%add3A_1347] : memref<2560xf32, #tpu.memory_space<vmem>>[vector<16xi32>], vector<16xf32>,
      %add3A_1349 = arith.addf %add3A_1344, %gather3A_1348 : vector<16xf32>
      %add3A_1350 = arith.constant 5 : i32
      %add3A_1351 = vector.broadcast %add3A_1350 : i32 to vector<16xi32>
      %add3A_1352 = arith.addi %add3A_1328, %add3A_1351 : vector<16xi32>
      %gather3A_1353 = tpu.vector_load_idx %arg21[%add3A_1352] : memref<2560xf32, #tpu.memory_space<vmem>>[vector<16xi32>], vector<16xf32>,
      %add3A_1354 = arith.addf %add3A_1349, %gather3A_1353 : vector<16xf32>
      %add3A_1355 = arith.constant 6 : i32
      %add3A_1356 = vector.broadcast %add3A_1355 : i32 to vector<16xi32>
      %add3A_1357 = arith.addi %add3A_1328, %add3A_1356 : vector<16xi32>
      %gather3A_1358 = tpu.vector_load_idx %arg21[%add3A_1357] : memref<2560xf32, #tpu.memory_space<vmem>>[vector<16xi32>], vector<16xf32>,
      %add3A_1359 = arith.addf %add3A_1354, %gather3A_1358 : vector<16xf32>
      %add3A_1360 = arith.constant 7 : i32
      %add3A_1361 = vector.broadcast %add3A_1360 : i32 to vector<16xi32>
      %add3A_1362 = arith.addi %add3A_1328, %add3A_1361 : vector<16xi32>
      %gather3A_1363 = tpu.vector_load_idx %arg21[%add3A_1362] : memref<2560xf32, #tpu.memory_space<vmem>>[vector<16xi32>], vector<16xf32>,
      %add3A_1364 = arith.addf %add3A_1359, %gather3A_1363 : vector<16xf32>
      %add3A_1365 = arith.constant 8 : i32
      %add3A_1366 = vector.broadcast %add3A_1365 : i32 to vector<16xi32>
      %add3A_1367 = arith.addi %add3A_1328, %add3A_1366 : vector<16xi32>
      %gather3A_1368 = tpu.vector_load_idx %arg21[%add3A_1367] : memref<2560xf32, #tpu.memory_space<vmem>>[vector<16xi32>], vector<16xf32>,
      %add3A_1369 = arith.addf %add3A_1364, %gather3A_1368 : vector<16xf32>
      %add3A_1370 = arith.constant 9 : i32
      %add3A_1371 = vector.broadcast %add3A_1370 : i32 to vector<16xi32>
      %add3A_1372 = arith.addi %add3A_1328, %add3A_1371 : vector<16xi32>
      %gather3A_1373 = tpu.vector_load_idx %arg21[%add3A_1372] : memref<2560xf32, #tpu.memory_space<vmem>>[vector<16xi32>], vector<16xf32>,
      %add3A_1374 = arith.addf %add3A_1369, %gather3A_1373 : vector<16xf32>
      %add3A_1375 = arith.constant 10 : i32
      %add3A_1376 = vector.broadcast %add3A_1375 : i32 to vector<16xi32>
      %add3A_1377 = arith.addi %add3A_1328, %add3A_1376 : vector<16xi32>
      %gather3A_1378 = tpu.vector_load_idx %arg21[%add3A_1377] : memref<2560xf32, #tpu.memory_space<vmem>>[vector<16xi32>], vector<16xf32>,
      %add3A_1379 = arith.addf %add3A_1374, %gather3A_1378 : vector<16xf32>
      %add3A_1380 = arith.constant 11 : i32
      %add3A_1381 = vector.broadcast %add3A_1380 : i32 to vector<16xi32>
      %add3A_1382 = arith.addi %add3A_1328, %add3A_1381 : vector<16xi32>
      %gather3A_1383 = tpu.vector_load_idx %arg21[%add3A_1382] : memref<2560xf32, #tpu.memory_space<vmem>>[vector<16xi32>], vector<16xf32>,
      %add3A_1384 = arith.addf %add3A_1379, %gather3A_1383 : vector<16xf32>
      %add3A_1385 = arith.constant 12 : i32
      %add3A_1386 = vector.broadcast %add3A_1385 : i32 to vector<16xi32>
      %add3A_1387 = arith.addi %add3A_1328, %add3A_1386 : vector<16xi32>
      %gather3A_1388 = tpu.vector_load_idx %arg21[%add3A_1387] : memref<2560xf32, #tpu.memory_space<vmem>>[vector<16xi32>], vector<16xf32>,
      %add3A_1389 = arith.addf %add3A_1384, %gather3A_1388 : vector<16xf32>
      %add3A_1390 = arith.constant 13 : i32
      %add3A_1391 = vector.broadcast %add3A_1390 : i32 to vector<16xi32>
      %add3A_1392 = arith.addi %add3A_1328, %add3A_1391 : vector<16xi32>
      %gather3A_1393 = tpu.vector_load_idx %arg21[%add3A_1392] : memref<2560xf32, #tpu.memory_space<vmem>>[vector<16xi32>], vector<16xf32>,
      %add3A_1394 = arith.addf %add3A_1389, %gather3A_1393 : vector<16xf32>
      %add3A_1395 = arith.constant 14 : i32
      %add3A_1396 = vector.broadcast %add3A_1395 : i32 to vector<16xi32>
      %add3A_1397 = arith.addi %add3A_1328, %add3A_1396 : vector<16xi32>
      %gather3A_1398 = tpu.vector_load_idx %arg21[%add3A_1397] : memref<2560xf32, #tpu.memory_space<vmem>>[vector<16xi32>], vector<16xf32>,
      %add3A_1399 = arith.addf %add3A_1394, %gather3A_1398 : vector<16xf32>
      %add3A_1400 = arith.constant 15 : i32
      %add3A_1401 = vector.broadcast %add3A_1400 : i32 to vector<16xi32>
      %add3A_1402 = arith.addi %add3A_1328, %add3A_1401 : vector<16xi32>
      %gather3A_1403 = tpu.vector_load_idx %arg21[%add3A_1402] : memref<2560xf32, #tpu.memory_space<vmem>>[vector<16xi32>], vector<16xf32>,
      %add3A_1404 = arith.addf %add3A_1399, %gather3A_1403 : vector<16xf32>
      %neg3A_1405 = arith.constant 0.000000e+00 : f32
      %neg3A_1406 = vector.broadcast %neg3A_1405 : f32 to vector<16xf32>
      %neg3A_1407 = arith.subf %neg3A_1406, %add3A_1404 : vector<16xf32>
      %exp3A_1408 = math.exp %neg3A_1407 : vector<16xf32>
      %add3A_1409 = arith.constant 1.000000e+00 : f32
      %add3A_1410 = vector.broadcast %add3A_1409 : f32 to vector<16xf32>
      %add3A_1411 = arith.addf %add3A_1410, %exp3A_1408 : vector<16xf32>
      %div3A_1412 = arith.constant 1.000000e+00 : f32
      %div3A_1413 = vector.broadcast %div3A_1412 : f32 to vector<16xf32>
      %div3A_1414 = arith.divf %div3A_1413, %add3A_1411 : vector<16xf32>
      %mul3A_1415 = arith.constant 8 : i32
      %mul3A_1416 = arith.muli %add3A_1112, %mul3A_1415 : i32
      %mul3A_1417 = arith.constant 20 : i32
      %mul3A_1418 = arith.muli %mul3A_1416, %mul3A_1417 : i32
      %add3A_1419 = arith.constant 32 : i32
      %add3A_1420 = arith.addi %mul3A_1418, %add3A_1419 : i32
      %swap3A_1421 = arith.index_cast %add3A_1420 : i32 to index
      %swap3A_1422 = tpu.vector_load %arg22[%swap3A_1421] {strides = array<i32>} : memref<2560xf32, #tpu.memory_space<vmem>>, vector<16xf32>,
      tpu.vector_store %arg22[%swap3A_1421], %div3A_1414 {strides = array<i32>} : memref<2560xf32, #tpu.memory_space<vmem>>, vector<16xf32>,
      %mul3A_1423 = arith.constant 16 : i32
      %mul3A_1424 = vector.broadcast %mul3A_1423 : i32 to vector<16xi32>
      %mul3A_1425 = arith.muli %iota3A, %mul3A_1424 : vector<16xi32>
      %add3A_1426 = arith.constant 768 : i32
      %add3A_1427 = vector.broadcast %add3A_1426 : i32 to vector<16xi32>
      %add3A_1428 = arith.addi %mul3A_1425, %add3A_1427 : vector<16xi32>
      %gather3A_1429 = tpu.vector_load_idx %arg21[%add3A_1428] : memref<2560xf32, #tpu.memory_space<vmem>>[vector<16xi32>], vector<16xf32>,
      %add3A_1430 = arith.constant 1 : i32
      %add3A_1431 = vector.broadcast %add3A_1430 : i32 to vector<16xi32>
      %add3A_1432 = arith.addi %add3A_1428, %add3A_1431 : vector<16xi32>
      %gather3A_1433 = tpu.vector_load_idx %arg21[%add3A_1432] : memref<2560xf32, #tpu.memory_space<vmem>>[vector<16xi32>], vector<16xf32>,
      %add3A_1434 = arith.addf %gather3A_1429, %gather3A_1433 : vector<16xf32>
      %add3A_1435 = arith.constant 2 : i32
      %add3A_1436 = vector.broadcast %add3A_1435 : i32 to vector<16xi32>
      %add3A_1437 = arith.addi %add3A_1428, %add3A_1436 : vector<16xi32>
      %gather3A_1438 = tpu.vector_load_idx %arg21[%add3A_1437] : memref<2560xf32, #tpu.memory_space<vmem>>[vector<16xi32>], vector<16xf32>,
      %add3A_1439 = arith.addf %add3A_1434, %gather3A_1438 : vector<16xf32>
      %add3A_1440 = arith.constant 3 : i32
      %add3A_1441 = vector.broadcast %add3A_1440 : i32 to vector<16xi32>
      %add3A_1442 = arith.addi %add3A_1428, %add3A_1441 : vector<16xi32>
      %gather3A_1443 = tpu.vector_load_idx %arg21[%add3A_1442] : memref<2560xf32, #tpu.memory_space<vmem>>[vector<16xi32>], vector<16xf32>,
      %add3A_1444 = arith.addf %add3A_1439, %gather3A_1443 : vector<16xf32>
      %add3A_1445 = arith.constant 4 : i32
      %add3A_1446 = vector.broadcast %add3A_1445 : i32 to vector<16xi32>
      %add3A_1447 = arith.addi %add3A_1428, %add3A_1446 : vector<16xi32>
      %gather3A_1448 = tpu.vector_load_idx %arg21[%add3A_1447] : memref<2560xf32, #tpu.memory_space<vmem>>[vector<16xi32>], vector<16xf32>,
      %add3A_1449 = arith.addf %add3A_1444, %gather3A_1448 : vector<16xf32>
      %add3A_1450 = arith.constant 5 : i32
      %add3A_1451 = vector.broadcast %add3A_1450 : i32 to vector<16xi32>
      %add3A_1452 = arith.addi %add3A_1428, %add3A_1451 : vector<16xi32>
      %gather3A_1453 = tpu.vector_load_idx %arg21[%add3A_1452] : memref<2560xf32, #tpu.memory_space<vmem>>[vector<16xi32>], vector<16xf32>,
      %add3A_1454 = arith.addf %add3A_1449, %gather3A_1453 : vector<16xf32>
      %add3A_1455 = arith.constant 6 : i32
      %add3A_1456 = vector.broadcast %add3A_1455 : i32 to vector<16xi32>
      %add3A_1457 = arith.addi %add3A_1428, %add3A_1456 : vector<16xi32>
      %gather3A_1458 = tpu.vector_load_idx %arg21[%add3A_1457] : memref<2560xf32, #tpu.memory_space<vmem>>[vector<16xi32>], vector<16xf32>,
      %add3A_1459 = arith.addf %add3A_1454, %gather3A_1458 : vector<16xf32>
      %add3A_1460 = arith.constant 7 : i32
      %add3A_1461 = vector.broadcast %add3A_1460 : i32 to vector<16xi32>
      %add3A_1462 = arith.addi %add3A_1428, %add3A_1461 : vector<16xi32>
      %gather3A_1463 = tpu.vector_load_idx %arg21[%add3A_1462] : memref<2560xf32, #tpu.memory_space<vmem>>[vector<16xi32>], vector<16xf32>,
      %add3A_1464 = arith.addf %add3A_1459, %gather3A_1463 : vector<16xf32>
      %add3A_1465 = arith.constant 8 : i32
      %add3A_1466 = vector.broadcast %add3A_1465 : i32 to vector<16xi32>
      %add3A_1467 = arith.addi %add3A_1428, %add3A_1466 : vector<16xi32>
      %gather3A_1468 = tpu.vector_load_idx %arg21[%add3A_1467] : memref<2560xf32, #tpu.memory_space<vmem>>[vector<16xi32>], vector<16xf32>,
      %add3A_1469 = arith.addf %add3A_1464, %gather3A_1468 : vector<16xf32>
      %add3A_1470 = arith.constant 9 : i32
      %add3A_1471 = vector.broadcast %add3A_1470 : i32 to vector<16xi32>
      %add3A_1472 = arith.addi %add3A_1428, %add3A_1471 : vector<16xi32>
      %gather3A_1473 = tpu.vector_load_idx %arg21[%add3A_1472] : memref<2560xf32, #tpu.memory_space<vmem>>[vector<16xi32>], vector<16xf32>,
      %add3A_1474 = arith.addf %add3A_1469, %gather3A_1473 : vector<16xf32>
      %add3A_1475 = arith.constant 10 : i32
      %add3A_1476 = vector.broadcast %add3A_1475 : i32 to vector<16xi32>
      %add3A_1477 = arith.addi %add3A_1428, %add3A_1476 : vector<16xi32>
      %gather3A_1478 = tpu.vector_load_idx %arg21[%add3A_1477] : memref<2560xf32, #tpu.memory_space<vmem>>[vector<16xi32>], vector<16xf32>,
      %add3A_1479 = arith.addf %add3A_1474, %gather3A_1478 : vector<16xf32>
      %add3A_1480 = arith.constant 11 : i32
      %add3A_1481 = vector.broadcast %add3A_1480 : i32 to vector<16xi32>
      %add3A_1482 = arith.addi %add3A_1428, %add3A_1481 : vector<16xi32>
      %gather3A_1483 = tpu.vector_load_idx %arg21[%add3A_1482] : memref<2560xf32, #tpu.memory_space<vmem>>[vector<16xi32>], vector<16xf32>,
      %add3A_1484 = arith.addf %add3A_1479, %gather3A_1483 : vector<16xf32>
      %add3A_1485 = arith.constant 12 : i32
      %add3A_1486 = vector.broadcast %add3A_1485 : i32 to vector<16xi32>
      %add3A_1487 = arith.addi %add3A_1428, %add3A_1486 : vector<16xi32>
      %gather3A_1488 = tpu.vector_load_idx %arg21[%add3A_1487] : memref<2560xf32, #tpu.memory_space<vmem>>[vector<16xi32>], vector<16xf32>,
      %add3A_1489 = arith.addf %add3A_1484, %gather3A_1488 : vector<16xf32>
      %add3A_1490 = arith.constant 13 : i32
      %add3A_1491 = vector.broadcast %add3A_1490 : i32 to vector<16xi32>
      %add3A_1492 = arith.addi %add3A_1428, %add3A_1491 : vector<16xi32>
      %gather3A_1493 = tpu.vector_load_idx %arg21[%add3A_1492] : memref<2560xf32, #tpu.memory_space<vmem>>[vector<16xi32>], vector<16xf32>,
      %add3A_1494 = arith.addf %add3A_1489, %gather3A_1493 : vector<16xf32>
      %add3A_1495 = arith.constant 14 : i32
      %add3A_1496 = vector.broadcast %add3A_1495 : i32 to vector<16xi32>
      %add3A_1497 = arith.addi %add3A_1428, %add3A_1496 : vector<16xi32>
      %gather3A_1498 = tpu.vector_load_idx %arg21[%add3A_1497] : memref<2560xf32, #tpu.memory_space<vmem>>[vector<16xi32>], vector<16xf32>,
      %add3A_1499 = arith.addf %add3A_1494, %gather3A_1498 : vector<16xf32>
      %add3A_1500 = arith.constant 15 : i32
      %add3A_1501 = vector.broadcast %add3A_1500 : i32 to vector<16xi32>
      %add3A_1502 = arith.addi %add3A_1428, %add3A_1501 : vector<16xi32>
      %gather3A_1503 = tpu.vector_load_idx %arg21[%add3A_1502] : memref<2560xf32, #tpu.memory_space<vmem>>[vector<16xi32>], vector<16xf32>,
      %add3A_1504 = arith.addf %add3A_1499, %gather3A_1503 : vector<16xf32>
      %neg3A_1505 = arith.constant 0.000000e+00 : f32
      %neg3A_1506 = vector.broadcast %neg3A_1505 : f32 to vector<16xf32>
      %neg3A_1507 = arith.subf %neg3A_1506, %add3A_1504 : vector<16xf32>
      %exp3A_1508 = math.exp %neg3A_1507 : vector<16xf32>
      %add3A_1509 = arith.constant 1.000000e+00 : f32
      %add3A_1510 = vector.broadcast %add3A_1509 : f32 to vector<16xf32>
      %add3A_1511 = arith.addf %add3A_1510, %exp3A_1508 : vector<16xf32>
      %div3A_1512 = arith.constant 1.000000e+00 : f32
      %div3A_1513 = vector.broadcast %div3A_1512 : f32 to vector<16xf32>
      %div3A_1514 = arith.divf %div3A_1513, %add3A_1511 : vector<16xf32>
      %mul3A_1515 = arith.constant 8 : i32
      %mul3A_1516 = arith.muli %add3A_1112, %mul3A_1515 : i32
      %mul3A_1517 = arith.constant 20 : i32
      %mul3A_1518 = arith.muli %mul3A_1516, %mul3A_1517 : i32
      %add3A_1519 = arith.constant 48 : i32
      %add3A_1520 = arith.addi %mul3A_1518, %add3A_1519 : i32
      %swap3A_1521 = arith.index_cast %add3A_1520 : i32 to index
      %swap3A_1522 = tpu.vector_load %arg22[%swap3A_1521] {strides = array<i32>} : memref<2560xf32, #tpu.memory_space<vmem>>, vector<16xf32>,
      tpu.vector_store %arg22[%swap3A_1521], %div3A_1514 {strides = array<i32>} : memref<2560xf32, #tpu.memory_space<vmem>>, vector<16xf32>,
      %mul3A_1523 = arith.constant 16 : i32
      %mul3A_1524 = vector.broadcast %mul3A_1523 : i32 to vector<16xi32>
      %mul3A_1525 = arith.muli %iota3A, %mul3A_1524 : vector<16xi32>
      %add3A_1526 = arith.constant 1024 : i32
      %add3A_1527 = vector.broadcast %add3A_1526 : i32 to vector<16xi32>
      %add3A_1528 = arith.addi %mul3A_1525, %add3A_1527 : vector<16xi32>
      %gather3A_1529 = tpu.vector_load_idx %arg21[%add3A_1528] : memref<2560xf32, #tpu.memory_space<vmem>>[vector<16xi32>], vector<16xf32>,
      %add3A_1530 = arith.constant 1 : i32
      %add3A_1531 = vector.broadcast %add3A_1530 : i32 to vector<16xi32>
      %add3A_1532 = arith.addi %add3A_1528, %add3A_1531 : vector<16xi32>
      %gather3A_1533 = tpu.vector_load_idx %arg21[%add3A_1532] : memref<2560xf32, #tpu.memory_space<vmem>>[vector<16xi32>], vector<16xf32>,
      %add3A_1534 = arith.addf %gather3A_1529, %gather3A_1533 : vector<16xf32>
      %add3A_1535 = arith.constant 2 : i32
      %add3A_1536 = vector.broadcast %add3A_1535 : i32 to vector<16xi32>
      %add3A_1537 = arith.addi %add3A_1528, %add3A_1536 : vector<16xi32>
      %gather3A_1538 = tpu.vector_load_idx %arg21[%add3A_1537] : memref<2560xf32, #tpu.memory_space<vmem>>[vector<16xi32>], vector<16xf32>,
      %add3A_1539 = arith.addf %add3A_1534, %gather3A_1538 : vector<16xf32>
      %add3A_1540 = arith.constant 3 : i32
      %add3A_1541 = vector.broadcast %add3A_1540 : i32 to vector<16xi32>
      %add3A_1542 = arith.addi %add3A_1528, %add3A_1541 : vector<16xi32>
      %gather3A_1543 = tpu.vector_load_idx %arg21[%add3A_1542] : memref<2560xf32, #tpu.memory_space<vmem>>[vector<16xi32>], vector<16xf32>,
      %add3A_1544 = arith.addf %add3A_1539, %gather3A_1543 : vector<16xf32>
      %add3A_1545 = arith.constant 4 : i32
      %add3A_1546 = vector.broadcast %add3A_1545 : i32 to vector<16xi32>
      %add3A_1547 = arith.addi %add3A_1528, %add3A_1546 : vector<16xi32>
      %gather3A_1548 = tpu.vector_load_idx %arg21[%add3A_1547] : memref<2560xf32, #tpu.memory_space<vmem>>[vector<16xi32>], vector<16xf32>,
      %add3A_1549 = arith.addf %add3A_1544, %gather3A_1548 : vector<16xf32>
      %add3A_1550 = arith.constant 5 : i32
      %add3A_1551 = vector.broadcast %add3A_1550 : i32 to vector<16xi32>
      %add3A_1552 = arith.addi %add3A_1528, %add3A_1551 : vector<16xi32>
      %gather3A_1553 = tpu.vector_load_idx %arg21[%add3A_1552] : memref<2560xf32, #tpu.memory_space<vmem>>[vector<16xi32>], vector<16xf32>,
      %add3A_1554 = arith.addf %add3A_1549, %gather3A_1553 : vector<16xf32>
      %add3A_1555 = arith.constant 6 : i32
      %add3A_1556 = vector.broadcast %add3A_1555 : i32 to vector<16xi32>
      %add3A_1557 = arith.addi %add3A_1528, %add3A_1556 : vector<16xi32>
      %gather3A_1558 = tpu.vector_load_idx %arg21[%add3A_1557] : memref<2560xf32, #tpu.memory_space<vmem>>[vector<16xi32>], vector<16xf32>,
      %add3A_1559 = arith.addf %add3A_1554, %gather3A_1558 : vector<16xf32>
      %add3A_1560 = arith.constant 7 : i32
      %add3A_1561 = vector.broadcast %add3A_1560 : i32 to vector<16xi32>
      %add3A_1562 = arith.addi %add3A_1528, %add3A_1561 : vector<16xi32>
      %gather3A_1563 = tpu.vector_load_idx %arg21[%add3A_1562] : memref<2560xf32, #tpu.memory_space<vmem>>[vector<16xi32>], vector<16xf32>,
      %add3A_1564 = arith.addf %add3A_1559, %gather3A_1563 : vector<16xf32>
      %add3A_1565 = arith.constant 8 : i32
      %add3A_1566 = vector.broadcast %add3A_1565 : i32 to vector<16xi32>
      %add3A_1567 = arith.addi %add3A_1528, %add3A_1566 : vector<16xi32>
      %gather3A_1568 = tpu.vector_load_idx %arg21[%add3A_1567] : memref<2560xf32, #tpu.memory_space<vmem>>[vector<16xi32>], vector<16xf32>,
      %add3A_1569 = arith.addf %add3A_1564, %gather3A_1568 : vector<16xf32>
      %add3A_1570 = arith.constant 9 : i32
      %add3A_1571 = vector.broadcast %add3A_1570 : i32 to vector<16xi32>
      %add3A_1572 = arith.addi %add3A_1528, %add3A_1571 : vector<16xi32>
      %gather3A_1573 = tpu.vector_load_idx %arg21[%add3A_1572] : memref<2560xf32, #tpu.memory_space<vmem>>[vector<16xi32>], vector<16xf32>,
      %add3A_1574 = arith.addf %add3A_1569, %gather3A_1573 : vector<16xf32>
      %add3A_1575 = arith.constant 10 : i32
      %add3A_1576 = vector.broadcast %add3A_1575 : i32 to vector<16xi32>
      %add3A_1577 = arith.addi %add3A_1528, %add3A_1576 : vector<16xi32>
      %gather3A_1578 = tpu.vector_load_idx %arg21[%add3A_1577] : memref<2560xf32, #tpu.memory_space<vmem>>[vector<16xi32>], vector<16xf32>,
      %add3A_1579 = arith.addf %add3A_1574, %gather3A_1578 : vector<16xf32>
      %add3A_1580 = arith.constant 11 : i32
      %add3A_1581 = vector.broadcast %add3A_1580 : i32 to vector<16xi32>
      %add3A_1582 = arith.addi %add3A_1528, %add3A_1581 : vector<16xi32>
      %gather3A_1583 = tpu.vector_load_idx %arg21[%add3A_1582] : memref<2560xf32, #tpu.memory_space<vmem>>[vector<16xi32>], vector<16xf32>,
      %add3A_1584 = arith.addf %add3A_1579, %gather3A_1583 : vector<16xf32>
      %add3A_1585 = arith.constant 12 : i32
      %add3A_1586 = vector.broadcast %add3A_1585 : i32 to vector<16xi32>
      %add3A_1587 = arith.addi %add3A_1528, %add3A_1586 : vector<16xi32>
      %gather3A_1588 = tpu.vector_load_idx %arg21[%add3A_1587] : memref<2560xf32, #tpu.memory_space<vmem>>[vector<16xi32>], vector<16xf32>,
      %add3A_1589 = arith.addf %add3A_1584, %gather3A_1588 : vector<16xf32>
      %add3A_1590 = arith.constant 13 : i32
      %add3A_1591 = vector.broadcast %add3A_1590 : i32 to vector<16xi32>
      %add3A_1592 = arith.addi %add3A_1528, %add3A_1591 : vector<16xi32>
      %gather3A_1593 = tpu.vector_load_idx %arg21[%add3A_1592] : memref<2560xf32, #tpu.memory_space<vmem>>[vector<16xi32>], vector<16xf32>,
      %add3A_1594 = arith.addf %add3A_1589, %gather3A_1593 : vector<16xf32>
      %add3A_1595 = arith.constant 14 : i32
      %add3A_1596 = vector.broadcast %add3A_1595 : i32 to vector<16xi32>
      %add3A_1597 = arith.addi %add3A_1528, %add3A_1596 : vector<16xi32>
      %gather3A_1598 = tpu.vector_load_idx %arg21[%add3A_1597] : memref<2560xf32, #tpu.memory_space<vmem>>[vector<16xi32>], vector<16xf32>,
      %add3A_1599 = arith.addf %add3A_1594, %gather3A_1598 : vector<16xf32>
      %add3A_1600 = arith.constant 15 : i32
      %add3A_1601 = vector.broadcast %add3A_1600 : i32 to vector<16xi32>
      %add3A_1602 = arith.addi %add3A_1528, %add3A_1601 : vector<16xi32>
      %gather3A_1603 = tpu.vector_load_idx %arg21[%add3A_1602] : memref<2560xf32, #tpu.memory_space<vmem>>[vector<16xi32>], vector<16xf32>,
      %add3A_1604 = arith.addf %add3A_1599, %gather3A_1603 : vector<16xf32>
      %neg3A_1605 = arith.constant 0.000000e+00 : f32
      %neg3A_1606 = vector.broadcast %neg3A_1605 : f32 to vector<16xf32>
      %neg3A_1607 = arith.subf %neg3A_1606, %add3A_1604 : vector<16xf32>
      %exp3A_1608 = math.exp %neg3A_1607 : vector<16xf32>
      %add3A_1609 = arith.constant 1.000000e+00 : f32
      %add3A_1610 = vector.broadcast %add3A_1609 : f32 to vector<16xf32>
      %add3A_1611 = arith.addf %add3A_1610, %exp3A_1608 : vector<16xf32>
      %div3A_1612 = arith.constant 1.000000e+00 : f32
      %div3A_1613 = vector.broadcast %div3A_1612 : f32 to vector<16xf32>
      %div3A_1614 = arith.divf %div3A_1613, %add3A_1611 : vector<16xf32>
      %mul3A_1615 = arith.constant 8 : i32
      %mul3A_1616 = arith.muli %add3A_1112, %mul3A_1615 : i32
      %mul3A_1617 = arith.constant 20 : i32
      %mul3A_1618 = arith.muli %mul3A_1616, %mul3A_1617 : i32
      %add3A_1619 = arith.constant 64 : i32
      %add3A_1620 = arith.addi %mul3A_1618, %add3A_1619 : i32
      %swap3A_1621 = arith.index_cast %add3A_1620 : i32 to index
      %swap3A_1622 = tpu.vector_load %arg22[%swap3A_1621] {strides = array<i32>} : memref<2560xf32, #tpu.memory_space<vmem>>, vector<16xf32>,
      tpu.vector_store %arg22[%swap3A_1621], %div3A_1614 {strides = array<i32>} : memref<2560xf32, #tpu.memory_space<vmem>>, vector<16xf32>,
      %mul3A_1623 = arith.constant 16 : i32
      %mul3A_1624 = vector.broadcast %mul3A_1623 : i32 to vector<16xi32>
      %mul3A_1625 = arith.muli %iota3A, %mul3A_1624 : vector<16xi32>
      %add3A_1626 = arith.constant 1280 : i32
      %add3A_1627 = vector.broadcast %add3A_1626 : i32 to vector<16xi32>
      %add3A_1628 = arith.addi %mul3A_1625, %add3A_1627 : vector<16xi32>
      %gather3A_1629 = tpu.vector_load_idx %arg21[%add3A_1628] : memref<2560xf32, #tpu.memory_space<vmem>>[vector<16xi32>], vector<16xf32>,
      %add3A_1630 = arith.constant 1 : i32
      %add3A_1631 = vector.broadcast %add3A_1630 : i32 to vector<16xi32>
      %add3A_1632 = arith.addi %add3A_1628, %add3A_1631 : vector<16xi32>
      %gather3A_1633 = tpu.vector_load_idx %arg21[%add3A_1632] : memref<2560xf32, #tpu.memory_space<vmem>>[vector<16xi32>], vector<16xf32>,
      %add3A_1634 = arith.addf %gather3A_1629, %gather3A_1633 : vector<16xf32>
      %add3A_1635 = arith.constant 2 : i32
      %add3A_1636 = vector.broadcast %add3A_1635 : i32 to vector<16xi32>
      %add3A_1637 = arith.addi %add3A_1628, %add3A_1636 : vector<16xi32>
      %gather3A_1638 = tpu.vector_load_idx %arg21[%add3A_1637] : memref<2560xf32, #tpu.memory_space<vmem>>[vector<16xi32>], vector<16xf32>,
      %add3A_1639 = arith.addf %add3A_1634, %gather3A_1638 : vector<16xf32>
      %add3A_1640 = arith.constant 3 : i32
      %add3A_1641 = vector.broadcast %add3A_1640 : i32 to vector<16xi32>
      %add3A_1642 = arith.addi %add3A_1628, %add3A_1641 : vector<16xi32>
      %gather3A_1643 = tpu.vector_load_idx %arg21[%add3A_1642] : memref<2560xf32, #tpu.memory_space<vmem>>[vector<16xi32>], vector<16xf32>,
      %add3A_1644 = arith.addf %add3A_1639, %gather3A_1643 : vector<16xf32>
      %add3A_1645 = arith.constant 4 : i32
      %add3A_1646 = vector.broadcast %add3A_1645 : i32 to vector<16xi32>
      %add3A_1647 = arith.addi %add3A_1628, %add3A_1646 : vector<16xi32>
      %gather3A_1648 = tpu.vector_load_idx %arg21[%add3A_1647] : memref<2560xf32, #tpu.memory_space<vmem>>[vector<16xi32>], vector<16xf32>,
      %add3A_1649 = arith.addf %add3A_1644, %gather3A_1648 : vector<16xf32>
      %add3A_1650 = arith.constant 5 : i32
      %add3A_1651 = vector.broadcast %add3A_1650 : i32 to vector<16xi32>
      %add3A_1652 = arith.addi %add3A_1628, %add3A_1651 : vector<16xi32>
      %gather3A_1653 = tpu.vector_load_idx %arg21[%add3A_1652] : memref<2560xf32, #tpu.memory_space<vmem>>[vector<16xi32>], vector<16xf32>,
      %add3A_1654 = arith.addf %add3A_1649, %gather3A_1653 : vector<16xf32>
      %add3A_1655 = arith.constant 6 : i32
      %add3A_1656 = vector.broadcast %add3A_1655 : i32 to vector<16xi32>
      %add3A_1657 = arith.addi %add3A_1628, %add3A_1656 : vector<16xi32>
      %gather3A_1658 = tpu.vector_load_idx %arg21[%add3A_1657] : memref<2560xf32, #tpu.memory_space<vmem>>[vector<16xi32>], vector<16xf32>,
      %add3A_1659 = arith.addf %add3A_1654, %gather3A_1658 : vector<16xf32>
      %add3A_1660 = arith.constant 7 : i32
      %add3A_1661 = vector.broadcast %add3A_1660 : i32 to vector<16xi32>
      %add3A_1662 = arith.addi %add3A_1628, %add3A_1661 : vector<16xi32>
      %gather3A_1663 = tpu.vector_load_idx %arg21[%add3A_1662] : memref<2560xf32, #tpu.memory_space<vmem>>[vector<16xi32>], vector<16xf32>,
      %add3A_1664 = arith.addf %add3A_1659, %gather3A_1663 : vector<16xf32>
      %add3A_1665 = arith.constant 8 : i32
      %add3A_1666 = vector.broadcast %add3A_1665 : i32 to vector<16xi32>
      %add3A_1667 = arith.addi %add3A_1628, %add3A_1666 : vector<16xi32>
      %gather3A_1668 = tpu.vector_load_idx %arg21[%add3A_1667] : memref<2560xf32, #tpu.memory_space<vmem>>[vector<16xi32>], vector<16xf32>,
      %add3A_1669 = arith.addf %add3A_1664, %gather3A_1668 : vector<16xf32>
      %add3A_1670 = arith.constant 9 : i32
      %add3A_1671 = vector.broadcast %add3A_1670 : i32 to vector<16xi32>
      %add3A_1672 = arith.addi %add3A_1628, %add3A_1671 : vector<16xi32>
      %gather3A_1673 = tpu.vector_load_idx %arg21[%add3A_1672] : memref<2560xf32, #tpu.memory_space<vmem>>[vector<16xi32>], vector<16xf32>,
      %add3A_1674 = arith.addf %add3A_1669, %gather3A_1673 : vector<16xf32>
      %add3A_1675 = arith.constant 10 : i32
      %add3A_1676 = vector.broadcast %add3A_1675 : i32 to vector<16xi32>
      %add3A_1677 = arith.addi %add3A_1628, %add3A_1676 : vector<16xi32>
      %gather3A_1678 = tpu.vector_load_idx %arg21[%add3A_1677] : memref<2560xf32, #tpu.memory_space<vmem>>[vector<16xi32>], vector<16xf32>,
      %add3A_1679 = arith.addf %add3A_1674, %gather3A_1678 : vector<16xf32>
      %add3A_1680 = arith.constant 11 : i32
      %add3A_1681 = vector.broadcast %add3A_1680 : i32 to vector<16xi32>
      %add3A_1682 = arith.addi %add3A_1628, %add3A_1681 : vector<16xi32>
      %gather3A_1683 = tpu.vector_load_idx %arg21[%add3A_1682] : memref<2560xf32, #tpu.memory_space<vmem>>[vector<16xi32>], vector<16xf32>,
      %add3A_1684 = arith.addf %add3A_1679, %gather3A_1683 : vector<16xf32>
      %add3A_1685 = arith.constant 12 : i32
      %add3A_1686 = vector.broadcast %add3A_1685 : i32 to vector<16xi32>
      %add3A_1687 = arith.addi %add3A_1628, %add3A_1686 : vector<16xi32>
      %gather3A_1688 = tpu.vector_load_idx %arg21[%add3A_1687] : memref<2560xf32, #tpu.memory_space<vmem>>[vector<16xi32>], vector<16xf32>,
      %add3A_1689 = arith.addf %add3A_1684, %gather3A_1688 : vector<16xf32>
      %add3A_1690 = arith.constant 13 : i32
      %add3A_1691 = vector.broadcast %add3A_1690 : i32 to vector<16xi32>
      %add3A_1692 = arith.addi %add3A_1628, %add3A_1691 : vector<16xi32>
      %gather3A_1693 = tpu.vector_load_idx %arg21[%add3A_1692] : memref<2560xf32, #tpu.memory_space<vmem>>[vector<16xi32>], vector<16xf32>,
      %add3A_1694 = arith.addf %add3A_1689, %gather3A_1693 : vector<16xf32>
      %add3A_1695 = arith.constant 14 : i32
      %add3A_1696 = vector.broadcast %add3A_1695 : i32 to vector<16xi32>
      %add3A_1697 = arith.addi %add3A_1628, %add3A_1696 : vector<16xi32>
      %gather3A_1698 = tpu.vector_load_idx %arg21[%add3A_1697] : memref<2560xf32, #tpu.memory_space<vmem>>[vector<16xi32>], vector<16xf32>,
      %add3A_1699 = arith.addf %add3A_1694, %gather3A_1698 : vector<16xf32>
      %add3A_1700 = arith.constant 15 : i32
      %add3A_1701 = vector.broadcast %add3A_1700 : i32 to vector<16xi32>
      %add3A_1702 = arith.addi %add3A_1628, %add3A_1701 : vector<16xi32>
      %gather3A_1703 = tpu.vector_load_idx %arg21[%add3A_1702] : memref<2560xf32, #tpu.memory_space<vmem>>[vector<16xi32>], vector<16xf32>,
      %add3A_1704 = arith.addf %add3A_1699, %gather3A_1703 : vector<16xf32>
      %neg3A_1705 = arith.constant 0.000000e+00 : f32
      %neg3A_1706 = vector.broadcast %neg3A_1705 : f32 to vector<16xf32>
      %neg3A_1707 = arith.subf %neg3A_1706, %add3A_1704 : vector<16xf32>
      %exp3A_1708 = math.exp %neg3A_1707 : vector<16xf32>
      %add3A_1709 = arith.constant 1.000000e+00 : f32
      %add3A_1710 = vector.broadcast %add3A_1709 : f32 to vector<16xf32>
      %add3A_1711 = arith.addf %add3A_1710, %exp3A_1708 : vector<16xf32>
      %div3A_1712 = arith.constant 1.000000e+00 : f32
      %div3A_1713 = vector.broadcast %div3A_1712 : f32 to vector<16xf32>
      %div3A_1714 = arith.divf %div3A_1713, %add3A_1711 : vector<16xf32>
      %mul3A_1715 = arith.constant 8 : i32
      %mul3A_1716 = arith.muli %add3A_1112, %mul3A_1715 : i32
      %mul3A_1717 = arith.constant 20 : i32
      %mul3A_1718 = arith.muli %mul3A_1716, %mul3A_1717 : i32
      %add3A_1719 = arith.constant 80 : i32
      %add3A_1720 = arith.addi %mul3A_1718, %add3A_1719 : i32
      %swap3A_1721 = arith.index_cast %add3A_1720 : i32 to index
      %swap3A_1722 = tpu.vector_load %arg22[%swap3A_1721] {strides = array<i32>} : memref<2560xf32, #tpu.memory_space<vmem>>, vector<16xf32>,
      tpu.vector_store %arg22[%swap3A_1721], %div3A_1714 {strides = array<i32>} : memref<2560xf32, #tpu.memory_space<vmem>>, vector<16xf32>,
      %mul3A_1723 = arith.constant 16 : i32
      %mul3A_1724 = vector.broadcast %mul3A_1723 : i32 to vector<16xi32>
      %mul3A_1725 = arith.muli %iota3A, %mul3A_1724 : vector<16xi32>
      %add3A_1726 = arith.constant 1536 : i32
      %add3A_1727 = vector.broadcast %add3A_1726 : i32 to vector<16xi32>
      %add3A_1728 = arith.addi %mul3A_1725, %add3A_1727 : vector<16xi32>
      %gather3A_1729 = tpu.vector_load_idx %arg21[%add3A_1728] : memref<2560xf32, #tpu.memory_space<vmem>>[vector<16xi32>], vector<16xf32>,
      %add3A_1730 = arith.constant 1 : i32
      %add3A_1731 = vector.broadcast %add3A_1730 : i32 to vector<16xi32>
      %add3A_1732 = arith.addi %add3A_1728, %add3A_1731 : vector<16xi32>
      %gather3A_1733 = tpu.vector_load_idx %arg21[%add3A_1732] : memref<2560xf32, #tpu.memory_space<vmem>>[vector<16xi32>], vector<16xf32>,
      %add3A_1734 = arith.addf %gather3A_1729, %gather3A_1733 : vector<16xf32>
      %add3A_1735 = arith.constant 2 : i32
      %add3A_1736 = vector.broadcast %add3A_1735 : i32 to vector<16xi32>
      %add3A_1737 = arith.addi %add3A_1728, %add3A_1736 : vector<16xi32>
      %gather3A_1738 = tpu.vector_load_idx %arg21[%add3A_1737] : memref<2560xf32, #tpu.memory_space<vmem>>[vector<16xi32>], vector<16xf32>,
      %add3A_1739 = arith.addf %add3A_1734, %gather3A_1738 : vector<16xf32>
      %add3A_1740 = arith.constant 3 : i32
      %add3A_1741 = vector.broadcast %add3A_1740 : i32 to vector<16xi32>
      %add3A_1742 = arith.addi %add3A_1728, %add3A_1741 : vector<16xi32>
      %gather3A_1743 = tpu.vector_load_idx %arg21[%add3A_1742] : memref<2560xf32, #tpu.memory_space<vmem>>[vector<16xi32>], vector<16xf32>,
      %add3A_1744 = arith.addf %add3A_1739, %gather3A_1743 : vector<16xf32>
      %add3A_1745 = arith.constant 4 : i32
      %add3A_1746 = vector.broadcast %add3A_1745 : i32 to vector<16xi32>
      %add3A_1747 = arith.addi %add3A_1728, %add3A_1746 : vector<16xi32>
      %gather3A_1748 = tpu.vector_load_idx %arg21[%add3A_1747] : memref<2560xf32, #tpu.memory_space<vmem>>[vector<16xi32>], vector<16xf32>,
      %add3A_1749 = arith.addf %add3A_1744, %gather3A_1748 : vector<16xf32>
      %add3A_1750 = arith.constant 5 : i32
      %add3A_1751 = vector.broadcast %add3A_1750 : i32 to vector<16xi32>
      %add3A_1752 = arith.addi %add3A_1728, %add3A_1751 : vector<16xi32>
      %gather3A_1753 = tpu.vector_load_idx %arg21[%add3A_1752] : memref<2560xf32, #tpu.memory_space<vmem>>[vector<16xi32>], vector<16xf32>,
      %add3A_1754 = arith.addf %add3A_1749, %gather3A_1753 : vector<16xf32>
      %add3A_1755 = arith.constant 6 : i32
      %add3A_1756 = vector.broadcast %add3A_1755 : i32 to vector<16xi32>
      %add3A_1757 = arith.addi %add3A_1728, %add3A_1756 : vector<16xi32>
      %gather3A_1758 = tpu.vector_load_idx %arg21[%add3A_1757] : memref<2560xf32, #tpu.memory_space<vmem>>[vector<16xi32>], vector<16xf32>,
      %add3A_1759 = arith.addf %add3A_1754, %gather3A_1758 : vector<16xf32>
      %add3A_1760 = arith.constant 7 : i32
      %add3A_1761 = vector.broadcast %add3A_1760 : i32 to vector<16xi32>
      %add3A_1762 = arith.addi %add3A_1728, %add3A_1761 : vector<16xi32>
      %gather3A_1763 = tpu.vector_load_idx %arg21[%add3A_1762] : memref<2560xf32, #tpu.memory_space<vmem>>[vector<16xi32>], vector<16xf32>,
      %add3A_1764 = arith.addf %add3A_1759, %gather3A_1763 : vector<16xf32>
      %add3A_1765 = arith.constant 8 : i32
      %add3A_1766 = vector.broadcast %add3A_1765 : i32 to vector<16xi32>
      %add3A_1767 = arith.addi %add3A_1728, %add3A_1766 : vector<16xi32>
      %gather3A_1768 = tpu.vector_load_idx %arg21[%add3A_1767] : memref<2560xf32, #tpu.memory_space<vmem>>[vector<16xi32>], vector<16xf32>,
      %add3A_1769 = arith.addf %add3A_1764, %gather3A_1768 : vector<16xf32>
      %add3A_1770 = arith.constant 9 : i32
      %add3A_1771 = vector.broadcast %add3A_1770 : i32 to vector<16xi32>
      %add3A_1772 = arith.addi %add3A_1728, %add3A_1771 : vector<16xi32>
      %gather3A_1773 = tpu.vector_load_idx %arg21[%add3A_1772] : memref<2560xf32, #tpu.memory_space<vmem>>[vector<16xi32>], vector<16xf32>,
      %add3A_1774 = arith.addf %add3A_1769, %gather3A_1773 : vector<16xf32>
      %add3A_1775 = arith.constant 10 : i32
      %add3A_1776 = vector.broadcast %add3A_1775 : i32 to vector<16xi32>
      %add3A_1777 = arith.addi %add3A_1728, %add3A_1776 : vector<16xi32>
      %gather3A_1778 = tpu.vector_load_idx %arg21[%add3A_1777] : memref<2560xf32, #tpu.memory_space<vmem>>[vector<16xi32>], vector<16xf32>,
      %add3A_1779 = arith.addf %add3A_1774, %gather3A_1778 : vector<16xf32>
      %add3A_1780 = arith.constant 11 : i32
      %add3A_1781 = vector.broadcast %add3A_1780 : i32 to vector<16xi32>
      %add3A_1782 = arith.addi %add3A_1728, %add3A_1781 : vector<16xi32>
      %gather3A_1783 = tpu.vector_load_idx %arg21[%add3A_1782] : memref<2560xf32, #tpu.memory_space<vmem>>[vector<16xi32>], vector<16xf32>,
      %add3A_1784 = arith.addf %add3A_1779, %gather3A_1783 : vector<16xf32>
      %add3A_1785 = arith.constant 12 : i32
      %add3A_1786 = vector.broadcast %add3A_1785 : i32 to vector<16xi32>
      %add3A_1787 = arith.addi %add3A_1728, %add3A_1786 : vector<16xi32>
      %gather3A_1788 = tpu.vector_load_idx %arg21[%add3A_1787] : memref<2560xf32, #tpu.memory_space<vmem>>[vector<16xi32>], vector<16xf32>,
      %add3A_1789 = arith.addf %add3A_1784, %gather3A_1788 : vector<16xf32>
      %add3A_1790 = arith.constant 13 : i32
      %add3A_1791 = vector.broadcast %add3A_1790 : i32 to vector<16xi32>
      %add3A_1792 = arith.addi %add3A_1728, %add3A_1791 : vector<16xi32>
      %gather3A_1793 = tpu.vector_load_idx %arg21[%add3A_1792] : memref<2560xf32, #tpu.memory_space<vmem>>[vector<16xi32>], vector<16xf32>,
      %add3A_1794 = arith.addf %add3A_1789, %gather3A_1793 : vector<16xf32>
      %add3A_1795 = arith.constant 14 : i32
      %add3A_1796 = vector.broadcast %add3A_1795 : i32 to vector<16xi32>
      %add3A_1797 = arith.addi %add3A_1728, %add3A_1796 : vector<16xi32>
      %gather3A_1798 = tpu.vector_load_idx %arg21[%add3A_1797] : memref<2560xf32, #tpu.memory_space<vmem>>[vector<16xi32>], vector<16xf32>,
      %add3A_1799 = arith.addf %add3A_1794, %gather3A_1798 : vector<16xf32>
      %add3A_1800 = arith.constant 15 : i32
      %add3A_1801 = vector.broadcast %add3A_1800 : i32 to vector<16xi32>
      %add3A_1802 = arith.addi %add3A_1728, %add3A_1801 : vector<16xi32>
      %gather3A_1803 = tpu.vector_load_idx %arg21[%add3A_1802] : memref<2560xf32, #tpu.memory_space<vmem>>[vector<16xi32>], vector<16xf32>,
      %add3A_1804 = arith.addf %add3A_1799, %gather3A_1803 : vector<16xf32>
      %neg3A_1805 = arith.constant 0.000000e+00 : f32
      %neg3A_1806 = vector.broadcast %neg3A_1805 : f32 to vector<16xf32>
      %neg3A_1807 = arith.subf %neg3A_1806, %add3A_1804 : vector<16xf32>
      %exp3A_1808 = math.exp %neg3A_1807 : vector<16xf32>
      %add3A_1809 = arith.constant 1.000000e+00 : f32
      %add3A_1810 = vector.broadcast %add3A_1809 : f32 to vector<16xf32>
      %add3A_1811 = arith.addf %add3A_1810, %exp3A_1808 : vector<16xf32>
      %div3A_1812 = arith.constant 1.000000e+00 : f32
      %div3A_1813 = vector.broadcast %div3A_1812 : f32 to vector<16xf32>
      %div3A_1814 = arith.divf %div3A_1813, %add3A_1811 : vector<16xf32>
      %mul3A_1815 = arith.constant 8 : i32
      %mul3A_1816 = arith.muli %add3A_1112, %mul3A_1815 : i32
      %mul3A_1817 = arith.constant 20 : i32
      %mul3A_1818 = arith.muli %mul3A_1816, %mul3A_1817 : i32
      %add3A_1819 = arith.constant 96 : i32
      %add3A_1820 = arith.addi %mul3A_1818, %add3A_1819 : i32
      %swap3A_1821 = arith.index_cast %add3A_1820 : i32 to index
      %swap3A_1822 = tpu.vector_load %arg22[%swap3A_1821] {strides = array<i32>} : memref<2560xf32, #tpu.memory_space<vmem>>, vector<16xf32>,
      tpu.vector_store %arg22[%swap3A_1821], %div3A_1814 {strides = array<i32>} : memref<2560xf32, #tpu.memory_space<vmem>>, vector<16xf32>,
      %mul3A_1823 = arith.constant 16 : i32
      %mul3A_1824 = vector.broadcast %mul3A_1823 : i32 to vector<16xi32>
      %mul3A_1825 = arith.muli %iota3A, %mul3A_1824 : vector<16xi32>
      %add3A_1826 = arith.constant 1792 : i32
      %add3A_1827 = vector.broadcast %add3A_1826 : i32 to vector<16xi32>
      %add3A_1828 = arith.addi %mul3A_1825, %add3A_1827 : vector<16xi32>
      %gather3A_1829 = tpu.vector_load_idx %arg21[%add3A_1828] : memref<2560xf32, #tpu.memory_space<vmem>>[vector<16xi32>], vector<16xf32>,
      %add3A_1830 = arith.constant 1 : i32
      %add3A_1831 = vector.broadcast %add3A_1830 : i32 to vector<16xi32>
      %add3A_1832 = arith.addi %add3A_1828, %add3A_1831 : vector<16xi32>
      %gather3A_1833 = tpu.vector_load_idx %arg21[%add3A_1832] : memref<2560xf32, #tpu.memory_space<vmem>>[vector<16xi32>], vector<16xf32>,
      %add3A_1834 = arith.addf %gather3A_1829, %gather3A_1833 : vector<16xf32>
      %add3A_1835 = arith.constant 2 : i32
      %add3A_1836 = vector.broadcast %add3A_1835 : i32 to vector<16xi32>
      %add3A_1837 = arith.addi %add3A_1828, %add3A_1836 : vector<16xi32>
      %gather3A_1838 = tpu.vector_load_idx %arg21[%add3A_1837] : memref<2560xf32, #tpu.memory_space<vmem>>[vector<16xi32>], vector<16xf32>,
      %add3A_1839 = arith.addf %add3A_1834, %gather3A_1838 : vector<16xf32>
      %add3A_1840 = arith.constant 3 : i32
      %add3A_1841 = vector.broadcast %add3A_1840 : i32 to vector<16xi32>
      %add3A_1842 = arith.addi %add3A_1828, %add3A_1841 : vector<16xi32>
      %gather3A_1843 = tpu.vector_load_idx %arg21[%add3A_1842] : memref<2560xf32, #tpu.memory_space<vmem>>[vector<16xi32>], vector<16xf32>,
      %add3A_1844 = arith.addf %add3A_1839, %gather3A_1843 : vector<16xf32>
      %add3A_1845 = arith.constant 4 : i32
      %add3A_1846 = vector.broadcast %add3A_1845 : i32 to vector<16xi32>
      %add3A_1847 = arith.addi %add3A_1828, %add3A_1846 : vector<16xi32>
      %gather3A_1848 = tpu.vector_load_idx %arg21[%add3A_1847] : memref<2560xf32, #tpu.memory_space<vmem>>[vector<16xi32>], vector<16xf32>,
      %add3A_1849 = arith.addf %add3A_1844, %gather3A_1848 : vector<16xf32>
      %add3A_1850 = arith.constant 5 : i32
      %add3A_1851 = vector.broadcast %add3A_1850 : i32 to vector<16xi32>
      %add3A_1852 = arith.addi %add3A_1828, %add3A_1851 : vector<16xi32>
      %gather3A_1853 = tpu.vector_load_idx %arg21[%add3A_1852] : memref<2560xf32, #tpu.memory_space<vmem>>[vector<16xi32>], vector<16xf32>,
      %add3A_1854 = arith.addf %add3A_1849, %gather3A_1853 : vector<16xf32>
      %add3A_1855 = arith.constant 6 : i32
      %add3A_1856 = vector.broadcast %add3A_1855 : i32 to vector<16xi32>
      %add3A_1857 = arith.addi %add3A_1828, %add3A_1856 : vector<16xi32>
      %gather3A_1858 = tpu.vector_load_idx %arg21[%add3A_1857] : memref<2560xf32, #tpu.memory_space<vmem>>[vector<16xi32>], vector<16xf32>,
      %add3A_1859 = arith.addf %add3A_1854, %gather3A_1858 : vector<16xf32>
      %add3A_1860 = arith.constant 7 : i32
      %add3A_1861 = vector.broadcast %add3A_1860 : i32 to vector<16xi32>
      %add3A_1862 = arith.addi %add3A_1828, %add3A_1861 : vector<16xi32>
      %gather3A_1863 = tpu.vector_load_idx %arg21[%add3A_1862] : memref<2560xf32, #tpu.memory_space<vmem>>[vector<16xi32>], vector<16xf32>,
      %add3A_1864 = arith.addf %add3A_1859, %gather3A_1863 : vector<16xf32>
      %add3A_1865 = arith.constant 8 : i32
      %add3A_1866 = vector.broadcast %add3A_1865 : i32 to vector<16xi32>
      %add3A_1867 = arith.addi %add3A_1828, %add3A_1866 : vector<16xi32>
      %gather3A_1868 = tpu.vector_load_idx %arg21[%add3A_1867] : memref<2560xf32, #tpu.memory_space<vmem>>[vector<16xi32>], vector<16xf32>,
      %add3A_1869 = arith.addf %add3A_1864, %gather3A_1868 : vector<16xf32>
      %add3A_1870 = arith.constant 9 : i32
      %add3A_1871 = vector.broadcast %add3A_1870 : i32 to vector<16xi32>
      %add3A_1872 = arith.addi %add3A_1828, %add3A_1871 : vector<16xi32>
      %gather3A_1873 = tpu.vector_load_idx %arg21[%add3A_1872] : memref<2560xf32, #tpu.memory_space<vmem>>[vector<16xi32>], vector<16xf32>,
      %add3A_1874 = arith.addf %add3A_1869, %gather3A_1873 : vector<16xf32>
      %add3A_1875 = arith.constant 10 : i32
      %add3A_1876 = vector.broadcast %add3A_1875 : i32 to vector<16xi32>
      %add3A_1877 = arith.addi %add3A_1828, %add3A_1876 : vector<16xi32>
      %gather3A_1878 = tpu.vector_load_idx %arg21[%add3A_1877] : memref<2560xf32, #tpu.memory_space<vmem>>[vector<16xi32>], vector<16xf32>,
      %add3A_1879 = arith.addf %add3A_1874, %gather3A_1878 : vector<16xf32>
      %add3A_1880 = arith.constant 11 : i32
      %add3A_1881 = vector.broadcast %add3A_1880 : i32 to vector<16xi32>
      %add3A_1882 = arith.addi %add3A_1828, %add3A_1881 : vector<16xi32>
      %gather3A_1883 = tpu.vector_load_idx %arg21[%add3A_1882] : memref<2560xf32, #tpu.memory_space<vmem>>[vector<16xi32>], vector<16xf32>,
      %add3A_1884 = arith.addf %add3A_1879, %gather3A_1883 : vector<16xf32>
      %add3A_1885 = arith.constant 12 : i32
      %add3A_1886 = vector.broadcast %add3A_1885 : i32 to vector<16xi32>
      %add3A_1887 = arith.addi %add3A_1828, %add3A_1886 : vector<16xi32>
      %gather3A_1888 = tpu.vector_load_idx %arg21[%add3A_1887] : memref<2560xf32, #tpu.memory_space<vmem>>[vector<16xi32>], vector<16xf32>,
      %add3A_1889 = arith.addf %add3A_1884, %gather3A_1888 : vector<16xf32>
      %add3A_1890 = arith.constant 13 : i32
      %add3A_1891 = vector.broadcast %add3A_1890 : i32 to vector<16xi32>
      %add3A_1892 = arith.addi %add3A_1828, %add3A_1891 : vector<16xi32>
      %gather3A_1893 = tpu.vector_load_idx %arg21[%add3A_1892] : memref<2560xf32, #tpu.memory_space<vmem>>[vector<16xi32>], vector<16xf32>,
      %add3A_1894 = arith.addf %add3A_1889, %gather3A_1893 : vector<16xf32>
      %add3A_1895 = arith.constant 14 : i32
      %add3A_1896 = vector.broadcast %add3A_1895 : i32 to vector<16xi32>
      %add3A_1897 = arith.addi %add3A_1828, %add3A_1896 : vector<16xi32>
      %gather3A_1898 = tpu.vector_load_idx %arg21[%add3A_1897] : memref<2560xf32, #tpu.memory_space<vmem>>[vector<16xi32>], vector<16xf32>,
      %add3A_1899 = arith.addf %add3A_1894, %gather3A_1898 : vector<16xf32>
      %add3A_1900 = arith.constant 15 : i32
      %add3A_1901 = vector.broadcast %add3A_1900 : i32 to vector<16xi32>
      %add3A_1902 = arith.addi %add3A_1828, %add3A_1901 : vector<16xi32>
      %gather3A_1903 = tpu.vector_load_idx %arg21[%add3A_1902] : memref<2560xf32, #tpu.memory_space<vmem>>[vector<16xi32>], vector<16xf32>,
      %add3A_1904 = arith.addf %add3A_1899, %gather3A_1903 : vector<16xf32>
      %neg3A_1905 = arith.constant 0.000000e+00 : f32
      %neg3A_1906 = vector.broadcast %neg3A_1905 : f32 to vector<16xf32>
      %neg3A_1907 = arith.subf %neg3A_1906, %add3A_1904 : vector<16xf32>
      %exp3A_1908 = math.exp %neg3A_1907 : vector<16xf32>
      %add3A_1909 = arith.constant 1.000000e+00 : f32
      %add3A_1910 = vector.broadcast %add3A_1909 : f32 to vector<16xf32>
      %add3A_1911 = arith.addf %add3A_1910, %exp3A_1908 : vector<16xf32>
      %div3A_1912 = arith.constant 1.000000e+00 : f32
      %div3A_1913 = vector.broadcast %div3A_1912 : f32 to vector<16xf32>
      %div3A_1914 = arith.divf %div3A_1913, %add3A_1911 : vector<16xf32>
      %mul3A_1915 = arith.constant 8 : i32
      %mul3A_1916 = arith.muli %add3A_1112, %mul3A_1915 : i32
      %mul3A_1917 = arith.constant 20 : i32
      %mul3A_1918 = arith.muli %mul3A_1916, %mul3A_1917 : i32
      %add3A_1919 = arith.constant 112 : i32
      %add3A_1920 = arith.addi %mul3A_1918, %add3A_1919 : i32
      %swap3A_1921 = arith.index_cast %add3A_1920 : i32 to index
      %swap3A_1922 = tpu.vector_load %arg22[%swap3A_1921] {strides = array<i32>} : memref<2560xf32, #tpu.memory_space<vmem>>, vector<16xf32>,
      tpu.vector_store %arg22[%swap3A_1921], %div3A_1914 {strides = array<i32>} : memref<2560xf32, #tpu.memory_space<vmem>>, vector<16xf32>,
      %mul3A_1923 = arith.constant 16 : i32
      %mul3A_1924 = vector.broadcast %mul3A_1923 : i32 to vector<16xi32>
      %mul3A_1925 = arith.muli %iota3A, %mul3A_1924 : vector<16xi32>
      %add3A_1926 = arith.constant 2048 : i32
      %add3A_1927 = vector.broadcast %add3A_1926 : i32 to vector<16xi32>
      %add3A_1928 = arith.addi %mul3A_1925, %add3A_1927 : vector<16xi32>
      %gather3A_1929 = tpu.vector_load_idx %arg21[%add3A_1928] : memref<2560xf32, #tpu.memory_space<vmem>>[vector<16xi32>], vector<16xf32>,
      %add3A_1930 = arith.constant 1 : i32
      %add3A_1931 = vector.broadcast %add3A_1930 : i32 to vector<16xi32>
      %add3A_1932 = arith.addi %add3A_1928, %add3A_1931 : vector<16xi32>
      %gather3A_1933 = tpu.vector_load_idx %arg21[%add3A_1932] : memref<2560xf32, #tpu.memory_space<vmem>>[vector<16xi32>], vector<16xf32>,
      %add3A_1934 = arith.addf %gather3A_1929, %gather3A_1933 : vector<16xf32>
      %add3A_1935 = arith.constant 2 : i32
      %add3A_1936 = vector.broadcast %add3A_1935 : i32 to vector<16xi32>
      %add3A_1937 = arith.addi %add3A_1928, %add3A_1936 : vector<16xi32>
      %gather3A_1938 = tpu.vector_load_idx %arg21[%add3A_1937] : memref<2560xf32, #tpu.memory_space<vmem>>[vector<16xi32>], vector<16xf32>,
      %add3A_1939 = arith.addf %add3A_1934, %gather3A_1938 : vector<16xf32>
      %add3A_1940 = arith.constant 3 : i32
      %add3A_1941 = vector.broadcast %add3A_1940 : i32 to vector<16xi32>
      %add3A_1942 = arith.addi %add3A_1928, %add3A_1941 : vector<16xi32>
      %gather3A_1943 = tpu.vector_load_idx %arg21[%add3A_1942] : memref<2560xf32, #tpu.memory_space<vmem>>[vector<16xi32>], vector<16xf32>,
      %add3A_1944 = arith.addf %add3A_1939, %gather3A_1943 : vector<16xf32>
      %add3A_1945 = arith.constant 4 : i32
      %add3A_1946 = vector.broadcast %add3A_1945 : i32 to vector<16xi32>
      %add3A_1947 = arith.addi %add3A_1928, %add3A_1946 : vector<16xi32>
      %gather3A_1948 = tpu.vector_load_idx %arg21[%add3A_1947] : memref<2560xf32, #tpu.memory_space<vmem>>[vector<16xi32>], vector<16xf32>,
      %add3A_1949 = arith.addf %add3A_1944, %gather3A_1948 : vector<16xf32>
      %add3A_1950 = arith.constant 5 : i32
      %add3A_1951 = vector.broadcast %add3A_1950 : i32 to vector<16xi32>
      %add3A_1952 = arith.addi %add3A_1928, %add3A_1951 : vector<16xi32>
      %gather3A_1953 = tpu.vector_load_idx %arg21[%add3A_1952] : memref<2560xf32, #tpu.memory_space<vmem>>[vector<16xi32>], vector<16xf32>,
      %add3A_1954 = arith.addf %add3A_1949, %gather3A_1953 : vector<16xf32>
      %add3A_1955 = arith.constant 6 : i32
      %add3A_1956 = vector.broadcast %add3A_1955 : i32 to vector<16xi32>
      %add3A_1957 = arith.addi %add3A_1928, %add3A_1956 : vector<16xi32>
      %gather3A_1958 = tpu.vector_load_idx %arg21[%add3A_1957] : memref<2560xf32, #tpu.memory_space<vmem>>[vector<16xi32>], vector<16xf32>,
      %add3A_1959 = arith.addf %add3A_1954, %gather3A_1958 : vector<16xf32>
      %add3A_1960 = arith.constant 7 : i32
      %add3A_1961 = vector.broadcast %add3A_1960 : i32 to vector<16xi32>
      %add3A_1962 = arith.addi %add3A_1928, %add3A_1961 : vector<16xi32>
      %gather3A_1963 = tpu.vector_load_idx %arg21[%add3A_1962] : memref<2560xf32, #tpu.memory_space<vmem>>[vector<16xi32>], vector<16xf32>,
      %add3A_1964 = arith.addf %add3A_1959, %gather3A_1963 : vector<16xf32>
      %add3A_1965 = arith.constant 8 : i32
      %add3A_1966 = vector.broadcast %add3A_1965 : i32 to vector<16xi32>
      %add3A_1967 = arith.addi %add3A_1928, %add3A_1966 : vector<16xi32>
      %gather3A_1968 = tpu.vector_load_idx %arg21[%add3A_1967] : memref<2560xf32, #tpu.memory_space<vmem>>[vector<16xi32>], vector<16xf32>,
      %add3A_1969 = arith.addf %add3A_1964, %gather3A_1968 : vector<16xf32>
      %add3A_1970 = arith.constant 9 : i32
      %add3A_1971 = vector.broadcast %add3A_1970 : i32 to vector<16xi32>
      %add3A_1972 = arith.addi %add3A_1928, %add3A_1971 : vector<16xi32>
      %gather3A_1973 = tpu.vector_load_idx %arg21[%add3A_1972] : memref<2560xf32, #tpu.memory_space<vmem>>[vector<16xi32>], vector<16xf32>,
      %add3A_1974 = arith.addf %add3A_1969, %gather3A_1973 : vector<16xf32>
      %add3A_1975 = arith.constant 10 : i32
      %add3A_1976 = vector.broadcast %add3A_1975 : i32 to vector<16xi32>
      %add3A_1977 = arith.addi %add3A_1928, %add3A_1976 : vector<16xi32>
      %gather3A_1978 = tpu.vector_load_idx %arg21[%add3A_1977] : memref<2560xf32, #tpu.memory_space<vmem>>[vector<16xi32>], vector<16xf32>,
      %add3A_1979 = arith.addf %add3A_1974, %gather3A_1978 : vector<16xf32>
      %add3A_1980 = arith.constant 11 : i32
      %add3A_1981 = vector.broadcast %add3A_1980 : i32 to vector<16xi32>
      %add3A_1982 = arith.addi %add3A_1928, %add3A_1981 : vector<16xi32>
      %gather3A_1983 = tpu.vector_load_idx %arg21[%add3A_1982] : memref<2560xf32, #tpu.memory_space<vmem>>[vector<16xi32>], vector<16xf32>,
      %add3A_1984 = arith.addf %add3A_1979, %gather3A_1983 : vector<16xf32>
      %add3A_1985 = arith.constant 12 : i32
      %add3A_1986 = vector.broadcast %add3A_1985 : i32 to vector<16xi32>
      %add3A_1987 = arith.addi %add3A_1928, %add3A_1986 : vector<16xi32>
      %gather3A_1988 = tpu.vector_load_idx %arg21[%add3A_1987] : memref<2560xf32, #tpu.memory_space<vmem>>[vector<16xi32>], vector<16xf32>,
      %add3A_1989 = arith.addf %add3A_1984, %gather3A_1988 : vector<16xf32>
      %add3A_1990 = arith.constant 13 : i32
      %add3A_1991 = vector.broadcast %add3A_1990 : i32 to vector<16xi32>
      %add3A_1992 = arith.addi %add3A_1928, %add3A_1991 : vector<16xi32>
      %gather3A_1993 = tpu.vector_load_idx %arg21[%add3A_1992] : memref<2560xf32, #tpu.memory_space<vmem>>[vector<16xi32>], vector<16xf32>,
      %add3A_1994 = arith.addf %add3A_1989, %gather3A_1993 : vector<16xf32>
      %add3A_1995 = arith.constant 14 : i32
      %add3A_1996 = vector.broadcast %add3A_1995 : i32 to vector<16xi32>
      %add3A_1997 = arith.addi %add3A_1928, %add3A_1996 : vector<16xi32>
      %gather3A_1998 = tpu.vector_load_idx %arg21[%add3A_1997] : memref<2560xf32, #tpu.memory_space<vmem>>[vector<16xi32>], vector<16xf32>,
      %add3A_1999 = arith.addf %add3A_1994, %gather3A_1998 : vector<16xf32>
      %add3A_2000 = arith.constant 15 : i32
      %add3A_2001 = vector.broadcast %add3A_2000 : i32 to vector<16xi32>
      %add3A_2002 = arith.addi %add3A_1928, %add3A_2001 : vector<16xi32>
      %gather3A_2003 = tpu.vector_load_idx %arg21[%add3A_2002] : memref<2560xf32, #tpu.memory_space<vmem>>[vector<16xi32>], vector<16xf32>,
      %add3A_2004 = arith.addf %add3A_1999, %gather3A_2003 : vector<16xf32>
      %neg3A_2005 = arith.constant 0.000000e+00 : f32
      %neg3A_2006 = vector.broadcast %neg3A_2005 : f32 to vector<16xf32>
      %neg3A_2007 = arith.subf %neg3A_2006, %add3A_2004 : vector<16xf32>
      %exp3A_2008 = math.exp %neg3A_2007 : vector<16xf32>
      %add3A_2009 = arith.constant 1.000000e+00 : f32
      %add3A_2010 = vector.broadcast %add3A_2009 : f32 to vector<16xf32>
      %add3A_2011 = arith.addf %add3A_2010, %exp3A_2008 : vector<16xf32>
      %div3A_2012 = arith.constant 1.000000e+00 : f32
      %div3A_2013 = vector.broadcast %div3A_2012 : f32 to vector<16xf32>
      %div3A_2014 = arith.divf %div3A_2013, %add3A_2011 : vector<16xf32>
      %mul3A_2015 = arith.constant 8 : i32
      %mul3A_2016 = arith.muli %add3A_1112, %mul3A_2015 : i32
      %mul3A_2017 = arith.constant 20 : i32
      %mul3A_2018 = arith.muli %mul3A_2016, %mul3A_2017 : i32
      %add3A_2019 = arith.constant 128 : i32
      %add3A_2020 = arith.addi %mul3A_2018, %add3A_2019 : i32
      %swap3A_2021 = arith.index_cast %add3A_2020 : i32 to index
      %swap3A_2022 = tpu.vector_load %arg22[%swap3A_2021] {strides = array<i32>} : memref<2560xf32, #tpu.memory_space<vmem>>, vector<16xf32>,
      tpu.vector_store %arg22[%swap3A_2021], %div3A_2014 {strides = array<i32>} : memref<2560xf32, #tpu.memory_space<vmem>>, vector<16xf32>,
      %mul3A_2023 = arith.constant 16 : i32
      %mul3A_2024 = vector.broadcast %mul3A_2023 : i32 to vector<16xi32>
      %mul3A_2025 = arith.muli %iota3A, %mul3A_2024 : vector<16xi32>
      %add3A_2026 = arith.constant 2304 : i32
      %add3A_2027 = vector.broadcast %add3A_2026 : i32 to vector<16xi32>
      %add3A_2028 = arith.addi %mul3A_2025, %add3A_2027 : vector<16xi32>
      %gather3A_2029 = tpu.vector_load_idx %arg21[%add3A_2028] : memref<2560xf32, #tpu.memory_space<vmem>>[vector<16xi32>], vector<16xf32>,
      %add3A_2030 = arith.constant 1 : i32
      %add3A_2031 = vector.broadcast %add3A_2030 : i32 to vector<16xi32>
      %add3A_2032 = arith.addi %add3A_2028, %add3A_2031 : vector<16xi32>
      %gather3A_2033 = tpu.vector_load_idx %arg21[%add3A_2032] : memref<2560xf32, #tpu.memory_space<vmem>>[vector<16xi32>], vector<16xf32>,
      %add3A_2034 = arith.addf %gather3A_2029, %gather3A_2033 : vector<16xf32>
      %add3A_2035 = arith.constant 2 : i32
      %add3A_2036 = vector.broadcast %add3A_2035 : i32 to vector<16xi32>
      %add3A_2037 = arith.addi %add3A_2028, %add3A_2036 : vector<16xi32>
      %gather3A_2038 = tpu.vector_load_idx %arg21[%add3A_2037] : memref<2560xf32, #tpu.memory_space<vmem>>[vector<16xi32>], vector<16xf32>,
      %add3A_2039 = arith.addf %add3A_2034, %gather3A_2038 : vector<16xf32>
      %add3A_2040 = arith.constant 3 : i32
      %add3A_2041 = vector.broadcast %add3A_2040 : i32 to vector<16xi32>
      %add3A_2042 = arith.addi %add3A_2028, %add3A_2041 : vector<16xi32>
      %gather3A_2043 = tpu.vector_load_idx %arg21[%add3A_2042] : memref<2560xf32, #tpu.memory_space<vmem>>[vector<16xi32>], vector<16xf32>,
      %add3A_2044 = arith.addf %add3A_2039, %gather3A_2043 : vector<16xf32>
      %add3A_2045 = arith.constant 4 : i32
      %add3A_2046 = vector.broadcast %add3A_2045 : i32 to vector<16xi32>
      %add3A_2047 = arith.addi %add3A_2028, %add3A_2046 : vector<16xi32>
      %gather3A_2048 = tpu.vector_load_idx %arg21[%add3A_2047] : memref<2560xf32, #tpu.memory_space<vmem>>[vector<16xi32>], vector<16xf32>,
      %add3A_2049 = arith.addf %add3A_2044, %gather3A_2048 : vector<16xf32>
      %add3A_2050 = arith.constant 5 : i32
      %add3A_2051 = vector.broadcast %add3A_2050 : i32 to vector<16xi32>
      %add3A_2052 = arith.addi %add3A_2028, %add3A_2051 : vector<16xi32>
      %gather3A_2053 = tpu.vector_load_idx %arg21[%add3A_2052] : memref<2560xf32, #tpu.memory_space<vmem>>[vector<16xi32>], vector<16xf32>,
      %add3A_2054 = arith.addf %add3A_2049, %gather3A_2053 : vector<16xf32>
      %add3A_2055 = arith.constant 6 : i32
      %add3A_2056 = vector.broadcast %add3A_2055 : i32 to vector<16xi32>
      %add3A_2057 = arith.addi %add3A_2028, %add3A_2056 : vector<16xi32>
      %gather3A_2058 = tpu.vector_load_idx %arg21[%add3A_2057] : memref<2560xf32, #tpu.memory_space<vmem>>[vector<16xi32>], vector<16xf32>,
      %add3A_2059 = arith.addf %add3A_2054, %gather3A_2058 : vector<16xf32>
      %add3A_2060 = arith.constant 7 : i32
      %add3A_2061 = vector.broadcast %add3A_2060 : i32 to vector<16xi32>
      %add3A_2062 = arith.addi %add3A_2028, %add3A_2061 : vector<16xi32>
      %gather3A_2063 = tpu.vector_load_idx %arg21[%add3A_2062] : memref<2560xf32, #tpu.memory_space<vmem>>[vector<16xi32>], vector<16xf32>,
      %add3A_2064 = arith.addf %add3A_2059, %gather3A_2063 : vector<16xf32>
      %add3A_2065 = arith.constant 8 : i32
      %add3A_2066 = vector.broadcast %add3A_2065 : i32 to vector<16xi32>
      %add3A_2067 = arith.addi %add3A_2028, %add3A_2066 : vector<16xi32>
      %gather3A_2068 = tpu.vector_load_idx %arg21[%add3A_2067] : memref<2560xf32, #tpu.memory_space<vmem>>[vector<16xi32>], vector<16xf32>,
      %add3A_2069 = arith.addf %add3A_2064, %gather3A_2068 : vector<16xf32>
      %add3A_2070 = arith.constant 9 : i32
      %add3A_2071 = vector.broadcast %add3A_2070 : i32 to vector<16xi32>
      %add3A_2072 = arith.addi %add3A_2028, %add3A_2071 : vector<16xi32>
      %gather3A_2073 = tpu.vector_load_idx %arg21[%add3A_2072] : memref<2560xf32, #tpu.memory_space<vmem>>[vector<16xi32>], vector<16xf32>,
      %add3A_2074 = arith.addf %add3A_2069, %gather3A_2073 : vector<16xf32>
      %add3A_2075 = arith.constant 10 : i32
      %add3A_2076 = vector.broadcast %add3A_2075 : i32 to vector<16xi32>
      %add3A_2077 = arith.addi %add3A_2028, %add3A_2076 : vector<16xi32>
      %gather3A_2078 = tpu.vector_load_idx %arg21[%add3A_2077] : memref<2560xf32, #tpu.memory_space<vmem>>[vector<16xi32>], vector<16xf32>,
      %add3A_2079 = arith.addf %add3A_2074, %gather3A_2078 : vector<16xf32>
      %add3A_2080 = arith.constant 11 : i32
      %add3A_2081 = vector.broadcast %add3A_2080 : i32 to vector<16xi32>
      %add3A_2082 = arith.addi %add3A_2028, %add3A_2081 : vector<16xi32>
      %gather3A_2083 = tpu.vector_load_idx %arg21[%add3A_2082] : memref<2560xf32, #tpu.memory_space<vmem>>[vector<16xi32>], vector<16xf32>,
      %add3A_2084 = arith.addf %add3A_2079, %gather3A_2083 : vector<16xf32>
      %add3A_2085 = arith.constant 12 : i32
      %add3A_2086 = vector.broadcast %add3A_2085 : i32 to vector<16xi32>
      %add3A_2087 = arith.addi %add3A_2028, %add3A_2086 : vector<16xi32>
      %gather3A_2088 = tpu.vector_load_idx %arg21[%add3A_2087] : memref<2560xf32, #tpu.memory_space<vmem>>[vector<16xi32>], vector<16xf32>,
      %add3A_2089 = arith.addf %add3A_2084, %gather3A_2088 : vector<16xf32>
      %add3A_2090 = arith.constant 13 : i32
      %add3A_2091 = vector.broadcast %add3A_2090 : i32 to vector<16xi32>
      %add3A_2092 = arith.addi %add3A_2028, %add3A_2091 : vector<16xi32>
      %gather3A_2093 = tpu.vector_load_idx %arg21[%add3A_2092] : memref<2560xf32, #tpu.memory_space<vmem>>[vector<16xi32>], vector<16xf32>,
      %add3A_2094 = arith.addf %add3A_2089, %gather3A_2093 : vector<16xf32>
      %add3A_2095 = arith.constant 14 : i32
      %add3A_2096 = vector.broadcast %add3A_2095 : i32 to vector<16xi32>
      %add3A_2097 = arith.addi %add3A_2028, %add3A_2096 : vector<16xi32>
      %gather3A_2098 = tpu.vector_load_idx %arg21[%add3A_2097] : memref<2560xf32, #tpu.memory_space<vmem>>[vector<16xi32>], vector<16xf32>,
      %add3A_2099 = arith.addf %add3A_2094, %gather3A_2098 : vector<16xf32>
      %add3A_2100 = arith.constant 15 : i32
      %add3A_2101 = vector.broadcast %add3A_2100 : i32 to vector<16xi32>
      %add3A_2102 = arith.addi %add3A_2028, %add3A_2101 : vector<16xi32>
      %gather3A_2103 = tpu.vector_load_idx %arg21[%add3A_2102] : memref<2560xf32, #tpu.memory_space<vmem>>[vector<16xi32>], vector<16xf32>,
      %add3A_2104 = arith.addf %add3A_2099, %gather3A_2103 : vector<16xf32>
      %neg3A_2105 = arith.constant 0.000000e+00 : f32
      %neg3A_2106 = vector.broadcast %neg3A_2105 : f32 to vector<16xf32>
      %neg3A_2107 = arith.subf %neg3A_2106, %add3A_2104 : vector<16xf32>
      %exp3A_2108 = math.exp %neg3A_2107 : vector<16xf32>
      %add3A_2109 = arith.constant 1.000000e+00 : f32
      %add3A_2110 = vector.broadcast %add3A_2109 : f32 to vector<16xf32>
      %add3A_2111 = arith.addf %add3A_2110, %exp3A_2108 : vector<16xf32>
      %div3A_2112 = arith.constant 1.000000e+00 : f32
      %div3A_2113 = vector.broadcast %div3A_2112 : f32 to vector<16xf32>
      %div3A_2114 = arith.divf %div3A_2113, %add3A_2111 : vector<16xf32>
      %mul3A_2115 = arith.constant 8 : i32
      %mul3A_2116 = arith.muli %add3A_1112, %mul3A_2115 : i32
      %mul3A_2117 = arith.constant 20 : i32
      %mul3A_2118 = arith.muli %mul3A_2116, %mul3A_2117 : i32
      %add3A_2119 = arith.constant 144 : i32
      %add3A_2120 = arith.addi %mul3A_2118, %add3A_2119 : i32
      %swap3A_2121 = arith.index_cast %add3A_2120 : i32 to index
      %swap3A_2122 = tpu.vector_load %arg22[%swap3A_2121] {strides = array<i32>} : memref<2560xf32, #tpu.memory_space<vmem>>, vector<16xf32>,
      tpu.vector_store %arg22[%swap3A_2121], %div3A_2114 {strides = array<i32>} : memref<2560xf32, #tpu.memory_space<vmem>>, vector<16xf32>,
      %scan3A_2123 = arith.constant 0 : i32
      scf.yield %scan3A_2123 : i32
    }
    %scan3A_35 = arith.constant 8 : i32
    %mul3A_36 = arith.constant 20 : i32
    %mul3A_37 = arith.muli %mul3A_2, %mul3A_36 : i32
    "tpu.region"() ({
      %run_scoped3A = tpu.sem_alloc : memref<!tpu.dma_semaphore, #tpu.memory_space<semaphore_mem>>
      %dma_start3A_38 = tpu.memref_slice %arg8[%mul3A_37] : memref<81920xf32, #tpu.memory_space<hbm>> -> memref<2560xf32, #tpu.memory_space<hbm>>
      %dma_start3A_39 = tpu.memref_slice %arg8[%mul3A_37] : memref<81920xf32, #tpu.memory_space<hbm>> -> memref<2560xf32, #tpu.memory_space<hbm>>
      tpu.enqueue_dma source(%arg22 : memref<2560xf32, #tpu.memory_space<vmem>>) target(%dma_start3A_39 : memref<2560xf32, #tpu.memory_space<hbm>>) target_semaphore(%run_scoped3A : memref<!tpu.dma_semaphore, #tpu.memory_space<semaphore_mem>>)
      %dma_wait3A = tpu.memref_slice %arg8[%mul3A_37] : memref<81920xf32, #tpu.memory_space<hbm>> -> memref<2560xf32, #tpu.memory_space<hbm>>
      %dma_wait3A_40 = tpu.memref_slice %arg8[%mul3A_37] : memref<81920xf32, #tpu.memory_space<hbm>> -> memref<2560xf32, #tpu.memory_space<hbm>>
      tpu.wait_dma2 semaphore(%run_scoped3A : memref<!tpu.dma_semaphore, #tpu.memory_space<semaphore_mem>>) src(%arg22 : memref<2560xf32, #tpu.memory_space<vmem>>) dst(%dma_wait3A_40 : memref<2560xf32, #tpu.memory_space<hbm>>)
      tpu.yield
    }) : () -> ()
    return
  }
}

</mosaic_0001>

<sc_bundles>
// kernel: kernel.3.cloned.1.call-start
scs
__scs_entry_jumppad:
0x0: {  	(pc) =	sbr.rel $0x88, $3  }
0x1: {  	(tag) =	ssettag $0x0;
	lr =	simm.s32 $0x1  }
0x2: {  	[smem:$0x3F9B] =	sst lr;
	_ =	strace $0xD0000000  }
0x3: {  	_ = 	snop  }
0x4: {  	_ = 	snop  }
0x5: {  	_ = 	snop  }
0x6: {  	_ = 	snop  }
0x7: {  	_ = 	snop  }
__scs_overlays_trampoline_lowered:
0x8: {  	[smem:$0x3FAA] =	sst s0  }
0x9: {  	[smem:$0x3FAB] =	sst s1  }
0xa: {  	[smem:$0x3FAC] =	sst s2  }
0xb: {  	[smem:$0x3FAD] =	sst s3  }
0xc: {  	[smem:$0x3FAE] =	sst s4  }
0xd: {  	[smem:$0x3FAF] =	sst s5  }
0xe: {  	[smem:$0x3FB0] =	sst s6  }
0xf: {  	[smem:$0x3FB1] =	sst s7  }
0x10: {  	[smem:$0x3FB2] =	sst s8  }
0x11: {  	[smem:$0x3FB3] =	sst s9;
	s0 =	simm.s32 @!p0 $0x0  }
0x12: {  	s1 =	sld [smem:$0x3F99];
	s0 =	simm.s32 @p0 $0x1  }
0x13: {  	[smem:$0x3FB4] =	sst s0;
	s0 =	simm.s32 @!p1 $0x0  }
0x14: {  	s2 =	sld [smem:$0x3F98];
	s0 =	simm.s32 @p1 $0x1  }
0x15: {  	[smem:$0x3FB5] =	sst s0;
	s0 =	simm.s32 @!p2 $0x0  }
0x16: {  	s3 =	sld [smem:$0x3FDB];
	s0 =	simm.s32 @p2 $0x1  }
0x17: {  	s4 =	simm.s32 $0x1BF5;
	[smem:$0x3FB7] =	sst s0  }
0x18: {  	s0 =	sld [smem:$0x3F9A];
	_ =	swait.ge [sflag:s4], $0x0  }
0x19: {  	s7 =	sld [smem:$0x3F9B]  }
0x1a: {  	s8 =	sadd.s32 $0xFFFFE003, lr  }
0x1b: {  	s9 =	sadd.s32 $0xFFFFFEF7, lr;
	s5 =	simm.s32 $0xFFFFFFFF;
	p2 =	slt.u32 s8, $0xFFFFF086  }
0x1c: {  	p1 =	slt.u32 s9, $0xF7A;
	s5 =	simm.s32 @!p2 $0x0  }
0x1d: {  	s5 =	simm.s32 @p1 $0x1;
	p0 =	seq.s32 s7, s2  }
0x1e: {  	s7 =	smul.u32 @!p0 $0xF7A, s2;
	p2 =	seq.s32 @!p0 s5, $0x0  }
0x1f: {  	s9 =	smul.u32 $0xF7A, s1;
	s8 =	simm.s32 @!p0 $0x1BF5;
	p2 =	por !p2, p0  }
0x20: {  	[sflag:s8] =	ssyncset.s32 @!p0 $0xFFFFF086;
	s6 =	sadd.s32 @!p0 s3, s7;
	s7 =	simm.s32 @!p0 $0x108  }
0x21: {  	s3 =	sadd.s32 s3, s9;
	s6 =	sadd.s32 @!p0 $0x88, s6;
	s7 =	simm.s32 @p2 $0x1082  }
0x22: {  	[simem:s7], [sflag:s8] =	dma.local @!p0 [hbm:s6], $0xF7A  }
0x23: {  	s9 =	sor.u32 $0xD0000000, s2;
	s6 =	simm.s32 $0x108;
	_ =	swait.ge @!p0 [sflag:s8], $0x0  }
0x24: {  	s3 =	sadd.s32 $0x88, s3;
	s6 =	simm.s32 @!p1 $0x1082;
	[sflag:s4] =	ssyncset.s32 $0xFFFFF086  }
0x25: {  	[simem:s6], [sflag:s4] =	dma.local [hbm:s3], $0xF7A  }
0x26: {  	[smem:$0x3F9B] =	sst s1;
	(tag) =	ssettag s2;
	_ =	strace s9  }
0x27: {  	s1 =	sld [smem:$0x3FAB]  }
0x28: {  	s2 =	sld [smem:$0x3FAC]  }
0x29: {  	s4 =	sld [smem:$0x3FAE]  }
0x2a: {  	p0 =	seq.s32 s5, $0x0;
	s5 =	sld [smem:$0x3FAF]  }
0x2b: {  	s6 =	sld [smem:$0x3FB0]  }
0x2c: {  	s7 =	sld [smem:$0x3FB1]  }
0x2d: {  	s3 =	simm.s32 $0x108;
	s8 =	sld [smem:$0x3FB2]  }
0x2e: {  	s3 =	simm.s32 @!p0 $0x1082;
	s9 =	sld [smem:$0x3FB3]  }
0x2f: {  	lr =	sadd.s32 s0, s3;
	s0 =	sld [smem:$0x3FAA]  }
0x30: {  	s3 =	sld [smem:$0x3FAD]  }
0x31: {  	[smem:$0x3FB6] =	sst s10  }
0x32: {  	s10 =	sld [smem:$0x3FB4];
	_ =	sdelay $0x3  }
0x33: {  	p0 =	seq.s32 s10, $0x1;
	s10 =	sld [smem:$0x3FB6];
	_ =	sdelay $0x3  }
0x34: {  	[smem:$0x3FB6] =	sst s10  }
0x35: {  	s10 =	sld [smem:$0x3FB5];
	_ =	sdelay $0x3  }
0x36: {  	p1 =	seq.s32 s10, $0x1;
	s10 =	sld [smem:$0x3FB6];
	_ =	sdelay $0x3  }
0x37: {  	[smem:$0x3FB6] =	sst s10  }
0x38: {  	s10 =	sld [smem:$0x3FB7]  }
0x39: {  	_ = 	snop;
	(pc) =	sbr.ind lr, $3  }
0x3a: {  	_ = 	snop  }
0x3b: {  	_ = 	snop  }
0x3c: {  	p2 =	seq.s32 s10, $0x1;
	s10 =	sld [smem:$0x3FB6]  }
0x3d: {  	_ =	shalt  }
0x3e: {  	_ =	shalt  }
0x3f: {  	_ =	shalt  }
0x40: {  	_ =	shalt  }
0x41: {  	_ =	shalt  }
0x42: {  	_ =	shalt  }
0x43: {  	_ =	shalt  }
0x44: {  	_ =	shalt  }
0x45: {  	_ =	shalt  }
0x46: {  	_ =	shalt  }
0x47: {  	_ =	shalt  }
0x48: {  	_ =	shalt  }
0x49: {  	_ =	shalt  }
0x4a: {  	_ =	shalt  }
0x4b: {  	_ =	shalt  }
0x4c: {  	_ =	shalt  }
0x4d: {  	_ =	shalt  }
0x4e: {  	_ =	shalt  }
0x4f: {  	_ =	shalt  }
0x50: {  	_ =	shalt  }
0x51: {  	_ =	shalt  }
0x52: {  	_ =	shalt  }
0x53: {  	_ =	shalt  }
0x54: {  	_ =	shalt  }
0x55: {  	_ =	shalt  }
0x56: {  	_ =	shalt  }
0x57: {  	_ =	shalt  }
0x58: {  	_ =	shalt  }
0x59: {  	_ =	shalt  }
0x5a: {  	_ =	shalt  }
0x5b: {  	_ =	shalt  }
0x5c: {  	_ =	shalt  }
0x5d: {  	_ =	shalt  }
0x5e: {  	_ =	shalt  }
0x5f: {  	_ =	shalt  }
0x60: {  	_ =	shalt  }
0x61: {  	_ =	shalt  }
0x62: {  	_ =	shalt  }
0x63: {  	_ =	shalt  }
0x64: {  	_ =	shalt  }
0x65: {  	_ =	shalt  }
0x66: {  	_ =	shalt  }
0x67: {  	_ =	shalt  }
0x68: {  	_ =	shalt  }
0x69: {  	_ =	shalt  }
0x6a: {  	_ =	shalt  }
0x6b: {  	_ =	shalt  }
0x6c: {  	_ =	shalt  }
0x6d: {  	_ =	shalt  }
0x6e: {  	_ =	shalt  }
0x6f: {  	_ =	shalt  }
0x70: {  	_ =	shalt  }
0x71: {  	_ =	shalt  }
0x72: {  	_ =	shalt  }
0x73: {  	_ =	shalt  }
0x74: {  	_ =	shalt  }
0x75: {  	_ =	shalt  }
0x76: {  	_ =	shalt  }
0x77: {  	_ =	shalt  }
0x78: {  	_ =	shalt  }
0x79: {  	_ =	shalt  }
0x7a: {  	_ =	shalt  }
0x7b: {  	_ =	shalt  }
0x7c: {  	_ =	shalt  }
0x7d: {  	_ =	shalt  }
0x7e: {  	_ =	shalt  }
0x7f: {  	_ =	shalt  }
0x80: {  	_ =	shalt  }
0x81: {  	_ =	shalt  }
0x82: {  	_ =	shalt  }
0x83: {  	_ =	shalt  }
0x84: {  	_ =	shalt  }
0x85: {  	_ =	shalt  }
0x86: {  	_ =	shalt  }
0x87: {  	_ =	shalt  }
.Lfunc_end0:
.L_simem_size_0:
called_computation_lowered:
.L_overlay_start_0:
0x88: {  	s2 =	sld [smem:$0x3FD9]  }
0x89: {  	s3 =	sld [smem:$0x3FFE];
	_ =	sdelay $0x1  }
0x8a: {  	s1 =	srdreg.scid  }
0x8b: {  	s0 =	sand.u32 $0x1, s1  }
0x8c: {  	s17 =	sshll.u32 s0, $0xA;
	s2 =	sadd.s32 s3, s2  }
0x8d: {  	s2 =	sadd.s32 s2, s17  }
0x8e: {  	[smem:$0x3FC2] =	sst s2  }
0x8f: {  	_ = 	snop  }
0x90: {  	s2 =	sld [smem:$0x3FC9]  }
0x91: {  	s18 =	sld [smem:$0x3FC7]  }
0x92: {  	s4 =	sld [smem:$0x3FD0];
	(tm) =	ssettm $0x1  }
0x93: {  	s5 =	sld [smem:$0x3FFB];
	_ =	sdelay $0x3  }
0x94: {  	_ =	strace s5  }
0x95: {  	s5 =	sld [smem:$0x3FFC];
	_ =	sdelay $0x3  }
0x96: {  	_ =	strace s5  }
0x97: {  	s5 =	sld [smem:$0x3FFD];
	_ =	sdelay $0x3  }
0x98: {  	_ =	strace s5  }
0x99: {  	_ =	strace $0x8FFFFFFF  }
0x9a: {  	s19 =	sld [smem:$0x3FDB];
	_ =	sdelay $0x1  }
0x9b: {  	s6 =	simm.s32 $_scs_section_size  }
0x9c: {  	s7 =	simm.s32 $_size__tile_overlayer_lowered;
	s8 =	simm.s32 $_tile_overlayer_lowered  }
0x9d: {  	s22 =	simm.s32 $0x1BFF;
	s21 =	sshll.u32 s8, $0x1;
	s5 =	sadd.s32 s6, s19  }
0x9e: {  	s9 =	simm.s32 $0x0;
	s20 =	sshll.u32 s7, $0x1;
	s7 =	sadd.s32 s21, s5  }
0x9f: {  	[timem:s9], [sflag:s22] =	dma.local [hbm:s7], s20  }
0xa0: {  	_ =	swait.ge [sflag:s22], s20  }
0xa1: {  	s6 =	ssub.s32 $0x0, s20;
	[sflag:s22] =	ssyncset.done $0x0  }
0xa2: {  	[sflag:s22] =	ssyncadd.s32 s6;
	_ =	sdelay $0x1  }
0xa3: {  	s23 =	simm.s32 $0x1B8B  }
0xa4: {  	_ =	swait.ge [sflag:s23], $0x1  }
0xa5: {  	[sflag:s23] =	ssyncset.done $0x0  }
0xa6: {  	s25 =	simm.s32 $0x1B8E;
	s24 =	sld [smem:$0x3FFE];
	[sflag:s23] =	ssyncadd.s32 $0xFFFFFFFF  }
0xa7: {  	s26 =	simm.s32 $execute0_lowered;
	[smem:$0x3FD2] =	sst s25  }
0xa8: {  	s7 =	sshll.u32 s26, $0x1;
	_ =	strace $0x80000046;
	[dreg:$0x1] =	wrdreg $0xFFFFFFFF  }
0xa9: {  	s28 =	simm.s32 $_size_execute0_lowered;
	s5 =	sadd.s32 s5, s7;
	[dreg:$0x0] =	wrdreg $0x0  }
0xaa: {  	s7 =	sshll.u32 s28, $0x1;
	[dreg:$0x2] =	wrdreg s5  }
0xab: {  	[dreg:$0x3] =	wrdreg s7  }
0xac: {  	[dreg:$0x4] =	wrdreg $0xC0  }
0xad: {  	_ =	task [dreg:s9], $0x5FFFF  }
0xae: {  	[dreg:$0x1] =	wrdreg $0xFFFFFFFF  }
0xaf: {  	[dreg:$0x0] =	wrdreg $0x60  }
0xb0: {  	[dreg:$0x2] =	wrdreg s2  }
0xb1: {  	[dreg:$0x3] =	wrdreg s24  }
0xb2: {  	[dreg:$0x4] =	wrdreg s18  }
0xb3: {  	[dreg:$0x5] =	wrdreg s4  }
0xb4: {  	[dreg:$0x6] =	wrdreg $0x9  }
0xb5: {  	_ =	task.clear_ibuf [dreg:s9], $0x7FFFF;
	_ =	strace $0x90000046  }
0xb6: {  	s29 =	simm.s32 $0x9;
	_ =	strace $0x80000048  }
0xb7: {  	_ =	swait.ge [sflag:s29], $0x1  }
0xb8: {  	[sflag:s29] =	ssyncadd.s32 $0xFFFFFFFF  }
0xb9: {  	_ =	strace $0x90000048  }
0xba: {  	_ =	sfence  }
0xbb: {  	s30 =	sld [smem:$0x0];
	_ =	sdelay $0x2  }
0xbc: {  	s31 =	sshll.u32 s1, $0xD;
	s1 =	sshrl.u32 s1, $0x2  }
0xbd: {  	s3 =	sand.u32 $0x4000, s31;
	s1 =	sadd.s32 s1, s30  }
0xbe: {  	s0 =	sor.u32 s3, s0;
	s1 =	sshll.u32 s1, $0x11  }
0xbf: {  	s0 =	sor.u32 s1, s0  }
0xc0: {  	s0 =	sadd.s32 $0x8F2B, s0  }
0xc1: {  	[sflag:s0] =	ssyncadd.remote.s32 $0x1  }
0xc2: {  	_ =	sfence.sel $0xFFFF  }
0xc3: {  	[dreg:$0x0] =	wrdreg $0xFFFFFFFF;
	(pc) =	sbr.abs _section_cstart, $3  }
0xc4: {  	[dreg:$0x1] =	wrdreg $0xFFFFFFFF  }
0xc5: {  	_ =	task.clear_ibuf [dreg:s9], $0x2FFFF;
	_ =	strace $0x9FFFFFFF  }
0xc6: {  	(tm) =	ssettm $0x7FFFFFFF  }
0xc7: {  	_ =	shalt  }
tec
execute0_lowered:
.L_overlay_start_1:
0x0: {  	(tag) =	ssettag $0x1  }
0x1: {  	v0 =	vlaneseq.u32;
	s0 =	rddreg [dreg:$0x0]  }
0x2: {  	s1 =	rddreg [dreg:$0x1];
	v0 =	vmul.u32 $0x10, v0  }
0x3: {  	s8 =	rddreg [dreg:$0x2];
	s2 =	simm.s32 $0x0  }
0x4: {  	[smem:$0x7FF] =	sst s2;
	v1 =	vor.u32 $0x10B, v0  }
0x5: {  	s7 =	rddreg [dreg:$0x3];
	_ =	strace $0x80000047;
	v38 =	vor.u32 $0x1, v0;
	[tilespmem:$0x1FCB0] =	vst v1  }
0x6: {  	v39 =	vor.u32 $0x2, v0;
	[tilespmem:$0x1FE60] =	vst v38  }
0x7: {  	v40 =	vor.u32 $0x3, v0;
	[tilespmem:$0x1FE70] =	vst v39  }
0x8: {  	v41 =	vor.u32 $0x4, v0;
	[tilespmem:$0x1FE80] =	vst v40  }
0x9: {  	v42 =	vor.u32 $0x5, v0;
	[tilespmem:$0x1FE90] =	vst v41  }
0xa: {  	v43 =	vor.u32 $0x6, v0;
	[tilespmem:$0x1FEA0] =	vst v42  }
0xb: {  	v44 =	vor.u32 $0x7, v0;
	[tilespmem:$0x1FEB0] =	vst v43  }
0xc: {  	v45 =	vor.u32 $0x8, v0;
	[tilespmem:$0x1FEC0] =	vst v44  }
0xd: {  	v46 =	vor.u32 $0x9, v0;
	[tilespmem:$0x1FED0] =	vst v45  }
0xe: {  	v47 =	vor.u32 $0xA, v0;
	[tilespmem:$0x1FEE0] =	vst v46  }
0xf: {  	v48 =	vor.u32 $0xB, v0;
	[tilespmem:$0x1FEF0] =	vst v47  }
0x10: {  	v49 =	vor.u32 $0xC, v0;
	[tilespmem:$0x1FF00] =	vst v48  }
0x11: {  	v50 =	vor.u32 $0xD, v0;
	[tilespmem:$0x1FF10] =	vst v49  }
0x12: {  	v51 =	vor.u32 $0xE, v0;
	[tilespmem:$0x1FF20] =	vst v50  }
0x13: {  	v52 =	vor.u32 $0xF, v0;
	[tilespmem:$0x1FF30] =	vst v51  }
0x14: {  	v53 =	vor.u32 $0x100, v0;
	[tilespmem:$0x1FF40] =	vst v52  }
0x15: {  	v54 =	vor.u32 $0x101, v0;
	[tilespmem:$0x1FF50] =	vst v53  }
0x16: {  	v55 =	vor.u32 $0x102, v0;
	[tilespmem:$0x1FF60] =	vst v54  }
0x17: {  	v56 =	vor.u32 $0x103, v0;
	[tilespmem:$0x1FF70] =	vst v55  }
0x18: {  	v57 =	vor.u32 $0x104, v0;
	[tilespmem:$0x1FF80] =	vst v56  }
0x19: {  	v58 =	vor.u32 $0x105, v0;
	[tilespmem:$0x1FF90] =	vst v57  }
0x1a: {  	v59 =	vor.u32 $0x106, v0;
	[tilespmem:$0x1FFA0] =	vst v58  }
0x1b: {  	v60 =	vor.u32 $0x107, v0;
	[tilespmem:$0x1FFB0] =	vst v59  }
0x1c: {  	v61 =	vor.u32 $0x108, v0;
	[tilespmem:$0x1FFC0] =	vst v60  }
0x1d: {  	v62 =	vor.u32 $0x109, v0;
	[tilespmem:$0x1FFD0] =	vst v61  }
0x1e: {  	v63 =	vor.u32 $0x10A, v0;
	[tilespmem:$0x1FFE0] =	vst v62  }
0x1f: {  	v1 =	vor.u32 $0x10C, v0;
	[tilespmem:$0x1FFF0] =	vst v63  }
0x20: {  	[tilespmem:$0x1FCC0] =	vst v1;
	v1 =	vor.u32 $0x10D, v0  }
0x21: {  	[tilespmem:$0x1FCD0] =	vst v1;
	v1 =	vor.u32 $0x10E, v0  }
0x22: {  	[tilespmem:$0x1FCE0] =	vst v1;
	v1 =	vor.u32 $0x10F, v0  }
0x23: {  	[tilespmem:$0x1FCF0] =	vst v1;
	v1 =	vor.u32 $0x200, v0  }
0x24: {  	[tilespmem:$0x1FD00] =	vst v1;
	v1 =	vor.u32 $0x201, v0  }
0x25: {  	[tilespmem:$0x1FD10] =	vst v1;
	v1 =	vor.u32 $0x202, v0  }
0x26: {  	[tilespmem:$0x1FD20] =	vst v1;
	v1 =	vor.u32 $0x203, v0  }
0x27: {  	[tilespmem:$0x1FD30] =	vst v1;
	v1 =	vor.u32 $0x204, v0  }
0x28: {  	[tilespmem:$0x1FD40] =	vst v1;
	v1 =	vor.u32 $0x205, v0  }
0x29: {  	[tilespmem:$0x1FD50] =	vst v1;
	v1 =	vor.u32 $0x206, v0  }
0x2a: {  	[tilespmem:$0x1FD60] =	vst v1;
	v1 =	vor.u32 $0x207, v0  }
0x2b: {  	[tilespmem:$0x1FD70] =	vst v1;
	v1 =	vor.u32 $0x208, v0  }
0x2c: {  	[tilespmem:$0x1FD80] =	vst v1;
	v1 =	vor.u32 $0x209, v0  }
0x2d: {  	[tilespmem:$0x1FD90] =	vst v1;
	v1 =	vor.u32 $0x20A, v0  }
0x2e: {  	s3 =	srdreg.scid;
	[tilespmem:$0x1FDA0] =	vst v1;
	v1 =	vor.u32 $0x20B, v0  }
0x2f: {  	s5 =	stileid.u32;
	s13 =	simm.s32 $0x1980;
	s14 =	simm.s32 $0x2380;
	[tilespmem:$0x1FDB0] =	vst v1;
	v1 =	vor.u32 $0x20C, v0  }
0x30: {  	s15 =	simm.s32 $0x8;
	s17 =	simm.s32 $0x190;
	s19 =	simm.s32 $0xA0;
	[tilespmem:$0x1FDC0] =	vst v1;
	v1 =	vor.u32 $0x20D, v0  }
0x31: {  	s21 =	simm.s32 $0x1;
	s22 =	simm.s32 $0xB200;
	s23 =	simm.s32 $0xB400;
	[tilespmem:$0x1FDD0] =	vst v1;
	v1 =	vor.u32 $0x20E, v0  }
0x32: {  	s24 =	simm.s32 $0x11800;
	s25 =	simm.s32 $0x14000;
	s26 =	simm.s32 $0x2;
	[tilespmem:$0x1FDE0] =	vst v1;
	v1 =	vor.u32 $0x20F, v0  }
0x33: {  	s29 =	simm.s32 $0x0;
	s4 =	sand.u32 $0x1, s3;
	s30 =	sshll.u32 s5, $0x1;
	[tilespmem:$0x1FDF0] =	vst v1;
	v1 =	vor.u32 $0x300, v0  }
0x34: {  	s3 =	sadd.s32 $0xF42E00, s1;
	s5 =	sor.u32 s4, s30;
	s10 =	ssub.s32 $0x2, s4;
	[tilespmem:$0x1FE00] =	vst v1;
	v1 =	vor.u32 $0x301, v0  }
0x35: {  	s4 =	sadd.s32 $0x187400, s1;
	s6 =	smul.u32 $0x320, s5;
	s11 =	sshrl.u32 s10, $0x1;
	[tilespmem:$0x1FE10] =	vst v1;
	v1 =	vor.u32 $0x302, v0  }
0x36: {  	s9 =	smul.u32 $0x140, s5;
	s31 =	sshll.u32 s5, $0x4;
	s10 =	ssub.s32 s10, s11;
	[tilespmem:$0x1FE20] =	vst v1;
	v1 =	vor.u32 $0x303, v0  }
0x37: {  	s5 =	sadd.s32 s0, s31;
	s8 =	sadd.s32 s8, s31;
	s11 =	simm.s32 $0x3;
	[tilespmem:$0x1FE30] =	vst v1;
	v1 =	vor.u32 $0x304, v0  }
0x38: {  	s6 =	sadd.s32 s6, s1;
	s1 =	sadd.s32 s9, s1;
	s7 =	sadd.s32 s7, s9;
	[tilespmem:$0x1FE40] =	vst v1;
	v1 =	vor.u32 $0x305, v0  }
0x39: {  	s10 =	smax.u32 s10, $0x1;
	s6 =	sadd.s32 $0xA00, s6;
	s9 =	sadd.s32 $0x6E00, s1;
	[tilespmem:$0x1FE50] =	vst v1  }
.LBB2_1:
0x3a: {  	[tilespmem:s2], [sflag:$0x3] =	stream.linear.gather [hbm4b:s5+s2], $0x80, $0x38;
	[tilespmem:$0x15400] =	vst v63  }
0x3b: {  	_ =	swait.ge [sflag:s11], $0x80  }
0x3c: {  	[sflag:s11] =	ssyncset.done $0x0  }
0x3d: {  	s0 =	simm.s32 $0x80;
	[sflag:s11] =	ssyncadd.s32 $0xFFFFFF80  }
0x3e: {  	[tilespmem:s0], [sflag:$0x3] =	stream.linear.gather [hbm4b:s6+s2], $0x1900, $0x38;
	[tilespmem:$0x15400] =	vst v63  }
0x3f: {  	_ =	swait.ge [sflag:s11], $0x1900  }
0x40: {  	[sflag:s11] =	ssyncset.done $0x0  }
0x41: {  	[sflag:s11] =	ssyncadd.s32 $0xFFFFE700  }
0x42: {  	[tilespmem:s13], [sflag:$0x3] =	stream.linear.gather [hbm4b:s7+s2], $0xA00, $0x38;
	[tilespmem:$0x15400] =	vst v63  }
0x43: {  	_ =	swait.ge [sflag:s11], $0xA00  }
0x44: {  	[sflag:s11] =	ssyncset.done $0x0  }
0x45: {  	[sflag:s11] =	ssyncadd.s32 $0xFFFFF600  }
0x46: {  	[tilespmem:s14], [sflag:$0x3] =	stream.linear.gather [hbm4b:s8+s2], $0x80, $0x38;
	[tilespmem:$0x15400] =	vst v63  }
0x47: {  	_ =	swait.ge [sflag:s11], $0x80  }
0x48: {  	[sflag:s11] =	ssyncset.done $0x0  }
0x49: {  	[sflag:s11] =	ssyncadd.s32 $0xFFFFFF80  }
0x4a: {  	v1 =	vld [tilespmem:$0x2380]  }
0x4b: {  	v2 =	vld [tilespmem:$0x2390]  }
0x4c: {  	v3 =	vld [tilespmem:$0x23A0]  }
0x4d: {  	v4 =	vld [tilespmem:$0x23B0]  }
0x4e: {  	v5 =	vld [tilespmem:$0x23C0]  }
0x4f: {  	(erf) = vrcp.f32 v1;
	v1 =	vld [tilespmem:$0x23D0]  }
0x50: {  	(erf) = vrcp.f32 v2;
	v2 =	vld [tilespmem:$0x23E0]  }
0x51: {  	(erf) = vrcp.f32 v3;
	v3 =	vld [tilespmem:$0x23F0]  }
0x52: {  	(erf) = vrcp.f32 v4  }
0x53: {  	(erf) = vrcp.f32 v5  }
0x54: {  	(erf) = vrcp.f32 v1  }
0x55: {  	(erf) = vrcp.f32 v2  }
0x56: {  	(erf) = vrcp.f32 v3;
	_ =	sdelay $0x1  }
0x57: {  	v1 =	vpop (erf)  }
0x58: {  	v2 =	vpop (erf);
	[tilespmem:$0x2380] =	vst v1  }
0x59: {  	v1 =	vpop (erf);
	[tilespmem:$0x2390] =	vst v2  }
0x5a: {  	v2 =	vpop (erf);
	[tilespmem:$0x23A0] =	vst v1  }
0x5b: {  	v1 =	vpop (erf);
	[tilespmem:$0x23B0] =	vst v2  }
0x5c: {  	v2 =	vpop (erf);
	[tilespmem:$0x23C0] =	vst v1  }
0x5d: {  	v1 =	vpop (erf);
	[tilespmem:$0x23D0] =	vst v2  }
0x5e: {  	[tilespmem:$0x23E0] =	vst v1;
	v1 =	vpop (erf)  }
0x5f: {  	s1 =	simm.s32 $0x2400;
	[tilespmem:$0x23F0] =	vst v1  }
0x60: {  	[tilespmem:s1], [sflag:$0x1] =	stream.indirect.gather [hbm4b:s3+s15], $0x40, s2, s15, $0xb8;
	[tilespmem:$0x15400] =	vst v63  }
0x61: {  	s30 =	simm.s32 $0x2600  }
0x62: {  	[tilespmem:s30], [sflag:$0x1] =	stream.indirect.gather [hbm4b:s3+s17], $0x40, s0, s17, $0xb8;
	[tilespmem:$0x15400] =	vst v63  }
0x63: {  	s31 =	simm.s32 $0x8A00;
	s0 =	simm.s32 $0x0  }
0x64: {  	[tilespmem:s31], [sflag:$0x1] =	stream.indirect.gather [hbm4b:s4+s19], $0x40, s13, s19, $0xb8;
	[tilespmem:$0x15400] =	vst v63  }
.LBB2_2:
0x65: {  	_ =	swait.ge [sflag:s21], $0x200  }
0x66: {  	[sflag:s21] =	ssyncset.done $0x0  }
0x67: {  	[sflag:s21] =	ssyncadd.s32 $0xFFFFFE00  }
0x68: {  	_ =	swait.ge [sflag:s21], $0x6400  }
0x69: {  	[sflag:s21] =	ssyncset.done $0x0  }
0x6a: {  	s1 =	sshllo.u32 s0, $0x1;
	[sflag:s21] =	ssyncadd.s32 $0xFFFF9C00  }
0x6b: {  	s18 =	smul.u32 $0x640, s1;
	_ =	swait.ge [sflag:s21], $0x2800  }
0x6c: {  	s31 =	sshll.u32 s1, $0x3;
	s1 =	smul.u32 $0x280, s1;
	[sflag:s21] =	ssyncset.done $0x0  }
0x6d: {  	s16 =	sand.u32 $0x3FFFFFF8, s31;
	s28 =	sshra.s32 s18, $0x2;
	[sflag:s21] =	ssyncadd.s32 $0xFFFFD800  }
0x6e: {  	[tilespmem:s22], [sflag:$0x2] =	stream.indirect.gather [hbm4b:s3+s15], $0x40, s16, s15, $0xb8;
	[tilespmem:$0x15400] =	vst v63  }
0x6f: {  	s30 =	sshra.s32 s1, $0x2;
	s16 =	sadd.s32 $0x80, s28  }
0x70: {  	[tilespmem:s23], [sflag:$0x2] =	stream.indirect.gather [hbm4b:s3+s17], $0x40, s16, s17, $0xb8;
	[tilespmem:$0x15400] =	vst v63  }
0x71: {  	s1 =	sadd.s32 $0x1980, s30  }
0x72: {  	[tilespmem:s24], [sflag:$0x2] =	stream.indirect.gather [hbm4b:s4+s19], $0x40, s1, s19, $0xb8;
	[tilespmem:$0x15400] =	vst v63  }
0x73: {  	s18 =	simm.s32 $0x2740;
	s16 =	simm.s32 $0x0;
	s1 =	sshll.u32 s0, $0x4  }
.LBB2_3:
0x74: {  	v2 =	vld [tilespmem:s18+$0x110]  }
0x75: {  	v4 =	vld [tilespmem:s18+$0xC0]  }
0x76: {  	v5 =	vld [tilespmem:s18+$0xD0]  }
0x77: {  	v11 =	vld [tilespmem:s18+$0x80]  }
0x78: {  	v15 =	vld [tilespmem:s18+$0x90]  }
0x79: {  	v6 =	vld [tilespmem:s18+$0x40]  }
0x7a: {  	v10 =	vld [tilespmem:s18+$0x50]  }
0x7b: {  	v7 =	vld [tilespmem:s18+$0x0]  }
0x7c: {  	v9 =	vld [tilespmem:s18+$0x10]  }
0x7d: {  	v8 =	vld [tilespmem:s18+$0xFFFFFFC0]  }
0x7e: {  	v12 =	vld [tilespmem:s18+$0xFFFFFFD0]  }
0x7f: {  	v13 =	vld [tilespmem:s18+$0xFFFFFF80]  }
0x80: {  	v14 =	vld [tilespmem:s18+$0xFFFFFF90]  }
0x81: {  	v16 =	vld [tilespmem:s18+$0xFFFFFF40]  }
0x82: {  	v17 =	vld [tilespmem:s18+$0xFFFFFF50]  }
0x83: {  	v18 =	vld [tilespmem:s18+$0xFFFFFF00]  }
0x84: {  	v19 =	vld [tilespmem:s18+$0xFFFFFF10]  }
0x85: {  	v20 =	vld [tilespmem:s18+$0xFFFFFEC0]  }
0x86: {  	v21 =	vld [tilespmem:s18+$0xFFFFFED0]  }
0x87: {  	v22 =	vld [tilespmem:s18+$0xFFFFFEE0]  }
0x88: {  	v23 =	vld [tilespmem:s18+$0xFFFFFEF0]  }
0x89: {  	v24 =	vld [tilespmem:s18+$0xFFFFFF20]  }
0x8a: {  	v25 =	vld [tilespmem:s18+$0xFFFFFF30]  }
0x8b: {  	v27 =	vld [tilespmem:s18+$0xFFFFFF60]  }
0x8c: {  	v28 =	vld [tilespmem:s18+$0xFFFFFF70]  }
0x8d: {  	s20 =	sor.u32 s1, s16;
	v26 =	vimm.f32 $0.0e+00;
	v36 =	vld [tilespmem:s18+$0xFFFFFFA0]  }
0x8e: {  	v37 =	vld [tilespmem:s18+$0xFFFFFFB0];
	v1 =	vmov s20;
	v20 =	vadd.f32 v20, v26;
	v21 =	vadd.f32 v21, v26  }
0x8f: {  	v29 =	vld [tilespmem:s18+$0xFFFFFFE0];
	v22 =	vadd.f32 v22, v26;
	v23 =	vadd.f32 v23, v26  }
0x90: {  	v30 =	vld [tilespmem:s18+$0xFFFFFFF0];
	v18 =	vadd.f32 v18, v20;
	v19 =	vadd.f32 v19, v21  }
0x91: {  	v33 =	vld [tilespmem:s18+$0x20];
	v24 =	vadd.f32 v24, v22;
	v25 =	vadd.f32 v25, v23  }
0x92: {  	v35 =	vld [tilespmem:s18+$0x60];
	v16 =	vadd.f32 v16, v18;
	v17 =	vadd.f32 v17, v19  }
0x93: {  	v3 =	vld.idx.msk [tilespmem:v1+s14+$0x0], $0xffff;
	v31 =	vadd.f32 v27, v24;
	v32 =	vadd.f32 v28, v25  }
0x94: {  	v13 =	vadd.f32 v13, v16;
	v14 =	vadd.f32 v14, v17;
	v16 =	vld [tilespmem:s18+$0x30]  }
0x95: {  	v1 =	vld [tilespmem:s18+$0x100];
	v17 =	vadd.f32 v36, v31;
	v34 =	vadd.f32 v37, v32  }
0x96: {  	v13 =	vadd.f32 v8, v13;
	v12 =	vadd.f32 v12, v14;
	v14 =	vld [tilespmem:s18+$0x70]  }
0x97: {  	v17 =	vadd.f32 v29, v17;
	v18 =	vadd.f32 v30, v34;
	v8 =	vld [tilespmem:s18+$0xA0]  }
0x98: {  	v13 =	vadd.f32 v7, v13;
	v12 =	vadd.f32 v9, v12;
	v9 =	vld [tilespmem:s18+$0xB0]  }
0x99: {  	v17 =	vadd.f32 v33, v17;
	v7 =	vld [tilespmem:s18+$0xE0];
	v16 =	vadd.f32 v16, v18  }
0x9a: {  	v36 =	vadd.f32 v6, v13;
	v37 =	vadd.f32 v10, v12;
	v10 =	vld [tilespmem:s18+$0xF0]  }
0x9b: {  	v13 =	vadd.f32 v35, v17;
	v6 =	vld [tilespmem:s18+$0x120];
	v12 =	vadd.f32 v14, v16  }
0x9c: {  	s28 =	sadd.s32 $0x280, s18;
	s20 =	simm.s32 $0x0;
	v14 =	vadd.f32 v11, v36;
	v15 =	vadd.f32 v15, v37;
	v11 =	vld [tilespmem:s18+$0x130]  }
.LBB2_4:
0x9d: {  	v16 =	vld [tilespmem:s28+$0x100];
	v8 =	vadd.f32 v8, v13;
	v9 =	vadd.f32 v9, v12  }
0x9e: {  	v12 =	vld [tilespmem:s28+$0x110];
	v13 =	vadd.f32 v4, v14;
	v14 =	vadd.f32 v5, v15  }
0x9f: {  	v4 =	vld [tilespmem:s28+$0xC0];
	v7 =	vadd.f32 v7, v8;
	v8 =	vadd.f32 v10, v9  }
0xa0: {  	v5 =	vld [tilespmem:s28+$0xD0];
	v9 =	vadd.f32 v1, v13;
	v10 =	vadd.f32 v2, v14  }
0xa1: {  	v14 =	vld [tilespmem:s28+$0x80];
	v6 =	vadd.f32 v6, v7;
	v7 =	vadd.f32 v11, v8  }
0xa2: {  	v11 =	vld [tilespmem:s28+$0x90];
	v1 =	vmov v16  }
0xa3: {  	v13 =	vld [tilespmem:s28+$0x40];
	v2 =	vmov v12  }
0xa4: {  	v12 =	vld [tilespmem:s28+$0x50]  }
0xa5: {  	v15 =	vld [tilespmem:s28+$0x0]  }
0xa6: {  	v16 =	vld [tilespmem:s28+$0x10]  }
0xa7: {  	v8 =	vld [tilespmem:s28+$0xFFFFFFC0]  }
0xa8: {  	v17 =	vld [tilespmem:s28+$0xFFFFFFD0]  }
0xa9: {  	v18 =	vld [tilespmem:s28+$0xFFFFFF80]  }
0xaa: {  	v19 =	vld [tilespmem:s28+$0xFFFFFF90]  }
0xab: {  	v20 =	vld [tilespmem:s28+$0xFFFFFF40]  }
0xac: {  	v21 =	vld [tilespmem:s28+$0xFFFFFF50]  }
0xad: {  	v22 =	vld [tilespmem:s28+$0xFFFFFF00]  }
0xae: {  	v23 =	vld [tilespmem:s28+$0xFFFFFF10]  }
0xaf: {  	v24 =	vld [tilespmem:s28+$0xFFFFFEC0]  }
0xb0: {  	v25 =	vld [tilespmem:s28+$0xFFFFFED0]  }
0xb1: {  	v26 =	vld [tilespmem:s28+$0xFFFFFEE0]  }
0xb2: {  	s20 =	sadd.s32 $0xA, s20;
	v27 =	vld [tilespmem:s28+$0xFFFFFEF0]  }
0xb3: {  	p0 =	slt.u32 s20, $0x28;
	v28 =	vld [tilespmem:s28+$0xFFFFFF20]  }
0xb4: {  	v29 =	vld [tilespmem:s28+$0xFFFFFF30]  }
0xb5: {  	v30 =	vld [tilespmem:s28+$0xFFFFFF60]  }
0xb6: {  	v9 =	vadd.f32 v24, v9;
	v10 =	vadd.f32 v25, v10;
	v24 =	vld [tilespmem:s28+$0xFFFFFF70]  }
0xb7: {  	v6 =	vadd.f32 v26, v6;
	v7 =	vadd.f32 v27, v7;
	v25 =	vld [tilespmem:s28+$0xFFFFFFA0]  }
0xb8: {  	v9 =	vadd.f32 v22, v9;
	v10 =	vadd.f32 v23, v10;
	v22 =	vld [tilespmem:s28+$0xFFFFFFB0]  }
0xb9: {  	v6 =	vadd.f32 v28, v6;
	v7 =	vadd.f32 v29, v7;
	v23 =	vld [tilespmem:s28+$0xFFFFFFE0]  }
0xba: {  	v9 =	vadd.f32 v20, v9;
	v10 =	vadd.f32 v21, v10;
	v20 =	vld [tilespmem:s28+$0xFFFFFFF0]  }
0xbb: {  	v6 =	vadd.f32 v30, v6;
	v7 =	vadd.f32 v24, v7;
	v21 =	vld [tilespmem:s28+$0x20]  }
0xbc: {  	v9 =	vadd.f32 v18, v9;
	v10 =	vadd.f32 v19, v10;
	v18 =	vld [tilespmem:s28+$0x30]  }
0xbd: {  	v6 =	vadd.f32 v25, v6;
	v7 =	vadd.f32 v22, v7;
	v19 =	vld [tilespmem:s28+$0x60]  }
0xbe: {  	v9 =	vadd.f32 v8, v9;
	v10 =	vadd.f32 v17, v10;
	v17 =	vld [tilespmem:s28+$0x70]  }
0xbf: {  	v6 =	vadd.f32 v23, v6;
	v7 =	vadd.f32 v20, v7;
	v8 =	vld [tilespmem:s28+$0xA0]  }
.Ltmp0:
0xc0: {  	v15 =	vadd.f32 v15, v9;
	v10 =	vadd.f32 v16, v10;
	v9 =	vld [tilespmem:s28+$0xB0];
	(pc) =	sbr.rel @p0 .LBB2_4-.Ltmp0, $4  }
0xc1: {  	v6 =	vadd.f32 v21, v6;
	v16 =	vadd.f32 v18, v7;
	v7 =	vld [tilespmem:s28+$0xE0]  }
0xc2: {  	v15 =	vadd.f32 v13, v15;
	v18 =	vadd.f32 v12, v10;
	v10 =	vld [tilespmem:s28+$0xF0]  }
0xc3: {  	v13 =	vadd.f32 v19, v6;
	v12 =	vadd.f32 v17, v16;
	v6 =	vld [tilespmem:s28+$0x120]  }
0xc4: {  	v14 =	vadd.f32 v14, v15;
	v15 =	vadd.f32 v11, v18;
	v11 =	vld [tilespmem:s28+$0x130];
	s28 =	sadd.s32 $0x280, s28  }
0xc5: {  	s20 =	sshll.u32 s16, $0x6  }
0xc6: {  	s28 =	sand.u32 $0x3FFFFFC0, s20  }
0xc7: {  	v8 =	vadd.f32 v8, v13;
	v35 =	vld [tilespmem:s28+$0x2400]  }
0xc8: {  	v4 =	vadd.f32 v4, v14;
	v5 =	vadd.f32 v5, v15;
	s20 =	smul.u32 $0x500, s16;
	v36 =	vld [tilespmem:s28+$0x2410]  }
0xc9: {  	v9 =	vadd.f32 v9, v12;
	v7 =	vadd.f32 v7, v8;
	v37 =	vld [tilespmem:s28+$0x2420]  }
0xca: {  	v1 =	vadd.f32 v1, v4;
	v2 =	vadd.f32 v2, v5;
	v12 =	vld [tilespmem:s20+$0x8A00]  }
0xcb: {  	v15 =	vadd.f32 v10, v9;
	v16 =	vld [tilespmem:s20+$0x8A10]  }
0xcc: {  	v17 =	vld [tilespmem:s28+$0x2430];
	v6 =	vadd.f32 v6, v7;
	v1 =	vmul.f32 v1, v3;
	v2 =	vmul.f32 v2, v3  }
0xcd: {  	v18 =	vld [tilespmem:s20+$0x8A20];
	v5 =	vadd.f32 v11, v15  }
0xce: {  	v6 =	vmul.f32 v6, v3;
	v1 =	vadd.f32 v35, v1;
	v2 =	vadd.f32 v36, v2  }
0xcf: {  	v19 =	vld [tilespmem:s20+$0x8A30];
	v5 =	vmul.f32 v5, v3  }
0xd0: {  	v3 =	vadd.f32 v37, v6;
	v20 =	vmul.f32 v12, v1;
	v21 =	vmul.f32 v16, v2;
	_ =	sdelay $0x1  }
0xd1: {  	v4 =	vadd.f32 v17, v5;
	v23 =	vmul.f32 v18, v3;
	v22 =	vadd.f32 v21, v20;
	_ =	sdelay $0x1  }
0xd2: {  	v24 =	vmul.f32 v19, v4;
	v5 =	vadd.f32 v23, v22;
	_ =	sdelay $0x1  }
0xd3: {  	v5 =	vadd.f32 v24, v5  }
0xd4: {  	s28 =	sshra.s32 s20, $0x2  }
0xd5: {  	[tilespmem:s28+$0x14000] =	vst v5  }
0xd6: {  	v5 =	vld [tilespmem:s20+$0x8A40]  }
0xd7: {  	v25 =	vld [tilespmem:s20+$0x8A50];
	_ =	sdelay $0x1  }
0xd8: {  	v26 =	vld [tilespmem:s20+$0x8A60];
	_ =	sdelay $0x1  }
0xd9: {  	v27 =	vld [tilespmem:s20+$0x8A70]  }
0xda: {  	v5 =	vmul.f32 v5, v1;
	v6 =	vmul.f32 v25, v2;
	_ =	sdelay $0x1  }
0xdb: {  	v28 =	vmul.f32 v26, v3;
	v5 =	vadd.f32 v6, v5;
	_ =	sdelay $0x1  }
0xdc: {  	v29 =	vmul.f32 v27, v4;
	v5 =	vadd.f32 v28, v5;
	_ =	sdelay $0x1  }
0xdd: {  	s12 =	sor.u32 $0x40, s20;
	v5 =	vadd.f32 v29, v5  }
0xde: {  	s12 =	sshra.s32 s12, $0x2  }
0xdf: {  	[tilespmem:s12+$0x14000] =	vst v5  }
0xe0: {  	v5 =	vld [tilespmem:s20+$0x8A80]  }
0xe1: {  	v30 =	vld [tilespmem:s20+$0x8A90];
	_ =	sdelay $0x1  }
0xe2: {  	v31 =	vld [tilespmem:s20+$0x8AA0];
	_ =	sdelay $0x1  }
0xe3: {  	v32 =	vld [tilespmem:s20+$0x8AB0]  }
0xe4: {  	v5 =	vmul.f32 v5, v1;
	v6 =	vmul.f32 v30, v2;
	_ =	sdelay $0x1  }
0xe5: {  	v33 =	vmul.f32 v31, v3;
	v5 =	vadd.f32 v6, v5;
	_ =	sdelay $0x1  }
0xe6: {  	v34 =	vmul.f32 v32, v4;
	v5 =	vadd.f32 v33, v5;
	_ =	sdelay $0x1  }
0xe7: {  	s12 =	sor.u32 $0x80, s20;
	v5 =	vadd.f32 v34, v5  }
0xe8: {  	s12 =	sshra.s32 s12, $0x2  }
0xe9: {  	[tilespmem:s12+$0x14000] =	vst v5  }
0xea: {  	v5 =	vld [tilespmem:s20+$0x8AC0]  }
0xeb: {  	v35 =	vld [tilespmem:s20+$0x8AD0];
	_ =	sdelay $0x1  }
0xec: {  	v36 =	vld [tilespmem:s20+$0x8AE0];
	_ =	sdelay $0x1  }
0xed: {  	v37 =	vld [tilespmem:s20+$0x8AF0]  }
0xee: {  	v5 =	vmul.f32 v5, v1;
	v6 =	vmul.f32 v35, v2;
	_ =	sdelay $0x1  }
0xef: {  	v10 =	vmul.f32 v36, v3;
	v5 =	vadd.f32 v6, v5;
	_ =	sdelay $0x1  }
0xf0: {  	v11 =	vmul.f32 v37, v4;
	v5 =	vadd.f32 v10, v5;
	_ =	sdelay $0x1  }
0xf1: {  	s12 =	sor.u32 $0xC0, s20;
	v5 =	vadd.f32 v11, v5  }
0xf2: {  	s12 =	sshra.s32 s12, $0x2  }
0xf3: {  	[tilespmem:s12+$0x14000] =	vst v5  }
0xf4: {  	v5 =	vld [tilespmem:s20+$0x8B00]  }
0xf5: {  	v12 =	vld [tilespmem:s20+$0x8B10];
	_ =	sdelay $0x1  }
0xf6: {  	v13 =	vld [tilespmem:s20+$0x8B20];
	_ =	sdelay $0x1  }
0xf7: {  	v14 =	vld [tilespmem:s20+$0x8B30]  }
0xf8: {  	v5 =	vmul.f32 v5, v1;
	v6 =	vmul.f32 v12, v2;
	_ =	sdelay $0x1  }
0xf9: {  	v15 =	vmul.f32 v13, v3;
	v5 =	vadd.f32 v6, v5;
	_ =	sdelay $0x1  }
0xfa: {  	v16 =	vmul.f32 v14, v4;
	v5 =	vadd.f32 v15, v5;
	_ =	sdelay $0x1  }
0xfb: {  	v5 =	vadd.f32 v16, v5;
	_ =	sdelay $0x1  }
0xfc: {  	[tilespmem:s28+$0x14040] =	vst v5  }
0xfd: {  	v5 =	vld [tilespmem:s20+$0x8B40]  }
0xfe: {  	v17 =	vld [tilespmem:s20+$0x8B50];
	_ =	sdelay $0x1  }
0xff: {  	v18 =	vld [tilespmem:s20+$0x8B60];
	_ =	sdelay $0x1  }
0x100: {  	v19 =	vld [tilespmem:s20+$0x8B70]  }
0x101: {  	v5 =	vmul.f32 v5, v1;
	v6 =	vmul.f32 v17, v2;
	_ =	sdelay $0x1  }
0x102: {  	v20 =	vmul.f32 v18, v3;
	v5 =	vadd.f32 v6, v5;
	_ =	sdelay $0x1  }
0x103: {  	v21 =	vmul.f32 v19, v4;
	v5 =	vadd.f32 v20, v5;
	_ =	sdelay $0x1  }
0x104: {  	v5 =	vadd.f32 v21, v5;
	_ =	sdelay $0x1  }
0x105: {  	[tilespmem:s28+$0x14050] =	vst v5  }
0x106: {  	v5 =	vld [tilespmem:s20+$0x8B80]  }
0x107: {  	v22 =	vld [tilespmem:s20+$0x8B90];
	_ =	sdelay $0x1  }
0x108: {  	v23 =	vld [tilespmem:s20+$0x8BA0];
	_ =	sdelay $0x1  }
0x109: {  	v24 =	vld [tilespmem:s20+$0x8BB0]  }
0x10a: {  	v5 =	vmul.f32 v5, v1;
	v6 =	vmul.f32 v22, v2;
	_ =	sdelay $0x1  }
0x10b: {  	v25 =	vmul.f32 v23, v3;
	v5 =	vadd.f32 v6, v5;
	_ =	sdelay $0x1  }
0x10c: {  	v26 =	vmul.f32 v24, v4;
	v5 =	vadd.f32 v25, v5;
	_ =	sdelay $0x1  }
0x10d: {  	v5 =	vadd.f32 v26, v5;
	_ =	sdelay $0x1  }
0x10e: {  	[tilespmem:s28+$0x14060] =	vst v5  }
0x10f: {  	v5 =	vld [tilespmem:s20+$0x8BC0]  }
0x110: {  	v27 =	vld [tilespmem:s20+$0x8BD0];
	_ =	sdelay $0x1  }
0x111: {  	v28 =	vld [tilespmem:s20+$0x8BE0];
	_ =	sdelay $0x1  }
0x112: {  	v29 =	vld [tilespmem:s20+$0x8BF0]  }
0x113: {  	v5 =	vmul.f32 v5, v1;
	v6 =	vmul.f32 v27, v2;
	_ =	sdelay $0x1  }
0x114: {  	v30 =	vmul.f32 v28, v3;
	v5 =	vadd.f32 v6, v5;
	_ =	sdelay $0x1  }
0x115: {  	v31 =	vmul.f32 v29, v4;
	v5 =	vadd.f32 v30, v5;
	_ =	sdelay $0x1  }
0x116: {  	v5 =	vadd.f32 v31, v5;
	_ =	sdelay $0x1  }
0x117: {  	[tilespmem:s28+$0x14070] =	vst v5  }
0x118: {  	v5 =	vld [tilespmem:s20+$0x8C00]  }
0x119: {  	v32 =	vld [tilespmem:s20+$0x8C10];
	_ =	sdelay $0x1  }
0x11a: {  	v33 =	vld [tilespmem:s20+$0x8C20];
	_ =	sdelay $0x1  }
0x11b: {  	v34 =	vld [tilespmem:s20+$0x8C30]  }
0x11c: {  	v5 =	vmul.f32 v5, v1;
	v6 =	vmul.f32 v32, v2;
	_ =	sdelay $0x1  }
0x11d: {  	v35 =	vmul.f32 v33, v3;
	v5 =	vadd.f32 v6, v5;
	_ =	sdelay $0x1  }
0x11e: {  	v36 =	vmul.f32 v34, v4;
	v5 =	vadd.f32 v35, v5;
	_ =	sdelay $0x1  }
0x11f: {  	v5 =	vadd.f32 v36, v5;
	_ =	sdelay $0x1  }
0x120: {  	[tilespmem:s28+$0x14080] =	vst v5  }
0x121: {  	v5 =	vld [tilespmem:s20+$0x8C40]  }
0x122: {  	v37 =	vld [tilespmem:s20+$0x8C50];
	_ =	sdelay $0x1  }
0x123: {  	v12 =	vld [tilespmem:s20+$0x8C60];
	_ =	sdelay $0x1  }
0x124: {  	v13 =	vld [tilespmem:s20+$0x8C70]  }
0x125: {  	v5 =	vmul.f32 v5, v1;
	v6 =	vmul.f32 v37, v2;
	_ =	sdelay $0x1  }
0x126: {  	v14 =	vmul.f32 v12, v3;
	v5 =	vadd.f32 v6, v5;
	_ =	sdelay $0x1  }
0x127: {  	v15 =	vmul.f32 v13, v4;
	v5 =	vadd.f32 v14, v5;
	_ =	sdelay $0x1  }
0x128: {  	v5 =	vadd.f32 v15, v5;
	_ =	sdelay $0x1  }
0x129: {  	[tilespmem:s28+$0x14090] =	vst v5  }
0x12a: {  	v5 =	vld [tilespmem:s20+$0x8C80]  }
0x12b: {  	v16 =	vld [tilespmem:s20+$0x8C90];
	_ =	sdelay $0x1  }
0x12c: {  	v17 =	vld [tilespmem:s20+$0x8CA0];
	_ =	sdelay $0x1  }
0x12d: {  	v18 =	vld [tilespmem:s20+$0x8CB0]  }
0x12e: {  	v5 =	vmul.f32 v5, v1;
	v6 =	vmul.f32 v16, v2;
	_ =	sdelay $0x1  }
0x12f: {  	v19 =	vmul.f32 v17, v3;
	v5 =	vadd.f32 v6, v5;
	_ =	sdelay $0x1  }
0x130: {  	v20 =	vmul.f32 v18, v4;
	v5 =	vadd.f32 v19, v5;
	_ =	sdelay $0x1  }
0x131: {  	v5 =	vadd.f32 v20, v5;
	_ =	sdelay $0x1  }
0x132: {  	[tilespmem:s28+$0x140A0] =	vst v5  }
0x133: {  	v5 =	vld [tilespmem:s20+$0x8CC0]  }
0x134: {  	v21 =	vld [tilespmem:s20+$0x8CD0];
	_ =	sdelay $0x1  }
0x135: {  	v22 =	vld [tilespmem:s20+$0x8CE0];
	_ =	sdelay $0x1  }
0x136: {  	v23 =	vld [tilespmem:s20+$0x8CF0]  }
0x137: {  	v5 =	vmul.f32 v5, v1;
	v6 =	vmul.f32 v21, v2;
	_ =	sdelay $0x1  }
0x138: {  	v24 =	vmul.f32 v22, v3;
	v5 =	vadd.f32 v6, v5;
	_ =	sdelay $0x1  }
0x139: {  	v25 =	vmul.f32 v23, v4;
	v5 =	vadd.f32 v24, v5;
	_ =	sdelay $0x1  }
0x13a: {  	v5 =	vadd.f32 v25, v5;
	_ =	sdelay $0x1  }
0x13b: {  	[tilespmem:s28+$0x140B0] =	vst v5  }
0x13c: {  	v5 =	vld [tilespmem:s20+$0x8D00]  }
0x13d: {  	v26 =	vld [tilespmem:s20+$0x8D10];
	_ =	sdelay $0x1  }
0x13e: {  	v27 =	vld [tilespmem:s20+$0x8D20];
	_ =	sdelay $0x1  }
0x13f: {  	v28 =	vld [tilespmem:s20+$0x8D30]  }
0x140: {  	v5 =	vmul.f32 v5, v1;
	v6 =	vmul.f32 v26, v2;
	_ =	sdelay $0x1  }
0x141: {  	v29 =	vmul.f32 v27, v3;
	v5 =	vadd.f32 v6, v5;
	_ =	sdelay $0x1  }
0x142: {  	v30 =	vmul.f32 v28, v4;
	v5 =	vadd.f32 v29, v5;
	_ =	sdelay $0x1  }
0x143: {  	v5 =	vadd.f32 v30, v5;
	_ =	sdelay $0x1  }
0x144: {  	[tilespmem:s28+$0x140C0] =	vst v5  }
0x145: {  	v5 =	vld [tilespmem:s20+$0x8D40]  }
0x146: {  	v31 =	vld [tilespmem:s20+$0x8D50];
	_ =	sdelay $0x1  }
0x147: {  	v32 =	vld [tilespmem:s20+$0x8D60];
	_ =	sdelay $0x1  }
0x148: {  	v33 =	vld [tilespmem:s20+$0x8D70]  }
0x149: {  	v5 =	vmul.f32 v5, v1;
	v6 =	vmul.f32 v31, v2;
	_ =	sdelay $0x1  }
0x14a: {  	v34 =	vmul.f32 v32, v3;
	v5 =	vadd.f32 v6, v5;
	_ =	sdelay $0x1  }
0x14b: {  	v35 =	vmul.f32 v33, v4;
	v5 =	vadd.f32 v34, v5;
	_ =	sdelay $0x1  }
0x14c: {  	v5 =	vadd.f32 v35, v5;
	_ =	sdelay $0x1  }
0x14d: {  	[tilespmem:s28+$0x140D0] =	vst v5  }
0x14e: {  	v5 =	vld [tilespmem:s20+$0x8D80]  }
0x14f: {  	v36 =	vld [tilespmem:s20+$0x8D90];
	_ =	sdelay $0x1  }
0x150: {  	v37 =	vld [tilespmem:s20+$0x8DA0];
	_ =	sdelay $0x1  }
0x151: {  	v12 =	vld [tilespmem:s20+$0x8DB0]  }
0x152: {  	v5 =	vmul.f32 v5, v1;
	v6 =	vmul.f32 v36, v2;
	_ =	sdelay $0x1  }
0x153: {  	v13 =	vmul.f32 v37, v3;
	v5 =	vadd.f32 v6, v5;
	_ =	sdelay $0x1  }
0x154: {  	v14 =	vmul.f32 v12, v4;
	v5 =	vadd.f32 v13, v5;
	_ =	sdelay $0x1  }
0x155: {  	v5 =	vadd.f32 v14, v5;
	_ =	sdelay $0x1  }
0x156: {  	[tilespmem:s28+$0x140E0] =	vst v5  }
0x157: {  	v5 =	vld [tilespmem:s20+$0x8DC0]  }
0x158: {  	v15 =	vld [tilespmem:s20+$0x8DD0];
	_ =	sdelay $0x1  }
0x159: {  	v16 =	vld [tilespmem:s20+$0x8DE0];
	_ =	sdelay $0x1  }
0x15a: {  	v17 =	vld [tilespmem:s20+$0x8DF0]  }
0x15b: {  	v5 =	vmul.f32 v5, v1;
	v6 =	vmul.f32 v15, v2;
	_ =	sdelay $0x1  }
0x15c: {  	v18 =	vmul.f32 v16, v3;
	v5 =	vadd.f32 v6, v5;
	_ =	sdelay $0x1  }
0x15d: {  	v19 =	vmul.f32 v17, v4;
	v5 =	vadd.f32 v18, v5;
	_ =	sdelay $0x1  }
0x15e: {  	v5 =	vadd.f32 v19, v5;
	_ =	sdelay $0x1  }
0x15f: {  	[tilespmem:s28+$0x140F0] =	vst v5  }
0x160: {  	v5 =	vld [tilespmem:s20+$0x8E00]  }
0x161: {  	v20 =	vld [tilespmem:s20+$0x8E10];
	_ =	sdelay $0x1  }
0x162: {  	v21 =	vld [tilespmem:s20+$0x8E20];
	_ =	sdelay $0x1  }
0x163: {  	v22 =	vld [tilespmem:s20+$0x8E30]  }
0x164: {  	v5 =	vmul.f32 v5, v1;
	v6 =	vmul.f32 v20, v2;
	_ =	sdelay $0x1  }
0x165: {  	v23 =	vmul.f32 v21, v3;
	v5 =	vadd.f32 v6, v5;
	_ =	sdelay $0x1  }
0x166: {  	v24 =	vmul.f32 v22, v4;
	v5 =	vadd.f32 v23, v5;
	_ =	sdelay $0x1  }
0x167: {  	v5 =	vadd.f32 v24, v5;
	_ =	sdelay $0x1  }
0x168: {  	[tilespmem:s28+$0x14100] =	vst v5  }
0x169: {  	v5 =	vld [tilespmem:s20+$0x8E40]  }
0x16a: {  	v25 =	vld [tilespmem:s20+$0x8E50];
	_ =	sdelay $0x1  }
0x16b: {  	v26 =	vld [tilespmem:s20+$0x8E60];
	_ =	sdelay $0x1  }
0x16c: {  	v27 =	vld [tilespmem:s20+$0x8E70]  }
0x16d: {  	v5 =	vmul.f32 v5, v1;
	v6 =	vmul.f32 v25, v2;
	_ =	sdelay $0x1  }
0x16e: {  	v28 =	vmul.f32 v26, v3;
	v5 =	vadd.f32 v6, v5;
	_ =	sdelay $0x1  }
0x16f: {  	v29 =	vmul.f32 v27, v4;
	v5 =	vadd.f32 v28, v5;
	_ =	sdelay $0x1  }
0x170: {  	v5 =	vadd.f32 v29, v5;
	_ =	sdelay $0x1  }
0x171: {  	[tilespmem:s28+$0x14110] =	vst v5  }
0x172: {  	v5 =	vld [tilespmem:s20+$0x8E80]  }
0x173: {  	v30 =	vld [tilespmem:s20+$0x8E90];
	_ =	sdelay $0x1  }
0x174: {  	v31 =	vld [tilespmem:s20+$0x8EA0];
	_ =	sdelay $0x1  }
0x175: {  	v32 =	vld [tilespmem:s20+$0x8EB0]  }
0x176: {  	v5 =	vmul.f32 v5, v1;
	v6 =	vmul.f32 v30, v2;
	_ =	sdelay $0x1  }
0x177: {  	v33 =	vmul.f32 v31, v3;
	v5 =	vadd.f32 v6, v5;
	_ =	sdelay $0x1  }
0x178: {  	v34 =	vmul.f32 v32, v4;
	v5 =	vadd.f32 v33, v5;
	_ =	sdelay $0x1  }
0x179: {  	v5 =	vadd.f32 v34, v5;
	_ =	sdelay $0x1  }
0x17a: {  	[tilespmem:s28+$0x14120] =	vst v5  }
0x17b: {  	v5 =	vld [tilespmem:s20+$0x8EC0]  }
0x17c: {  	v35 =	vld [tilespmem:s20+$0x8ED0];
	_ =	sdelay $0x1  }
0x17d: {  	v36 =	vld [tilespmem:s20+$0x8EE0];
	_ =	sdelay $0x1  }
0x17e: {  	v37 =	vld [tilespmem:s20+$0x8EF0]  }
0x17f: {  	v1 =	vmul.f32 v5, v1;
	v2 =	vmul.f32 v35, v2;
	_ =	sdelay $0x1  }
0x180: {  	s16 =	sadd.s32 $0x1, s16;
	v1 =	vadd.f32 v2, v1;
	v2 =	vmul.f32 v36, v3  }
0x181: {  	p0 =	sne.s32 s16, $0x8  }
.Ltmp1:
0x182: {  	v1 =	vadd.f32 v2, v1;
	v2 =	vmul.f32 v37, v4;
	(pc) =	sbr.rel @p0 .LBB2_3-.Ltmp1, $3  }
0x183: {  	_ = 	snop  }
0x184: {  	v1 =	vadd.f32 v2, v1;
	_ =	sdelay $0x1  }
0x185: {  	s18 =	sadd.s32 $0xC80, s18;
	[tilespmem:s28+$0x14130] =	vst v1  }
0x186: {  	_ =	sdelay $0x3  }
0x187: {  	v1 =	vld.idx.msk [tilespmem:v0+s25+$0x0], $0xffff  }
0x188: {  	v2 =	vld.idx.msk [tilespmem:v38+s25+$0x0], $0xffff;
	_ =	sdelay $0x1  }
0x189: {  	v3 =	vld.idx.msk [tilespmem:v39+s25+$0x0], $0xffff;
	_ =	sdelay $0x1  }
0x18a: {  	v4 =	vld.idx.msk [tilespmem:v40+s25+$0x0], $0xffff  }
0x18b: {  	v1 =	vadd.f32 v2, v1  }
0x18c: {  	v2 =	vld.idx.msk [tilespmem:v41+s25+$0x0], $0xffff  }
0x18d: {  	v1 =	vadd.f32 v3, v1  }
0x18e: {  	v3 =	vld.idx.msk [tilespmem:v42+s25+$0x0], $0xffff  }
0x18f: {  	v1 =	vadd.f32 v4, v1  }
0x190: {  	v4 =	vld.idx.msk [tilespmem:v43+s25+$0x0], $0xffff  }
0x191: {  	v1 =	vadd.f32 v2, v1  }
0x192: {  	v2 =	vld.idx.msk [tilespmem:v44+s25+$0x0], $0xffff  }
0x193: {  	v1 =	vadd.f32 v3, v1  }
0x194: {  	v3 =	vld.idx.msk [tilespmem:v45+s25+$0x0], $0xffff  }
0x195: {  	v1 =	vadd.f32 v4, v1  }
0x196: {  	v4 =	vld.idx.msk [tilespmem:v46+s25+$0x0], $0xffff  }
0x197: {  	v1 =	vadd.f32 v2, v1  }
0x198: {  	v2 =	vld.idx.msk [tilespmem:v47+s25+$0x0], $0xffff  }
0x199: {  	v1 =	vadd.f32 v3, v1  }
0x19a: {  	v3 =	vld.idx.msk [tilespmem:v48+s25+$0x0], $0xffff  }
0x19b: {  	v1 =	vadd.f32 v4, v1  }
0x19c: {  	v4 =	vld.idx.msk [tilespmem:v49+s25+$0x0], $0xffff  }
0x19d: {  	v1 =	vadd.f32 v2, v1  }
0x19e: {  	v2 =	vld.idx.msk [tilespmem:v50+s25+$0x0], $0xffff  }
0x19f: {  	v1 =	vadd.f32 v3, v1  }
0x1a0: {  	v3 =	vld.idx.msk [tilespmem:v51+s25+$0x0], $0xffff  }
0x1a1: {  	v1 =	vadd.f32 v4, v1  }
0x1a2: {  	v4 =	vld.idx.msk [tilespmem:v52+s25+$0x0], $0xffff  }
0x1a3: {  	v1 =	vadd.f32 v2, v1;
	_ =	sdelay $0x1  }
0x1a4: {  	v1 =	vadd.f32 v3, v1;
	_ =	sdelay $0x1  }
0x1a5: {  	v1 =	vadd.f32 v4, v1;
	_ =	sdelay $0x1  }
0x1a6: {  	v1 =	vsub.f32 $0.0e+00, v1;
	_ =	sdelay $0x1  }
0x1a7: {  	v1 =	vmul.f32 $1.442695020e+00, v1;
	_ =	sdelay $0x1  }
0x1a8: {  	(erf) = vpow2.f32 v1;
	_ =	sdelay $0x8  }
0x1a9: {  	v1 =	vpop (erf)  }
0x1aa: {  	v1 =	vadd.f32 $1.000000000e+00, v1;
	_ =	sdelay $0x1  }
0x1ab: {  	(erf) = vrcp.f32 v1;
	_ =	sdelay $0x6  }
0x1ac: {  	s12 =	smul.u32 $0x500, s0;
	_ =	sdelay $0x1  }
0x1ad: {  	s16 =	sshra.s32 s12, $0x2;
	v1 =	vpop (erf)  }
0x1ae: {  	[tilespmem:s16+$0x14A00] =	vst v1  }
0x1af: {  	v1 =	vld.idx.msk [tilespmem:v53+s25+$0x0], $0xffff  }
0x1b0: {  	v2 =	vld.idx.msk [tilespmem:v54+s25+$0x0], $0xffff;
	_ =	sdelay $0x1  }
0x1b1: {  	v3 =	vld.idx.msk [tilespmem:v55+s25+$0x0], $0xffff;
	_ =	sdelay $0x1  }
0x1b2: {  	v4 =	vld.idx.msk [tilespmem:v56+s25+$0x0], $0xffff  }
0x1b3: {  	v1 =	vadd.f32 v2, v1  }
0x1b4: {  	v2 =	vld.idx.msk [tilespmem:v57+s25+$0x0], $0xffff  }
0x1b5: {  	v1 =	vadd.f32 v3, v1  }
0x1b6: {  	v3 =	vld.idx.msk [tilespmem:v58+s25+$0x0], $0xffff  }
0x1b7: {  	v1 =	vadd.f32 v4, v1  }
0x1b8: {  	v4 =	vld.idx.msk [tilespmem:v59+s25+$0x0], $0xffff  }
0x1b9: {  	v1 =	vadd.f32 v2, v1  }
0x1ba: {  	v2 =	vld.idx.msk [tilespmem:v60+s25+$0x0], $0xffff  }
0x1bb: {  	v1 =	vadd.f32 v3, v1  }
0x1bc: {  	v3 =	vld.idx.msk [tilespmem:v61+s25+$0x0], $0xffff  }
0x1bd: {  	v1 =	vadd.f32 v4, v1  }
0x1be: {  	v4 =	vld.idx.msk [tilespmem:v62+s25+$0x0], $0xffff  }
0x1bf: {  	v1 =	vadd.f32 v2, v1;
	_ =	sdelay $0x1  }
0x1c0: {  	v1 =	vadd.f32 v3, v1;
	v3 =	vld [tilespmem:$0x1FCB0];
	_ =	sdelay $0x1  }
0x1c1: {  	v1 =	vadd.f32 v4, v1;
	v4 =	vld [tilespmem:$0x1FCC0];
	_ =	sdelay $0x3  }
0x1c2: {  	v2 =	vld.idx.msk [tilespmem:v63+s25+$0x0], $0xffff;
	_ =	sdelay $0x1  }
0x1c3: {  	v3 =	vld.idx.msk [tilespmem:v3+s25+$0x0], $0xffff;
	_ =	sdelay $0x1  }
0x1c4: {  	v4 =	vld.idx.msk [tilespmem:v4+s25+$0x0], $0xffff  }
0x1c5: {  	v1 =	vadd.f32 v2, v1;
	v2 =	vld [tilespmem:$0x1FCD0];
	_ =	sdelay $0x1  }
0x1c6: {  	v1 =	vadd.f32 v3, v1;
	v3 =	vld [tilespmem:$0x1FCE0];
	_ =	sdelay $0x1  }
0x1c7: {  	v1 =	vadd.f32 v4, v1;
	v4 =	vld [tilespmem:$0x1FCF0];
	_ =	sdelay $0x3  }
0x1c8: {  	v2 =	vld.idx.msk [tilespmem:v2+s25+$0x0], $0xffff;
	_ =	sdelay $0x1  }
0x1c9: {  	v3 =	vld.idx.msk [tilespmem:v3+s25+$0x0], $0xffff;
	_ =	sdelay $0x1  }
0x1ca: {  	v4 =	vld.idx.msk [tilespmem:v4+s25+$0x0], $0xffff  }
0x1cb: {  	v1 =	vadd.f32 v2, v1;
	_ =	sdelay $0x1  }
0x1cc: {  	v1 =	vadd.f32 v3, v1;
	_ =	sdelay $0x1  }
0x1cd: {  	v1 =	vadd.f32 v4, v1;
	_ =	sdelay $0x1  }
0x1ce: {  	v1 =	vsub.f32 $0.0e+00, v1;
	_ =	sdelay $0x1  }
0x1cf: {  	v1 =	vmul.f32 $1.442695020e+00, v1;
	_ =	sdelay $0x1  }
0x1d0: {  	(erf) = vpow2.f32 v1;
	_ =	sdelay $0x8  }
0x1d1: {  	v1 =	vpop (erf)  }
0x1d2: {  	v1 =	vadd.f32 $1.000000000e+00, v1;
	_ =	sdelay $0x1  }
0x1d3: {  	(erf) = vrcp.f32 v1;
	_ =	sdelay $0x8  }
0x1d4: {  	v2 =	vld [tilespmem:$0x1FD10];
	v1 =	vpop (erf)  }
0x1d5: {  	[tilespmem:s16+$0x14A10] =	vst v1;
	v1 =	vld [tilespmem:$0x1FD00];
	_ =	sdelay $0x1  }
0x1d6: {  	v3 =	vld [tilespmem:$0x1FD20];
	_ =	sdelay $0x1  }
0x1d7: {  	v4 =	vld [tilespmem:$0x1FD30];
	_ =	sdelay $0x2  }
0x1d8: {  	v2 =	vld.idx.msk [tilespmem:v2+s25+$0x0], $0xffff  }
0x1d9: {  	v1 =	vld.idx.msk [tilespmem:v1+s25+$0x0], $0xffff;
	_ =	sdelay $0x1  }
0x1da: {  	v3 =	vld.idx.msk [tilespmem:v3+s25+$0x0], $0xffff;
	_ =	sdelay $0x1  }
0x1db: {  	v4 =	vld.idx.msk [tilespmem:v4+s25+$0x0], $0xffff  }
0x1dc: {  	v1 =	vadd.f32 v2, v1;
	v2 =	vld [tilespmem:$0x1FD40];
	_ =	sdelay $0x1  }
0x1dd: {  	v1 =	vadd.f32 v3, v1;
	v3 =	vld [tilespmem:$0x1FD50];
	_ =	sdelay $0x1  }
0x1de: {  	v1 =	vadd.f32 v4, v1;
	v4 =	vld [tilespmem:$0x1FD60];
	_ =	sdelay $0x3  }
0x1df: {  	v2 =	vld.idx.msk [tilespmem:v2+s25+$0x0], $0xffff;
	_ =	sdelay $0x1  }
0x1e0: {  	v3 =	vld.idx.msk [tilespmem:v3+s25+$0x0], $0xffff;
	_ =	sdelay $0x1  }
0x1e1: {  	v4 =	vld.idx.msk [tilespmem:v4+s25+$0x0], $0xffff  }
0x1e2: {  	v1 =	vadd.f32 v2, v1;
	v2 =	vld [tilespmem:$0x1FD70];
	_ =	sdelay $0x1  }
0x1e3: {  	v1 =	vadd.f32 v3, v1;
	v3 =	vld [tilespmem:$0x1FD80];
	_ =	sdelay $0x1  }
0x1e4: {  	v1 =	vadd.f32 v4, v1;
	v4 =	vld [tilespmem:$0x1FD90];
	_ =	sdelay $0x3  }
0x1e5: {  	v2 =	vld.idx.msk [tilespmem:v2+s25+$0x0], $0xffff;
	_ =	sdelay $0x1  }
0x1e6: {  	v3 =	vld.idx.msk [tilespmem:v3+s25+$0x0], $0xffff;
	_ =	sdelay $0x1  }
0x1e7: {  	v4 =	vld.idx.msk [tilespmem:v4+s25+$0x0], $0xffff  }
0x1e8: {  	v1 =	vadd.f32 v2, v1;
	v2 =	vld [tilespmem:$0x1FDA0];
	_ =	sdelay $0x1  }
0x1e9: {  	v1 =	vadd.f32 v3, v1;
	v3 =	vld [tilespmem:$0x1FDB0];
	_ =	sdelay $0x1  }
0x1ea: {  	v1 =	vadd.f32 v4, v1;
	v4 =	vld [tilespmem:$0x1FDC0];
	_ =	sdelay $0x3  }
0x1eb: {  	v2 =	vld.idx.msk [tilespmem:v2+s25+$0x0], $0xffff;
	_ =	sdelay $0x1  }
0x1ec: {  	v3 =	vld.idx.msk [tilespmem:v3+s25+$0x0], $0xffff;
	_ =	sdelay $0x1  }
0x1ed: {  	v4 =	vld.idx.msk [tilespmem:v4+s25+$0x0], $0xffff  }
0x1ee: {  	v1 =	vadd.f32 v2, v1;
	v2 =	vld [tilespmem:$0x1FDD0];
	_ =	sdelay $0x1  }
0x1ef: {  	v1 =	vadd.f32 v3, v1;
	v3 =	vld [tilespmem:$0x1FDE0];
	_ =	sdelay $0x1  }
0x1f0: {  	v1 =	vadd.f32 v4, v1;
	v4 =	vld [tilespmem:$0x1FDF0];
	_ =	sdelay $0x3  }
0x1f1: {  	v2 =	vld.idx.msk [tilespmem:v2+s25+$0x0], $0xffff;
	_ =	sdelay $0x1  }
0x1f2: {  	v3 =	vld.idx.msk [tilespmem:v3+s25+$0x0], $0xffff;
	_ =	sdelay $0x1  }
0x1f3: {  	v4 =	vld.idx.msk [tilespmem:v4+s25+$0x0], $0xffff  }
0x1f4: {  	v1 =	vadd.f32 v2, v1;
	_ =	sdelay $0x1  }
0x1f5: {  	v1 =	vadd.f32 v3, v1;
	_ =	sdelay $0x1  }
0x1f6: {  	v1 =	vadd.f32 v4, v1;
	_ =	sdelay $0x1  }
0x1f7: {  	v1 =	vsub.f32 $0.0e+00, v1;
	_ =	sdelay $0x1  }
0x1f8: {  	v1 =	vmul.f32 $1.442695020e+00, v1;
	_ =	sdelay $0x1  }
0x1f9: {  	(erf) = vpow2.f32 v1;
	_ =	sdelay $0x8  }
0x1fa: {  	v1 =	vpop (erf)  }
0x1fb: {  	v1 =	vadd.f32 $1.000000000e+00, v1;
	_ =	sdelay $0x1  }
0x1fc: {  	(erf) = vrcp.f32 v1;
	_ =	sdelay $0x8  }
0x1fd: {  	v2 =	vld [tilespmem:$0x1FE10];
	v1 =	vpop (erf)  }
0x1fe: {  	[tilespmem:s16+$0x14A20] =	vst v1;
	v1 =	vld [tilespmem:$0x1FE00];
	_ =	sdelay $0x1  }
0x1ff: {  	v3 =	vld [tilespmem:$0x1FE20];
	_ =	sdelay $0x4  }
0x200: {  	v2 =	vld.idx.msk [tilespmem:v2+s25+$0x0], $0xffff  }
0x201: {  	v1 =	vld.idx.msk [tilespmem:v1+s25+$0x0], $0xffff;
	_ =	sdelay $0x1  }
0x202: {  	v3 =	vld.idx.msk [tilespmem:v3+s25+$0x0], $0xffff  }
0x203: {  	v4 =	vld [tilespmem:$0x1FE30];
	_ =	sdelay $0x1  }
0x204: {  	v1 =	vadd.f32 v2, v1;
	v2 =	vld [tilespmem:$0x1FE40];
	_ =	sdelay $0x1  }
0x205: {  	v1 =	vadd.f32 v3, v1;
	v3 =	vld [tilespmem:$0x1FE50];
	_ =	sdelay $0x3  }
0x206: {  	v4 =	vld.idx.msk [tilespmem:v4+s25+$0x0], $0xffff  }
0x207: {  	v5 =	vor.u32 $0x306, v0  }
0x208: {  	v2 =	vld.idx.msk [tilespmem:v2+s25+$0x0], $0xffff  }
0x209: {  	v6 =	vor.u32 $0x307, v0  }
0x20a: {  	v3 =	vld.idx.msk [tilespmem:v3+s25+$0x0], $0xffff  }
0x20b: {  	v7 =	vor.u32 $0x308, v0;
	v1 =	vadd.f32 v4, v1  }
0x20c: {  	v4 =	vld.idx.msk [tilespmem:v5+s25+$0x0], $0xffff  }
0x20d: {  	[tilespmem:$0x1F820] =	vst v5;
	v5 =	vor.u32 $0x309, v0;
	v1 =	vadd.f32 v2, v1  }
0x20e: {  	v2 =	vld.idx.msk [tilespmem:v6+s25+$0x0], $0xffff  }
0x20f: {  	[tilespmem:$0x1F830] =	vst v6;
	v6 =	vor.u32 $0x30A, v0;
	v1 =	vadd.f32 v3, v1  }
0x210: {  	v3 =	vld.idx.msk [tilespmem:v7+s25+$0x0], $0xffff  }
0x211: {  	[tilespmem:$0x1F840] =	vst v7;
	v7 =	vor.u32 $0x30B, v0;
	v1 =	vadd.f32 v4, v1  }
0x212: {  	v4 =	vld.idx.msk [tilespmem:v5+s25+$0x0], $0xffff  }
0x213: {  	[tilespmem:$0x1F850] =	vst v5;
	v5 =	vor.u32 $0x30C, v0;
	v1 =	vadd.f32 v2, v1  }
0x214: {  	v2 =	vld.idx.msk [tilespmem:v6+s25+$0x0], $0xffff  }
0x215: {  	[tilespmem:$0x1F860] =	vst v6;
	v6 =	vor.u32 $0x30D, v0;
	v1 =	vadd.f32 v3, v1  }
0x216: {  	v3 =	vld.idx.msk [tilespmem:v7+s25+$0x0], $0xffff  }
0x217: {  	[tilespmem:$0x1F870] =	vst v7;
	v7 =	vor.u32 $0x30E, v0;
	v1 =	vadd.f32 v4, v1  }
0x218: {  	v4 =	vld.idx.msk [tilespmem:v5+s25+$0x0], $0xffff  }
0x219: {  	[tilespmem:$0x1F880] =	vst v5;
	v5 =	vor.u32 $0x30F, v0;
	v1 =	vadd.f32 v2, v1  }
0x21a: {  	v2 =	vld.idx.msk [tilespmem:v6+s25+$0x0], $0xffff  }
0x21b: {  	v1 =	vadd.f32 v3, v1  }
0x21c: {  	v3 =	vld.idx.msk [tilespmem:v7+s25+$0x0], $0xffff  }
0x21d: {  	v1 =	vadd.f32 v4, v1  }
0x21e: {  	v4 =	vld.idx.msk [tilespmem:v5+s25+$0x0], $0xffff  }
0x21f: {  	v1 =	vadd.f32 v2, v1;
	_ =	sdelay $0x1  }
0x220: {  	v1 =	vadd.f32 v3, v1;
	_ =	sdelay $0x1  }
0x221: {  	v1 =	vadd.f32 v4, v1;
	_ =	sdelay $0x1  }
0x222: {  	v1 =	vsub.f32 $0.0e+00, v1;
	_ =	sdelay $0x1  }
0x223: {  	v1 =	vmul.f32 $1.442695020e+00, v1;
	_ =	sdelay $0x1  }
0x224: {  	(erf) = vpow2.f32 v1;
	_ =	sdelay $0x8  }
0x225: {  	v1 =	vpop (erf)  }
0x226: {  	v1 =	vadd.f32 $1.000000000e+00, v1;
	_ =	sdelay $0x1  }
0x227: {  	(erf) = vrcp.f32 v1;
	_ =	sdelay $0x5  }
0x228: {  	v2 =	vor.u32 $0x400, v0  }
0x229: {  	v3 =	vor.u32 $0x401, v0;
	_ =	sdelay $0x1  }
0x22a: {  	v4 =	vor.u32 $0x402, v0;
	v1 =	vpop (erf)  }
0x22b: {  	[tilespmem:s16+$0x14A30] =	vst v1  }
0x22c: {  	[tilespmem:$0x1F8B0] =	vst v5;
	v5 =	vor.u32 $0x403, v0;
	v1 =	vld.idx.msk [tilespmem:v2+s25+$0x0], $0xffff  }
0x22d: {  	[tilespmem:$0x1F8C0] =	vst v2;
	v2 =	vld.idx.msk [tilespmem:v3+s25+$0x0], $0xffff  }
0x22e: {  	[tilespmem:$0x1F890] =	vst v6;
	v6 =	vor.u32 $0x404, v0  }
0x22f: {  	[tilespmem:$0x1F8D0] =	vst v3;
	v3 =	vld.idx.msk [tilespmem:v4+s25+$0x0], $0xffff  }
0x230: {  	[tilespmem:$0x1F8A0] =	vst v7;
	v7 =	vor.u32 $0x405, v0  }
0x231: {  	[tilespmem:$0x1F8E0] =	vst v4;
	v4 =	vld.idx.msk [tilespmem:v5+s25+$0x0], $0xffff  }
0x232: {  	[tilespmem:$0x1F8F0] =	vst v5;
	v5 =	vor.u32 $0x406, v0;
	v1 =	vadd.f32 v2, v1  }
0x233: {  	v2 =	vld.idx.msk [tilespmem:v6+s25+$0x0], $0xffff  }
0x234: {  	[tilespmem:$0x1F900] =	vst v6;
	v6 =	vor.u32 $0x407, v0;
	v1 =	vadd.f32 v3, v1  }
0x235: {  	v3 =	vld.idx.msk [tilespmem:v7+s25+$0x0], $0xffff  }
0x236: {  	[tilespmem:$0x1F910] =	vst v7;
	v7 =	vor.u32 $0x408, v0;
	v1 =	vadd.f32 v4, v1  }
0x237: {  	v4 =	vld.idx.msk [tilespmem:v5+s25+$0x0], $0xffff  }
0x238: {  	[tilespmem:$0x1F920] =	vst v5;
	v5 =	vor.u32 $0x409, v0;
	v1 =	vadd.f32 v2, v1  }
0x239: {  	v2 =	vld.idx.msk [tilespmem:v6+s25+$0x0], $0xffff  }
0x23a: {  	[tilespmem:$0x1F930] =	vst v6;
	v6 =	vor.u32 $0x40A, v0;
	v1 =	vadd.f32 v3, v1  }
0x23b: {  	v3 =	vld.idx.msk [tilespmem:v7+s25+$0x0], $0xffff  }
0x23c: {  	[tilespmem:$0x1F940] =	vst v7;
	v7 =	vor.u32 $0x40B, v0;
	v1 =	vadd.f32 v4, v1  }
0x23d: {  	v4 =	vld.idx.msk [tilespmem:v5+s25+$0x0], $0xffff  }
0x23e: {  	[tilespmem:$0x1F950] =	vst v5;
	v5 =	vor.u32 $0x40C, v0;
	v1 =	vadd.f32 v2, v1  }
0x23f: {  	v2 =	vld.idx.msk [tilespmem:v6+s25+$0x0], $0xffff  }
0x240: {  	[tilespmem:$0x1F960] =	vst v6;
	v6 =	vor.u32 $0x40D, v0;
	v1 =	vadd.f32 v3, v1  }
0x241: {  	v3 =	vld.idx.msk [tilespmem:v7+s25+$0x0], $0xffff  }
0x242: {  	[tilespmem:$0x1F970] =	vst v7;
	v7 =	vor.u32 $0x40E, v0;
	v1 =	vadd.f32 v4, v1  }
0x243: {  	v4 =	vld.idx.msk [tilespmem:v5+s25+$0x0], $0xffff  }
0x244: {  	[tilespmem:$0x1F980] =	vst v5;
	v5 =	vor.u32 $0x40F, v0;
	v1 =	vadd.f32 v2, v1  }
0x245: {  	v2 =	vld.idx.msk [tilespmem:v6+s25+$0x0], $0xffff  }
0x246: {  	v1 =	vadd.f32 v3, v1  }
0x247: {  	v3 =	vld.idx.msk [tilespmem:v7+s25+$0x0], $0xffff  }
0x248: {  	v1 =	vadd.f32 v4, v1  }
0x249: {  	v4 =	vld.idx.msk [tilespmem:v5+s25+$0x0], $0xffff  }
0x24a: {  	v1 =	vadd.f32 v2, v1;
	_ =	sdelay $0x1  }
0x24b: {  	v1 =	vadd.f32 v3, v1;
	_ =	sdelay $0x1  }
0x24c: {  	v1 =	vadd.f32 v4, v1;
	_ =	sdelay $0x1  }
0x24d: {  	v1 =	vsub.f32 $0.0e+00, v1;
	_ =	sdelay $0x1  }
0x24e: {  	v1 =	vmul.f32 $1.442695020e+00, v1;
	_ =	sdelay $0x1  }
0x24f: {  	(erf) = vpow2.f32 v1;
	_ =	sdelay $0x8  }
0x250: {  	v1 =	vpop (erf)  }
0x251: {  	v1 =	vadd.f32 $1.000000000e+00, v1;
	_ =	sdelay $0x1  }
0x252: {  	(erf) = vrcp.f32 v1;
	_ =	sdelay $0x5  }
0x253: {  	v2 =	vor.u32 $0x500, v0  }
0x254: {  	v3 =	vor.u32 $0x501, v0;
	_ =	sdelay $0x1  }
0x255: {  	v4 =	vor.u32 $0x502, v0;
	v1 =	vpop (erf)  }
0x256: {  	[tilespmem:s16+$0x14A40] =	vst v1  }
0x257: {  	[tilespmem:$0x1F9B0] =	vst v5;
	v5 =	vor.u32 $0x503, v0;
	v1 =	vld.idx.msk [tilespmem:v2+s25+$0x0], $0xffff  }
0x258: {  	[tilespmem:$0x1F9C0] =	vst v2;
	v2 =	vld.idx.msk [tilespmem:v3+s25+$0x0], $0xffff  }
0x259: {  	[tilespmem:$0x1F990] =	vst v6;
	v6 =	vor.u32 $0x504, v0  }
0x25a: {  	[tilespmem:$0x1F9D0] =	vst v3;
	v3 =	vld.idx.msk [tilespmem:v4+s25+$0x0], $0xffff  }
0x25b: {  	[tilespmem:$0x1F9A0] =	vst v7;
	v7 =	vor.u32 $0x505, v0  }
0x25c: {  	[tilespmem:$0x1F9E0] =	vst v4;
	v4 =	vld.idx.msk [tilespmem:v5+s25+$0x0], $0xffff  }
0x25d: {  	[tilespmem:$0x1F9F0] =	vst v5;
	v5 =	vor.u32 $0x506, v0;
	v1 =	vadd.f32 v2, v1  }
0x25e: {  	v2 =	vld.idx.msk [tilespmem:v6+s25+$0x0], $0xffff  }
0x25f: {  	[tilespmem:$0x1FA00] =	vst v6;
	v6 =	vor.u32 $0x507, v0;
	v1 =	vadd.f32 v3, v1  }
0x260: {  	v3 =	vld.idx.msk [tilespmem:v7+s25+$0x0], $0xffff  }
0x261: {  	[tilespmem:$0x1FA10] =	vst v7;
	v7 =	vor.u32 $0x508, v0;
	v1 =	vadd.f32 v4, v1  }
0x262: {  	v4 =	vld.idx.msk [tilespmem:v5+s25+$0x0], $0xffff  }
0x263: {  	[tilespmem:$0x1FA20] =	vst v5;
	v5 =	vor.u32 $0x509, v0;
	v1 =	vadd.f32 v2, v1  }
0x264: {  	v2 =	vld.idx.msk [tilespmem:v6+s25+$0x0], $0xffff  }
0x265: {  	[tilespmem:$0x1FA30] =	vst v6;
	v6 =	vor.u32 $0x50A, v0;
	v1 =	vadd.f32 v3, v1  }
0x266: {  	v3 =	vld.idx.msk [tilespmem:v7+s25+$0x0], $0xffff  }
0x267: {  	[tilespmem:$0x1FA40] =	vst v7;
	v7 =	vor.u32 $0x50B, v0;
	v1 =	vadd.f32 v4, v1  }
0x268: {  	v4 =	vld.idx.msk [tilespmem:v5+s25+$0x0], $0xffff  }
0x269: {  	[tilespmem:$0x1FA50] =	vst v5;
	v5 =	vor.u32 $0x50C, v0;
	v1 =	vadd.f32 v2, v1  }
0x26a: {  	v2 =	vld.idx.msk [tilespmem:v6+s25+$0x0], $0xffff  }
0x26b: {  	[tilespmem:$0x1FA60] =	vst v6;
	v6 =	vor.u32 $0x50D, v0;
	v1 =	vadd.f32 v3, v1  }
0x26c: {  	v3 =	vld.idx.msk [tilespmem:v7+s25+$0x0], $0xffff  }
0x26d: {  	[tilespmem:$0x1FA70] =	vst v7;
	v7 =	vor.u32 $0x50E, v0;
	v1 =	vadd.f32 v4, v1  }
0x26e: {  	v4 =	vld.idx.msk [tilespmem:v5+s25+$0x0], $0xffff  }
0x26f: {  	[tilespmem:$0x1FA80] =	vst v5;
	v5 =	vor.u32 $0x50F, v0;
	v1 =	vadd.f32 v2, v1  }
0x270: {  	v2 =	vld.idx.msk [tilespmem:v6+s25+$0x0], $0xffff  }
0x271: {  	v1 =	vadd.f32 v3, v1  }
0x272: {  	v3 =	vld.idx.msk [tilespmem:v7+s25+$0x0], $0xffff  }
0x273: {  	v1 =	vadd.f32 v4, v1  }
0x274: {  	v4 =	vld.idx.msk [tilespmem:v5+s25+$0x0], $0xffff  }
0x275: {  	v1 =	vadd.f32 v2, v1;
	_ =	sdelay $0x1  }
0x276: {  	v1 =	vadd.f32 v3, v1;
	_ =	sdelay $0x1  }
0x277: {  	v1 =	vadd.f32 v4, v1;
	_ =	sdelay $0x1  }
0x278: {  	v1 =	vsub.f32 $0.0e+00, v1;
	_ =	sdelay $0x1  }
0x279: {  	v1 =	vmul.f32 $1.442695020e+00, v1;
	_ =	sdelay $0x1  }
0x27a: {  	(erf) = vpow2.f32 v1;
	_ =	sdelay $0x8  }
0x27b: {  	v1 =	vpop (erf)  }
0x27c: {  	v1 =	vadd.f32 $1.000000000e+00, v1;
	_ =	sdelay $0x1  }
0x27d: {  	(erf) = vrcp.f32 v1;
	_ =	sdelay $0x5  }
0x27e: {  	v2 =	vor.u32 $0x600, v0  }
0x27f: {  	v3 =	vor.u32 $0x601, v0;
	_ =	sdelay $0x1  }
0x280: {  	v4 =	vor.u32 $0x602, v0;
	v1 =	vpop (erf)  }
0x281: {  	[tilespmem:s16+$0x14A50] =	vst v1  }
0x282: {  	[tilespmem:$0x1FAB0] =	vst v5;
	v5 =	vor.u32 $0x603, v0;
	v1 =	vld.idx.msk [tilespmem:v2+s25+$0x0], $0xffff  }
0x283: {  	[tilespmem:$0x1FAC0] =	vst v2;
	v2 =	vld.idx.msk [tilespmem:v3+s25+$0x0], $0xffff  }
0x284: {  	[tilespmem:$0x1FA90] =	vst v6;
	v6 =	vor.u32 $0x604, v0  }
0x285: {  	[tilespmem:$0x1FAD0] =	vst v3;
	v3 =	vld.idx.msk [tilespmem:v4+s25+$0x0], $0xffff  }
0x286: {  	[tilespmem:$0x1FAA0] =	vst v7;
	v7 =	vor.u32 $0x605, v0  }
0x287: {  	[tilespmem:$0x1FAE0] =	vst v4;
	v4 =	vld.idx.msk [tilespmem:v5+s25+$0x0], $0xffff  }
0x288: {  	[tilespmem:$0x1FAF0] =	vst v5;
	v5 =	vor.u32 $0x606, v0;
	v1 =	vadd.f32 v2, v1  }
0x289: {  	v2 =	vld.idx.msk [tilespmem:v6+s25+$0x0], $0xffff  }
0x28a: {  	[tilespmem:$0x1FB00] =	vst v6;
	v6 =	vor.u32 $0x607, v0;
	v1 =	vadd.f32 v3, v1  }
0x28b: {  	v3 =	vld.idx.msk [tilespmem:v7+s25+$0x0], $0xffff  }
0x28c: {  	[tilespmem:$0x1FB10] =	vst v7;
	v7 =	vor.u32 $0x608, v0;
	v1 =	vadd.f32 v4, v1  }
0x28d: {  	v4 =	vld.idx.msk [tilespmem:v5+s25+$0x0], $0xffff  }
0x28e: {  	[tilespmem:$0x1FB20] =	vst v5;
	v5 =	vor.u32 $0x609, v0;
	v1 =	vadd.f32 v2, v1  }
0x28f: {  	v2 =	vld.idx.msk [tilespmem:v6+s25+$0x0], $0xffff  }
0x290: {  	[tilespmem:$0x1FB30] =	vst v6;
	v6 =	vor.u32 $0x60A, v0;
	v1 =	vadd.f32 v3, v1  }
0x291: {  	v3 =	vld.idx.msk [tilespmem:v7+s25+$0x0], $0xffff  }
0x292: {  	[tilespmem:$0x1FB40] =	vst v7;
	v7 =	vor.u32 $0x60B, v0;
	v1 =	vadd.f32 v4, v1  }
0x293: {  	v4 =	vld.idx.msk [tilespmem:v5+s25+$0x0], $0xffff  }
0x294: {  	[tilespmem:$0x1FB50] =	vst v5;
	v5 =	vor.u32 $0x60C, v0;
	v1 =	vadd.f32 v2, v1  }
0x295: {  	v2 =	vld.idx.msk [tilespmem:v6+s25+$0x0], $0xffff  }
0x296: {  	[tilespmem:$0x1FB60] =	vst v6;
	v6 =	vor.u32 $0x60D, v0;
	v1 =	vadd.f32 v3, v1  }
0x297: {  	v3 =	vld.idx.msk [tilespmem:v7+s25+$0x0], $0xffff  }
0x298: {  	[tilespmem:$0x1FB70] =	vst v7;
	v7 =	vor.u32 $0x60E, v0;
	v1 =	vadd.f32 v4, v1  }
0x299: {  	v4 =	vld.idx.msk [tilespmem:v5+s25+$0x0], $0xffff  }
0x29a: {  	[tilespmem:$0x1FB80] =	vst v5;
	v5 =	vor.u32 $0x60F, v0;
	v1 =	vadd.f32 v2, v1  }
0x29b: {  	v2 =	vld.idx.msk [tilespmem:v6+s25+$0x0], $0xffff  }
0x29c: {  	v1 =	vadd.f32 v3, v1  }
0x29d: {  	v3 =	vld.idx.msk [tilespmem:v7+s25+$0x0], $0xffff  }
0x29e: {  	v1 =	vadd.f32 v4, v1  }
0x29f: {  	v4 =	vld.idx.msk [tilespmem:v5+s25+$0x0], $0xffff  }
0x2a0: {  	v1 =	vadd.f32 v2, v1;
	_ =	sdelay $0x1  }
0x2a1: {  	v1 =	vadd.f32 v3, v1;
	_ =	sdelay $0x1  }
0x2a2: {  	v1 =	vadd.f32 v4, v1;
	_ =	sdelay $0x1  }
0x2a3: {  	v1 =	vsub.f32 $0.0e+00, v1;
	_ =	sdelay $0x1  }
0x2a4: {  	v1 =	vmul.f32 $1.442695020e+00, v1;
	_ =	sdelay $0x1  }
0x2a5: {  	(erf) = vpow2.f32 v1;
	_ =	sdelay $0x8  }
0x2a6: {  	v1 =	vpop (erf)  }
0x2a7: {  	v1 =	vadd.f32 $1.000000000e+00, v1;
	_ =	sdelay $0x1  }
0x2a8: {  	(erf) = vrcp.f32 v1;
	_ =	sdelay $0x5  }
0x2a9: {  	v2 =	vor.u32 $0x700, v0  }
0x2aa: {  	v3 =	vor.u32 $0x701, v0;
	_ =	sdelay $0x1  }
0x2ab: {  	v4 =	vor.u32 $0x702, v0;
	v1 =	vpop (erf)  }
0x2ac: {  	[tilespmem:s16+$0x14A60] =	vst v1  }
0x2ad: {  	[tilespmem:$0x1FBB0] =	vst v5;
	v5 =	vor.u32 $0x703, v0;
	v1 =	vld.idx.msk [tilespmem:v2+s25+$0x0], $0xffff  }
0x2ae: {  	[tilespmem:$0x1FBC0] =	vst v2;
	v2 =	vld.idx.msk [tilespmem:v3+s25+$0x0], $0xffff  }
0x2af: {  	[tilespmem:$0x1FB90] =	vst v6;
	v6 =	vor.u32 $0x704, v0  }
0x2b0: {  	[tilespmem:$0x1FBD0] =	vst v3;
	v3 =	vld.idx.msk [tilespmem:v4+s25+$0x0], $0xffff  }
0x2b1: {  	[tilespmem:$0x1FBA0] =	vst v7;
	v7 =	vor.u32 $0x705, v0  }
0x2b2: {  	[tilespmem:$0x1FBE0] =	vst v4;
	v4 =	vld.idx.msk [tilespmem:v5+s25+$0x0], $0xffff  }
0x2b3: {  	[tilespmem:$0x1FBF0] =	vst v5;
	v5 =	vor.u32 $0x706, v0;
	v1 =	vadd.f32 v2, v1  }
0x2b4: {  	v2 =	vld.idx.msk [tilespmem:v6+s25+$0x0], $0xffff  }
0x2b5: {  	[tilespmem:$0x1FC00] =	vst v6;
	v6 =	vor.u32 $0x707, v0;
	v1 =	vadd.f32 v3, v1  }
0x2b6: {  	v3 =	vld.idx.msk [tilespmem:v7+s25+$0x0], $0xffff  }
0x2b7: {  	[tilespmem:$0x1FC10] =	vst v7;
	v7 =	vor.u32 $0x708, v0;
	v1 =	vadd.f32 v4, v1  }
0x2b8: {  	v4 =	vld.idx.msk [tilespmem:v5+s25+$0x0], $0xffff  }
0x2b9: {  	[tilespmem:$0x1FC20] =	vst v5;
	v5 =	vor.u32 $0x709, v0;
	v1 =	vadd.f32 v2, v1  }
0x2ba: {  	v2 =	vld.idx.msk [tilespmem:v6+s25+$0x0], $0xffff  }
0x2bb: {  	[tilespmem:$0x1FC30] =	vst v6;
	v6 =	vor.u32 $0x70A, v0;
	v1 =	vadd.f32 v3, v1  }
0x2bc: {  	v3 =	vld.idx.msk [tilespmem:v7+s25+$0x0], $0xffff  }
0x2bd: {  	[tilespmem:$0x1FC40] =	vst v7;
	v7 =	vor.u32 $0x70B, v0;
	v1 =	vadd.f32 v4, v1  }
0x2be: {  	v4 =	vld.idx.msk [tilespmem:v5+s25+$0x0], $0xffff  }
0x2bf: {  	[tilespmem:$0x1FC50] =	vst v5;
	v5 =	vor.u32 $0x70C, v0;
	v1 =	vadd.f32 v2, v1  }
0x2c0: {  	v2 =	vld.idx.msk [tilespmem:v6+s25+$0x0], $0xffff  }
0x2c1: {  	[tilespmem:$0x1FC60] =	vst v6;
	v6 =	vor.u32 $0x70D, v0;
	v1 =	vadd.f32 v3, v1  }
0x2c2: {  	v3 =	vld.idx.msk [tilespmem:v7+s25+$0x0], $0xffff  }
0x2c3: {  	[tilespmem:$0x1FC70] =	vst v7;
	v7 =	vor.u32 $0x70E, v0;
	v1 =	vadd.f32 v4, v1  }
0x2c4: {  	v4 =	vld.idx.msk [tilespmem:v5+s25+$0x0], $0xffff  }
0x2c5: {  	v2 =	vadd.f32 v2, v1;
	v1 =	vor.u32 $0x70F, v0  }
0x2c6: {  	[tilespmem:$0x1FC80] =	vst v5;
	v5 =	vld.idx.msk [tilespmem:v6+s25+$0x0], $0xffff  }
0x2c7: {  	v2 =	vadd.f32 v3, v2  }
0x2c8: {  	v3 =	vld.idx.msk [tilespmem:v7+s25+$0x0], $0xffff  }
0x2c9: {  	v2 =	vadd.f32 v4, v2  }
0x2ca: {  	v4 =	vld.idx.msk [tilespmem:v1+s25+$0x0], $0xffff  }
0x2cb: {  	v2 =	vadd.f32 v5, v2;
	_ =	sdelay $0x1  }
0x2cc: {  	v2 =	vadd.f32 v3, v2;
	_ =	sdelay $0x1  }
0x2cd: {  	v2 =	vadd.f32 v4, v2;
	_ =	sdelay $0x1  }
0x2ce: {  	v2 =	vsub.f32 $0.0e+00, v2;
	_ =	sdelay $0x1  }
0x2cf: {  	v2 =	vmul.f32 $1.442695020e+00, v2;
	_ =	sdelay $0x1  }
0x2d0: {  	(erf) = vpow2.f32 v2;
	_ =	sdelay $0x8  }
0x2d1: {  	v2 =	vpop (erf)  }
0x2d2: {  	v2 =	vadd.f32 $1.000000000e+00, v2;
	_ =	sdelay $0x1  }
0x2d3: {  	(erf) = vrcp.f32 v2;
	_ =	sdelay $0x5  }
0x2d4: {  	v2 =	vor.u32 $0x800, v0  }
0x2d5: {  	v3 =	vor.u32 $0x801, v0;
	_ =	sdelay $0x1  }
0x2d6: {  	v4 =	vor.u32 $0x802, v0;
	v5 =	vpop (erf)  }
0x2d7: {  	[tilespmem:s16+$0x14A70] =	vst v5  }
0x2d8: {  	v5 =	vor.u32 $0x803, v0;
	v8 =	vld.idx.msk [tilespmem:v2+s25+$0x0], $0xffff  }
0x2d9: {  	v9 =	vld.idx.msk [tilespmem:v3+s25+$0x0], $0xffff  }
0x2da: {  	[tilespmem:$0x1FC90] =	vst v6;
	v6 =	vor.u32 $0x804, v0  }
0x2db: {  	v10 =	vld.idx.msk [tilespmem:v4+s25+$0x0], $0xffff  }
0x2dc: {  	[tilespmem:$0x1FCA0] =	vst v7;
	v7 =	vor.u32 $0x805, v0  }
0x2dd: {  	v11 =	vld.idx.msk [tilespmem:v5+s25+$0x0], $0xffff  }
0x2de: {  	v9 =	vadd.f32 v9, v8;
	v8 =	vor.u32 $0x806, v0  }
0x2df: {  	v12 =	vld.idx.msk [tilespmem:v6+s25+$0x0], $0xffff  }
0x2e0: {  	v10 =	vadd.f32 v10, v9;
	v9 =	vor.u32 $0x807, v0  }
0x2e1: {  	v13 =	vld.idx.msk [tilespmem:v7+s25+$0x0], $0xffff  }
0x2e2: {  	v11 =	vadd.f32 v11, v10;
	v10 =	vor.u32 $0x808, v0  }
0x2e3: {  	v14 =	vld.idx.msk [tilespmem:v8+s25+$0x0], $0xffff  }
0x2e4: {  	v12 =	vadd.f32 v12, v11;
	v11 =	vor.u32 $0x809, v0  }
0x2e5: {  	v15 =	vld.idx.msk [tilespmem:v9+s25+$0x0], $0xffff  }
0x2e6: {  	v13 =	vadd.f32 v13, v12;
	v12 =	vor.u32 $0x80A, v0  }
0x2e7: {  	v16 =	vld.idx.msk [tilespmem:v10+s25+$0x0], $0xffff  }
0x2e8: {  	v14 =	vadd.f32 v14, v13;
	v13 =	vor.u32 $0x80B, v0  }
0x2e9: {  	v17 =	vld.idx.msk [tilespmem:v11+s25+$0x0], $0xffff  }
0x2ea: {  	v15 =	vadd.f32 v15, v14;
	v14 =	vor.u32 $0x80C, v0  }
0x2eb: {  	v18 =	vld.idx.msk [tilespmem:v12+s25+$0x0], $0xffff  }
0x2ec: {  	v16 =	vadd.f32 v16, v15;
	v15 =	vor.u32 $0x80D, v0  }
0x2ed: {  	v19 =	vld.idx.msk [tilespmem:v13+s25+$0x0], $0xffff  }
0x2ee: {  	v17 =	vadd.f32 v17, v16;
	v16 =	vor.u32 $0x80E, v0  }
0x2ef: {  	v20 =	vld.idx.msk [tilespmem:v14+s25+$0x0], $0xffff  }
0x2f0: {  	v18 =	vadd.f32 v18, v17;
	v17 =	vor.u32 $0x80F, v0  }
0x2f1: {  	v21 =	vld.idx.msk [tilespmem:v15+s25+$0x0], $0xffff  }
0x2f2: {  	v18 =	vadd.f32 v19, v18  }
0x2f3: {  	v19 =	vld.idx.msk [tilespmem:v16+s25+$0x0], $0xffff  }
0x2f4: {  	v18 =	vadd.f32 v20, v18  }
0x2f5: {  	v20 =	vld.idx.msk [tilespmem:v17+s25+$0x0], $0xffff  }
0x2f6: {  	v18 =	vadd.f32 v21, v18;
	_ =	sdelay $0x1  }
0x2f7: {  	v18 =	vadd.f32 v19, v18;
	_ =	sdelay $0x1  }
0x2f8: {  	v18 =	vadd.f32 v20, v18;
	_ =	sdelay $0x1  }
0x2f9: {  	v18 =	vsub.f32 $0.0e+00, v18;
	_ =	sdelay $0x1  }
0x2fa: {  	v18 =	vmul.f32 $1.442695020e+00, v18;
	_ =	sdelay $0x1  }
0x2fb: {  	(erf) = vpow2.f32 v18;
	_ =	sdelay $0x8  }
0x2fc: {  	v18 =	vpop (erf)  }
0x2fd: {  	v18 =	vadd.f32 $1.000000000e+00, v18;
	_ =	sdelay $0x1  }
0x2fe: {  	(erf) = vrcp.f32 v18;
	_ =	sdelay $0x5  }
0x2ff: {  	v18 =	vor.u32 $0x900, v0  }
0x300: {  	v19 =	vor.u32 $0x901, v0;
	_ =	sdelay $0x1  }
0x301: {  	v20 =	vor.u32 $0x902, v0;
	v21 =	vpop (erf)  }
0x302: {  	[tilespmem:s16+$0x14A80] =	vst v21  }
0x303: {  	v21 =	vor.u32 $0x903, v0;
	v24 =	vld.idx.msk [tilespmem:v18+s25+$0x0], $0xffff  }
0x304: {  	v25 =	vld.idx.msk [tilespmem:v19+s25+$0x0], $0xffff  }
0x305: {  	v22 =	vor.u32 $0x904, v0  }
0x306: {  	v26 =	vld.idx.msk [tilespmem:v20+s25+$0x0], $0xffff  }
0x307: {  	v23 =	vor.u32 $0x905, v0  }
0x308: {  	v27 =	vld.idx.msk [tilespmem:v21+s25+$0x0], $0xffff  }
0x309: {  	v25 =	vadd.f32 v25, v24;
	v24 =	vor.u32 $0x906, v0  }
0x30a: {  	v28 =	vld.idx.msk [tilespmem:v22+s25+$0x0], $0xffff  }
0x30b: {  	v26 =	vadd.f32 v26, v25;
	v25 =	vor.u32 $0x907, v0  }
0x30c: {  	v29 =	vld.idx.msk [tilespmem:v23+s25+$0x0], $0xffff  }
0x30d: {  	v27 =	vadd.f32 v27, v26;
	v26 =	vor.u32 $0x908, v0  }
0x30e: {  	v30 =	vld.idx.msk [tilespmem:v24+s25+$0x0], $0xffff  }
0x30f: {  	v28 =	vadd.f32 v28, v27;
	v27 =	vor.u32 $0x909, v0  }
0x310: {  	v31 =	vld.idx.msk [tilespmem:v25+s25+$0x0], $0xffff  }
0x311: {  	v29 =	vadd.f32 v29, v28;
	v28 =	vor.u32 $0x90A, v0  }
0x312: {  	v32 =	vld.idx.msk [tilespmem:v26+s25+$0x0], $0xffff  }
0x313: {  	v30 =	vadd.f32 v30, v29;
	v29 =	vor.u32 $0x90B, v0  }
0x314: {  	v33 =	vld.idx.msk [tilespmem:v27+s25+$0x0], $0xffff  }
0x315: {  	v31 =	vadd.f32 v31, v30;
	v30 =	vor.u32 $0x90C, v0  }
0x316: {  	v34 =	vld.idx.msk [tilespmem:v28+s25+$0x0], $0xffff  }
0x317: {  	v32 =	vadd.f32 v32, v31;
	v31 =	vor.u32 $0x90D, v0  }
0x318: {  	v35 =	vld.idx.msk [tilespmem:v29+s25+$0x0], $0xffff  }
0x319: {  	v33 =	vadd.f32 v33, v32;
	v32 =	vor.u32 $0x90E, v0  }
0x31a: {  	v36 =	vld.idx.msk [tilespmem:v30+s25+$0x0], $0xffff  }
0x31b: {  	v34 =	vadd.f32 v34, v33;
	v33 =	vor.u32 $0x90F, v0  }
0x31c: {  	v37 =	vld.idx.msk [tilespmem:v31+s25+$0x0], $0xffff  }
0x31d: {  	v34 =	vadd.f32 v35, v34  }
0x31e: {  	v62 =	vld.idx.msk [tilespmem:v32+s25+$0x0], $0xffff  }
0x31f: {  	v34 =	vadd.f32 v36, v34  }
0x320: {  	v63 =	vld.idx.msk [tilespmem:v33+s25+$0x0], $0xffff  }
0x321: {  	v34 =	vadd.f32 v37, v34;
	_ =	sdelay $0x1  }
0x322: {  	v34 =	vadd.f32 v62, v34;
	_ =	sdelay $0x1  }
0x323: {  	v34 =	vadd.f32 v63, v34;
	_ =	sdelay $0x1  }
0x324: {  	v34 =	vsub.f32 $0.0e+00, v34;
	_ =	sdelay $0x1  }
0x325: {  	v34 =	vmul.f32 $1.442695020e+00, v34;
	_ =	sdelay $0x1  }
0x326: {  	(erf) = vpow2.f32 v34;
	_ =	sdelay $0x8  }
0x327: {  	v34 =	vpop (erf)  }
0x328: {  	v34 =	vadd.f32 $1.000000000e+00, v34;
	_ =	sdelay $0x1  }
0x329: {  	(erf) = vrcp.f32 v34;
	_ =	sdelay $0x8  }
0x32a: {  	v34 =	vpop (erf)  }
0x32b: {  	[tilespmem:s16+$0x14A90] =	vst v34  }
0x32c: {  	_ =	swait.ge [sflag:s26], $0x200  }
0x32d: {  	[sflag:s26] =	ssyncset.done $0x0  }
0x32e: {  	[sflag:s26] =	ssyncadd.s32 $0xFFFFFE00  }
0x32f: {  	_ =	swait.ge [sflag:s26], $0x6400  }
0x330: {  	[sflag:s26] =	ssyncset.done $0x0  }
0x331: {  	[sflag:s26] =	ssyncadd.s32 $0xFFFF9C00  }
0x332: {  	p0 =	seq.s32 s0, $0x7;
	_ =	swait.ge [sflag:s26], $0x2800  }
0x333: {  	s1 =	sadd.s32 @!p0 $0x10, s1;
	s12 =	simm.s32 @!p0 $0x8;
	[sflag:s26] =	ssyncset.done $0x0  }
0x334: {  	s18 =	smul.u32 @!p0 $0xC8, s1;
	s16 =	simm.s32 @!p0 $0x2400;
	[sflag:s26] =	ssyncadd.s32 $0xFFFFD800  }
0x335: {  	[tilespmem:s16], [sflag:$0x1] =	stream.indirect.gather @!p0 [hbm4b:s3+s12], $0x40, s1, s12, $0xb8;
	[tilespmem:$0x15400] =	vst v63  }
0x336: {  	s12 =	sshra.s32 @!p0 s18, $0x2;
	s16 =	simm.s32 @!p0 $0x190  }
0x337: {  	s18 =	simm.s32 @!p0 $0x2600;
	s1 =	smul.u32 @!p0 $0x50, s1;
	s12 =	sadd.s32 @!p0 $0x80, s12  }
0x338: {  	[tilespmem:s18], [sflag:$0x1] =	stream.indirect.gather @!p0 [hbm4b:s3+s16], $0x40, s12, s16, $0xb8;
	[tilespmem:$0x15400] =	vst v63  }
0x339: {  	s1 =	sshra.s32 @!p0 s1, $0x2  }
0x33a: {  	s12 =	simm.s32 @!p0 $0xA0;
	s16 =	simm.s32 @!p0 $0x8A00;
	s1 =	sadd.s32 @!p0 $0x1980, s1  }
0x33b: {  	[tilespmem:s16], [sflag:$0x1] =	stream.indirect.gather @!p0 [hbm4b:s4+s12], $0x40, s1, s12, $0xb8;
	[tilespmem:$0x15400] =	vst v63  }
0x33c: {  	s0 =	sadd.s32 $0x1, s0;
	s1 =	simm.s32 $0x0;
	s16 =	simm.s32 $0xB540  }
.LBB2_7:
0x33d: {  	v35 =	vld [tilespmem:s16+$0x110]  }
0x33e: {  	v37 =	vld [tilespmem:s16+$0xC0]  }
0x33f: {  	v38 =	vld [tilespmem:s16+$0xD0]  }
0x340: {  	v44 =	vld [tilespmem:s16+$0x80]  }
0x341: {  	v48 =	vld [tilespmem:s16+$0x90]  }
0x342: {  	v39 =	vld [tilespmem:s16+$0x40]  }
0x343: {  	v43 =	vld [tilespmem:s16+$0x50]  }
0x344: {  	v40 =	vld [tilespmem:s16+$0x0]  }
0x345: {  	v42 =	vld [tilespmem:s16+$0x10]  }
0x346: {  	v41 =	vld [tilespmem:s16+$0xFFFFFFC0]  }
0x347: {  	v45 =	vld [tilespmem:s16+$0xFFFFFFD0]  }
0x348: {  	v46 =	vld [tilespmem:s16+$0xFFFFFF80]  }
0x349: {  	v47 =	vld [tilespmem:s16+$0xFFFFFF90]  }
0x34a: {  	v49 =	vld [tilespmem:s16+$0xFFFFFF40]  }
0x34b: {  	v50 =	vld [tilespmem:s16+$0xFFFFFF50]  }
0x34c: {  	v51 =	vld [tilespmem:s16+$0xFFFFFF00]  }
0x34d: {  	v52 =	vld [tilespmem:s16+$0xFFFFFF10]  }
0x34e: {  	v53 =	vld [tilespmem:s16+$0xFFFFFEC0]  }
0x34f: {  	v54 =	vld [tilespmem:s16+$0xFFFFFED0]  }
0x350: {  	v55 =	vld [tilespmem:s16+$0xFFFFFEE0]  }
0x351: {  	s12 =	sadd.s32 s31, s1;
	v56 =	vld [tilespmem:s16+$0xFFFFFEF0]  }
0x352: {  	v57 =	vld [tilespmem:s16+$0xFFFFFF20];
	v34 =	vmov s12  }
0x353: {  	v58 =	vld [tilespmem:s16+$0xFFFFFF30]  }
0x354: {  	v59 =	vimm.f32 $0.0e+00;
	v60 =	vld [tilespmem:s16+$0xFFFFFF60]  }
0x355: {  	v61 =	vld [tilespmem:s16+$0xFFFFFF70];
	v53 =	vadd.f32 v53, v59;
	v54 =	vadd.f32 v54, v59  }
0x356: {  	v55 =	vadd.f32 v55, v59;
	v56 =	vadd.f32 v56, v59;
	v59 =	vld [tilespmem:s16+$0xFFFFFFA0]  }
0x357: {  	v36 =	vld.idx.msk [tilespmem:v34+s14+$0x0], $0xffff  }
0x358: {  	v34 =	vld [tilespmem:s16+$0x100]  }
0x359: {  	v51 =	vadd.f32 v51, v53;
	v52 =	vadd.f32 v52, v54;
	v53 =	vld [tilespmem:s16+$0xFFFFFFB0]  }
0x35a: {  	v62 =	vadd.f32 v57, v55;
	v63 =	vadd.f32 v58, v56;
	v56 =	vld [tilespmem:s16+$0xFFFFFFE0]  }
0x35b: {  	v49 =	vadd.f32 v49, v51;
	v50 =	vadd.f32 v50, v52;
	v51 =	vld [tilespmem:s16+$0xFFFFFFF0]  }
0x35c: {  	v57 =	vld [tilespmem:s16+$0x30];
	v60 =	vadd.f32 v60, v62;
	v62 =	vadd.f32 v61, v63  }
0x35d: {  	v63 =	vld [tilespmem:s16+$0x20];
	v46 =	vadd.f32 v46, v49;
	v47 =	vadd.f32 v47, v50  }
0x35e: {  	v61 =	vld [tilespmem:s16+$0x70];
	v58 =	vadd.f32 v59, v60;
	v59 =	vadd.f32 v53, v62  }
0x35f: {  	v60 =	vld [tilespmem:s16+$0x60];
	v46 =	vadd.f32 v41, v46;
	v45 =	vadd.f32 v45, v47  }
0x360: {  	v50 =	vadd.f32 v56, v58;
	v41 =	vld [tilespmem:s16+$0xA0];
	v51 =	vadd.f32 v51, v59  }
0x361: {  	v46 =	vadd.f32 v40, v46;
	v45 =	vadd.f32 v42, v45;
	v42 =	vld [tilespmem:s16+$0xB0]  }
0x362: {  	v50 =	vadd.f32 v63, v50;
	v40 =	vld [tilespmem:s16+$0xE0];
	v49 =	vadd.f32 v57, v51  }
0x363: {  	v62 =	vadd.f32 v39, v46;
	v63 =	vadd.f32 v43, v45;
	v43 =	vld [tilespmem:s16+$0xF0]  }
0x364: {  	v46 =	vadd.f32 v60, v50;
	v39 =	vld [tilespmem:s16+$0x120];
	v45 =	vadd.f32 v61, v49  }
0x365: {  	s18 =	simm.s32 $0x0;
	s20 =	sadd.s32 $0x280, s16;
	v47 =	vadd.f32 v44, v62;
	v48 =	vadd.f32 v48, v63;
	v44 =	vld [tilespmem:s16+$0x130]  }
.LBB2_8:
0x366: {  	v49 =	vld [tilespmem:s20+$0x100];
	v41 =	vadd.f32 v41, v46;
	v42 =	vadd.f32 v42, v45  }
0x367: {  	v45 =	vld [tilespmem:s20+$0x110];
	v46 =	vadd.f32 v37, v47;
	v47 =	vadd.f32 v38, v48  }
0x368: {  	v37 =	vld [tilespmem:s20+$0xC0];
	v40 =	vadd.f32 v40, v41;
	v41 =	vadd.f32 v43, v42  }
0x369: {  	v38 =	vld [tilespmem:s20+$0xD0];
	v42 =	vadd.f32 v34, v46;
	v43 =	vadd.f32 v35, v47  }
0x36a: {  	v47 =	vld [tilespmem:s20+$0x80];
	v39 =	vadd.f32 v39, v40;
	v40 =	vadd.f32 v44, v41  }
0x36b: {  	v44 =	vld [tilespmem:s20+$0x90];
	v34 =	vmov v49  }
0x36c: {  	v46 =	vld [tilespmem:s20+$0x40];
	v35 =	vmov v45  }
0x36d: {  	v45 =	vld [tilespmem:s20+$0x50]  }
0x36e: {  	v48 =	vld [tilespmem:s20+$0x0]  }
0x36f: {  	v49 =	vld [tilespmem:s20+$0x10]  }
0x370: {  	v41 =	vld [tilespmem:s20+$0xFFFFFFC0]  }
0x371: {  	v50 =	vld [tilespmem:s20+$0xFFFFFFD0]  }
0x372: {  	v51 =	vld [tilespmem:s20+$0xFFFFFF80]  }
0x373: {  	v52 =	vld [tilespmem:s20+$0xFFFFFF90]  }
0x374: {  	v53 =	vld [tilespmem:s20+$0xFFFFFF40]  }
0x375: {  	v54 =	vld [tilespmem:s20+$0xFFFFFF50]  }
0x376: {  	v55 =	vld [tilespmem:s20+$0xFFFFFF00]  }
0x377: {  	v56 =	vld [tilespmem:s20+$0xFFFFFF10]  }
0x378: {  	v57 =	vld [tilespmem:s20+$0xFFFFFEC0]  }
0x379: {  	v58 =	vld [tilespmem:s20+$0xFFFFFED0]  }
0x37a: {  	v59 =	vld [tilespmem:s20+$0xFFFFFEE0]  }
0x37b: {  	s18 =	sadd.s32 $0xA, s18;
	v60 =	vld [tilespmem:s20+$0xFFFFFEF0]  }
0x37c: {  	p0 =	slt.u32 s18, $0x28;
	v61 =	vld [tilespmem:s20+$0xFFFFFF20]  }
0x37d: {  	v62 =	vld [tilespmem:s20+$0xFFFFFF30]  }
0x37e: {  	v63 =	vld [tilespmem:s20+$0xFFFFFF60]  }
0x37f: {  	v42 =	vadd.f32 v57, v42;
	v43 =	vadd.f32 v58, v43;
	v57 =	vld [tilespmem:s20+$0xFFFFFF70]  }
0x380: {  	v39 =	vadd.f32 v59, v39;
	v40 =	vadd.f32 v60, v40;
	v58 =	vld [tilespmem:s20+$0xFFFFFFA0]  }
0x381: {  	v42 =	vadd.f32 v55, v42;
	v43 =	vadd.f32 v56, v43;
	v55 =	vld [tilespmem:s20+$0xFFFFFFB0]  }
0x382: {  	v39 =	vadd.f32 v61, v39;
	v40 =	vadd.f32 v62, v40;
	v56 =	vld [tilespmem:s20+$0xFFFFFFE0]  }
0x383: {  	v42 =	vadd.f32 v53, v42;
	v43 =	vadd.f32 v54, v43;
	v53 =	vld [tilespmem:s20+$0xFFFFFFF0]  }
0x384: {  	v39 =	vadd.f32 v63, v39;
	v40 =	vadd.f32 v57, v40;
	v54 =	vld [tilespmem:s20+$0x20]  }
0x385: {  	v42 =	vadd.f32 v51, v42;
	v43 =	vadd.f32 v52, v43;
	v51 =	vld [tilespmem:s20+$0x30]  }
0x386: {  	v39 =	vadd.f32 v58, v39;
	v40 =	vadd.f32 v55, v40;
	v52 =	vld [tilespmem:s20+$0x60]  }
0x387: {  	v42 =	vadd.f32 v41, v42;
	v43 =	vadd.f32 v50, v43;
	v50 =	vld [tilespmem:s20+$0x70]  }
0x388: {  	v39 =	vadd.f32 v56, v39;
	v40 =	vadd.f32 v53, v40;
	v41 =	vld [tilespmem:s20+$0xA0]  }
.Ltmp2:
0x389: {  	v48 =	vadd.f32 v48, v42;
	v43 =	vadd.f32 v49, v43;
	v42 =	vld [tilespmem:s20+$0xB0];
	(pc) =	sbr.rel @p0 .LBB2_8-.Ltmp2, $4  }
0x38a: {  	v39 =	vadd.f32 v54, v39;
	v49 =	vadd.f32 v51, v40;
	v40 =	vld [tilespmem:s20+$0xE0]  }
0x38b: {  	v48 =	vadd.f32 v46, v48;
	v51 =	vadd.f32 v45, v43;
	v43 =	vld [tilespmem:s20+$0xF0]  }
0x38c: {  	v46 =	vadd.f32 v52, v39;
	v45 =	vadd.f32 v50, v49;
	v39 =	vld [tilespmem:s20+$0x120]  }
0x38d: {  	v47 =	vadd.f32 v47, v48;
	v48 =	vadd.f32 v44, v51;
	v44 =	vld [tilespmem:s20+$0x130];
	s20 =	sadd.s32 $0x280, s20  }
0x38e: {  	s12 =	sshll.u32 s1, $0x6  }
0x38f: {  	s12 =	sand.u32 $0x3FFFFFC0, s12  }
0x390: {  	v41 =	vadd.f32 v41, v46;
	v55 =	vld [tilespmem:s12+$0xB200]  }
0x391: {  	s18 =	smul.u32 $0x500, s1;
	v37 =	vadd.f32 v37, v47;
	v38 =	vadd.f32 v38, v48;
	v56 =	vld [tilespmem:s12+$0xB210]  }
0x392: {  	v42 =	vadd.f32 v42, v45;
	v40 =	vadd.f32 v40, v41;
	v57 =	vld [tilespmem:s12+$0xB220]  }
0x393: {  	v58 =	vld [tilespmem:s18+$0x11800];
	v34 =	vadd.f32 v34, v37;
	v35 =	vadd.f32 v35, v38  }
0x394: {  	v59 =	vadd.f32 v43, v42;
	v60 =	vld [tilespmem:s18+$0x11810]  }
0x395: {  	v61 =	vld [tilespmem:s12+$0xB230];
	v39 =	vadd.f32 v39, v40;
	v34 =	vmul.f32 v34, v36;
	v35 =	vmul.f32 v35, v36  }
0x396: {  	v62 =	vld [tilespmem:s18+$0x11820];
	v38 =	vadd.f32 v44, v59  }
0x397: {  	v39 =	vmul.f32 v39, v36;
	v34 =	vadd.f32 v55, v34;
	v35 =	vadd.f32 v56, v35  }
0x398: {  	v63 =	vld [tilespmem:s18+$0x11830];
	v38 =	vmul.f32 v38, v36  }
0x399: {  	v36 =	vadd.f32 v57, v39;
	v46 =	vmul.f32 v58, v34;
	v47 =	vmul.f32 v60, v35;
	_ =	sdelay $0x1  }
0x39a: {  	v37 =	vadd.f32 v61, v38;
	v49 =	vmul.f32 v62, v36;
	v48 =	vadd.f32 v47, v46;
	_ =	sdelay $0x1  }
0x39b: {  	v50 =	vmul.f32 v63, v37;
	v38 =	vadd.f32 v49, v48;
	_ =	sdelay $0x1  }
0x39c: {  	v38 =	vadd.f32 v50, v38  }
0x39d: {  	s20 =	sshra.s32 s18, $0x2  }
0x39e: {  	[tilespmem:s20+$0x14000] =	vst v38  }
0x39f: {  	v38 =	vld [tilespmem:s18+$0x11840]  }
0x3a0: {  	v51 =	vld [tilespmem:s18+$0x11850];
	_ =	sdelay $0x1  }
0x3a1: {  	v52 =	vld [tilespmem:s18+$0x11860];
	_ =	sdelay $0x1  }
0x3a2: {  	v53 =	vld [tilespmem:s18+$0x11870]  }
0x3a3: {  	v38 =	vmul.f32 v38, v34;
	v39 =	vmul.f32 v51, v35;
	_ =	sdelay $0x1  }
0x3a4: {  	v54 =	vmul.f32 v52, v36;
	v38 =	vadd.f32 v39, v38;
	_ =	sdelay $0x1  }
0x3a5: {  	v55 =	vmul.f32 v53, v37;
	v38 =	vadd.f32 v54, v38;
	_ =	sdelay $0x1  }
0x3a6: {  	s28 =	sor.u32 $0x40, s18;
	v38 =	vadd.f32 v55, v38  }
0x3a7: {  	s12 =	sshra.s32 s28, $0x2  }
0x3a8: {  	[tilespmem:s12+$0x14000] =	vst v38  }
0x3a9: {  	v38 =	vld [tilespmem:s18+$0x11880]  }
0x3aa: {  	v56 =	vld [tilespmem:s18+$0x11890];
	_ =	sdelay $0x1  }
0x3ab: {  	v57 =	vld [tilespmem:s18+$0x118A0];
	_ =	sdelay $0x1  }
0x3ac: {  	v58 =	vld [tilespmem:s18+$0x118B0]  }
0x3ad: {  	v38 =	vmul.f32 v38, v34;
	v39 =	vmul.f32 v56, v35;
	_ =	sdelay $0x1  }
0x3ae: {  	v59 =	vmul.f32 v57, v36;
	v38 =	vadd.f32 v39, v38;
	_ =	sdelay $0x1  }
0x3af: {  	v60 =	vmul.f32 v58, v37;
	v38 =	vadd.f32 v59, v38;
	_ =	sdelay $0x1  }
0x3b0: {  	s28 =	sor.u32 $0x80, s18;
	v38 =	vadd.f32 v60, v38  }
0x3b1: {  	s12 =	sshra.s32 s28, $0x2  }
0x3b2: {  	[tilespmem:s12+$0x14000] =	vst v38  }
0x3b3: {  	v38 =	vld [tilespmem:s18+$0x118C0]  }
0x3b4: {  	v61 =	vld [tilespmem:s18+$0x118D0];
	_ =	sdelay $0x1  }
0x3b5: {  	v62 =	vld [tilespmem:s18+$0x118E0];
	_ =	sdelay $0x1  }
0x3b6: {  	v63 =	vld [tilespmem:s18+$0x118F0]  }
0x3b7: {  	v38 =	vmul.f32 v38, v34;
	v39 =	vmul.f32 v61, v35;
	_ =	sdelay $0x1  }
0x3b8: {  	v44 =	vmul.f32 v62, v36;
	v38 =	vadd.f32 v39, v38;
	_ =	sdelay $0x1  }
0x3b9: {  	v45 =	vmul.f32 v63, v37;
	v38 =	vadd.f32 v44, v38;
	_ =	sdelay $0x1  }
0x3ba: {  	s28 =	sor.u32 $0xC0, s18;
	v38 =	vadd.f32 v45, v38  }
0x3bb: {  	s12 =	sshra.s32 s28, $0x2  }
0x3bc: {  	[tilespmem:s12+$0x14000] =	vst v38  }
0x3bd: {  	v38 =	vld [tilespmem:s18+$0x11900]  }
0x3be: {  	v46 =	vld [tilespmem:s18+$0x11910];
	_ =	sdelay $0x1  }
0x3bf: {  	v47 =	vld [tilespmem:s18+$0x11920];
	_ =	sdelay $0x1  }
0x3c0: {  	v48 =	vld [tilespmem:s18+$0x11930]  }
0x3c1: {  	v38 =	vmul.f32 v38, v34;
	v39 =	vmul.f32 v46, v35;
	_ =	sdelay $0x1  }
0x3c2: {  	v49 =	vmul.f32 v47, v36;
	v38 =	vadd.f32 v39, v38;
	_ =	sdelay $0x1  }
0x3c3: {  	v50 =	vmul.f32 v48, v37;
	v38 =	vadd.f32 v49, v38;
	_ =	sdelay $0x1  }
0x3c4: {  	v38 =	vadd.f32 v50, v38;
	_ =	sdelay $0x1  }
0x3c5: {  	[tilespmem:s20+$0x14040] =	vst v38  }
0x3c6: {  	v38 =	vld [tilespmem:s18+$0x11940]  }
0x3c7: {  	v51 =	vld [tilespmem:s18+$0x11950];
	_ =	sdelay $0x1  }
0x3c8: {  	v52 =	vld [tilespmem:s18+$0x11960];
	_ =	sdelay $0x1  }
0x3c9: {  	v53 =	vld [tilespmem:s18+$0x11970]  }
0x3ca: {  	v38 =	vmul.f32 v38, v34;
	v39 =	vmul.f32 v51, v35;
	_ =	sdelay $0x1  }
0x3cb: {  	v54 =	vmul.f32 v52, v36;
	v38 =	vadd.f32 v39, v38;
	_ =	sdelay $0x1  }
0x3cc: {  	v55 =	vmul.f32 v53, v37;
	v38 =	vadd.f32 v54, v38;
	_ =	sdelay $0x1  }
0x3cd: {  	v38 =	vadd.f32 v55, v38;
	_ =	sdelay $0x1  }
0x3ce: {  	[tilespmem:s20+$0x14050] =	vst v38  }
0x3cf: {  	v38 =	vld [tilespmem:s18+$0x11980]  }
0x3d0: {  	v56 =	vld [tilespmem:s18+$0x11990];
	_ =	sdelay $0x1  }
0x3d1: {  	v57 =	vld [tilespmem:s18+$0x119A0];
	_ =	sdelay $0x1  }
0x3d2: {  	v58 =	vld [tilespmem:s18+$0x119B0]  }
0x3d3: {  	v38 =	vmul.f32 v38, v34;
	v39 =	vmul.f32 v56, v35;
	_ =	sdelay $0x1  }
0x3d4: {  	v59 =	vmul.f32 v57, v36;
	v38 =	vadd.f32 v39, v38;
	_ =	sdelay $0x1  }
0x3d5: {  	v60 =	vmul.f32 v58, v37;
	v38 =	vadd.f32 v59, v38;
	_ =	sdelay $0x1  }
0x3d6: {  	v38 =	vadd.f32 v60, v38;
	_ =	sdelay $0x1  }
0x3d7: {  	[tilespmem:s20+$0x14060] =	vst v38  }
0x3d8: {  	v38 =	vld [tilespmem:s18+$0x119C0]  }
0x3d9: {  	v61 =	vld [tilespmem:s18+$0x119D0];
	_ =	sdelay $0x1  }
0x3da: {  	v62 =	vld [tilespmem:s18+$0x119E0];
	_ =	sdelay $0x1  }
0x3db: {  	v63 =	vld [tilespmem:s18+$0x119F0]  }
0x3dc: {  	v38 =	vmul.f32 v38, v34;
	v39 =	vmul.f32 v61, v35;
	_ =	sdelay $0x1  }
0x3dd: {  	v44 =	vmul.f32 v62, v36;
	v38 =	vadd.f32 v39, v38;
	_ =	sdelay $0x1  }
0x3de: {  	v45 =	vmul.f32 v63, v37;
	v38 =	vadd.f32 v44, v38;
	_ =	sdelay $0x1  }
0x3df: {  	v38 =	vadd.f32 v45, v38;
	_ =	sdelay $0x1  }
0x3e0: {  	[tilespmem:s20+$0x14070] =	vst v38  }
0x3e1: {  	v38 =	vld [tilespmem:s18+$0x11A00]  }
0x3e2: {  	v46 =	vld [tilespmem:s18+$0x11A10];
	_ =	sdelay $0x1  }
0x3e3: {  	v47 =	vld [tilespmem:s18+$0x11A20];
	_ =	sdelay $0x1  }
0x3e4: {  	v48 =	vld [tilespmem:s18+$0x11A30]  }
0x3e5: {  	v38 =	vmul.f32 v38, v34;
	v39 =	vmul.f32 v46, v35;
	_ =	sdelay $0x1  }
0x3e6: {  	v49 =	vmul.f32 v47, v36;
	v38 =	vadd.f32 v39, v38;
	_ =	sdelay $0x1  }
0x3e7: {  	v50 =	vmul.f32 v48, v37;
	v38 =	vadd.f32 v49, v38;
	_ =	sdelay $0x1  }
0x3e8: {  	v38 =	vadd.f32 v50, v38;
	_ =	sdelay $0x1  }
0x3e9: {  	[tilespmem:s20+$0x14080] =	vst v38  }
0x3ea: {  	v38 =	vld [tilespmem:s18+$0x11A40]  }
0x3eb: {  	v51 =	vld [tilespmem:s18+$0x11A50];
	_ =	sdelay $0x1  }
0x3ec: {  	v52 =	vld [tilespmem:s18+$0x11A60];
	_ =	sdelay $0x1  }
0x3ed: {  	v53 =	vld [tilespmem:s18+$0x11A70]  }
0x3ee: {  	v38 =	vmul.f32 v38, v34;
	v39 =	vmul.f32 v51, v35;
	_ =	sdelay $0x1  }
0x3ef: {  	v54 =	vmul.f32 v52, v36;
	v38 =	vadd.f32 v39, v38;
	_ =	sdelay $0x1  }
0x3f0: {  	v55 =	vmul.f32 v53, v37;
	v38 =	vadd.f32 v54, v38;
	_ =	sdelay $0x1  }
0x3f1: {  	v38 =	vadd.f32 v55, v38;
	_ =	sdelay $0x1  }
0x3f2: {  	[tilespmem:s20+$0x14090] =	vst v38  }
0x3f3: {  	v38 =	vld [tilespmem:s18+$0x11A80]  }
0x3f4: {  	v56 =	vld [tilespmem:s18+$0x11A90];
	_ =	sdelay $0x1  }
0x3f5: {  	v57 =	vld [tilespmem:s18+$0x11AA0];
	_ =	sdelay $0x1  }
0x3f6: {  	v58 =	vld [tilespmem:s18+$0x11AB0]  }
0x3f7: {  	v38 =	vmul.f32 v38, v34;
	v39 =	vmul.f32 v56, v35;
	_ =	sdelay $0x1  }
0x3f8: {  	v59 =	vmul.f32 v57, v36;
	v38 =	vadd.f32 v39, v38;
	_ =	sdelay $0x1  }
0x3f9: {  	v60 =	vmul.f32 v58, v37;
	v38 =	vadd.f32 v59, v38;
	_ =	sdelay $0x1  }
0x3fa: {  	v38 =	vadd.f32 v60, v38;
	_ =	sdelay $0x1  }
0x3fb: {  	[tilespmem:s20+$0x140A0] =	vst v38  }
0x3fc: {  	v38 =	vld [tilespmem:s18+$0x11AC0]  }
0x3fd: {  	v61 =	vld [tilespmem:s18+$0x11AD0];
	_ =	sdelay $0x1  }
0x3fe: {  	v62 =	vld [tilespmem:s18+$0x11AE0];
	_ =	sdelay $0x1  }
0x3ff: {  	v63 =	vld [tilespmem:s18+$0x11AF0]  }
0x400: {  	v38 =	vmul.f32 v38, v34;
	v39 =	vmul.f32 v61, v35;
	_ =	sdelay $0x1  }
0x401: {  	v44 =	vmul.f32 v62, v36;
	v38 =	vadd.f32 v39, v38;
	_ =	sdelay $0x1  }
0x402: {  	v45 =	vmul.f32 v63, v37;
	v38 =	vadd.f32 v44, v38;
	_ =	sdelay $0x1  }
0x403: {  	v38 =	vadd.f32 v45, v38;
	_ =	sdelay $0x1  }
0x404: {  	[tilespmem:s20+$0x140B0] =	vst v38  }
0x405: {  	v38 =	vld [tilespmem:s18+$0x11B00]  }
0x406: {  	v46 =	vld [tilespmem:s18+$0x11B10];
	_ =	sdelay $0x1  }
0x407: {  	v47 =	vld [tilespmem:s18+$0x11B20];
	_ =	sdelay $0x1  }
0x408: {  	v48 =	vld [tilespmem:s18+$0x11B30]  }
0x409: {  	v38 =	vmul.f32 v38, v34;
	v39 =	vmul.f32 v46, v35;
	_ =	sdelay $0x1  }
0x40a: {  	v49 =	vmul.f32 v47, v36;
	v38 =	vadd.f32 v39, v38;
	_ =	sdelay $0x1  }
0x40b: {  	v50 =	vmul.f32 v48, v37;
	v38 =	vadd.f32 v49, v38;
	_ =	sdelay $0x1  }
0x40c: {  	v38 =	vadd.f32 v50, v38;
	_ =	sdelay $0x1  }
0x40d: {  	[tilespmem:s20+$0x140C0] =	vst v38  }
0x40e: {  	v38 =	vld [tilespmem:s18+$0x11B40]  }
0x40f: {  	v51 =	vld [tilespmem:s18+$0x11B50];
	_ =	sdelay $0x1  }
0x410: {  	v52 =	vld [tilespmem:s18+$0x11B60];
	_ =	sdelay $0x1  }
0x411: {  	v53 =	vld [tilespmem:s18+$0x11B70]  }
0x412: {  	v38 =	vmul.f32 v38, v34;
	v39 =	vmul.f32 v51, v35;
	_ =	sdelay $0x1  }
0x413: {  	v54 =	vmul.f32 v52, v36;
	v38 =	vadd.f32 v39, v38;
	_ =	sdelay $0x1  }
0x414: {  	v55 =	vmul.f32 v53, v37;
	v38 =	vadd.f32 v54, v38;
	_ =	sdelay $0x1  }
0x415: {  	v38 =	vadd.f32 v55, v38;
	_ =	sdelay $0x1  }
0x416: {  	[tilespmem:s20+$0x140D0] =	vst v38  }
0x417: {  	v38 =	vld [tilespmem:s18+$0x11B80]  }
0x418: {  	v56 =	vld [tilespmem:s18+$0x11B90];
	_ =	sdelay $0x1  }
0x419: {  	v57 =	vld [tilespmem:s18+$0x11BA0];
	_ =	sdelay $0x1  }
0x41a: {  	v58 =	vld [tilespmem:s18+$0x11BB0]  }
0x41b: {  	v38 =	vmul.f32 v38, v34;
	v39 =	vmul.f32 v56, v35;
	_ =	sdelay $0x1  }
0x41c: {  	v59 =	vmul.f32 v57, v36;
	v38 =	vadd.f32 v39, v38;
	_ =	sdelay $0x1  }
0x41d: {  	v60 =	vmul.f32 v58, v37;
	v38 =	vadd.f32 v59, v38;
	_ =	sdelay $0x1  }
0x41e: {  	v38 =	vadd.f32 v60, v38;
	_ =	sdelay $0x1  }
0x41f: {  	[tilespmem:s20+$0x140E0] =	vst v38  }
0x420: {  	v38 =	vld [tilespmem:s18+$0x11BC0]  }
0x421: {  	v61 =	vld [tilespmem:s18+$0x11BD0];
	_ =	sdelay $0x1  }
0x422: {  	v62 =	vld [tilespmem:s18+$0x11BE0];
	_ =	sdelay $0x1  }
0x423: {  	v63 =	vld [tilespmem:s18+$0x11BF0]  }
0x424: {  	v38 =	vmul.f32 v38, v34;
	v39 =	vmul.f32 v61, v35;
	_ =	sdelay $0x1  }
0x425: {  	v42 =	vmul.f32 v62, v36;
	v38 =	vadd.f32 v39, v38;
	_ =	sdelay $0x1  }
0x426: {  	v43 =	vmul.f32 v63, v37;
	v38 =	vadd.f32 v42, v38;
	_ =	sdelay $0x1  }
0x427: {  	v38 =	vadd.f32 v43, v38;
	_ =	sdelay $0x1  }
0x428: {  	[tilespmem:s20+$0x140F0] =	vst v38  }
0x429: {  	v38 =	vld [tilespmem:s18+$0x11C00]  }
0x42a: {  	v44 =	vld [tilespmem:s18+$0x11C10];
	_ =	sdelay $0x1  }
0x42b: {  	v45 =	vld [tilespmem:s18+$0x11C20];
	_ =	sdelay $0x1  }
0x42c: {  	v46 =	vld [tilespmem:s18+$0x11C30]  }
0x42d: {  	v38 =	vmul.f32 v38, v34;
	v39 =	vmul.f32 v44, v35;
	_ =	sdelay $0x1  }
0x42e: {  	v47 =	vmul.f32 v45, v36;
	v38 =	vadd.f32 v39, v38;
	_ =	sdelay $0x1  }
0x42f: {  	v48 =	vmul.f32 v46, v37;
	v38 =	vadd.f32 v47, v38;
	_ =	sdelay $0x1  }
0x430: {  	v38 =	vadd.f32 v48, v38;
	_ =	sdelay $0x1  }
0x431: {  	[tilespmem:s20+$0x14100] =	vst v38  }
0x432: {  	v38 =	vld [tilespmem:s18+$0x11C40]  }
0x433: {  	v49 =	vld [tilespmem:s18+$0x11C50];
	_ =	sdelay $0x1  }
0x434: {  	v50 =	vld [tilespmem:s18+$0x11C60];
	_ =	sdelay $0x1  }
0x435: {  	v51 =	vld [tilespmem:s18+$0x11C70]  }
0x436: {  	v38 =	vmul.f32 v38, v34;
	v39 =	vmul.f32 v49, v35;
	_ =	sdelay $0x1  }
0x437: {  	v52 =	vmul.f32 v50, v36;
	v38 =	vadd.f32 v39, v38;
	_ =	sdelay $0x1  }
0x438: {  	v53 =	vmul.f32 v51, v37;
	v38 =	vadd.f32 v52, v38;
	_ =	sdelay $0x1  }
0x439: {  	v38 =	vadd.f32 v53, v38;
	_ =	sdelay $0x1  }
0x43a: {  	[tilespmem:s20+$0x14110] =	vst v38  }
0x43b: {  	v38 =	vld [tilespmem:s18+$0x11C80]  }
0x43c: {  	v54 =	vld [tilespmem:s18+$0x11C90];
	_ =	sdelay $0x1  }
0x43d: {  	v55 =	vld [tilespmem:s18+$0x11CA0];
	_ =	sdelay $0x1  }
0x43e: {  	v56 =	vld [tilespmem:s18+$0x11CB0]  }
0x43f: {  	v38 =	vmul.f32 v38, v34;
	v39 =	vmul.f32 v54, v35;
	_ =	sdelay $0x1  }
0x440: {  	v57 =	vmul.f32 v55, v36;
	v38 =	vadd.f32 v39, v38;
	_ =	sdelay $0x1  }
0x441: {  	v58 =	vmul.f32 v56, v37;
	v38 =	vadd.f32 v57, v38;
	_ =	sdelay $0x1  }
0x442: {  	v38 =	vadd.f32 v58, v38;
	_ =	sdelay $0x1  }
0x443: {  	[tilespmem:s20+$0x14120] =	vst v38  }
0x444: {  	v38 =	vld [tilespmem:s18+$0x11CC0]  }
0x445: {  	v59 =	vld [tilespmem:s18+$0x11CD0];
	_ =	sdelay $0x1  }
0x446: {  	v60 =	vld [tilespmem:s18+$0x11CE0];
	_ =	sdelay $0x1  }
0x447: {  	v61 =	vld [tilespmem:s18+$0x11CF0]  }
0x448: {  	v34 =	vmul.f32 v38, v34;
	v35 =	vmul.f32 v59, v35;
	_ =	sdelay $0x1  }
0x449: {  	s1 =	sadd.s32 $0x1, s1;
	v62 =	vmul.f32 v60, v36;
	v34 =	vadd.f32 v35, v34  }
0x44a: {  	p0 =	sne.s32 s1, $0x8  }
.Ltmp3:
0x44b: {  	v63 =	vmul.f32 v61, v37;
	v34 =	vadd.f32 v62, v34;
	(pc) =	sbr.rel @p0 .LBB2_7-.Ltmp3, $3  }
0x44c: {  	_ = 	snop  }
0x44d: {  	v34 =	vadd.f32 v63, v34;
	_ =	sdelay $0x1  }
0x44e: {  	s16 =	sadd.s32 $0xC80, s16;
	[tilespmem:s20+$0x14130] =	vst v34  }
0x44f: {  	v38 =	vld [tilespmem:$0x1FE60];
	_ =	sdelay $0x1  }
0x450: {  	v39 =	vld [tilespmem:$0x1FE70];
	_ =	sdelay $0x1  }
0x451: {  	v40 =	vld [tilespmem:$0x1FE80]  }
0x452: {  	v34 =	vld.idx.msk [tilespmem:v0+s25+$0x0], $0xffff  }
0x453: {  	v41 =	vld [tilespmem:$0x1FE90]  }
0x454: {  	v42 =	vld [tilespmem:$0x1FEA0]  }
0x455: {  	v35 =	vld.idx.msk [tilespmem:v38+s25+$0x0], $0xffff  }
0x456: {  	v43 =	vld [tilespmem:$0x1FEB0]  }
0x457: {  	v36 =	vld.idx.msk [tilespmem:v39+s25+$0x0], $0xffff  }
0x458: {  	v44 =	vld [tilespmem:$0x1FEC0]  }
0x459: {  	v37 =	vld.idx.msk [tilespmem:v40+s25+$0x0], $0xffff  }
0x45a: {  	v45 =	vld [tilespmem:$0x1FED0];
	v34 =	vadd.f32 v35, v34  }
0x45b: {  	v48 =	vld.idx.msk [tilespmem:v41+s25+$0x0], $0xffff  }
0x45c: {  	v46 =	vld [tilespmem:$0x1FEE0];
	v34 =	vadd.f32 v36, v34  }
0x45d: {  	v49 =	vld.idx.msk [tilespmem:v42+s25+$0x0], $0xffff  }
0x45e: {  	v47 =	vld [tilespmem:$0x1FEF0];
	v34 =	vadd.f32 v37, v34  }
0x45f: {  	v50 =	vld.idx.msk [tilespmem:v43+s25+$0x0], $0xffff  }
0x460: {  	v34 =	vadd.f32 v48, v34;
	v48 =	vld [tilespmem:$0x1FF00]  }
0x461: {  	v51 =	vld.idx.msk [tilespmem:v44+s25+$0x0], $0xffff  }
0x462: {  	v52 =	vld.idx.msk [tilespmem:v45+s25+$0x0], $0xffff;
	v34 =	vadd.f32 v49, v34  }
0x463: {  	v49 =	vld [tilespmem:$0x1FF10]  }
0x464: {  	v53 =	vld.idx.msk [tilespmem:v46+s25+$0x0], $0xffff;
	v34 =	vadd.f32 v50, v34  }
0x465: {  	v50 =	vld [tilespmem:$0x1FF20]  }
0x466: {  	v54 =	vld.idx.msk [tilespmem:v47+s25+$0x0], $0xffff;
	v34 =	vadd.f32 v51, v34  }
0x467: {  	v51 =	vld [tilespmem:$0x1FF30]  }
0x468: {  	v34 =	vadd.f32 v52, v34;
	v55 =	vld.idx.msk [tilespmem:v48+s25+$0x0], $0xffff  }
0x469: {  	v52 =	vld [tilespmem:$0x1FF40]  }
0x46a: {  	v34 =	vadd.f32 v53, v34  }
0x46b: {  	v56 =	vld.idx.msk [tilespmem:v49+s25+$0x0], $0xffff  }
0x46c: {  	v34 =	vadd.f32 v54, v34  }
0x46d: {  	v57 =	vld.idx.msk [tilespmem:v50+s25+$0x0], $0xffff  }
0x46e: {  	v34 =	vadd.f32 v55, v34  }
0x46f: {  	v58 =	vld.idx.msk [tilespmem:v51+s25+$0x0], $0xffff  }
0x470: {  	v34 =	vadd.f32 v56, v34  }
0x471: {  	v59 =	vld.idx.msk [tilespmem:v52+s25+$0x0], $0xffff  }
0x472: {  	v34 =	vadd.f32 v57, v34;
	_ =	sdelay $0x1  }
0x473: {  	v34 =	vadd.f32 v58, v34;
	_ =	sdelay $0x1  }
0x474: {  	v34 =	vadd.f32 v59, v34;
	_ =	sdelay $0x1  }
0x475: {  	v34 =	vsub.f32 $0.0e+00, v34;
	_ =	sdelay $0x1  }
0x476: {  	v34 =	vmul.f32 $1.442695020e+00, v34;
	_ =	sdelay $0x1  }
0x477: {  	(erf) = vpow2.f32 v34;
	_ =	sdelay $0x8  }
0x478: {  	v34 =	vpop (erf)  }
0x479: {  	v34 =	vadd.f32 $1.000000000e+00, v34;
	_ =	sdelay $0x1  }
0x47a: {  	(erf) = vrcp.f32 v34;
	_ =	sdelay $0x2  }
0x47b: {  	v53 =	vld [tilespmem:$0x1FF50]  }
0x47c: {  	v54 =	vld [tilespmem:$0x1FF60];
	_ =	sdelay $0x1  }
0x47d: {  	v55 =	vld [tilespmem:$0x1FF70];
	_ =	sdelay $0x1  }
0x47e: {  	v56 =	vld [tilespmem:$0x1FF80]  }
0x47f: {  	v57 =	vld [tilespmem:$0x1FF90];
	v34 =	vpop (erf)  }
0x480: {  	v58 =	vld [tilespmem:$0x1FFA0];
	[tilespmem:s30+$0x14A00] =	vst v34  }
0x481: {  	v34 =	vld.idx.msk [tilespmem:v53+s25+$0x0], $0xffff  }
0x482: {  	v60 =	vld.idx.msk [tilespmem:v54+s25+$0x0], $0xffff;
	_ =	sdelay $0x1  }
0x483: {  	v61 =	vld.idx.msk [tilespmem:v55+s25+$0x0], $0xffff  }
0x484: {  	v59 =	vld [tilespmem:$0x1FFB0]  }
0x485: {  	v62 =	vld.idx.msk [tilespmem:v56+s25+$0x0], $0xffff  }
0x486: {  	v34 =	vadd.f32 v60, v34;
	v60 =	vld [tilespmem:$0x1FFC0]  }
0x487: {  	v63 =	vld.idx.msk [tilespmem:v57+s25+$0x0], $0xffff  }
0x488: {  	v34 =	vadd.f32 v61, v34;
	v61 =	vld [tilespmem:$0x1FFD0]  }
0x489: {  	v36 =	vld.idx.msk [tilespmem:v58+s25+$0x0], $0xffff  }
0x48a: {  	v34 =	vadd.f32 v62, v34;
	v62 =	vld [tilespmem:$0x1FFE0];
	_ =	sdelay $0x1  }
0x48b: {  	v37 =	vld.idx.msk [tilespmem:v59+s25+$0x0], $0xffff  }
0x48c: {  	v34 =	vadd.f32 v63, v34  }
0x48d: {  	v35 =	vld.idx.msk [tilespmem:v60+s25+$0x0], $0xffff  }
0x48e: {  	v34 =	vadd.f32 v36, v34  }
0x48f: {  	v36 =	vld.idx.msk [tilespmem:v61+s25+$0x0], $0xffff  }
0x490: {  	v34 =	vadd.f32 v37, v34  }
0x491: {  	v37 =	vld.idx.msk [tilespmem:v62+s25+$0x0], $0xffff  }
0x492: {  	v63 =	vld [tilespmem:$0x1FFF0];
	v34 =	vadd.f32 v35, v34;
	_ =	sdelay $0x1  }
0x493: {  	v34 =	vadd.f32 v36, v34;
	v36 =	vld [tilespmem:$0x1FCB0];
	_ =	sdelay $0x1  }
0x494: {  	v34 =	vadd.f32 v37, v34;
	v37 =	vld [tilespmem:$0x1FCC0];
	_ =	sdelay $0x3  }
0x495: {  	v35 =	vld.idx.msk [tilespmem:v63+s25+$0x0], $0xffff;
	_ =	sdelay $0x1  }
0x496: {  	v36 =	vld.idx.msk [tilespmem:v36+s25+$0x0], $0xffff;
	_ =	sdelay $0x1  }
0x497: {  	v37 =	vld.idx.msk [tilespmem:v37+s25+$0x0], $0xffff  }
0x498: {  	v34 =	vadd.f32 v35, v34;
	v35 =	vld [tilespmem:$0x1FCD0];
	_ =	sdelay $0x1  }
0x499: {  	v34 =	vadd.f32 v36, v34;
	v36 =	vld [tilespmem:$0x1FCE0];
	_ =	sdelay $0x1  }
0x49a: {  	v34 =	vadd.f32 v37, v34;
	v37 =	vld [tilespmem:$0x1FCF0];
	_ =	sdelay $0x3  }
0x49b: {  	v35 =	vld.idx.msk [tilespmem:v35+s25+$0x0], $0xffff;
	_ =	sdelay $0x1  }
0x49c: {  	v36 =	vld.idx.msk [tilespmem:v36+s25+$0x0], $0xffff;
	_ =	sdelay $0x1  }
0x49d: {  	v37 =	vld.idx.msk [tilespmem:v37+s25+$0x0], $0xffff  }
0x49e: {  	v34 =	vadd.f32 v35, v34;
	_ =	sdelay $0x1  }
0x49f: {  	v34 =	vadd.f32 v36, v34;
	_ =	sdelay $0x1  }
0x4a0: {  	v34 =	vadd.f32 v37, v34;
	_ =	sdelay $0x1  }
0x4a1: {  	v34 =	vsub.f32 $0.0e+00, v34;
	_ =	sdelay $0x1  }
0x4a2: {  	v34 =	vmul.f32 $1.442695020e+00, v34;
	_ =	sdelay $0x1  }
0x4a3: {  	(erf) = vpow2.f32 v34;
	_ =	sdelay $0x8  }
0x4a4: {  	v34 =	vpop (erf)  }
0x4a5: {  	v34 =	vadd.f32 $1.000000000e+00, v34;
	_ =	sdelay $0x1  }
0x4a6: {  	(erf) = vrcp.f32 v34;
	_ =	sdelay $0x2  }
0x4a7: {  	v36 =	vld [tilespmem:$0x1FD10];
	_ =	sdelay $0x1  }
0x4a8: {  	v37 =	vld [tilespmem:$0x1FD00];
	_ =	sdelay $0x3  }
0x4a9: {  	v34 =	vpop (erf)  }
0x4aa: {  	[tilespmem:s30+$0x14A10] =	vst v34  }
0x4ab: {  	v35 =	vld.idx.msk [tilespmem:v36+s25+$0x0], $0xffff  }
0x4ac: {  	v36 =	vld [tilespmem:$0x1FD20]  }
0x4ad: {  	v34 =	vld.idx.msk [tilespmem:v37+s25+$0x0], $0xffff  }
0x4ae: {  	v37 =	vld [tilespmem:$0x1FD30];
	_ =	sdelay $0x5  }
0x4af: {  	v36 =	vld.idx.msk [tilespmem:v36+s25+$0x0], $0xffff;
	_ =	sdelay $0x1  }
0x4b0: {  	v37 =	vld.idx.msk [tilespmem:v37+s25+$0x0], $0xffff  }
0x4b1: {  	v34 =	vadd.f32 v35, v34;
	v35 =	vld [tilespmem:$0x1FD40];
	_ =	sdelay $0x1  }
0x4b2: {  	v34 =	vadd.f32 v36, v34;
	v36 =	vld [tilespmem:$0x1FD50];
	_ =	sdelay $0x1  }
0x4b3: {  	v34 =	vadd.f32 v37, v34;
	v37 =	vld [tilespmem:$0x1FD60];
	_ =	sdelay $0x3  }
0x4b4: {  	v35 =	vld.idx.msk [tilespmem:v35+s25+$0x0], $0xffff;
	_ =	sdelay $0x1  }
0x4b5: {  	v36 =	vld.idx.msk [tilespmem:v36+s25+$0x0], $0xffff;
	_ =	sdelay $0x1  }
0x4b6: {  	v37 =	vld.idx.msk [tilespmem:v37+s25+$0x0], $0xffff  }
0x4b7: {  	v34 =	vadd.f32 v35, v34;
	v35 =	vld [tilespmem:$0x1FD70];
	_ =	sdelay $0x1  }
0x4b8: {  	v34 =	vadd.f32 v36, v34;
	v36 =	vld [tilespmem:$0x1FD80];
	_ =	sdelay $0x1  }
0x4b9: {  	v34 =	vadd.f32 v37, v34;
	v37 =	vld [tilespmem:$0x1FD90];
	_ =	sdelay $0x3  }
0x4ba: {  	v35 =	vld.idx.msk [tilespmem:v35+s25+$0x0], $0xffff;
	_ =	sdelay $0x1  }
0x4bb: {  	v36 =	vld.idx.msk [tilespmem:v36+s25+$0x0], $0xffff;
	_ =	sdelay $0x1  }
0x4bc: {  	v37 =	vld.idx.msk [tilespmem:v37+s25+$0x0], $0xffff  }
0x4bd: {  	v34 =	vadd.f32 v35, v34;
	v35 =	vld [tilespmem:$0x1FDA0];
	_ =	sdelay $0x1  }
0x4be: {  	v34 =	vadd.f32 v36, v34;
	v36 =	vld [tilespmem:$0x1FDB0];
	_ =	sdelay $0x1  }
0x4bf: {  	v34 =	vadd.f32 v37, v34;
	v37 =	vld [tilespmem:$0x1FDC0];
	_ =	sdelay $0x3  }
0x4c0: {  	v35 =	vld.idx.msk [tilespmem:v35+s25+$0x0], $0xffff;
	_ =	sdelay $0x1  }
0x4c1: {  	v36 =	vld.idx.msk [tilespmem:v36+s25+$0x0], $0xffff;
	_ =	sdelay $0x1  }
0x4c2: {  	v37 =	vld.idx.msk [tilespmem:v37+s25+$0x0], $0xffff  }
0x4c3: {  	v34 =	vadd.f32 v35, v34;
	v35 =	vld [tilespmem:$0x1FDD0];
	_ =	sdelay $0x1  }
0x4c4: {  	v34 =	vadd.f32 v36, v34;
	v36 =	vld [tilespmem:$0x1FDE0];
	_ =	sdelay $0x1  }
0x4c5: {  	v34 =	vadd.f32 v37, v34;
	v37 =	vld [tilespmem:$0x1FDF0];
	_ =	sdelay $0x3  }
0x4c6: {  	v35 =	vld.idx.msk [tilespmem:v35+s25+$0x0], $0xffff;
	_ =	sdelay $0x1  }
0x4c7: {  	v36 =	vld.idx.msk [tilespmem:v36+s25+$0x0], $0xffff;
	_ =	sdelay $0x1  }
0x4c8: {  	v37 =	vld.idx.msk [tilespmem:v37+s25+$0x0], $0xffff  }
0x4c9: {  	v34 =	vadd.f32 v35, v34;
	_ =	sdelay $0x1  }
0x4ca: {  	v34 =	vadd.f32 v36, v34;
	_ =	sdelay $0x1  }
0x4cb: {  	v34 =	vadd.f32 v37, v34;
	_ =	sdelay $0x1  }
0x4cc: {  	v34 =	vsub.f32 $0.0e+00, v34;
	_ =	sdelay $0x1  }
0x4cd: {  	v34 =	vmul.f32 $1.442695020e+00, v34;
	_ =	sdelay $0x1  }
0x4ce: {  	(erf) = vpow2.f32 v34;
	_ =	sdelay $0x8  }
0x4cf: {  	v34 =	vpop (erf)  }
0x4d0: {  	v34 =	vadd.f32 $1.000000000e+00, v34;
	_ =	sdelay $0x1  }
0x4d1: {  	(erf) = vrcp.f32 v34;
	_ =	sdelay $0x2  }
0x4d2: {  	v36 =	vld [tilespmem:$0x1FE10];
	_ =	sdelay $0x1  }
0x4d3: {  	v37 =	vld [tilespmem:$0x1FE00];
	_ =	sdelay $0x3  }
0x4d4: {  	v34 =	vpop (erf)  }
0x4d5: {  	[tilespmem:s30+$0x14A20] =	vst v34  }
0x4d6: {  	v35 =	vld.idx.msk [tilespmem:v36+s25+$0x0], $0xffff  }
0x4d7: {  	v36 =	vld [tilespmem:$0x1FE20]  }
0x4d8: {  	v34 =	vld.idx.msk [tilespmem:v37+s25+$0x0], $0xffff  }
0x4d9: {  	v37 =	vld [tilespmem:$0x1FE30];
	_ =	sdelay $0x5  }
0x4da: {  	v36 =	vld.idx.msk [tilespmem:v36+s25+$0x0], $0xffff;
	_ =	sdelay $0x1  }
0x4db: {  	v37 =	vld.idx.msk [tilespmem:v37+s25+$0x0], $0xffff  }
0x4dc: {  	v34 =	vadd.f32 v35, v34;
	v35 =	vld [tilespmem:$0x1FE40];
	_ =	sdelay $0x1  }
0x4dd: {  	v34 =	vadd.f32 v36, v34;
	v36 =	vld [tilespmem:$0x1FE50];
	_ =	sdelay $0x1  }
0x4de: {  	v34 =	vadd.f32 v37, v34;
	v37 =	vld [tilespmem:$0x1F820];
	_ =	sdelay $0x3  }
0x4df: {  	v35 =	vld.idx.msk [tilespmem:v35+s25+$0x0], $0xffff;
	_ =	sdelay $0x1  }
0x4e0: {  	v36 =	vld.idx.msk [tilespmem:v36+s25+$0x0], $0xffff;
	_ =	sdelay $0x1  }
0x4e1: {  	v37 =	vld.idx.msk [tilespmem:v37+s25+$0x0], $0xffff  }
0x4e2: {  	v34 =	vadd.f32 v35, v34;
	v35 =	vld [tilespmem:$0x1F830];
	_ =	sdelay $0x1  }
0x4e3: {  	v34 =	vadd.f32 v36, v34;
	v36 =	vld [tilespmem:$0x1F840];
	_ =	sdelay $0x1  }
0x4e4: {  	v34 =	vadd.f32 v37, v34;
	v37 =	vld [tilespmem:$0x1F850];
	_ =	sdelay $0x3  }
0x4e5: {  	v35 =	vld.idx.msk [tilespmem:v35+s25+$0x0], $0xffff;
	_ =	sdelay $0x1  }
0x4e6: {  	v36 =	vld.idx.msk [tilespmem:v36+s25+$0x0], $0xffff;
	_ =	sdelay $0x1  }
0x4e7: {  	v37 =	vld.idx.msk [tilespmem:v37+s25+$0x0], $0xffff  }
0x4e8: {  	v34 =	vadd.f32 v35, v34;
	v35 =	vld [tilespmem:$0x1F860];
	_ =	sdelay $0x1  }
0x4e9: {  	v34 =	vadd.f32 v36, v34;
	v36 =	vld [tilespmem:$0x1F870];
	_ =	sdelay $0x1  }
0x4ea: {  	v34 =	vadd.f32 v37, v34;
	v37 =	vld [tilespmem:$0x1F880];
	_ =	sdelay $0x3  }
0x4eb: {  	v35 =	vld.idx.msk [tilespmem:v35+s25+$0x0], $0xffff;
	_ =	sdelay $0x1  }
0x4ec: {  	v36 =	vld.idx.msk [tilespmem:v36+s25+$0x0], $0xffff;
	_ =	sdelay $0x1  }
0x4ed: {  	v37 =	vld.idx.msk [tilespmem:v37+s25+$0x0], $0xffff  }
0x4ee: {  	v34 =	vadd.f32 v35, v34;
	v35 =	vld [tilespmem:$0x1F890];
	_ =	sdelay $0x1  }
0x4ef: {  	v34 =	vadd.f32 v36, v34;
	v36 =	vld [tilespmem:$0x1F8A0];
	_ =	sdelay $0x1  }
0x4f0: {  	v34 =	vadd.f32 v37, v34;
	v37 =	vld [tilespmem:$0x1F8B0];
	_ =	sdelay $0x3  }
0x4f1: {  	v35 =	vld.idx.msk [tilespmem:v35+s25+$0x0], $0xffff;
	_ =	sdelay $0x1  }
0x4f2: {  	v36 =	vld.idx.msk [tilespmem:v36+s25+$0x0], $0xffff;
	_ =	sdelay $0x1  }
0x4f3: {  	v37 =	vld.idx.msk [tilespmem:v37+s25+$0x0], $0xffff  }
0x4f4: {  	v34 =	vadd.f32 v35, v34;
	_ =	sdelay $0x1  }
0x4f5: {  	v34 =	vadd.f32 v36, v34;
	_ =	sdelay $0x1  }
0x4f6: {  	v34 =	vadd.f32 v37, v34;
	_ =	sdelay $0x1  }
0x4f7: {  	v34 =	vsub.f32 $0.0e+00, v34;
	_ =	sdelay $0x1  }
0x4f8: {  	v34 =	vmul.f32 $1.442695020e+00, v34;
	_ =	sdelay $0x1  }
0x4f9: {  	(erf) = vpow2.f32 v34;
	_ =	sdelay $0x8  }
0x4fa: {  	v34 =	vpop (erf)  }
0x4fb: {  	v34 =	vadd.f32 $1.000000000e+00, v34;
	_ =	sdelay $0x1  }
0x4fc: {  	(erf) = vrcp.f32 v34;
	_ =	sdelay $0x2  }
0x4fd: {  	v36 =	vld [tilespmem:$0x1F8D0];
	_ =	sdelay $0x1  }
0x4fe: {  	v37 =	vld [tilespmem:$0x1F8C0];
	_ =	sdelay $0x3  }
0x4ff: {  	v34 =	vpop (erf)  }
0x500: {  	[tilespmem:s30+$0x14A30] =	vst v34  }
0x501: {  	v35 =	vld.idx.msk [tilespmem:v36+s25+$0x0], $0xffff  }
0x502: {  	v36 =	vld [tilespmem:$0x1F8E0]  }
0x503: {  	v34 =	vld.idx.msk [tilespmem:v37+s25+$0x0], $0xffff  }
0x504: {  	v37 =	vld [tilespmem:$0x1F8F0];
	_ =	sdelay $0x5  }
0x505: {  	v36 =	vld.idx.msk [tilespmem:v36+s25+$0x0], $0xffff;
	_ =	sdelay $0x1  }
0x506: {  	v37 =	vld.idx.msk [tilespmem:v37+s25+$0x0], $0xffff  }
0x507: {  	v34 =	vadd.f32 v35, v34;
	v35 =	vld [tilespmem:$0x1F900];
	_ =	sdelay $0x1  }
0x508: {  	v34 =	vadd.f32 v36, v34;
	v36 =	vld [tilespmem:$0x1F910];
	_ =	sdelay $0x1  }
0x509: {  	v34 =	vadd.f32 v37, v34;
	v37 =	vld [tilespmem:$0x1F920];
	_ =	sdelay $0x3  }
0x50a: {  	v35 =	vld.idx.msk [tilespmem:v35+s25+$0x0], $0xffff;
	_ =	sdelay $0x1  }
0x50b: {  	v36 =	vld.idx.msk [tilespmem:v36+s25+$0x0], $0xffff;
	_ =	sdelay $0x1  }
0x50c: {  	v37 =	vld.idx.msk [tilespmem:v37+s25+$0x0], $0xffff  }
0x50d: {  	v34 =	vadd.f32 v35, v34;
	v35 =	vld [tilespmem:$0x1F930];
	_ =	sdelay $0x1  }
0x50e: {  	v34 =	vadd.f32 v36, v34;
	v36 =	vld [tilespmem:$0x1F940];
	_ =	sdelay $0x1  }
0x50f: {  	v34 =	vadd.f32 v37, v34;
	v37 =	vld [tilespmem:$0x1F950];
	_ =	sdelay $0x3  }
0x510: {  	v35 =	vld.idx.msk [tilespmem:v35+s25+$0x0], $0xffff;
	_ =	sdelay $0x1  }
0x511: {  	v36 =	vld.idx.msk [tilespmem:v36+s25+$0x0], $0xffff;
	_ =	sdelay $0x1  }
0x512: {  	v37 =	vld.idx.msk [tilespmem:v37+s25+$0x0], $0xffff  }
0x513: {  	v34 =	vadd.f32 v35, v34;
	v35 =	vld [tilespmem:$0x1F960];
	_ =	sdelay $0x1  }
0x514: {  	v34 =	vadd.f32 v36, v34;
	v36 =	vld [tilespmem:$0x1F970];
	_ =	sdelay $0x1  }
0x515: {  	v34 =	vadd.f32 v37, v34;
	v37 =	vld [tilespmem:$0x1F980];
	_ =	sdelay $0x3  }
0x516: {  	v35 =	vld.idx.msk [tilespmem:v35+s25+$0x0], $0xffff;
	_ =	sdelay $0x1  }
0x517: {  	v36 =	vld.idx.msk [tilespmem:v36+s25+$0x0], $0xffff;
	_ =	sdelay $0x1  }
0x518: {  	v37 =	vld.idx.msk [tilespmem:v37+s25+$0x0], $0xffff  }
0x519: {  	v34 =	vadd.f32 v35, v34;
	v35 =	vld [tilespmem:$0x1F990];
	_ =	sdelay $0x1  }
0x51a: {  	v34 =	vadd.f32 v36, v34;
	v36 =	vld [tilespmem:$0x1F9A0];
	_ =	sdelay $0x1  }
0x51b: {  	v34 =	vadd.f32 v37, v34;
	v37 =	vld [tilespmem:$0x1F9B0];
	_ =	sdelay $0x3  }
0x51c: {  	v35 =	vld.idx.msk [tilespmem:v35+s25+$0x0], $0xffff;
	_ =	sdelay $0x1  }
0x51d: {  	v36 =	vld.idx.msk [tilespmem:v36+s25+$0x0], $0xffff;
	_ =	sdelay $0x1  }
0x51e: {  	v37 =	vld.idx.msk [tilespmem:v37+s25+$0x0], $0xffff  }
0x51f: {  	v34 =	vadd.f32 v35, v34;
	_ =	sdelay $0x1  }
0x520: {  	v34 =	vadd.f32 v36, v34;
	_ =	sdelay $0x1  }
0x521: {  	v34 =	vadd.f32 v37, v34;
	_ =	sdelay $0x1  }
0x522: {  	v34 =	vsub.f32 $0.0e+00, v34;
	_ =	sdelay $0x1  }
0x523: {  	v34 =	vmul.f32 $1.442695020e+00, v34;
	_ =	sdelay $0x1  }
0x524: {  	(erf) = vpow2.f32 v34;
	_ =	sdelay $0x8  }
0x525: {  	v34 =	vpop (erf)  }
0x526: {  	v34 =	vadd.f32 $1.000000000e+00, v34;
	_ =	sdelay $0x1  }
0x527: {  	(erf) = vrcp.f32 v34;
	_ =	sdelay $0x2  }
0x528: {  	v36 =	vld [tilespmem:$0x1F9D0];
	_ =	sdelay $0x1  }
0x529: {  	v37 =	vld [tilespmem:$0x1F9C0];
	_ =	sdelay $0x3  }
0x52a: {  	v34 =	vpop (erf)  }
0x52b: {  	[tilespmem:s30+$0x14A40] =	vst v34  }
0x52c: {  	v35 =	vld.idx.msk [tilespmem:v36+s25+$0x0], $0xffff  }
0x52d: {  	v36 =	vld [tilespmem:$0x1F9E0]  }
0x52e: {  	v34 =	vld.idx.msk [tilespmem:v37+s25+$0x0], $0xffff  }
0x52f: {  	v37 =	vld [tilespmem:$0x1F9F0];
	_ =	sdelay $0x5  }
0x530: {  	v36 =	vld.idx.msk [tilespmem:v36+s25+$0x0], $0xffff;
	_ =	sdelay $0x1  }
0x531: {  	v37 =	vld.idx.msk [tilespmem:v37+s25+$0x0], $0xffff  }
0x532: {  	v34 =	vadd.f32 v35, v34;
	v35 =	vld [tilespmem:$0x1FA00];
	_ =	sdelay $0x1  }
0x533: {  	v34 =	vadd.f32 v36, v34;
	v36 =	vld [tilespmem:$0x1FA10];
	_ =	sdelay $0x1  }
0x534: {  	v34 =	vadd.f32 v37, v34;
	v37 =	vld [tilespmem:$0x1FA20];
	_ =	sdelay $0x3  }
0x535: {  	v35 =	vld.idx.msk [tilespmem:v35+s25+$0x0], $0xffff;
	_ =	sdelay $0x1  }
0x536: {  	v36 =	vld.idx.msk [tilespmem:v36+s25+$0x0], $0xffff;
	_ =	sdelay $0x1  }
0x537: {  	v37 =	vld.idx.msk [tilespmem:v37+s25+$0x0], $0xffff  }
0x538: {  	v34 =	vadd.f32 v35, v34;
	v35 =	vld [tilespmem:$0x1FA30];
	_ =	sdelay $0x1  }
0x539: {  	v34 =	vadd.f32 v36, v34;
	v36 =	vld [tilespmem:$0x1FA40];
	_ =	sdelay $0x1  }
0x53a: {  	v34 =	vadd.f32 v37, v34;
	v37 =	vld [tilespmem:$0x1FA50];
	_ =	sdelay $0x3  }
0x53b: {  	v35 =	vld.idx.msk [tilespmem:v35+s25+$0x0], $0xffff;
	_ =	sdelay $0x1  }
0x53c: {  	v36 =	vld.idx.msk [tilespmem:v36+s25+$0x0], $0xffff;
	_ =	sdelay $0x1  }
0x53d: {  	v37 =	vld.idx.msk [tilespmem:v37+s25+$0x0], $0xffff  }
0x53e: {  	v34 =	vadd.f32 v35, v34;
	v35 =	vld [tilespmem:$0x1FA60];
	_ =	sdelay $0x1  }
0x53f: {  	v34 =	vadd.f32 v36, v34;
	v36 =	vld [tilespmem:$0x1FA70];
	_ =	sdelay $0x1  }
0x540: {  	v34 =	vadd.f32 v37, v34;
	v37 =	vld [tilespmem:$0x1FA80];
	_ =	sdelay $0x3  }
0x541: {  	v35 =	vld.idx.msk [tilespmem:v35+s25+$0x0], $0xffff;
	_ =	sdelay $0x1  }
0x542: {  	v36 =	vld.idx.msk [tilespmem:v36+s25+$0x0], $0xffff;
	_ =	sdelay $0x1  }
0x543: {  	v37 =	vld.idx.msk [tilespmem:v37+s25+$0x0], $0xffff  }
0x544: {  	v34 =	vadd.f32 v35, v34;
	v35 =	vld [tilespmem:$0x1FA90];
	_ =	sdelay $0x1  }
0x545: {  	v34 =	vadd.f32 v36, v34;
	v36 =	vld [tilespmem:$0x1FAA0];
	_ =	sdelay $0x1  }
0x546: {  	v34 =	vadd.f32 v37, v34;
	v37 =	vld [tilespmem:$0x1FAB0];
	_ =	sdelay $0x3  }
0x547: {  	v35 =	vld.idx.msk [tilespmem:v35+s25+$0x0], $0xffff;
	_ =	sdelay $0x1  }
0x548: {  	v36 =	vld.idx.msk [tilespmem:v36+s25+$0x0], $0xffff;
	_ =	sdelay $0x1  }
0x549: {  	v37 =	vld.idx.msk [tilespmem:v37+s25+$0x0], $0xffff  }
0x54a: {  	v34 =	vadd.f32 v35, v34;
	_ =	sdelay $0x1  }
0x54b: {  	v34 =	vadd.f32 v36, v34;
	_ =	sdelay $0x1  }
0x54c: {  	v34 =	vadd.f32 v37, v34;
	_ =	sdelay $0x1  }
0x54d: {  	v34 =	vsub.f32 $0.0e+00, v34;
	_ =	sdelay $0x1  }
0x54e: {  	v34 =	vmul.f32 $1.442695020e+00, v34;
	_ =	sdelay $0x1  }
0x54f: {  	(erf) = vpow2.f32 v34;
	_ =	sdelay $0x8  }
0x550: {  	v34 =	vpop (erf)  }
0x551: {  	v34 =	vadd.f32 $1.000000000e+00, v34;
	_ =	sdelay $0x1  }
0x552: {  	(erf) = vrcp.f32 v34;
	_ =	sdelay $0x2  }
0x553: {  	v36 =	vld [tilespmem:$0x1FAD0];
	_ =	sdelay $0x1  }
0x554: {  	v37 =	vld [tilespmem:$0x1FAC0];
	_ =	sdelay $0x3  }
0x555: {  	v34 =	vpop (erf)  }
0x556: {  	[tilespmem:s30+$0x14A50] =	vst v34  }
0x557: {  	v35 =	vld.idx.msk [tilespmem:v36+s25+$0x0], $0xffff  }
0x558: {  	v36 =	vld [tilespmem:$0x1FAE0]  }
0x559: {  	v34 =	vld.idx.msk [tilespmem:v37+s25+$0x0], $0xffff  }
0x55a: {  	v37 =	vld [tilespmem:$0x1FAF0];
	_ =	sdelay $0x5  }
0x55b: {  	v36 =	vld.idx.msk [tilespmem:v36+s25+$0x0], $0xffff;
	_ =	sdelay $0x1  }
0x55c: {  	v37 =	vld.idx.msk [tilespmem:v37+s25+$0x0], $0xffff  }
0x55d: {  	v34 =	vadd.f32 v35, v34;
	v35 =	vld [tilespmem:$0x1FB00];
	_ =	sdelay $0x1  }
0x55e: {  	v34 =	vadd.f32 v36, v34;
	v36 =	vld [tilespmem:$0x1FB10];
	_ =	sdelay $0x1  }
0x55f: {  	v34 =	vadd.f32 v37, v34;
	v37 =	vld [tilespmem:$0x1FB20];
	_ =	sdelay $0x3  }
0x560: {  	v35 =	vld.idx.msk [tilespmem:v35+s25+$0x0], $0xffff;
	_ =	sdelay $0x1  }
0x561: {  	v36 =	vld.idx.msk [tilespmem:v36+s25+$0x0], $0xffff;
	_ =	sdelay $0x1  }
0x562: {  	v37 =	vld.idx.msk [tilespmem:v37+s25+$0x0], $0xffff  }
0x563: {  	v34 =	vadd.f32 v35, v34;
	v35 =	vld [tilespmem:$0x1FB30];
	_ =	sdelay $0x1  }
0x564: {  	v34 =	vadd.f32 v36, v34;
	v36 =	vld [tilespmem:$0x1FB40];
	_ =	sdelay $0x1  }
0x565: {  	v34 =	vadd.f32 v37, v34;
	v37 =	vld [tilespmem:$0x1FB50];
	_ =	sdelay $0x3  }
0x566: {  	v35 =	vld.idx.msk [tilespmem:v35+s25+$0x0], $0xffff;
	_ =	sdelay $0x1  }
0x567: {  	v36 =	vld.idx.msk [tilespmem:v36+s25+$0x0], $0xffff;
	_ =	sdelay $0x1  }
0x568: {  	v37 =	vld.idx.msk [tilespmem:v37+s25+$0x0], $0xffff  }
0x569: {  	v34 =	vadd.f32 v35, v34;
	v35 =	vld [tilespmem:$0x1FB60];
	_ =	sdelay $0x1  }
0x56a: {  	v34 =	vadd.f32 v36, v34;
	v36 =	vld [tilespmem:$0x1FB70];
	_ =	sdelay $0x1  }
0x56b: {  	v34 =	vadd.f32 v37, v34;
	v37 =	vld [tilespmem:$0x1FB80];
	_ =	sdelay $0x3  }
0x56c: {  	v35 =	vld.idx.msk [tilespmem:v35+s25+$0x0], $0xffff;
	_ =	sdelay $0x1  }
0x56d: {  	v36 =	vld.idx.msk [tilespmem:v36+s25+$0x0], $0xffff;
	_ =	sdelay $0x1  }
0x56e: {  	v37 =	vld.idx.msk [tilespmem:v37+s25+$0x0], $0xffff  }
0x56f: {  	v34 =	vadd.f32 v35, v34;
	v35 =	vld [tilespmem:$0x1FB90];
	_ =	sdelay $0x1  }
0x570: {  	v34 =	vadd.f32 v36, v34;
	v36 =	vld [tilespmem:$0x1FBA0];
	_ =	sdelay $0x1  }
0x571: {  	v34 =	vadd.f32 v37, v34;
	v37 =	vld [tilespmem:$0x1FBB0];
	_ =	sdelay $0x3  }
0x572: {  	v35 =	vld.idx.msk [tilespmem:v35+s25+$0x0], $0xffff;
	_ =	sdelay $0x1  }
0x573: {  	v36 =	vld.idx.msk [tilespmem:v36+s25+$0x0], $0xffff;
	_ =	sdelay $0x1  }
0x574: {  	v37 =	vld.idx.msk [tilespmem:v37+s25+$0x0], $0xffff  }
0x575: {  	v34 =	vadd.f32 v35, v34;
	_ =	sdelay $0x1  }
0x576: {  	v34 =	vadd.f32 v36, v34;
	_ =	sdelay $0x1  }
0x577: {  	v34 =	vadd.f32 v37, v34;
	_ =	sdelay $0x1  }
0x578: {  	v34 =	vsub.f32 $0.0e+00, v34;
	_ =	sdelay $0x1  }
0x579: {  	v34 =	vmul.f32 $1.442695020e+00, v34;
	_ =	sdelay $0x1  }
0x57a: {  	(erf) = vpow2.f32 v34;
	_ =	sdelay $0x8  }
0x57b: {  	v34 =	vpop (erf)  }
0x57c: {  	v34 =	vadd.f32 $1.000000000e+00, v34;
	_ =	sdelay $0x1  }
0x57d: {  	(erf) = vrcp.f32 v34;
	_ =	sdelay $0x2  }
0x57e: {  	v36 =	vld [tilespmem:$0x1FBD0];
	_ =	sdelay $0x5  }
0x57f: {  	v34 =	vpop (erf)  }
0x580: {  	v37 =	vld [tilespmem:$0x1FBC0];
	[tilespmem:s30+$0x14A60] =	vst v34  }
0x581: {  	v35 =	vld.idx.msk [tilespmem:v36+s25+$0x0], $0xffff  }
0x582: {  	v36 =	vld [tilespmem:$0x1FBE0];
	_ =	sdelay $0x5  }
0x583: {  	v34 =	vld.idx.msk [tilespmem:v37+s25+$0x0], $0xffff;
	_ =	sdelay $0x1  }
0x584: {  	v36 =	vld.idx.msk [tilespmem:v36+s25+$0x0], $0xffff  }
0x585: {  	v37 =	vld [tilespmem:$0x1FBF0];
	_ =	sdelay $0x1  }
0x586: {  	v34 =	vadd.f32 v35, v34;
	v35 =	vld [tilespmem:$0x1FC00];
	_ =	sdelay $0x1  }
0x587: {  	v34 =	vadd.f32 v36, v34;
	v36 =	vld [tilespmem:$0x1FC10];
	_ =	sdelay $0x3  }
0x588: {  	v37 =	vld.idx.msk [tilespmem:v37+s25+$0x0], $0xffff;
	_ =	sdelay $0x1  }
0x589: {  	v35 =	vld.idx.msk [tilespmem:v35+s25+$0x0], $0xffff;
	_ =	sdelay $0x1  }
0x58a: {  	v36 =	vld.idx.msk [tilespmem:v36+s25+$0x0], $0xffff  }
0x58b: {  	v34 =	vadd.f32 v37, v34;
	v37 =	vld [tilespmem:$0x1FC20];
	_ =	sdelay $0x1  }
0x58c: {  	v34 =	vadd.f32 v35, v34;
	v35 =	vld [tilespmem:$0x1FC30];
	_ =	sdelay $0x1  }
0x58d: {  	v34 =	vadd.f32 v36, v34;
	v36 =	vld [tilespmem:$0x1FC40];
	_ =	sdelay $0x3  }
0x58e: {  	v37 =	vld.idx.msk [tilespmem:v37+s25+$0x0], $0xffff;
	_ =	sdelay $0x1  }
0x58f: {  	v35 =	vld.idx.msk [tilespmem:v35+s25+$0x0], $0xffff;
	_ =	sdelay $0x1  }
0x590: {  	v36 =	vld.idx.msk [tilespmem:v36+s25+$0x0], $0xffff  }
0x591: {  	v34 =	vadd.f32 v37, v34;
	v37 =	vld [tilespmem:$0x1FC50];
	_ =	sdelay $0x1  }
0x592: {  	v34 =	vadd.f32 v35, v34;
	v35 =	vld [tilespmem:$0x1FC60];
	_ =	sdelay $0x1  }
0x593: {  	v34 =	vadd.f32 v36, v34;
	v36 =	vld [tilespmem:$0x1FC70];
	_ =	sdelay $0x3  }
0x594: {  	v37 =	vld.idx.msk [tilespmem:v37+s25+$0x0], $0xffff;
	_ =	sdelay $0x1  }
0x595: {  	v35 =	vld.idx.msk [tilespmem:v35+s25+$0x0], $0xffff;
	_ =	sdelay $0x1  }
0x596: {  	v36 =	vld.idx.msk [tilespmem:v36+s25+$0x0], $0xffff  }
0x597: {  	v34 =	vadd.f32 v37, v34;
	v37 =	vld [tilespmem:$0x1FC80];
	_ =	sdelay $0x1  }
0x598: {  	v34 =	vadd.f32 v35, v34;
	v35 =	vld [tilespmem:$0x1FC90];
	_ =	sdelay $0x1  }
0x599: {  	v34 =	vadd.f32 v36, v34;
	v36 =	vld [tilespmem:$0x1FCA0];
	_ =	sdelay $0x3  }
0x59a: {  	v37 =	vld.idx.msk [tilespmem:v37+s25+$0x0], $0xffff;
	_ =	sdelay $0x1  }
0x59b: {  	v35 =	vld.idx.msk [tilespmem:v35+s25+$0x0], $0xffff;
	_ =	sdelay $0x1  }
0x59c: {  	v36 =	vld.idx.msk [tilespmem:v36+s25+$0x0], $0xffff  }
0x59d: {  	v34 =	vadd.f32 v37, v34  }
0x59e: {  	v1 =	vld.idx.msk [tilespmem:v1+s25+$0x0], $0xffff  }
0x59f: {  	v34 =	vadd.f32 v35, v34;
	_ =	sdelay $0x1  }
0x5a0: {  	v34 =	vadd.f32 v36, v34;
	_ =	sdelay $0x1  }
0x5a1: {  	v1 =	vadd.f32 v1, v34;
	_ =	sdelay $0x1  }
0x5a2: {  	v1 =	vsub.f32 $0.0e+00, v1;
	_ =	sdelay $0x1  }
0x5a3: {  	v1 =	vmul.f32 $1.442695020e+00, v1;
	_ =	sdelay $0x1  }
0x5a4: {  	(erf) = vpow2.f32 v1;
	_ =	sdelay $0x8  }
0x5a5: {  	v1 =	vpop (erf)  }
0x5a6: {  	v1 =	vadd.f32 $1.000000000e+00, v1;
	_ =	sdelay $0x1  }
0x5a7: {  	(erf) = vrcp.f32 v1;
	_ =	sdelay $0x8  }
0x5a8: {  	v1 =	vpop (erf)  }
0x5a9: {  	[tilespmem:s30+$0x14A70] =	vst v1  }
0x5aa: {  	v1 =	vld.idx.msk [tilespmem:v2+s25+$0x0], $0xffff  }
0x5ab: {  	v2 =	vld.idx.msk [tilespmem:v3+s25+$0x0], $0xffff;
	_ =	sdelay $0x1  }
0x5ac: {  	v3 =	vld.idx.msk [tilespmem:v4+s25+$0x0], $0xffff;
	_ =	sdelay $0x1  }
0x5ad: {  	v37 =	vld.idx.msk [tilespmem:v5+s25+$0x0], $0xffff  }
0x5ae: {  	v1 =	vadd.f32 v2, v1  }
0x5af: {  	v2 =	vld.idx.msk [tilespmem:v6+s25+$0x0], $0xffff  }
0x5b0: {  	v1 =	vadd.f32 v3, v1  }
0x5b1: {  	v3 =	vld.idx.msk [tilespmem:v7+s25+$0x0], $0xffff  }
0x5b2: {  	v1 =	vadd.f32 v37, v1  }
0x5b3: {  	v8 =	vld.idx.msk [tilespmem:v8+s25+$0x0], $0xffff  }
0x5b4: {  	v1 =	vadd.f32 v2, v1  }
0x5b5: {  	v2 =	vld.idx.msk [tilespmem:v9+s25+$0x0], $0xffff  }
0x5b6: {  	v1 =	vadd.f32 v3, v1  }
0x5b7: {  	v3 =	vld.idx.msk [tilespmem:v10+s25+$0x0], $0xffff  }
0x5b8: {  	v1 =	vadd.f32 v8, v1  }
0x5b9: {  	v11 =	vld.idx.msk [tilespmem:v11+s25+$0x0], $0xffff  }
0x5ba: {  	v1 =	vadd.f32 v2, v1  }
0x5bb: {  	v2 =	vld.idx.msk [tilespmem:v12+s25+$0x0], $0xffff  }
0x5bc: {  	v1 =	vadd.f32 v3, v1  }
0x5bd: {  	v3 =	vld.idx.msk [tilespmem:v13+s25+$0x0], $0xffff  }
0x5be: {  	v1 =	vadd.f32 v11, v1  }
0x5bf: {  	v14 =	vld.idx.msk [tilespmem:v14+s25+$0x0], $0xffff  }
0x5c0: {  	v1 =	vadd.f32 v2, v1  }
0x5c1: {  	v2 =	vld.idx.msk [tilespmem:v15+s25+$0x0], $0xffff  }
0x5c2: {  	v1 =	vadd.f32 v3, v1  }
0x5c3: {  	v3 =	vld.idx.msk [tilespmem:v16+s25+$0x0], $0xffff  }
0x5c4: {  	v1 =	vadd.f32 v14, v1  }
0x5c5: {  	v17 =	vld.idx.msk [tilespmem:v17+s25+$0x0], $0xffff  }
0x5c6: {  	v1 =	vadd.f32 v2, v1;
	_ =	sdelay $0x1  }
0x5c7: {  	v1 =	vadd.f32 v3, v1;
	_ =	sdelay $0x1  }
0x5c8: {  	v1 =	vadd.f32 v17, v1;
	_ =	sdelay $0x1  }
0x5c9: {  	v1 =	vsub.f32 $0.0e+00, v1;
	_ =	sdelay $0x1  }
0x5ca: {  	v1 =	vmul.f32 $1.442695020e+00, v1;
	_ =	sdelay $0x1  }
0x5cb: {  	(erf) = vpow2.f32 v1;
	_ =	sdelay $0x8  }
0x5cc: {  	v1 =	vpop (erf)  }
0x5cd: {  	v1 =	vadd.f32 $1.000000000e+00, v1;
	_ =	sdelay $0x1  }
0x5ce: {  	(erf) = vrcp.f32 v1;
	_ =	sdelay $0x8  }
0x5cf: {  	v1 =	vpop (erf)  }
0x5d0: {  	[tilespmem:s30+$0x14A80] =	vst v1  }
0x5d1: {  	v1 =	vld.idx.msk [tilespmem:v18+s25+$0x0], $0xffff  }
0x5d2: {  	v2 =	vld.idx.msk [tilespmem:v19+s25+$0x0], $0xffff;
	_ =	sdelay $0x1  }
0x5d3: {  	v3 =	vld.idx.msk [tilespmem:v20+s25+$0x0], $0xffff;
	_ =	sdelay $0x1  }
0x5d4: {  	v21 =	vld.idx.msk [tilespmem:v21+s25+$0x0], $0xffff  }
0x5d5: {  	v1 =	vadd.f32 v2, v1  }
0x5d6: {  	v2 =	vld.idx.msk [tilespmem:v22+s25+$0x0], $0xffff  }
0x5d7: {  	v1 =	vadd.f32 v3, v1  }
0x5d8: {  	v3 =	vld.idx.msk [tilespmem:v23+s25+$0x0], $0xffff  }
0x5d9: {  	v1 =	vadd.f32 v21, v1  }
0x5da: {  	v34 =	vld.idx.msk [tilespmem:v24+s25+$0x0], $0xffff  }
0x5db: {  	v1 =	vadd.f32 v2, v1  }
0x5dc: {  	v2 =	vld.idx.msk [tilespmem:v25+s25+$0x0], $0xffff  }
0x5dd: {  	v1 =	vadd.f32 v3, v1  }
0x5de: {  	v3 =	vld.idx.msk [tilespmem:v26+s25+$0x0], $0xffff  }
0x5df: {  	v1 =	vadd.f32 v34, v1  }
0x5e0: {  	v35 =	vld.idx.msk [tilespmem:v27+s25+$0x0], $0xffff  }
0x5e1: {  	v1 =	vadd.f32 v2, v1  }
0x5e2: {  	v2 =	vld.idx.msk [tilespmem:v28+s25+$0x0], $0xffff  }
0x5e3: {  	v1 =	vadd.f32 v3, v1  }
0x5e4: {  	v3 =	vld.idx.msk [tilespmem:v29+s25+$0x0], $0xffff  }
0x5e5: {  	v1 =	vadd.f32 v35, v1  }
0x5e6: {  	v36 =	vld.idx.msk [tilespmem:v30+s25+$0x0], $0xffff  }
0x5e7: {  	v1 =	vadd.f32 v2, v1  }
0x5e8: {  	v2 =	vld.idx.msk [tilespmem:v31+s25+$0x0], $0xffff  }
0x5e9: {  	v1 =	vadd.f32 v3, v1  }
0x5ea: {  	v3 =	vld.idx.msk [tilespmem:v32+s25+$0x0], $0xffff  }
0x5eb: {  	v1 =	vadd.f32 v36, v1  }
0x5ec: {  	v37 =	vld.idx.msk [tilespmem:v33+s25+$0x0], $0xffff  }
0x5ed: {  	v1 =	vadd.f32 v2, v1;
	_ =	sdelay $0x1  }
0x5ee: {  	v1 =	vadd.f32 v3, v1;
	_ =	sdelay $0x1  }
0x5ef: {  	v1 =	vadd.f32 v37, v1;
	_ =	sdelay $0x1  }
0x5f0: {  	v1 =	vsub.f32 $0.0e+00, v1;
	_ =	sdelay $0x1  }
0x5f1: {  	v1 =	vmul.f32 $1.442695020e+00, v1;
	_ =	sdelay $0x1  }
0x5f2: {  	(erf) = vpow2.f32 v1;
	_ =	sdelay $0x8  }
0x5f3: {  	v1 =	vpop (erf)  }
0x5f4: {  	v1 =	vadd.f32 $1.000000000e+00, v1;
	_ =	sdelay $0x1  }
0x5f5: {  	(erf) = vrcp.f32 v1;
	_ =	sdelay $0x4  }
0x5f6: {  	p0 =	sne.s32 s0, $0x8  }
.Ltmp4:
0x5f7: {  	_ = 	snop;
	(pc) =	sbr.rel @p0 .LBB2_2-.Ltmp4, $3  }
0x5f8: {  	_ =	sdelay $0x1  }
0x5f9: {  	v1 =	vpop (erf)  }
0x5fa: {  	[tilespmem:s30+$0x14A90] =	vst v1  }
0x5fb: {  	s29 =	sadd.s32 $0x1, s29  }
0x5fc: {  	p0 =	sne.s32 s29, s10  }
.Ltmp5:
0x5fd: {  	s0 =	simm.s32 $0x14A00;
	(pc) =	sbr.rel @p0 .LBB2_1-.Ltmp5, $4  }
0x5fe: {  	[hbm4b:s9+s2] =	stream.linear.scatter [tilespmem:s0], [sflag:$0x3], $0xA00, $0x38;
	[tilespmem:$0x15400] =	vst v63  }
0x5ff: {  	_ =	swait.ge [sflag:s11], $0xA00  }
0x600: {  	[sflag:s11] =	ssyncset.done $0x0  }
0x601: {  	[sflag:s11] =	ssyncadd.s32 $0xFFFFF600  }
0x602: {  	_ =	sfence.sel $0x180000  }
0x603: {  	[bflag:$0x0] =	sbarrier.arrive $0xFFFF  }
0x604: {  	_ =	strace $0x90000047  }
0x605: {  	s0 =	stileid.u32;
	[bflag:$0x2] =	sbarrier.arrive $0xFFFF  }
0x606: {  	p0 =	sne.s32 s0, $0x0;
	s0 =	rddreg [dreg:$0x4]  }
0x607: {  	s0 =	sadd.s32 @!p0 $0x100000, s0  }
0x608: {  	[sflag:s0] =	ssyncadd.tile.s32 @!p0 $0x1;
	_ =	shalt  }
.Lfunc_end2:
_tile_overlayer_lowered:
.L_overlay_start_2:
0x609: {  	(tag) =	ssettag $0x2  }
0x60a: {  	s0 =	rddreg [dreg:$0x0];
	s2 =	stileid.u32  }
0x60b: {  	s1 =	rddreg [dreg:$0x1];
	p0 =	sne.s32 s2, $0x0  }
0x60c: {  	s3 =	rddreg [dreg:$0x2];
	[bflag:$0x3] =	sbarrier.arrive $0xFFFF;
	s2 =	simm.s32 @!p0 $0x1C03  }
0x60d: {  	[timem:s3], [sflag:s2] =	dma.local @!p0 [hbm:s0], s1  }
0x60e: {  	s0 =	simm.s32 @!p0 $0x3  }
0x60f: {  	_ =	swait.ge @!p0 [sflag:s0], s1  }
0x610: {  	s1 =	ssub.s32 @!p0 $0x0, s1;
	[sflag:s0] =	ssyncset.done @!p0 $0x0  }
0x611: {  	[sflag:s0] =	ssyncadd.s32 @!p0 s1  }
0x612: {  	[bflag:$0x3] =	sbarrier.arrive $0xFFFF  }
0x613: {  	_ =	shalt  }

</sc_bundles>
